<compile_context>
chip_gen: v7x
topology: tpu7x:2x2x1
jax: 0.10.2.dev20260603
libtpu: 0.0.44.dev20260713+nightly
codegen_flags: <defaults>
</compile_context>

<pallas_src>
import jax
import jax.numpy as jnp
from jax import lax
from jax.experimental import pallas as pl
from jax.experimental.pallas import tpu as pltpu
from jax.experimental.pallas import tpu_sc as plsc

_N = 10000
_E = 320000
_D = 128
_EPS = 1e-5

_MP = 10240
_CHUNK = 128
_NCH = _E // _CHUNK
_NCHP = 2560
_WCH = _NCHP // 32
_RPT = _MP // 16


_MESH = plsc.VectorSubcoreMesh(core_axis_name="c", subcore_axis_name="s")


def _sc_agg():
    def body(src, gidx, sidx, zrow, ones_h,
             agg_o, cnt_o, gbuf, sbuf, rows0, rows1, gsem, ssem, acc):
        cid = lax.axis_index("c")
        sid = lax.axis_index("s")
        wid = sid * 2 + cid
        base = wid * _WCH
        r0 = sid * _RPT
        half = _WCH // 2

        def zero_acc():
            pltpu.sync_copy(zrow.at[pl.ds(r0, _RPT)], acc.at[pl.ds(r0, _RPT)])

        pltpu.sync_copy(ones_h, rows0)
        zero_acc()
        plsc.subcore_barrier()

        def cfire(j, carry):
            pltpu.async_copy(rows0, acc.at[sbuf.at[carry + j]], ssem,
                             add=True)
            return carry

        for h in range(2):
            pltpu.sync_copy(sidx.at[pl.ds(base + h * half, half)], sbuf)
            for b in range(half // 8):
                lax.fori_loop(0, 8, cfire, b * 8)
                for _ in range(8):
                    pltpu.make_async_copy(zrow.at[pl.ds(0, _CHUNK)], rows1,
                                          ssem).wait()
        plsc.subcore_barrier()
        off = cid * _MP + r0
        pltpu.sync_copy(acc.at[pl.ds(r0, _RPT)], cnt_o.at[pl.ds(off, _RPT)])
        pltpu.sync_copy(gidx.at[pl.ds(base, _WCH)], gbuf)
        plsc.subcore_barrier()


        def wait_g(buf):
            pltpu.make_async_copy(src.at[gbuf.at[0]], buf, gsem).wait()

        def wait_s():
            pltpu.make_async_copy(zrow.at[pl.ds(0, _CHUNK)], rows1,
                                  ssem).wait()

        def scat(local_j, buf):
            pltpu.async_copy(buf, acc.at[sbuf.at[local_j]], ssem, add=True)

        def bstep(g, h):
            j0 = h * half + 2 * g
            hi = h * half + half - 1
            wait_g(rows0)
            scat(2 * g, rows0)
            wait_s()
            pltpu.async_copy(src.at[gbuf.at[j0 + 1]], rows1, gsem)
            wait_g(rows1)
            scat(2 * g + 1, rows1)
            wait_s()
            j2 = jnp.minimum(j0 + 2, hi)
            pltpu.async_copy(src.at[gbuf.at[j2]], rows0, gsem)
            return h

        for h in range(2):
            c0 = h * half
            pltpu.sync_copy(sidx.at[pl.ds(base + c0, half)], sbuf)
            pltpu.async_copy(src.at[gbuf.at[c0]], rows0, gsem)
            wait_g(rows0)
            scat(0, rows0)
            pltpu.async_copy(src.at[gbuf.at[c0 + 1]], rows1, gsem)
            wait_g(rows1)
            scat(1, rows1)
            wait_s()
            pltpu.async_copy(src.at[gbuf.at[c0 + 2]], rows0, gsem)
            lax.fori_loop(1, half // 2, bstep, h)
            wait_s()
            wait_g(rows0)
        plsc.subcore_barrier()
        pltpu.sync_copy(acc.at[pl.ds(r0, _RPT)], agg_o.at[pl.ds(off, _RPT)])

    return pl.kernel(
        body,
        out_type=[jax.ShapeDtypeStruct((2 * _MP, _D), jnp.float32),
                  jax.ShapeDtypeStruct((2 * _MP, _D), jnp.float32)],
        mesh=_MESH,
        scratch_types=[
            pltpu.VMEM((_WCH, _CHUNK), jnp.int32),
            pltpu.VMEM((_WCH // 2, _CHUNK), jnp.int32),
            pltpu.VMEM((_CHUNK, _D), jnp.float32),
            pltpu.VMEM((_CHUNK, _D), jnp.float32),
            pltpu.SemaphoreType.DMA,
            pltpu.SemaphoreType.DMA,
            pltpu.VMEM_SHARED((_MP, _D), jnp.float32),
        ])


_BLK = 640
_NB = _MP // _BLK


def _full(shape):
    return pl.BlockSpec(shape, lambda i: tuple(0 for _ in shape))


def _ln(x, g, b):
    mu = jnp.mean(x, axis=1, keepdims=True)
    xc = x - mu
    var = jnp.mean(xc * xc, axis=1, keepdims=True)
    return xc * lax.rsqrt(var + _EPS) * g + b


def _tc_pre(x, g, b, wt, bias):
    def body(x_ref, g_ref, b_ref, wt_ref, bb_ref, o_ref):
        xn = _ln(x_ref[...], g_ref[...], b_ref[...])
        o_ref[...] = (jnp.dot(xn, wt_ref[...], preferred_element_type=jnp.float32)
                      + bb_ref[...])
    return pl.pallas_call(
        body,
        grid=(_NB,),
        in_specs=[pl.BlockSpec((_BLK, _D), lambda i: (i, 0)),
                  _full((1, _D)), _full((1, _D)), _full((_D, _D)), _full((1, _D))],
        out_specs=pl.BlockSpec((_BLK, _D), lambda i: (i, 0)),
        out_shape=jax.ShapeDtypeStruct((_MP, _D), jnp.float32),
    )(x, g.reshape(1, _D), b.reshape(1, _D), wt, bias.reshape(1, _D))


def _tc_edge(aggp, cntp, wem_t, bem, g_e, b_e, we_t, be):
    def body(a0, a1, c0, c1, wem_ref, bem_ref, g_ref, b_ref, wet_ref, be_ref, o_ref):
        cf = c0[...] + c1[...]
        s = a0[...] + a1[...] - cf
        c = cf[:, 0:1]
        ya = s / jnp.clip(c, 1.0, None)
        y = (jnp.dot(ya, wem_ref[...], preferred_element_type=jnp.float32)
             + bem_ref[...])
        y = _ln(y, g_ref[...], b_ref[...])
        o_ref[...] = (jnp.dot(y, wet_ref[...], preferred_element_type=jnp.float32)
                      + be_ref[...])
    return pl.pallas_call(
        body,
        grid=(_NB,),
        in_specs=[pl.BlockSpec((_BLK, _D), lambda i: (i, 0)),
                  pl.BlockSpec((_BLK, _D), lambda i: (i + _NB, 0)),
                  pl.BlockSpec((_BLK, _D), lambda i: (i, 0)),
                  pl.BlockSpec((_BLK, _D), lambda i: (i + _NB, 0)),
                  _full((_D, _D)), _full((1, _D)), _full((1, _D)), _full((1, _D)),
                  _full((_D, _D)), _full((1, _D))],
        out_specs=pl.BlockSpec((_BLK, _D), lambda i: (i, 0)),
        out_shape=jax.ShapeDtypeStruct((_MP, _D), jnp.float32),
    )(aggp, aggp, cntp, cntp, wem_t, bem.reshape(1, _D),
      g_e.reshape(1, _D), b_e.reshape(1, _D), we_t, be.reshape(1, _D))


def _tc_post(zp, cntp, x0, w1t, w2t, bvm, g, b):
    def body(z0, z1, c0, c1, x_ref, w1_ref, w2_ref, bb_ref, g_ref, b_ref, o_ref):
        cf = c0[...] + c1[...]
        s = z0[...] + z1[...] - cf
        c = cf[:, 0:1]
        z = s / jnp.clip(c, 1.0, None)
        x = x_ref[...]
        h = (jnp.dot(x, w1_ref[...], preferred_element_type=jnp.float32)
             + jnp.dot(z, w2_ref[...], preferred_element_type=jnp.float32)
             + bb_ref[...])
        o_ref[...] = _ln(h, g_ref[...], b_ref[...]) + x
    return pl.pallas_call(
        body,
        grid=(_NB,),
        in_specs=[pl.BlockSpec((_BLK, _D), lambda i: (i, 0)),
                  pl.BlockSpec((_BLK, _D), lambda i: (i + _NB, 0)),
                  pl.BlockSpec((_BLK, _D), lambda i: (i, 0)),
                  pl.BlockSpec((_BLK, _D), lambda i: (i + _NB, 0)),
                  pl.BlockSpec((_BLK, _D), lambda i: (i, 0)),
                  _full((_D, _D)), _full((_D, _D)), _full((1, _D)),
                  _full((1, _D)), _full((1, _D))],
        out_specs=pl.BlockSpec((_BLK, _D), lambda i: (i, 0)),
        out_shape=jax.ShapeDtypeStruct((_MP, _D), jnp.float32),
    )(zp, zp, cntp, cntp, x0, w1t, w2t, bvm.reshape(1, _D),
      g.reshape(1, _D), b.reshape(1, _D))


@jax.jit
def kernel(X, edge_index, Wv, bv, Wem, bem, We, be, Wvm, bvm,
           g_pre, b_pre, g_e, b_e, g_post, b_post):
    pad_idx = (_N + jnp.arange((_NCHP - _NCH) * _CHUNK, dtype=jnp.int32)
               % (_MP - _N)).reshape(_NCHP - _NCH, _CHUNK)
    v_idx = jnp.concatenate(
        [edge_index[0].astype(jnp.int32).reshape(_NCH, _CHUNK), pad_idx])
    e_idx = jnp.concatenate(
        [edge_index[1].astype(jnp.int32).reshape(_NCH, _CHUNK), pad_idx])
    x_pad = jnp.pad(X, ((0, _MP - _N), (0, 0)))
    zrow = jnp.zeros((_MP, _D), jnp.float32)
    ones = jnp.ones((_CHUNK, _D), jnp.float32)

    Xv = _tc_pre(x_pad, g_pre, b_pre, Wv.T, bv)
    aggp, cep = _sc_agg()(Xv, v_idx, e_idx, zrow, ones)
    Y = _tc_edge(aggp, cep, Wem.T, bem, g_e, b_e, We.T, be)
    zp, cvp = _sc_agg()(Y, e_idx, v_idx, zrow, ones)
    out = _tc_post(zp, cvp, x_pad, Wvm[:, :_D].T, Wvm[:, _D:].T, bvm,
                   g_post, b_post)
    return out[:_N]

# --- scband reference (transcript-rebuilt; emitter-appended) ---
"""Pipeline reference for scband-uni-gnn-47347719471739 (READ-ONLY COPY).

The authoritative reference and input builder live on the scoring server;
editing this copy changes nothing except your own understanding.
"""

import jax, jax.numpy as jnp
import numpy as np

N = 10000
M = 10000
E = 320000
D = 128

def _ln(x, g, b, eps=1e-5):
    mu = jnp.mean(x, axis=-1, keepdims=True)
    var = jnp.var(x, axis=-1, keepdims=True)
    return (x - mu) / jnp.sqrt(var + eps) * g + b

def _seg_mean(vals, idx, num):
    s = jax.ops.segment_sum(vals, idx, num_segments=num)
    c = jax.ops.segment_sum(jnp.ones((vals.shape[0],), vals.dtype), idx, num_segments=num)
    return s / jnp.clip(c, 1.0, None)[:, None]

def setup_inputs(seed: int = 0):
    key = jax.random.key(seed)
    ks = jax.random.split(key, 16)
    s = 1.0 / np.sqrt(D)
    inp = {}
    inp['X'] = jax.random.normal(ks[0], (N, D), jnp.float32)
    inp['edge_index'] = jax.random.randint(ks[1], (2, E), 0, N)
    inp['Wv'] = jax.random.normal(ks[2], (D, D), jnp.float32) * s
    inp['bv'] = jnp.zeros((D,), jnp.float32)
    inp['Wem'] = jax.random.normal(ks[3], (D, D), jnp.float32) * s
    inp['bem'] = jnp.zeros((D,), jnp.float32)
    inp['We'] = jax.random.normal(ks[4], (D, D), jnp.float32) * s
    inp['be'] = jnp.zeros((D,), jnp.float32)
    inp['Wvm'] = jax.random.normal(ks[5], (D, 2 * D), jnp.float32) * s
    inp['bvm'] = jnp.zeros((D,), jnp.float32)
    inp['g_pre'] = jnp.ones((D,), jnp.float32)
    inp['b_pre'] = jnp.zeros((D,), jnp.float32)
    inp['g_e'] = jnp.ones((D,), jnp.float32)
    inp['b_e'] = jnp.zeros((D,), jnp.float32)
    inp['g_post'] = jnp.ones((D,), jnp.float32)
    inp['b_post'] = jnp.zeros((D,), jnp.float32)
    return inp

def reference(X, edge_index, Wv, bv, Wem, bem, We, be, Wvm, bvm, g_pre, b_pre, g_e, b_e, g_post, b_post):
    v_idx = edge_index[0]
    e_idx = edge_index[1]
    X0 = X
    Xn = _ln(X, g_pre, b_pre)
    Xv = Xn @ Wv.T + bv
    # v2e aggregation (mean): gather vertex features per incidence, segment-mean into hyperedges
    msg = jnp.take(Xv, v_idx, axis=0)
    Yagg = _seg_mean(msg, e_idx, M)
    Y = Yagg @ Wem.T + bem
    Y = _ln(Y, g_e, b_e)
    Y = Y @ We.T + be
    # e2v aggregation (mean): gather hyperedge features per incidence, segment-mean into vertices
    msg2 = jnp.take(Y, e_idx, axis=0)
    Z = _seg_mean(msg2, v_idx, N)
    Xm = jnp.concatenate([X0, Z], axis=-1) @ Wvm.T + bvm
    # NOTE: original code computes self.act(X) but discards the result -- faithfully omitted
    Xm = _ln(Xm, g_post, b_post)
    # dropout is identity in eval / drop_rate=0.0
    return Xm + X0

if __name__ == "__main__":
    import jax
    _d = setup_inputs()
    print(jax.jit(kernel)(*tuple(_d.values())))

</pallas_src>

<mosaic_0001>
#map = affine_map<(d0, d1) -> (0, 0)>
module attributes {stable_mosaic.version = 14 : i64} {
  func.func @body(%arg0: i32, %arg1: i32, %arg2: memref<10240x128xf32, #tpu.memory_space<hbm>>, %arg3: memref<2560x128xi32, #tpu.memory_space<hbm>>, %arg4: memref<2560x128xi32, #tpu.memory_space<hbm>>, %arg5: memref<10240x128xf32, #tpu.memory_space<hbm>>, %arg6: memref<128x128xf32, #tpu.memory_space<hbm>>, %arg7: memref<20480x128xf32, #tpu.memory_space<hbm>>, %arg8: memref<20480x128xf32, #tpu.memory_space<hbm>>, %arg9: memref<80x128xi32, #tpu.memory_space<vmem>>, %arg10: memref<40x128xi32, #tpu.memory_space<vmem>>, %arg11: memref<128x128xf32, #tpu.memory_space<vmem>>, %arg12: memref<128x128xf32, #tpu.memory_space<vmem>>, %arg13: memref<!tpu.dma_semaphore, #tpu.memory_space<semaphore_mem>>, %arg14: memref<!tpu.dma_semaphore, #tpu.memory_space<semaphore_mem>>, %arg15: memref<10240x128xf32, #tpu.memory_space<vmem_shared>>) attributes {dimension_semantics = [#tpu.dimension_semantics<core_parallel>, #tpu.dimension_semantics<subcore_parallel>], iteration_bounds = array<i64: 2, 16>, scalar_prefetch = 0 : i64, scratch_operands = 7 : i64, tpu.core_type = #tpu.core_type<sc_vector_subcore>, window_params = [{transform_indices = #map}, {transform_indices = #map}, {transform_indices = #map}, {transform_indices = #map}, {transform_indices = #map}, {transform_indices = #map}, {transform_indices = #map}]} {
    %mul3A = arith.constant 2 : i32
    %mul3A_0 = arith.muli %arg1, %mul3A : i32
    %add3A = arith.addi %mul3A_0, %arg0 : i32
    %mul3A_1 = arith.constant 80 : i32
    %mul3A_2 = arith.muli %add3A, %mul3A_1 : i32
    %mul3A_3 = arith.constant 640 : i32
    %mul3A_4 = arith.muli %arg1, %mul3A_3 : i32
    "tpu.region"() ({
      %run_scoped3A = tpu.sem_alloc : memref<!tpu.dma_semaphore, #tpu.memory_space<semaphore_mem>>
      tpu.enqueue_dma source(%arg6 : memref<128x128xf32, #tpu.memory_space<hbm>>) target(%arg11 : memref<128x128xf32, #tpu.memory_space<vmem>>) target_semaphore(%run_scoped3A : memref<!tpu.dma_semaphore, #tpu.memory_space<semaphore_mem>>)
      tpu.wait_dma2 semaphore(%run_scoped3A : memref<!tpu.dma_semaphore, #tpu.memory_space<semaphore_mem>>) src(%arg6 : memref<128x128xf32, #tpu.memory_space<hbm>>) dst(%arg11 : memref<128x128xf32, #tpu.memory_space<vmem>>)
      tpu.yield
    }) : () -> ()
    "tpu.region"() ({
      %run_scoped3A = tpu.sem_alloc : memref<!tpu.dma_semaphore, #tpu.memory_space<semaphore_mem>>
      %dma_start3A_704 = arith.constant 0 : i32
      %dma_start3A_705 = tpu.memref_slice %arg15[%mul3A_4, %dma_start3A_704] : memref<10240x128xf32, #tpu.memory_space<vmem_shared>> -> memref<640x128xf32, #tpu.memory_space<vmem_shared>>
      %dma_start3A_706 = arith.constant 0 : i32
      %dma_start3A_707 = tpu.memref_slice %arg5[%mul3A_4, %dma_start3A_706] : memref<10240x128xf32, #tpu.memory_space<hbm>> -> memref<640x128xf32, #tpu.memory_space<hbm>>
      tpu.enqueue_dma source(%dma_start3A_707 : memref<640x128xf32, #tpu.memory_space<hbm>>) target(%dma_start3A_705 : memref<640x128xf32, #tpu.memory_space<vmem_shared>>) target_semaphore(%run_scoped3A : memref<!tpu.dma_semaphore, #tpu.memory_space<semaphore_mem>>)
      %dma_wait3A_708 = arith.constant 0 : i32
      %dma_wait3A_709 = tpu.memref_slice %arg15[%mul3A_4, %dma_wait3A_708] : memref<10240x128xf32, #tpu.memory_space<vmem_shared>> -> memref<640x128xf32, #tpu.memory_space<vmem_shared>>
      %dma_wait3A_710 = arith.constant 0 : i32
      %dma_wait3A_711 = tpu.memref_slice %arg5[%mul3A_4, %dma_wait3A_710] : memref<10240x128xf32, #tpu.memory_space<hbm>> -> memref<640x128xf32, #tpu.memory_space<hbm>>
      tpu.wait_dma2 semaphore(%run_scoped3A : memref<!tpu.dma_semaphore, #tpu.memory_space<semaphore_mem>>) src(%dma_wait3A_711 : memref<640x128xf32, #tpu.memory_space<hbm>>) dst(%dma_wait3A_709 : memref<640x128xf32, #tpu.memory_space<vmem_shared>>)
      tpu.yield
    }) : () -> ()
    %barrier3A = arith.constant 0 : index
    tpu.barrier barrier_id(%barrier3A)
    %add3A_5 = arith.constant 0 : i32
    %add3A_6 = arith.addi %mul3A_2, %add3A_5 : i32
    "tpu.region"() ({
      %run_scoped3A = tpu.sem_alloc : memref<!tpu.dma_semaphore, #tpu.memory_space<semaphore_mem>>
      %dma_start3A_704 = arith.constant 0 : i32
      %dma_start3A_705 = tpu.memref_slice %arg4[%add3A_6, %dma_start3A_704] : memref<2560x128xi32, #tpu.memory_space<hbm>> -> memref<40x128xi32, #tpu.memory_space<hbm>>
      %dma_start3A_706 = arith.constant 0 : i32
      %dma_start3A_707 = tpu.memref_slice %arg4[%add3A_6, %dma_start3A_706] : memref<2560x128xi32, #tpu.memory_space<hbm>> -> memref<40x128xi32, #tpu.memory_space<hbm>>
      tpu.enqueue_dma source(%dma_start3A_707 : memref<40x128xi32, #tpu.memory_space<hbm>>) target(%arg10 : memref<40x128xi32, #tpu.memory_space<vmem>>) target_semaphore(%run_scoped3A : memref<!tpu.dma_semaphore, #tpu.memory_space<semaphore_mem>>)
      %dma_wait3A_708 = arith.constant 0 : i32
      %dma_wait3A_709 = tpu.memref_slice %arg4[%add3A_6, %dma_wait3A_708] : memref<2560x128xi32, #tpu.memory_space<hbm>> -> memref<40x128xi32, #tpu.memory_space<hbm>>
      %dma_wait3A_710 = arith.constant 0 : i32
      %dma_wait3A_711 = tpu.memref_slice %arg4[%add3A_6, %dma_wait3A_710] : memref<2560x128xi32, #tpu.memory_space<hbm>> -> memref<40x128xi32, #tpu.memory_space<hbm>>
      tpu.wait_dma2 semaphore(%run_scoped3A : memref<!tpu.dma_semaphore, #tpu.memory_space<semaphore_mem>>) src(%dma_wait3A_711 : memref<40x128xi32, #tpu.memory_space<hbm>>) dst(%arg10 : memref<40x128xi32, #tpu.memory_space<vmem>>)
      tpu.yield
    }) : () -> ()
    %scan3A = arith.constant 0 : i32
    %scan3A_7 = arith.constant 0 : i32
    %scan3A_8 = arith.constant 8 : i32
    %scan3A_9 = arith.addi %scan3A_7, %scan3A_8 : i32
    %scan3A_10 = arith.constant 1 : i32
    scf.for %scan3A_704 = %scan3A_7 to %scan3A_9 step %scan3A_10  : i32 {
      %add3A_705 = arith.addi %scan3A, %scan3A_704 : i32
      %dma_start3A_706 = arith.constant 0 : i32
      %dma_start3A_707 = tpu.memref_slice %arg10[%add3A_705, %dma_start3A_706] : memref<40x128xi32, #tpu.memory_space<vmem>> -> memref<1x128xi32, #tpu.memory_space<vmem>>
      %dma_start3A_708 = tpu.memref_squeeze %dma_start3A_707 : memref<1x128xi32, #tpu.memory_space<vmem>> -> memref<128xi32, #tpu.memory_space<vmem>>
      %dma_start3A_709 = arith.constant 0 : i32
      %dma_start3A_710 = arith.constant 0 : i32
      %dma_start3A_711 = tpu.memref_slice %arg15[%dma_start3A_709, %dma_start3A_710] : memref<10240x128xf32, #tpu.memory_space<vmem_shared>> -> memref<10240x128xf32, #tpu.memory_space<vmem_shared>>
      tpu.enqueue_indirect_dma source(%arg11 : memref<128x128xf32, #tpu.memory_space<vmem>>) target(%dma_start3A_711 : memref<10240x128xf32, #tpu.memory_space<vmem_shared>>) offsets(%dma_start3A_708 : memref<128xi32, #tpu.memory_space<vmem>>) semaphore(%arg14 : memref<!tpu.dma_semaphore, #tpu.memory_space<semaphore_mem>>) {add = true}
    }
    %scan3A_11 = arith.constant 8 : i32
    %dma_wait3A = arith.constant 0 : i32
    %dma_wait3A_12 = arith.constant 0 : i32
    %dma_wait3A_13 = tpu.memref_slice %arg5[%dma_wait3A, %dma_wait3A_12] : memref<10240x128xf32, #tpu.memory_space<hbm>> -> memref<128x128xf32, #tpu.memory_space<hbm>>
    %dma_wait3A_14 = arith.constant 0 : i32
    %dma_wait3A_15 = arith.constant 0 : i32
    %dma_wait3A_16 = tpu.memref_slice %arg5[%dma_wait3A_14, %dma_wait3A_15] : memref<10240x128xf32, #tpu.memory_space<hbm>> -> memref<128x128xf32, #tpu.memory_space<hbm>>
    tpu.wait_dma2 semaphore(%arg14 : memref<!tpu.dma_semaphore, #tpu.memory_space<semaphore_mem>>) src(%dma_wait3A_16 : memref<128x128xf32, #tpu.memory_space<hbm>>) dst(%arg12 : memref<128x128xf32, #tpu.memory_space<vmem>>)
    %dma_wait3A_17 = arith.constant 0 : i32
    %dma_wait3A_18 = arith.constant 0 : i32
    %dma_wait3A_19 = tpu.memref_slice %arg5[%dma_wait3A_17, %dma_wait3A_18] : memref<10240x128xf32, #tpu.memory_space<hbm>> -> memref<128x128xf32, #tpu.memory_space<hbm>>
    %dma_wait3A_20 = arith.constant 0 : i32
    %dma_wait3A_21 = arith.constant 0 : i32
    %dma_wait3A_22 = tpu.memref_slice %arg5[%dma_wait3A_20, %dma_wait3A_21] : memref<10240x128xf32, #tpu.memory_space<hbm>> -> memref<128x128xf32, #tpu.memory_space<hbm>>
    tpu.wait_dma2 semaphore(%arg14 : memref<!tpu.dma_semaphore, #tpu.memory_space<semaphore_mem>>) src(%dma_wait3A_22 : memref<128x128xf32, #tpu.memory_space<hbm>>) dst(%arg12 : memref<128x128xf32, #tpu.memory_space<vmem>>)
    %dma_wait3A_23 = arith.constant 0 : i32
    %dma_wait3A_24 = arith.constant 0 : i32
    %dma_wait3A_25 = tpu.memref_slice %arg5[%dma_wait3A_23, %dma_wait3A_24] : memref<10240x128xf32, #tpu.memory_space<hbm>> -> memref<128x128xf32, #tpu.memory_space<hbm>>
    %dma_wait3A_26 = arith.constant 0 : i32
    %dma_wait3A_27 = arith.constant 0 : i32
    %dma_wait3A_28 = tpu.memref_slice %arg5[%dma_wait3A_26, %dma_wait3A_27] : memref<10240x128xf32, #tpu.memory_space<hbm>> -> memref<128x128xf32, #tpu.memory_space<hbm>>
    tpu.wait_dma2 semaphore(%arg14 : memref<!tpu.dma_semaphore, #tpu.memory_space<semaphore_mem>>) src(%dma_wait3A_28 : memref<128x128xf32, #tpu.memory_space<hbm>>) dst(%arg12 : memref<128x128xf32, #tpu.memory_space<vmem>>)
    %dma_wait3A_29 = arith.constant 0 : i32
    %dma_wait3A_30 = arith.constant 0 : i32
    %dma_wait3A_31 = tpu.memref_slice %arg5[%dma_wait3A_29, %dma_wait3A_30] : memref<10240x128xf32, #tpu.memory_space<hbm>> -> memref<128x128xf32, #tpu.memory_space<hbm>>
    %dma_wait3A_32 = arith.constant 0 : i32
    %dma_wait3A_33 = arith.constant 0 : i32
    %dma_wait3A_34 = tpu.memref_slice %arg5[%dma_wait3A_32, %dma_wait3A_33] : memref<10240x128xf32, #tpu.memory_space<hbm>> -> memref<128x128xf32, #tpu.memory_space<hbm>>
    tpu.wait_dma2 semaphore(%arg14 : memref<!tpu.dma_semaphore, #tpu.memory_space<semaphore_mem>>) src(%dma_wait3A_34 : memref<128x128xf32, #tpu.memory_space<hbm>>) dst(%arg12 : memref<128x128xf32, #tpu.memory_space<vmem>>)
    %dma_wait3A_35 = arith.constant 0 : i32
    %dma_wait3A_36 = arith.constant 0 : i32
    %dma_wait3A_37 = tpu.memref_slice %arg5[%dma_wait3A_35, %dma_wait3A_36] : memref<10240x128xf32, #tpu.memory_space<hbm>> -> memref<128x128xf32, #tpu.memory_space<hbm>>
    %dma_wait3A_38 = arith.constant 0 : i32
    %dma_wait3A_39 = arith.constant 0 : i32
    %dma_wait3A_40 = tpu.memref_slice %arg5[%dma_wait3A_38, %dma_wait3A_39] : memref<10240x128xf32, #tpu.memory_space<hbm>> -> memref<128x128xf32, #tpu.memory_space<hbm>>
    tpu.wait_dma2 semaphore(%arg14 : memref<!tpu.dma_semaphore, #tpu.memory_space<semaphore_mem>>) src(%dma_wait3A_40 : memref<128x128xf32, #tpu.memory_space<hbm>>) dst(%arg12 : memref<128x128xf32, #tpu.memory_space<vmem>>)
    %dma_wait3A_41 = arith.constant 0 : i32
    %dma_wait3A_42 = arith.constant 0 : i32
    %dma_wait3A_43 = tpu.memref_slice %arg5[%dma_wait3A_41, %dma_wait3A_42] : memref<10240x128xf32, #tpu.memory_space<hbm>> -> memref<128x128xf32, #tpu.memory_space<hbm>>
    %dma_wait3A_44 = arith.constant 0 : i32
    %dma_wait3A_45 = arith.constant 0 : i32
    %dma_wait3A_46 = tpu.memref_slice %arg5[%dma_wait3A_44, %dma_wait3A_45] : memref<10240x128xf32, #tpu.memory_space<hbm>> -> memref<128x128xf32, #tpu.memory_space<hbm>>
    tpu.wait_dma2 semaphore(%arg14 : memref<!tpu.dma_semaphore, #tpu.memory_space<semaphore_mem>>) src(%dma_wait3A_46 : memref<128x128xf32, #tpu.memory_space<hbm>>) dst(%arg12 : memref<128x128xf32, #tpu.memory_space<vmem>>)
    %dma_wait3A_47 = arith.constant 0 : i32
    %dma_wait3A_48 = arith.constant 0 : i32
    %dma_wait3A_49 = tpu.memref_slice %arg5[%dma_wait3A_47, %dma_wait3A_48] : memref<10240x128xf32, #tpu.memory_space<hbm>> -> memref<128x128xf32, #tpu.memory_space<hbm>>
    %dma_wait3A_50 = arith.constant 0 : i32
    %dma_wait3A_51 = arith.constant 0 : i32
    %dma_wait3A_52 = tpu.memref_slice %arg5[%dma_wait3A_50, %dma_wait3A_51] : memref<10240x128xf32, #tpu.memory_space<hbm>> -> memref<128x128xf32, #tpu.memory_space<hbm>>
    tpu.wait_dma2 semaphore(%arg14 : memref<!tpu.dma_semaphore, #tpu.memory_space<semaphore_mem>>) src(%dma_wait3A_52 : memref<128x128xf32, #tpu.memory_space<hbm>>) dst(%arg12 : memref<128x128xf32, #tpu.memory_space<vmem>>)
    %dma_wait3A_53 = arith.constant 0 : i32
    %dma_wait3A_54 = arith.constant 0 : i32
    %dma_wait3A_55 = tpu.memref_slice %arg5[%dma_wait3A_53, %dma_wait3A_54] : memref<10240x128xf32, #tpu.memory_space<hbm>> -> memref<128x128xf32, #tpu.memory_space<hbm>>
    %dma_wait3A_56 = arith.constant 0 : i32
    %dma_wait3A_57 = arith.constant 0 : i32
    %dma_wait3A_58 = tpu.memref_slice %arg5[%dma_wait3A_56, %dma_wait3A_57] : memref<10240x128xf32, #tpu.memory_space<hbm>> -> memref<128x128xf32, #tpu.memory_space<hbm>>
    tpu.wait_dma2 semaphore(%arg14 : memref<!tpu.dma_semaphore, #tpu.memory_space<semaphore_mem>>) src(%dma_wait3A_58 : memref<128x128xf32, #tpu.memory_space<hbm>>) dst(%arg12 : memref<128x128xf32, #tpu.memory_space<vmem>>)
    %scan3A_59 = arith.constant 8 : i32
    %scan3A_60 = arith.constant 0 : i32
    %scan3A_61 = arith.constant 8 : i32
    %scan3A_62 = arith.addi %scan3A_60, %scan3A_61 : i32
    %scan3A_63 = arith.constant 1 : i32
    scf.for %scan3A_704 = %scan3A_60 to %scan3A_62 step %scan3A_63  : i32 {
      %add3A_705 = arith.addi %scan3A_59, %scan3A_704 : i32
      %dma_start3A_706 = arith.constant 0 : i32
      %dma_start3A_707 = tpu.memref_slice %arg10[%add3A_705, %dma_start3A_706] : memref<40x128xi32, #tpu.memory_space<vmem>> -> memref<1x128xi32, #tpu.memory_space<vmem>>
      %dma_start3A_708 = tpu.memref_squeeze %dma_start3A_707 : memref<1x128xi32, #tpu.memory_space<vmem>> -> memref<128xi32, #tpu.memory_space<vmem>>
      %dma_start3A_709 = arith.constant 0 : i32
      %dma_start3A_710 = arith.constant 0 : i32
      %dma_start3A_711 = tpu.memref_slice %arg15[%dma_start3A_709, %dma_start3A_710] : memref<10240x128xf32, #tpu.memory_space<vmem_shared>> -> memref<10240x128xf32, #tpu.memory_space<vmem_shared>>
      tpu.enqueue_indirect_dma source(%arg11 : memref<128x128xf32, #tpu.memory_space<vmem>>) target(%dma_start3A_711 : memref<10240x128xf32, #tpu.memory_space<vmem_shared>>) offsets(%dma_start3A_708 : memref<128xi32, #tpu.memory_space<vmem>>) semaphore(%arg14 : memref<!tpu.dma_semaphore, #tpu.memory_space<semaphore_mem>>) {add = true}
    }
    %scan3A_64 = arith.constant 8 : i32
    %dma_wait3A_65 = arith.constant 0 : i32
    %dma_wait3A_66 = arith.constant 0 : i32
    %dma_wait3A_67 = tpu.memref_slice %arg5[%dma_wait3A_65, %dma_wait3A_66] : memref<10240x128xf32, #tpu.memory_space<hbm>> -> memref<128x128xf32, #tpu.memory_space<hbm>>
    %dma_wait3A_68 = arith.constant 0 : i32
    %dma_wait3A_69 = arith.constant 0 : i32
    %dma_wait3A_70 = tpu.memref_slice %arg5[%dma_wait3A_68, %dma_wait3A_69] : memref<10240x128xf32, #tpu.memory_space<hbm>> -> memref<128x128xf32, #tpu.memory_space<hbm>>
    tpu.wait_dma2 semaphore(%arg14 : memref<!tpu.dma_semaphore, #tpu.memory_space<semaphore_mem>>) src(%dma_wait3A_70 : memref<128x128xf32, #tpu.memory_space<hbm>>) dst(%arg12 : memref<128x128xf32, #tpu.memory_space<vmem>>)
    %dma_wait3A_71 = arith.constant 0 : i32
    %dma_wait3A_72 = arith.constant 0 : i32
    %dma_wait3A_73 = tpu.memref_slice %arg5[%dma_wait3A_71, %dma_wait3A_72] : memref<10240x128xf32, #tpu.memory_space<hbm>> -> memref<128x128xf32, #tpu.memory_space<hbm>>
    %dma_wait3A_74 = arith.constant 0 : i32
    %dma_wait3A_75 = arith.constant 0 : i32
    %dma_wait3A_76 = tpu.memref_slice %arg5[%dma_wait3A_74, %dma_wait3A_75] : memref<10240x128xf32, #tpu.memory_space<hbm>> -> memref<128x128xf32, #tpu.memory_space<hbm>>
    tpu.wait_dma2 semaphore(%arg14 : memref<!tpu.dma_semaphore, #tpu.memory_space<semaphore_mem>>) src(%dma_wait3A_76 : memref<128x128xf32, #tpu.memory_space<hbm>>) dst(%arg12 : memref<128x128xf32, #tpu.memory_space<vmem>>)
    %dma_wait3A_77 = arith.constant 0 : i32
    %dma_wait3A_78 = arith.constant 0 : i32
    %dma_wait3A_79 = tpu.memref_slice %arg5[%dma_wait3A_77, %dma_wait3A_78] : memref<10240x128xf32, #tpu.memory_space<hbm>> -> memref<128x128xf32, #tpu.memory_space<hbm>>
    %dma_wait3A_80 = arith.constant 0 : i32
    %dma_wait3A_81 = arith.constant 0 : i32
    %dma_wait3A_82 = tpu.memref_slice %arg5[%dma_wait3A_80, %dma_wait3A_81] : memref<10240x128xf32, #tpu.memory_space<hbm>> -> memref<128x128xf32, #tpu.memory_space<hbm>>
    tpu.wait_dma2 semaphore(%arg14 : memref<!tpu.dma_semaphore, #tpu.memory_space<semaphore_mem>>) src(%dma_wait3A_82 : memref<128x128xf32, #tpu.memory_space<hbm>>) dst(%arg12 : memref<128x128xf32, #tpu.memory_space<vmem>>)
    %dma_wait3A_83 = arith.constant 0 : i32
    %dma_wait3A_84 = arith.constant 0 : i32
    %dma_wait3A_85 = tpu.memref_slice %arg5[%dma_wait3A_83, %dma_wait3A_84] : memref<10240x128xf32, #tpu.memory_space<hbm>> -> memref<128x128xf32, #tpu.memory_space<hbm>>
    %dma_wait3A_86 = arith.constant 0 : i32
    %dma_wait3A_87 = arith.constant 0 : i32
    %dma_wait3A_88 = tpu.memref_slice %arg5[%dma_wait3A_86, %dma_wait3A_87] : memref<10240x128xf32, #tpu.memory_space<hbm>> -> memref<128x128xf32, #tpu.memory_space<hbm>>
    tpu.wait_dma2 semaphore(%arg14 : memref<!tpu.dma_semaphore, #tpu.memory_space<semaphore_mem>>) src(%dma_wait3A_88 : memref<128x128xf32, #tpu.memory_space<hbm>>) dst(%arg12 : memref<128x128xf32, #tpu.memory_space<vmem>>)
    %dma_wait3A_89 = arith.constant 0 : i32
    %dma_wait3A_90 = arith.constant 0 : i32
    %dma_wait3A_91 = tpu.memref_slice %arg5[%dma_wait3A_89, %dma_wait3A_90] : memref<10240x128xf32, #tpu.memory_space<hbm>> -> memref<128x128xf32, #tpu.memory_space<hbm>>
    %dma_wait3A_92 = arith.constant 0 : i32
    %dma_wait3A_93 = arith.constant 0 : i32
    %dma_wait3A_94 = tpu.memref_slice %arg5[%dma_wait3A_92, %dma_wait3A_93] : memref<10240x128xf32, #tpu.memory_space<hbm>> -> memref<128x128xf32, #tpu.memory_space<hbm>>
    tpu.wait_dma2 semaphore(%arg14 : memref<!tpu.dma_semaphore, #tpu.memory_space<semaphore_mem>>) src(%dma_wait3A_94 : memref<128x128xf32, #tpu.memory_space<hbm>>) dst(%arg12 : memref<128x128xf32, #tpu.memory_space<vmem>>)
    %dma_wait3A_95 = arith.constant 0 : i32
    %dma_wait3A_96 = arith.constant 0 : i32
    %dma_wait3A_97 = tpu.memref_slice %arg5[%dma_wait3A_95, %dma_wait3A_96] : memref<10240x128xf32, #tpu.memory_space<hbm>> -> memref<128x128xf32, #tpu.memory_space<hbm>>
    %dma_wait3A_98 = arith.constant 0 : i32
    %dma_wait3A_99 = arith.constant 0 : i32
    %dma_wait3A_100 = tpu.memref_slice %arg5[%dma_wait3A_98, %dma_wait3A_99] : memref<10240x128xf32, #tpu.memory_space<hbm>> -> memref<128x128xf32, #tpu.memory_space<hbm>>
    tpu.wait_dma2 semaphore(%arg14 : memref<!tpu.dma_semaphore, #tpu.memory_space<semaphore_mem>>) src(%dma_wait3A_100 : memref<128x128xf32, #tpu.memory_space<hbm>>) dst(%arg12 : memref<128x128xf32, #tpu.memory_space<vmem>>)
    %dma_wait3A_101 = arith.constant 0 : i32
    %dma_wait3A_102 = arith.constant 0 : i32
    %dma_wait3A_103 = tpu.memref_slice %arg5[%dma_wait3A_101, %dma_wait3A_102] : memref<10240x128xf32, #tpu.memory_space<hbm>> -> memref<128x128xf32, #tpu.memory_space<hbm>>
    %dma_wait3A_104 = arith.constant 0 : i32
    %dma_wait3A_105 = arith.constant 0 : i32
    %dma_wait3A_106 = tpu.memref_slice %arg5[%dma_wait3A_104, %dma_wait3A_105] : memref<10240x128xf32, #tpu.memory_space<hbm>> -> memref<128x128xf32, #tpu.memory_space<hbm>>
    tpu.wait_dma2 semaphore(%arg14 : memref<!tpu.dma_semaphore, #tpu.memory_space<semaphore_mem>>) src(%dma_wait3A_106 : memref<128x128xf32, #tpu.memory_space<hbm>>) dst(%arg12 : memref<128x128xf32, #tpu.memory_space<vmem>>)
    %dma_wait3A_107 = arith.constant 0 : i32
    %dma_wait3A_108 = arith.constant 0 : i32
    %dma_wait3A_109 = tpu.memref_slice %arg5[%dma_wait3A_107, %dma_wait3A_108] : memref<10240x128xf32, #tpu.memory_space<hbm>> -> memref<128x128xf32, #tpu.memory_space<hbm>>
    %dma_wait3A_110 = arith.constant 0 : i32
    %dma_wait3A_111 = arith.constant 0 : i32
    %dma_wait3A_112 = tpu.memref_slice %arg5[%dma_wait3A_110, %dma_wait3A_111] : memref<10240x128xf32, #tpu.memory_space<hbm>> -> memref<128x128xf32, #tpu.memory_space<hbm>>
    tpu.wait_dma2 semaphore(%arg14 : memref<!tpu.dma_semaphore, #tpu.memory_space<semaphore_mem>>) src(%dma_wait3A_112 : memref<128x128xf32, #tpu.memory_space<hbm>>) dst(%arg12 : memref<128x128xf32, #tpu.memory_space<vmem>>)
    %scan3A_113 = arith.constant 16 : i32
    %scan3A_114 = arith.constant 0 : i32
    %scan3A_115 = arith.constant 8 : i32
    %scan3A_116 = arith.addi %scan3A_114, %scan3A_115 : i32
    %scan3A_117 = arith.constant 1 : i32
    scf.for %scan3A_704 = %scan3A_114 to %scan3A_116 step %scan3A_117  : i32 {
      %add3A_705 = arith.addi %scan3A_113, %scan3A_704 : i32
      %dma_start3A_706 = arith.constant 0 : i32
      %dma_start3A_707 = tpu.memref_slice %arg10[%add3A_705, %dma_start3A_706] : memref<40x128xi32, #tpu.memory_space<vmem>> -> memref<1x128xi32, #tpu.memory_space<vmem>>
      %dma_start3A_708 = tpu.memref_squeeze %dma_start3A_707 : memref<1x128xi32, #tpu.memory_space<vmem>> -> memref<128xi32, #tpu.memory_space<vmem>>
      %dma_start3A_709 = arith.constant 0 : i32
      %dma_start3A_710 = arith.constant 0 : i32
      %dma_start3A_711 = tpu.memref_slice %arg15[%dma_start3A_709, %dma_start3A_710] : memref<10240x128xf32, #tpu.memory_space<vmem_shared>> -> memref<10240x128xf32, #tpu.memory_space<vmem_shared>>
      tpu.enqueue_indirect_dma source(%arg11 : memref<128x128xf32, #tpu.memory_space<vmem>>) target(%dma_start3A_711 : memref<10240x128xf32, #tpu.memory_space<vmem_shared>>) offsets(%dma_start3A_708 : memref<128xi32, #tpu.memory_space<vmem>>) semaphore(%arg14 : memref<!tpu.dma_semaphore, #tpu.memory_space<semaphore_mem>>) {add = true}
    }
    %scan3A_118 = arith.constant 8 : i32
    %dma_wait3A_119 = arith.constant 0 : i32
    %dma_wait3A_120 = arith.constant 0 : i32
    %dma_wait3A_121 = tpu.memref_slice %arg5[%dma_wait3A_119, %dma_wait3A_120] : memref<10240x128xf32, #tpu.memory_space<hbm>> -> memref<128x128xf32, #tpu.memory_space<hbm>>
    %dma_wait3A_122 = arith.constant 0 : i32
    %dma_wait3A_123 = arith.constant 0 : i32
    %dma_wait3A_124 = tpu.memref_slice %arg5[%dma_wait3A_122, %dma_wait3A_123] : memref<10240x128xf32, #tpu.memory_space<hbm>> -> memref<128x128xf32, #tpu.memory_space<hbm>>
    tpu.wait_dma2 semaphore(%arg14 : memref<!tpu.dma_semaphore, #tpu.memory_space<semaphore_mem>>) src(%dma_wait3A_124 : memref<128x128xf32, #tpu.memory_space<hbm>>) dst(%arg12 : memref<128x128xf32, #tpu.memory_space<vmem>>)
    %dma_wait3A_125 = arith.constant 0 : i32
    %dma_wait3A_126 = arith.constant 0 : i32
    %dma_wait3A_127 = tpu.memref_slice %arg5[%dma_wait3A_125, %dma_wait3A_126] : memref<10240x128xf32, #tpu.memory_space<hbm>> -> memref<128x128xf32, #tpu.memory_space<hbm>>
    %dma_wait3A_128 = arith.constant 0 : i32
    %dma_wait3A_129 = arith.constant 0 : i32
    %dma_wait3A_130 = tpu.memref_slice %arg5[%dma_wait3A_128, %dma_wait3A_129] : memref<10240x128xf32, #tpu.memory_space<hbm>> -> memref<128x128xf32, #tpu.memory_space<hbm>>
    tpu.wait_dma2 semaphore(%arg14 : memref<!tpu.dma_semaphore, #tpu.memory_space<semaphore_mem>>) src(%dma_wait3A_130 : memref<128x128xf32, #tpu.memory_space<hbm>>) dst(%arg12 : memref<128x128xf32, #tpu.memory_space<vmem>>)
    %dma_wait3A_131 = arith.constant 0 : i32
    %dma_wait3A_132 = arith.constant 0 : i32
    %dma_wait3A_133 = tpu.memref_slice %arg5[%dma_wait3A_131, %dma_wait3A_132] : memref<10240x128xf32, #tpu.memory_space<hbm>> -> memref<128x128xf32, #tpu.memory_space<hbm>>
    %dma_wait3A_134 = arith.constant 0 : i32
    %dma_wait3A_135 = arith.constant 0 : i32
    %dma_wait3A_136 = tpu.memref_slice %arg5[%dma_wait3A_134, %dma_wait3A_135] : memref<10240x128xf32, #tpu.memory_space<hbm>> -> memref<128x128xf32, #tpu.memory_space<hbm>>
    tpu.wait_dma2 semaphore(%arg14 : memref<!tpu.dma_semaphore, #tpu.memory_space<semaphore_mem>>) src(%dma_wait3A_136 : memref<128x128xf32, #tpu.memory_space<hbm>>) dst(%arg12 : memref<128x128xf32, #tpu.memory_space<vmem>>)
    %dma_wait3A_137 = arith.constant 0 : i32
    %dma_wait3A_138 = arith.constant 0 : i32
    %dma_wait3A_139 = tpu.memref_slice %arg5[%dma_wait3A_137, %dma_wait3A_138] : memref<10240x128xf32, #tpu.memory_space<hbm>> -> memref<128x128xf32, #tpu.memory_space<hbm>>
    %dma_wait3A_140 = arith.constant 0 : i32
    %dma_wait3A_141 = arith.constant 0 : i32
    %dma_wait3A_142 = tpu.memref_slice %arg5[%dma_wait3A_140, %dma_wait3A_141] : memref<10240x128xf32, #tpu.memory_space<hbm>> -> memref<128x128xf32, #tpu.memory_space<hbm>>
    tpu.wait_dma2 semaphore(%arg14 : memref<!tpu.dma_semaphore, #tpu.memory_space<semaphore_mem>>) src(%dma_wait3A_142 : memref<128x128xf32, #tpu.memory_space<hbm>>) dst(%arg12 : memref<128x128xf32, #tpu.memory_space<vmem>>)
    %dma_wait3A_143 = arith.constant 0 : i32
    %dma_wait3A_144 = arith.constant 0 : i32
    %dma_wait3A_145 = tpu.memref_slice %arg5[%dma_wait3A_143, %dma_wait3A_144] : memref<10240x128xf32, #tpu.memory_space<hbm>> -> memref<128x128xf32, #tpu.memory_space<hbm>>
    %dma_wait3A_146 = arith.constant 0 : i32
    %dma_wait3A_147 = arith.constant 0 : i32
    %dma_wait3A_148 = tpu.memref_slice %arg5[%dma_wait3A_146, %dma_wait3A_147] : memref<10240x128xf32, #tpu.memory_space<hbm>> -> memref<128x128xf32, #tpu.memory_space<hbm>>
    tpu.wait_dma2 semaphore(%arg14 : memref<!tpu.dma_semaphore, #tpu.memory_space<semaphore_mem>>) src(%dma_wait3A_148 : memref<128x128xf32, #tpu.memory_space<hbm>>) dst(%arg12 : memref<128x128xf32, #tpu.memory_space<vmem>>)
    %dma_wait3A_149 = arith.constant 0 : i32
    %dma_wait3A_150 = arith.constant 0 : i32
    %dma_wait3A_151 = tpu.memref_slice %arg5[%dma_wait3A_149, %dma_wait3A_150] : memref<10240x128xf32, #tpu.memory_space<hbm>> -> memref<128x128xf32, #tpu.memory_space<hbm>>
    %dma_wait3A_152 = arith.constant 0 : i32
    %dma_wait3A_153 = arith.constant 0 : i32
    %dma_wait3A_154 = tpu.memref_slice %arg5[%dma_wait3A_152, %dma_wait3A_153] : memref<10240x128xf32, #tpu.memory_space<hbm>> -> memref<128x128xf32, #tpu.memory_space<hbm>>
    tpu.wait_dma2 semaphore(%arg14 : memref<!tpu.dma_semaphore, #tpu.memory_space<semaphore_mem>>) src(%dma_wait3A_154 : memref<128x128xf32, #tpu.memory_space<hbm>>) dst(%arg12 : memref<128x128xf32, #tpu.memory_space<vmem>>)
    %dma_wait3A_155 = arith.constant 0 : i32
    %dma_wait3A_156 = arith.constant 0 : i32
    %dma_wait3A_157 = tpu.memref_slice %arg5[%dma_wait3A_155, %dma_wait3A_156] : memref<10240x128xf32, #tpu.memory_space<hbm>> -> memref<128x128xf32, #tpu.memory_space<hbm>>
    %dma_wait3A_158 = arith.constant 0 : i32
    %dma_wait3A_159 = arith.constant 0 : i32
    %dma_wait3A_160 = tpu.memref_slice %arg5[%dma_wait3A_158, %dma_wait3A_159] : memref<10240x128xf32, #tpu.memory_space<hbm>> -> memref<128x128xf32, #tpu.memory_space<hbm>>
    tpu.wait_dma2 semaphore(%arg14 : memref<!tpu.dma_semaphore, #tpu.memory_space<semaphore_mem>>) src(%dma_wait3A_160 : memref<128x128xf32, #tpu.memory_space<hbm>>) dst(%arg12 : memref<128x128xf32, #tpu.memory_space<vmem>>)
    %dma_wait3A_161 = arith.constant 0 : i32
    %dma_wait3A_162 = arith.constant 0 : i32
    %dma_wait3A_163 = tpu.memref_slice %arg5[%dma_wait3A_161, %dma_wait3A_162] : memref<10240x128xf32, #tpu.memory_space<hbm>> -> memref<128x128xf32, #tpu.memory_space<hbm>>
    %dma_wait3A_164 = arith.constant 0 : i32
    %dma_wait3A_165 = arith.constant 0 : i32
    %dma_wait3A_166 = tpu.memref_slice %arg5[%dma_wait3A_164, %dma_wait3A_165] : memref<10240x128xf32, #tpu.memory_space<hbm>> -> memref<128x128xf32, #tpu.memory_space<hbm>>
    tpu.wait_dma2 semaphore(%arg14 : memref<!tpu.dma_semaphore, #tpu.memory_space<semaphore_mem>>) src(%dma_wait3A_166 : memref<128x128xf32, #tpu.memory_space<hbm>>) dst(%arg12 : memref<128x128xf32, #tpu.memory_space<vmem>>)
    %scan3A_167 = arith.constant 24 : i32
    %scan3A_168 = arith.constant 0 : i32
    %scan3A_169 = arith.constant 8 : i32
    %scan3A_170 = arith.addi %scan3A_168, %scan3A_169 : i32
    %scan3A_171 = arith.constant 1 : i32
    scf.for %scan3A_704 = %scan3A_168 to %scan3A_170 step %scan3A_171  : i32 {
      %add3A_705 = arith.addi %scan3A_167, %scan3A_704 : i32
      %dma_start3A_706 = arith.constant 0 : i32
      %dma_start3A_707 = tpu.memref_slice %arg10[%add3A_705, %dma_start3A_706] : memref<40x128xi32, #tpu.memory_space<vmem>> -> memref<1x128xi32, #tpu.memory_space<vmem>>
      %dma_start3A_708 = tpu.memref_squeeze %dma_start3A_707 : memref<1x128xi32, #tpu.memory_space<vmem>> -> memref<128xi32, #tpu.memory_space<vmem>>
      %dma_start3A_709 = arith.constant 0 : i32
      %dma_start3A_710 = arith.constant 0 : i32
      %dma_start3A_711 = tpu.memref_slice %arg15[%dma_start3A_709, %dma_start3A_710] : memref<10240x128xf32, #tpu.memory_space<vmem_shared>> -> memref<10240x128xf32, #tpu.memory_space<vmem_shared>>
      tpu.enqueue_indirect_dma source(%arg11 : memref<128x128xf32, #tpu.memory_space<vmem>>) target(%dma_start3A_711 : memref<10240x128xf32, #tpu.memory_space<vmem_shared>>) offsets(%dma_start3A_708 : memref<128xi32, #tpu.memory_space<vmem>>) semaphore(%arg14 : memref<!tpu.dma_semaphore, #tpu.memory_space<semaphore_mem>>) {add = true}
    }
    %scan3A_172 = arith.constant 8 : i32
    %dma_wait3A_173 = arith.constant 0 : i32
    %dma_wait3A_174 = arith.constant 0 : i32
    %dma_wait3A_175 = tpu.memref_slice %arg5[%dma_wait3A_173, %dma_wait3A_174] : memref<10240x128xf32, #tpu.memory_space<hbm>> -> memref<128x128xf32, #tpu.memory_space<hbm>>
    %dma_wait3A_176 = arith.constant 0 : i32
    %dma_wait3A_177 = arith.constant 0 : i32
    %dma_wait3A_178 = tpu.memref_slice %arg5[%dma_wait3A_176, %dma_wait3A_177] : memref<10240x128xf32, #tpu.memory_space<hbm>> -> memref<128x128xf32, #tpu.memory_space<hbm>>
    tpu.wait_dma2 semaphore(%arg14 : memref<!tpu.dma_semaphore, #tpu.memory_space<semaphore_mem>>) src(%dma_wait3A_178 : memref<128x128xf32, #tpu.memory_space<hbm>>) dst(%arg12 : memref<128x128xf32, #tpu.memory_space<vmem>>)
    %dma_wait3A_179 = arith.constant 0 : i32
    %dma_wait3A_180 = arith.constant 0 : i32
    %dma_wait3A_181 = tpu.memref_slice %arg5[%dma_wait3A_179, %dma_wait3A_180] : memref<10240x128xf32, #tpu.memory_space<hbm>> -> memref<128x128xf32, #tpu.memory_space<hbm>>
    %dma_wait3A_182 = arith.constant 0 : i32
    %dma_wait3A_183 = arith.constant 0 : i32
    %dma_wait3A_184 = tpu.memref_slice %arg5[%dma_wait3A_182, %dma_wait3A_183] : memref<10240x128xf32, #tpu.memory_space<hbm>> -> memref<128x128xf32, #tpu.memory_space<hbm>>
    tpu.wait_dma2 semaphore(%arg14 : memref<!tpu.dma_semaphore, #tpu.memory_space<semaphore_mem>>) src(%dma_wait3A_184 : memref<128x128xf32, #tpu.memory_space<hbm>>) dst(%arg12 : memref<128x128xf32, #tpu.memory_space<vmem>>)
    %dma_wait3A_185 = arith.constant 0 : i32
    %dma_wait3A_186 = arith.constant 0 : i32
    %dma_wait3A_187 = tpu.memref_slice %arg5[%dma_wait3A_185, %dma_wait3A_186] : memref<10240x128xf32, #tpu.memory_space<hbm>> -> memref<128x128xf32, #tpu.memory_space<hbm>>
    %dma_wait3A_188 = arith.constant 0 : i32
    %dma_wait3A_189 = arith.constant 0 : i32
    %dma_wait3A_190 = tpu.memref_slice %arg5[%dma_wait3A_188, %dma_wait3A_189] : memref<10240x128xf32, #tpu.memory_space<hbm>> -> memref<128x128xf32, #tpu.memory_space<hbm>>
    tpu.wait_dma2 semaphore(%arg14 : memref<!tpu.dma_semaphore, #tpu.memory_space<semaphore_mem>>) src(%dma_wait3A_190 : memref<128x128xf32, #tpu.memory_space<hbm>>) dst(%arg12 : memref<128x128xf32, #tpu.memory_space<vmem>>)
    %dma_wait3A_191 = arith.constant 0 : i32
    %dma_wait3A_192 = arith.constant 0 : i32
    %dma_wait3A_193 = tpu.memref_slice %arg5[%dma_wait3A_191, %dma_wait3A_192] : memref<10240x128xf32, #tpu.memory_space<hbm>> -> memref<128x128xf32, #tpu.memory_space<hbm>>
    %dma_wait3A_194 = arith.constant 0 : i32
    %dma_wait3A_195 = arith.constant 0 : i32
    %dma_wait3A_196 = tpu.memref_slice %arg5[%dma_wait3A_194, %dma_wait3A_195] : memref<10240x128xf32, #tpu.memory_space<hbm>> -> memref<128x128xf32, #tpu.memory_space<hbm>>
    tpu.wait_dma2 semaphore(%arg14 : memref<!tpu.dma_semaphore, #tpu.memory_space<semaphore_mem>>) src(%dma_wait3A_196 : memref<128x128xf32, #tpu.memory_space<hbm>>) dst(%arg12 : memref<128x128xf32, #tpu.memory_space<vmem>>)
    %dma_wait3A_197 = arith.constant 0 : i32
    %dma_wait3A_198 = arith.constant 0 : i32
    %dma_wait3A_199 = tpu.memref_slice %arg5[%dma_wait3A_197, %dma_wait3A_198] : memref<10240x128xf32, #tpu.memory_space<hbm>> -> memref<128x128xf32, #tpu.memory_space<hbm>>
    %dma_wait3A_200 = arith.constant 0 : i32
    %dma_wait3A_201 = arith.constant 0 : i32
    %dma_wait3A_202 = tpu.memref_slice %arg5[%dma_wait3A_200, %dma_wait3A_201] : memref<10240x128xf32, #tpu.memory_space<hbm>> -> memref<128x128xf32, #tpu.memory_space<hbm>>
    tpu.wait_dma2 semaphore(%arg14 : memref<!tpu.dma_semaphore, #tpu.memory_space<semaphore_mem>>) src(%dma_wait3A_202 : memref<128x128xf32, #tpu.memory_space<hbm>>) dst(%arg12 : memref<128x128xf32, #tpu.memory_space<vmem>>)
    %dma_wait3A_203 = arith.constant 0 : i32
    %dma_wait3A_204 = arith.constant 0 : i32
    %dma_wait3A_205 = tpu.memref_slice %arg5[%dma_wait3A_203, %dma_wait3A_204] : memref<10240x128xf32, #tpu.memory_space<hbm>> -> memref<128x128xf32, #tpu.memory_space<hbm>>
    %dma_wait3A_206 = arith.constant 0 : i32
    %dma_wait3A_207 = arith.constant 0 : i32
    %dma_wait3A_208 = tpu.memref_slice %arg5[%dma_wait3A_206, %dma_wait3A_207] : memref<10240x128xf32, #tpu.memory_space<hbm>> -> memref<128x128xf32, #tpu.memory_space<hbm>>
    tpu.wait_dma2 semaphore(%arg14 : memref<!tpu.dma_semaphore, #tpu.memory_space<semaphore_mem>>) src(%dma_wait3A_208 : memref<128x128xf32, #tpu.memory_space<hbm>>) dst(%arg12 : memref<128x128xf32, #tpu.memory_space<vmem>>)
    %dma_wait3A_209 = arith.constant 0 : i32
    %dma_wait3A_210 = arith.constant 0 : i32
    %dma_wait3A_211 = tpu.memref_slice %arg5[%dma_wait3A_209, %dma_wait3A_210] : memref<10240x128xf32, #tpu.memory_space<hbm>> -> memref<128x128xf32, #tpu.memory_space<hbm>>
    %dma_wait3A_212 = arith.constant 0 : i32
    %dma_wait3A_213 = arith.constant 0 : i32
    %dma_wait3A_214 = tpu.memref_slice %arg5[%dma_wait3A_212, %dma_wait3A_213] : memref<10240x128xf32, #tpu.memory_space<hbm>> -> memref<128x128xf32, #tpu.memory_space<hbm>>
    tpu.wait_dma2 semaphore(%arg14 : memref<!tpu.dma_semaphore, #tpu.memory_space<semaphore_mem>>) src(%dma_wait3A_214 : memref<128x128xf32, #tpu.memory_space<hbm>>) dst(%arg12 : memref<128x128xf32, #tpu.memory_space<vmem>>)
    %dma_wait3A_215 = arith.constant 0 : i32
    %dma_wait3A_216 = arith.constant 0 : i32
    %dma_wait3A_217 = tpu.memref_slice %arg5[%dma_wait3A_215, %dma_wait3A_216] : memref<10240x128xf32, #tpu.memory_space<hbm>> -> memref<128x128xf32, #tpu.memory_space<hbm>>
    %dma_wait3A_218 = arith.constant 0 : i32
    %dma_wait3A_219 = arith.constant 0 : i32
    %dma_wait3A_220 = tpu.memref_slice %arg5[%dma_wait3A_218, %dma_wait3A_219] : memref<10240x128xf32, #tpu.memory_space<hbm>> -> memref<128x128xf32, #tpu.memory_space<hbm>>
    tpu.wait_dma2 semaphore(%arg14 : memref<!tpu.dma_semaphore, #tpu.memory_space<semaphore_mem>>) src(%dma_wait3A_220 : memref<128x128xf32, #tpu.memory_space<hbm>>) dst(%arg12 : memref<128x128xf32, #tpu.memory_space<vmem>>)
    %scan3A_221 = arith.constant 32 : i32
    %scan3A_222 = arith.constant 0 : i32
    %scan3A_223 = arith.constant 8 : i32
    %scan3A_224 = arith.addi %scan3A_222, %scan3A_223 : i32
    %scan3A_225 = arith.constant 1 : i32
    scf.for %scan3A_704 = %scan3A_222 to %scan3A_224 step %scan3A_225  : i32 {
      %add3A_705 = arith.addi %scan3A_221, %scan3A_704 : i32
      %dma_start3A_706 = arith.constant 0 : i32
      %dma_start3A_707 = tpu.memref_slice %arg10[%add3A_705, %dma_start3A_706] : memref<40x128xi32, #tpu.memory_space<vmem>> -> memref<1x128xi32, #tpu.memory_space<vmem>>
      %dma_start3A_708 = tpu.memref_squeeze %dma_start3A_707 : memref<1x128xi32, #tpu.memory_space<vmem>> -> memref<128xi32, #tpu.memory_space<vmem>>
      %dma_start3A_709 = arith.constant 0 : i32
      %dma_start3A_710 = arith.constant 0 : i32
      %dma_start3A_711 = tpu.memref_slice %arg15[%dma_start3A_709, %dma_start3A_710] : memref<10240x128xf32, #tpu.memory_space<vmem_shared>> -> memref<10240x128xf32, #tpu.memory_space<vmem_shared>>
      tpu.enqueue_indirect_dma source(%arg11 : memref<128x128xf32, #tpu.memory_space<vmem>>) target(%dma_start3A_711 : memref<10240x128xf32, #tpu.memory_space<vmem_shared>>) offsets(%dma_start3A_708 : memref<128xi32, #tpu.memory_space<vmem>>) semaphore(%arg14 : memref<!tpu.dma_semaphore, #tpu.memory_space<semaphore_mem>>) {add = true}
    }
    %scan3A_226 = arith.constant 8 : i32
    %dma_wait3A_227 = arith.constant 0 : i32
    %dma_wait3A_228 = arith.constant 0 : i32
    %dma_wait3A_229 = tpu.memref_slice %arg5[%dma_wait3A_227, %dma_wait3A_228] : memref<10240x128xf32, #tpu.memory_space<hbm>> -> memref<128x128xf32, #tpu.memory_space<hbm>>
    %dma_wait3A_230 = arith.constant 0 : i32
    %dma_wait3A_231 = arith.constant 0 : i32
    %dma_wait3A_232 = tpu.memref_slice %arg5[%dma_wait3A_230, %dma_wait3A_231] : memref<10240x128xf32, #tpu.memory_space<hbm>> -> memref<128x128xf32, #tpu.memory_space<hbm>>
    tpu.wait_dma2 semaphore(%arg14 : memref<!tpu.dma_semaphore, #tpu.memory_space<semaphore_mem>>) src(%dma_wait3A_232 : memref<128x128xf32, #tpu.memory_space<hbm>>) dst(%arg12 : memref<128x128xf32, #tpu.memory_space<vmem>>)
    %dma_wait3A_233 = arith.constant 0 : i32
    %dma_wait3A_234 = arith.constant 0 : i32
    %dma_wait3A_235 = tpu.memref_slice %arg5[%dma_wait3A_233, %dma_wait3A_234] : memref<10240x128xf32, #tpu.memory_space<hbm>> -> memref<128x128xf32, #tpu.memory_space<hbm>>
    %dma_wait3A_236 = arith.constant 0 : i32
    %dma_wait3A_237 = arith.constant 0 : i32
    %dma_wait3A_238 = tpu.memref_slice %arg5[%dma_wait3A_236, %dma_wait3A_237] : memref<10240x128xf32, #tpu.memory_space<hbm>> -> memref<128x128xf32, #tpu.memory_space<hbm>>
    tpu.wait_dma2 semaphore(%arg14 : memref<!tpu.dma_semaphore, #tpu.memory_space<semaphore_mem>>) src(%dma_wait3A_238 : memref<128x128xf32, #tpu.memory_space<hbm>>) dst(%arg12 : memref<128x128xf32, #tpu.memory_space<vmem>>)
    %dma_wait3A_239 = arith.constant 0 : i32
    %dma_wait3A_240 = arith.constant 0 : i32
    %dma_wait3A_241 = tpu.memref_slice %arg5[%dma_wait3A_239, %dma_wait3A_240] : memref<10240x128xf32, #tpu.memory_space<hbm>> -> memref<128x128xf32, #tpu.memory_space<hbm>>
    %dma_wait3A_242 = arith.constant 0 : i32
    %dma_wait3A_243 = arith.constant 0 : i32
    %dma_wait3A_244 = tpu.memref_slice %arg5[%dma_wait3A_242, %dma_wait3A_243] : memref<10240x128xf32, #tpu.memory_space<hbm>> -> memref<128x128xf32, #tpu.memory_space<hbm>>
    tpu.wait_dma2 semaphore(%arg14 : memref<!tpu.dma_semaphore, #tpu.memory_space<semaphore_mem>>) src(%dma_wait3A_244 : memref<128x128xf32, #tpu.memory_space<hbm>>) dst(%arg12 : memref<128x128xf32, #tpu.memory_space<vmem>>)
    %dma_wait3A_245 = arith.constant 0 : i32
    %dma_wait3A_246 = arith.constant 0 : i32
    %dma_wait3A_247 = tpu.memref_slice %arg5[%dma_wait3A_245, %dma_wait3A_246] : memref<10240x128xf32, #tpu.memory_space<hbm>> -> memref<128x128xf32, #tpu.memory_space<hbm>>
    %dma_wait3A_248 = arith.constant 0 : i32
    %dma_wait3A_249 = arith.constant 0 : i32
    %dma_wait3A_250 = tpu.memref_slice %arg5[%dma_wait3A_248, %dma_wait3A_249] : memref<10240x128xf32, #tpu.memory_space<hbm>> -> memref<128x128xf32, #tpu.memory_space<hbm>>
    tpu.wait_dma2 semaphore(%arg14 : memref<!tpu.dma_semaphore, #tpu.memory_space<semaphore_mem>>) src(%dma_wait3A_250 : memref<128x128xf32, #tpu.memory_space<hbm>>) dst(%arg12 : memref<128x128xf32, #tpu.memory_space<vmem>>)
    %dma_wait3A_251 = arith.constant 0 : i32
    %dma_wait3A_252 = arith.constant 0 : i32
    %dma_wait3A_253 = tpu.memref_slice %arg5[%dma_wait3A_251, %dma_wait3A_252] : memref<10240x128xf32, #tpu.memory_space<hbm>> -> memref<128x128xf32, #tpu.memory_space<hbm>>
    %dma_wait3A_254 = arith.constant 0 : i32
    %dma_wait3A_255 = arith.constant 0 : i32
    %dma_wait3A_256 = tpu.memref_slice %arg5[%dma_wait3A_254, %dma_wait3A_255] : memref<10240x128xf32, #tpu.memory_space<hbm>> -> memref<128x128xf32, #tpu.memory_space<hbm>>
    tpu.wait_dma2 semaphore(%arg14 : memref<!tpu.dma_semaphore, #tpu.memory_space<semaphore_mem>>) src(%dma_wait3A_256 : memref<128x128xf32, #tpu.memory_space<hbm>>) dst(%arg12 : memref<128x128xf32, #tpu.memory_space<vmem>>)
    %dma_wait3A_257 = arith.constant 0 : i32
    %dma_wait3A_258 = arith.constant 0 : i32
    %dma_wait3A_259 = tpu.memref_slice %arg5[%dma_wait3A_257, %dma_wait3A_258] : memref<10240x128xf32, #tpu.memory_space<hbm>> -> memref<128x128xf32, #tpu.memory_space<hbm>>
    %dma_wait3A_260 = arith.constant 0 : i32
    %dma_wait3A_261 = arith.constant 0 : i32
    %dma_wait3A_262 = tpu.memref_slice %arg5[%dma_wait3A_260, %dma_wait3A_261] : memref<10240x128xf32, #tpu.memory_space<hbm>> -> memref<128x128xf32, #tpu.memory_space<hbm>>
    tpu.wait_dma2 semaphore(%arg14 : memref<!tpu.dma_semaphore, #tpu.memory_space<semaphore_mem>>) src(%dma_wait3A_262 : memref<128x128xf32, #tpu.memory_space<hbm>>) dst(%arg12 : memref<128x128xf32, #tpu.memory_space<vmem>>)
    %dma_wait3A_263 = arith.constant 0 : i32
    %dma_wait3A_264 = arith.constant 0 : i32
    %dma_wait3A_265 = tpu.memref_slice %arg5[%dma_wait3A_263, %dma_wait3A_264] : memref<10240x128xf32, #tpu.memory_space<hbm>> -> memref<128x128xf32, #tpu.memory_space<hbm>>
    %dma_wait3A_266 = arith.constant 0 : i32
    %dma_wait3A_267 = arith.constant 0 : i32
    %dma_wait3A_268 = tpu.memref_slice %arg5[%dma_wait3A_266, %dma_wait3A_267] : memref<10240x128xf32, #tpu.memory_space<hbm>> -> memref<128x128xf32, #tpu.memory_space<hbm>>
    tpu.wait_dma2 semaphore(%arg14 : memref<!tpu.dma_semaphore, #tpu.memory_space<semaphore_mem>>) src(%dma_wait3A_268 : memref<128x128xf32, #tpu.memory_space<hbm>>) dst(%arg12 : memref<128x128xf32, #tpu.memory_space<vmem>>)
    %dma_wait3A_269 = arith.constant 0 : i32
    %dma_wait3A_270 = arith.constant 0 : i32
    %dma_wait3A_271 = tpu.memref_slice %arg5[%dma_wait3A_269, %dma_wait3A_270] : memref<10240x128xf32, #tpu.memory_space<hbm>> -> memref<128x128xf32, #tpu.memory_space<hbm>>
    %dma_wait3A_272 = arith.constant 0 : i32
    %dma_wait3A_273 = arith.constant 0 : i32
    %dma_wait3A_274 = tpu.memref_slice %arg5[%dma_wait3A_272, %dma_wait3A_273] : memref<10240x128xf32, #tpu.memory_space<hbm>> -> memref<128x128xf32, #tpu.memory_space<hbm>>
    tpu.wait_dma2 semaphore(%arg14 : memref<!tpu.dma_semaphore, #tpu.memory_space<semaphore_mem>>) src(%dma_wait3A_274 : memref<128x128xf32, #tpu.memory_space<hbm>>) dst(%arg12 : memref<128x128xf32, #tpu.memory_space<vmem>>)
    %add3A_275 = arith.constant 40 : i32
    %add3A_276 = arith.addi %mul3A_2, %add3A_275 : i32
    "tpu.region"() ({
      %run_scoped3A = tpu.sem_alloc : memref<!tpu.dma_semaphore, #tpu.memory_space<semaphore_mem>>
      %dma_start3A_704 = arith.constant 0 : i32
      %dma_start3A_705 = tpu.memref_slice %arg4[%add3A_276, %dma_start3A_704] : memref<2560x128xi32, #tpu.memory_space<hbm>> -> memref<40x128xi32, #tpu.memory_space<hbm>>
      %dma_start3A_706 = arith.constant 0 : i32
      %dma_start3A_707 = tpu.memref_slice %arg4[%add3A_276, %dma_start3A_706] : memref<2560x128xi32, #tpu.memory_space<hbm>> -> memref<40x128xi32, #tpu.memory_space<hbm>>
      tpu.enqueue_dma source(%dma_start3A_707 : memref<40x128xi32, #tpu.memory_space<hbm>>) target(%arg10 : memref<40x128xi32, #tpu.memory_space<vmem>>) target_semaphore(%run_scoped3A : memref<!tpu.dma_semaphore, #tpu.memory_space<semaphore_mem>>)
      %dma_wait3A_708 = arith.constant 0 : i32
      %dma_wait3A_709 = tpu.memref_slice %arg4[%add3A_276, %dma_wait3A_708] : memref<2560x128xi32, #tpu.memory_space<hbm>> -> memref<40x128xi32, #tpu.memory_space<hbm>>
      %dma_wait3A_710 = arith.constant 0 : i32
      %dma_wait3A_711 = tpu.memref_slice %arg4[%add3A_276, %dma_wait3A_710] : memref<2560x128xi32, #tpu.memory_space<hbm>> -> memref<40x128xi32, #tpu.memory_space<hbm>>
      tpu.wait_dma2 semaphore(%run_scoped3A : memref<!tpu.dma_semaphore, #tpu.memory_space<semaphore_mem>>) src(%dma_wait3A_711 : memref<40x128xi32, #tpu.memory_space<hbm>>) dst(%arg10 : memref<40x128xi32, #tpu.memory_space<vmem>>)
      tpu.yield
    }) : () -> ()
    %scan3A_277 = arith.constant 0 : i32
    %scan3A_278 = arith.constant 0 : i32
    %scan3A_279 = arith.constant 8 : i32
    %scan3A_280 = arith.addi %scan3A_278, %scan3A_279 : i32
    %scan3A_281 = arith.constant 1 : i32
    scf.for %scan3A_704 = %scan3A_278 to %scan3A_280 step %scan3A_281  : i32 {
      %add3A_705 = arith.addi %scan3A_277, %scan3A_704 : i32
      %dma_start3A_706 = arith.constant 0 : i32
      %dma_start3A_707 = tpu.memref_slice %arg10[%add3A_705, %dma_start3A_706] : memref<40x128xi32, #tpu.memory_space<vmem>> -> memref<1x128xi32, #tpu.memory_space<vmem>>
      %dma_start3A_708 = tpu.memref_squeeze %dma_start3A_707 : memref<1x128xi32, #tpu.memory_space<vmem>> -> memref<128xi32, #tpu.memory_space<vmem>>
      %dma_start3A_709 = arith.constant 0 : i32
      %dma_start3A_710 = arith.constant 0 : i32
      %dma_start3A_711 = tpu.memref_slice %arg15[%dma_start3A_709, %dma_start3A_710] : memref<10240x128xf32, #tpu.memory_space<vmem_shared>> -> memref<10240x128xf32, #tpu.memory_space<vmem_shared>>
      tpu.enqueue_indirect_dma source(%arg11 : memref<128x128xf32, #tpu.memory_space<vmem>>) target(%dma_start3A_711 : memref<10240x128xf32, #tpu.memory_space<vmem_shared>>) offsets(%dma_start3A_708 : memref<128xi32, #tpu.memory_space<vmem>>) semaphore(%arg14 : memref<!tpu.dma_semaphore, #tpu.memory_space<semaphore_mem>>) {add = true}
    }
    %scan3A_282 = arith.constant 8 : i32
    %dma_wait3A_283 = arith.constant 0 : i32
    %dma_wait3A_284 = arith.constant 0 : i32
    %dma_wait3A_285 = tpu.memref_slice %arg5[%dma_wait3A_283, %dma_wait3A_284] : memref<10240x128xf32, #tpu.memory_space<hbm>> -> memref<128x128xf32, #tpu.memory_space<hbm>>
    %dma_wait3A_286 = arith.constant 0 : i32
    %dma_wait3A_287 = arith.constant 0 : i32
    %dma_wait3A_288 = tpu.memref_slice %arg5[%dma_wait3A_286, %dma_wait3A_287] : memref<10240x128xf32, #tpu.memory_space<hbm>> -> memref<128x128xf32, #tpu.memory_space<hbm>>
    tpu.wait_dma2 semaphore(%arg14 : memref<!tpu.dma_semaphore, #tpu.memory_space<semaphore_mem>>) src(%dma_wait3A_288 : memref<128x128xf32, #tpu.memory_space<hbm>>) dst(%arg12 : memref<128x128xf32, #tpu.memory_space<vmem>>)
    %dma_wait3A_289 = arith.constant 0 : i32
    %dma_wait3A_290 = arith.constant 0 : i32
    %dma_wait3A_291 = tpu.memref_slice %arg5[%dma_wait3A_289, %dma_wait3A_290] : memref<10240x128xf32, #tpu.memory_space<hbm>> -> memref<128x128xf32, #tpu.memory_space<hbm>>
    %dma_wait3A_292 = arith.constant 0 : i32
    %dma_wait3A_293 = arith.constant 0 : i32
    %dma_wait3A_294 = tpu.memref_slice %arg5[%dma_wait3A_292, %dma_wait3A_293] : memref<10240x128xf32, #tpu.memory_space<hbm>> -> memref<128x128xf32, #tpu.memory_space<hbm>>
    tpu.wait_dma2 semaphore(%arg14 : memref<!tpu.dma_semaphore, #tpu.memory_space<semaphore_mem>>) src(%dma_wait3A_294 : memref<128x128xf32, #tpu.memory_space<hbm>>) dst(%arg12 : memref<128x128xf32, #tpu.memory_space<vmem>>)
    %dma_wait3A_295 = arith.constant 0 : i32
    %dma_wait3A_296 = arith.constant 0 : i32
    %dma_wait3A_297 = tpu.memref_slice %arg5[%dma_wait3A_295, %dma_wait3A_296] : memref<10240x128xf32, #tpu.memory_space<hbm>> -> memref<128x128xf32, #tpu.memory_space<hbm>>
    %dma_wait3A_298 = arith.constant 0 : i32
    %dma_wait3A_299 = arith.constant 0 : i32
    %dma_wait3A_300 = tpu.memref_slice %arg5[%dma_wait3A_298, %dma_wait3A_299] : memref<10240x128xf32, #tpu.memory_space<hbm>> -> memref<128x128xf32, #tpu.memory_space<hbm>>
    tpu.wait_dma2 semaphore(%arg14 : memref<!tpu.dma_semaphore, #tpu.memory_space<semaphore_mem>>) src(%dma_wait3A_300 : memref<128x128xf32, #tpu.memory_space<hbm>>) dst(%arg12 : memref<128x128xf32, #tpu.memory_space<vmem>>)
    %dma_wait3A_301 = arith.constant 0 : i32
    %dma_wait3A_302 = arith.constant 0 : i32
    %dma_wait3A_303 = tpu.memref_slice %arg5[%dma_wait3A_301, %dma_wait3A_302] : memref<10240x128xf32, #tpu.memory_space<hbm>> -> memref<128x128xf32, #tpu.memory_space<hbm>>
    %dma_wait3A_304 = arith.constant 0 : i32
    %dma_wait3A_305 = arith.constant 0 : i32
    %dma_wait3A_306 = tpu.memref_slice %arg5[%dma_wait3A_304, %dma_wait3A_305] : memref<10240x128xf32, #tpu.memory_space<hbm>> -> memref<128x128xf32, #tpu.memory_space<hbm>>
    tpu.wait_dma2 semaphore(%arg14 : memref<!tpu.dma_semaphore, #tpu.memory_space<semaphore_mem>>) src(%dma_wait3A_306 : memref<128x128xf32, #tpu.memory_space<hbm>>) dst(%arg12 : memref<128x128xf32, #tpu.memory_space<vmem>>)
    %dma_wait3A_307 = arith.constant 0 : i32
    %dma_wait3A_308 = arith.constant 0 : i32
    %dma_wait3A_309 = tpu.memref_slice %arg5[%dma_wait3A_307, %dma_wait3A_308] : memref<10240x128xf32, #tpu.memory_space<hbm>> -> memref<128x128xf32, #tpu.memory_space<hbm>>
    %dma_wait3A_310 = arith.constant 0 : i32
    %dma_wait3A_311 = arith.constant 0 : i32
    %dma_wait3A_312 = tpu.memref_slice %arg5[%dma_wait3A_310, %dma_wait3A_311] : memref<10240x128xf32, #tpu.memory_space<hbm>> -> memref<128x128xf32, #tpu.memory_space<hbm>>
    tpu.wait_dma2 semaphore(%arg14 : memref<!tpu.dma_semaphore, #tpu.memory_space<semaphore_mem>>) src(%dma_wait3A_312 : memref<128x128xf32, #tpu.memory_space<hbm>>) dst(%arg12 : memref<128x128xf32, #tpu.memory_space<vmem>>)
    %dma_wait3A_313 = arith.constant 0 : i32
    %dma_wait3A_314 = arith.constant 0 : i32
    %dma_wait3A_315 = tpu.memref_slice %arg5[%dma_wait3A_313, %dma_wait3A_314] : memref<10240x128xf32, #tpu.memory_space<hbm>> -> memref<128x128xf32, #tpu.memory_space<hbm>>
    %dma_wait3A_316 = arith.constant 0 : i32
    %dma_wait3A_317 = arith.constant 0 : i32
    %dma_wait3A_318 = tpu.memref_slice %arg5[%dma_wait3A_316, %dma_wait3A_317] : memref<10240x128xf32, #tpu.memory_space<hbm>> -> memref<128x128xf32, #tpu.memory_space<hbm>>
    tpu.wait_dma2 semaphore(%arg14 : memref<!tpu.dma_semaphore, #tpu.memory_space<semaphore_mem>>) src(%dma_wait3A_318 : memref<128x128xf32, #tpu.memory_space<hbm>>) dst(%arg12 : memref<128x128xf32, #tpu.memory_space<vmem>>)
    %dma_wait3A_319 = arith.constant 0 : i32
    %dma_wait3A_320 = arith.constant 0 : i32
    %dma_wait3A_321 = tpu.memref_slice %arg5[%dma_wait3A_319, %dma_wait3A_320] : memref<10240x128xf32, #tpu.memory_space<hbm>> -> memref<128x128xf32, #tpu.memory_space<hbm>>
    %dma_wait3A_322 = arith.constant 0 : i32
    %dma_wait3A_323 = arith.constant 0 : i32
    %dma_wait3A_324 = tpu.memref_slice %arg5[%dma_wait3A_322, %dma_wait3A_323] : memref<10240x128xf32, #tpu.memory_space<hbm>> -> memref<128x128xf32, #tpu.memory_space<hbm>>
    tpu.wait_dma2 semaphore(%arg14 : memref<!tpu.dma_semaphore, #tpu.memory_space<semaphore_mem>>) src(%dma_wait3A_324 : memref<128x128xf32, #tpu.memory_space<hbm>>) dst(%arg12 : memref<128x128xf32, #tpu.memory_space<vmem>>)
    %dma_wait3A_325 = arith.constant 0 : i32
    %dma_wait3A_326 = arith.constant 0 : i32
    %dma_wait3A_327 = tpu.memref_slice %arg5[%dma_wait3A_325, %dma_wait3A_326] : memref<10240x128xf32, #tpu.memory_space<hbm>> -> memref<128x128xf32, #tpu.memory_space<hbm>>
    %dma_wait3A_328 = arith.constant 0 : i32
    %dma_wait3A_329 = arith.constant 0 : i32
    %dma_wait3A_330 = tpu.memref_slice %arg5[%dma_wait3A_328, %dma_wait3A_329] : memref<10240x128xf32, #tpu.memory_space<hbm>> -> memref<128x128xf32, #tpu.memory_space<hbm>>
    tpu.wait_dma2 semaphore(%arg14 : memref<!tpu.dma_semaphore, #tpu.memory_space<semaphore_mem>>) src(%dma_wait3A_330 : memref<128x128xf32, #tpu.memory_space<hbm>>) dst(%arg12 : memref<128x128xf32, #tpu.memory_space<vmem>>)
    %scan3A_331 = arith.constant 8 : i32
    %scan3A_332 = arith.constant 0 : i32
    %scan3A_333 = arith.constant 8 : i32
    %scan3A_334 = arith.addi %scan3A_332, %scan3A_333 : i32
    %scan3A_335 = arith.constant 1 : i32
    scf.for %scan3A_704 = %scan3A_332 to %scan3A_334 step %scan3A_335  : i32 {
      %add3A_705 = arith.addi %scan3A_331, %scan3A_704 : i32
      %dma_start3A_706 = arith.constant 0 : i32
      %dma_start3A_707 = tpu.memref_slice %arg10[%add3A_705, %dma_start3A_706] : memref<40x128xi32, #tpu.memory_space<vmem>> -> memref<1x128xi32, #tpu.memory_space<vmem>>
      %dma_start3A_708 = tpu.memref_squeeze %dma_start3A_707 : memref<1x128xi32, #tpu.memory_space<vmem>> -> memref<128xi32, #tpu.memory_space<vmem>>
      %dma_start3A_709 = arith.constant 0 : i32
      %dma_start3A_710 = arith.constant 0 : i32
      %dma_start3A_711 = tpu.memref_slice %arg15[%dma_start3A_709, %dma_start3A_710] : memref<10240x128xf32, #tpu.memory_space<vmem_shared>> -> memref<10240x128xf32, #tpu.memory_space<vmem_shared>>
      tpu.enqueue_indirect_dma source(%arg11 : memref<128x128xf32, #tpu.memory_space<vmem>>) target(%dma_start3A_711 : memref<10240x128xf32, #tpu.memory_space<vmem_shared>>) offsets(%dma_start3A_708 : memref<128xi32, #tpu.memory_space<vmem>>) semaphore(%arg14 : memref<!tpu.dma_semaphore, #tpu.memory_space<semaphore_mem>>) {add = true}
    }
    %scan3A_336 = arith.constant 8 : i32
    %dma_wait3A_337 = arith.constant 0 : i32
    %dma_wait3A_338 = arith.constant 0 : i32
    %dma_wait3A_339 = tpu.memref_slice %arg5[%dma_wait3A_337, %dma_wait3A_338] : memref<10240x128xf32, #tpu.memory_space<hbm>> -> memref<128x128xf32, #tpu.memory_space<hbm>>
    %dma_wait3A_340 = arith.constant 0 : i32
    %dma_wait3A_341 = arith.constant 0 : i32
    %dma_wait3A_342 = tpu.memref_slice %arg5[%dma_wait3A_340, %dma_wait3A_341] : memref<10240x128xf32, #tpu.memory_space<hbm>> -> memref<128x128xf32, #tpu.memory_space<hbm>>
    tpu.wait_dma2 semaphore(%arg14 : memref<!tpu.dma_semaphore, #tpu.memory_space<semaphore_mem>>) src(%dma_wait3A_342 : memref<128x128xf32, #tpu.memory_space<hbm>>) dst(%arg12 : memref<128x128xf32, #tpu.memory_space<vmem>>)
    %dma_wait3A_343 = arith.constant 0 : i32
    %dma_wait3A_344 = arith.constant 0 : i32
    %dma_wait3A_345 = tpu.memref_slice %arg5[%dma_wait3A_343, %dma_wait3A_344] : memref<10240x128xf32, #tpu.memory_space<hbm>> -> memref<128x128xf32, #tpu.memory_space<hbm>>
    %dma_wait3A_346 = arith.constant 0 : i32
    %dma_wait3A_347 = arith.constant 0 : i32
    %dma_wait3A_348 = tpu.memref_slice %arg5[%dma_wait3A_346, %dma_wait3A_347] : memref<10240x128xf32, #tpu.memory_space<hbm>> -> memref<128x128xf32, #tpu.memory_space<hbm>>
    tpu.wait_dma2 semaphore(%arg14 : memref<!tpu.dma_semaphore, #tpu.memory_space<semaphore_mem>>) src(%dma_wait3A_348 : memref<128x128xf32, #tpu.memory_space<hbm>>) dst(%arg12 : memref<128x128xf32, #tpu.memory_space<vmem>>)
    %dma_wait3A_349 = arith.constant 0 : i32
    %dma_wait3A_350 = arith.constant 0 : i32
    %dma_wait3A_351 = tpu.memref_slice %arg5[%dma_wait3A_349, %dma_wait3A_350] : memref<10240x128xf32, #tpu.memory_space<hbm>> -> memref<128x128xf32, #tpu.memory_space<hbm>>
    %dma_wait3A_352 = arith.constant 0 : i32
    %dma_wait3A_353 = arith.constant 0 : i32
    %dma_wait3A_354 = tpu.memref_slice %arg5[%dma_wait3A_352, %dma_wait3A_353] : memref<10240x128xf32, #tpu.memory_space<hbm>> -> memref<128x128xf32, #tpu.memory_space<hbm>>
    tpu.wait_dma2 semaphore(%arg14 : memref<!tpu.dma_semaphore, #tpu.memory_space<semaphore_mem>>) src(%dma_wait3A_354 : memref<128x128xf32, #tpu.memory_space<hbm>>) dst(%arg12 : memref<128x128xf32, #tpu.memory_space<vmem>>)
    %dma_wait3A_355 = arith.constant 0 : i32
    %dma_wait3A_356 = arith.constant 0 : i32
    %dma_wait3A_357 = tpu.memref_slice %arg5[%dma_wait3A_355, %dma_wait3A_356] : memref<10240x128xf32, #tpu.memory_space<hbm>> -> memref<128x128xf32, #tpu.memory_space<hbm>>
    %dma_wait3A_358 = arith.constant 0 : i32
    %dma_wait3A_359 = arith.constant 0 : i32
    %dma_wait3A_360 = tpu.memref_slice %arg5[%dma_wait3A_358, %dma_wait3A_359] : memref<10240x128xf32, #tpu.memory_space<hbm>> -> memref<128x128xf32, #tpu.memory_space<hbm>>
    tpu.wait_dma2 semaphore(%arg14 : memref<!tpu.dma_semaphore, #tpu.memory_space<semaphore_mem>>) src(%dma_wait3A_360 : memref<128x128xf32, #tpu.memory_space<hbm>>) dst(%arg12 : memref<128x128xf32, #tpu.memory_space<vmem>>)
    %dma_wait3A_361 = arith.constant 0 : i32
    %dma_wait3A_362 = arith.constant 0 : i32
    %dma_wait3A_363 = tpu.memref_slice %arg5[%dma_wait3A_361, %dma_wait3A_362] : memref<10240x128xf32, #tpu.memory_space<hbm>> -> memref<128x128xf32, #tpu.memory_space<hbm>>
    %dma_wait3A_364 = arith.constant 0 : i32
    %dma_wait3A_365 = arith.constant 0 : i32
    %dma_wait3A_366 = tpu.memref_slice %arg5[%dma_wait3A_364, %dma_wait3A_365] : memref<10240x128xf32, #tpu.memory_space<hbm>> -> memref<128x128xf32, #tpu.memory_space<hbm>>
    tpu.wait_dma2 semaphore(%arg14 : memref<!tpu.dma_semaphore, #tpu.memory_space<semaphore_mem>>) src(%dma_wait3A_366 : memref<128x128xf32, #tpu.memory_space<hbm>>) dst(%arg12 : memref<128x128xf32, #tpu.memory_space<vmem>>)
    %dma_wait3A_367 = arith.constant 0 : i32
    %dma_wait3A_368 = arith.constant 0 : i32
    %dma_wait3A_369 = tpu.memref_slice %arg5[%dma_wait3A_367, %dma_wait3A_368] : memref<10240x128xf32, #tpu.memory_space<hbm>> -> memref<128x128xf32, #tpu.memory_space<hbm>>
    %dma_wait3A_370 = arith.constant 0 : i32
    %dma_wait3A_371 = arith.constant 0 : i32
    %dma_wait3A_372 = tpu.memref_slice %arg5[%dma_wait3A_370, %dma_wait3A_371] : memref<10240x128xf32, #tpu.memory_space<hbm>> -> memref<128x128xf32, #tpu.memory_space<hbm>>
    tpu.wait_dma2 semaphore(%arg14 : memref<!tpu.dma_semaphore, #tpu.memory_space<semaphore_mem>>) src(%dma_wait3A_372 : memref<128x128xf32, #tpu.memory_space<hbm>>) dst(%arg12 : memref<128x128xf32, #tpu.memory_space<vmem>>)
    %dma_wait3A_373 = arith.constant 0 : i32
    %dma_wait3A_374 = arith.constant 0 : i32
    %dma_wait3A_375 = tpu.memref_slice %arg5[%dma_wait3A_373, %dma_wait3A_374] : memref<10240x128xf32, #tpu.memory_space<hbm>> -> memref<128x128xf32, #tpu.memory_space<hbm>>
    %dma_wait3A_376 = arith.constant 0 : i32
    %dma_wait3A_377 = arith.constant 0 : i32
    %dma_wait3A_378 = tpu.memref_slice %arg5[%dma_wait3A_376, %dma_wait3A_377] : memref<10240x128xf32, #tpu.memory_space<hbm>> -> memref<128x128xf32, #tpu.memory_space<hbm>>
    tpu.wait_dma2 semaphore(%arg14 : memref<!tpu.dma_semaphore, #tpu.memory_space<semaphore_mem>>) src(%dma_wait3A_378 : memref<128x128xf32, #tpu.memory_space<hbm>>) dst(%arg12 : memref<128x128xf32, #tpu.memory_space<vmem>>)
    %dma_wait3A_379 = arith.constant 0 : i32
    %dma_wait3A_380 = arith.constant 0 : i32
    %dma_wait3A_381 = tpu.memref_slice %arg5[%dma_wait3A_379, %dma_wait3A_380] : memref<10240x128xf32, #tpu.memory_space<hbm>> -> memref<128x128xf32, #tpu.memory_space<hbm>>
    %dma_wait3A_382 = arith.constant 0 : i32
    %dma_wait3A_383 = arith.constant 0 : i32
    %dma_wait3A_384 = tpu.memref_slice %arg5[%dma_wait3A_382, %dma_wait3A_383] : memref<10240x128xf32, #tpu.memory_space<hbm>> -> memref<128x128xf32, #tpu.memory_space<hbm>>
    tpu.wait_dma2 semaphore(%arg14 : memref<!tpu.dma_semaphore, #tpu.memory_space<semaphore_mem>>) src(%dma_wait3A_384 : memref<128x128xf32, #tpu.memory_space<hbm>>) dst(%arg12 : memref<128x128xf32, #tpu.memory_space<vmem>>)
    %scan3A_385 = arith.constant 16 : i32
    %scan3A_386 = arith.constant 0 : i32
    %scan3A_387 = arith.constant 8 : i32
    %scan3A_388 = arith.addi %scan3A_386, %scan3A_387 : i32
    %scan3A_389 = arith.constant 1 : i32
    scf.for %scan3A_704 = %scan3A_386 to %scan3A_388 step %scan3A_389  : i32 {
      %add3A_705 = arith.addi %scan3A_385, %scan3A_704 : i32
      %dma_start3A_706 = arith.constant 0 : i32
      %dma_start3A_707 = tpu.memref_slice %arg10[%add3A_705, %dma_start3A_706] : memref<40x128xi32, #tpu.memory_space<vmem>> -> memref<1x128xi32, #tpu.memory_space<vmem>>
      %dma_start3A_708 = tpu.memref_squeeze %dma_start3A_707 : memref<1x128xi32, #tpu.memory_space<vmem>> -> memref<128xi32, #tpu.memory_space<vmem>>
      %dma_start3A_709 = arith.constant 0 : i32
      %dma_start3A_710 = arith.constant 0 : i32
      %dma_start3A_711 = tpu.memref_slice %arg15[%dma_start3A_709, %dma_start3A_710] : memref<10240x128xf32, #tpu.memory_space<vmem_shared>> -> memref<10240x128xf32, #tpu.memory_space<vmem_shared>>
      tpu.enqueue_indirect_dma source(%arg11 : memref<128x128xf32, #tpu.memory_space<vmem>>) target(%dma_start3A_711 : memref<10240x128xf32, #tpu.memory_space<vmem_shared>>) offsets(%dma_start3A_708 : memref<128xi32, #tpu.memory_space<vmem>>) semaphore(%arg14 : memref<!tpu.dma_semaphore, #tpu.memory_space<semaphore_mem>>) {add = true}
    }
    %scan3A_390 = arith.constant 8 : i32
    %dma_wait3A_391 = arith.constant 0 : i32
    %dma_wait3A_392 = arith.constant 0 : i32
    %dma_wait3A_393 = tpu.memref_slice %arg5[%dma_wait3A_391, %dma_wait3A_392] : memref<10240x128xf32, #tpu.memory_space<hbm>> -> memref<128x128xf32, #tpu.memory_space<hbm>>
    %dma_wait3A_394 = arith.constant 0 : i32
    %dma_wait3A_395 = arith.constant 0 : i32
    %dma_wait3A_396 = tpu.memref_slice %arg5[%dma_wait3A_394, %dma_wait3A_395] : memref<10240x128xf32, #tpu.memory_space<hbm>> -> memref<128x128xf32, #tpu.memory_space<hbm>>
    tpu.wait_dma2 semaphore(%arg14 : memref<!tpu.dma_semaphore, #tpu.memory_space<semaphore_mem>>) src(%dma_wait3A_396 : memref<128x128xf32, #tpu.memory_space<hbm>>) dst(%arg12 : memref<128x128xf32, #tpu.memory_space<vmem>>)
    %dma_wait3A_397 = arith.constant 0 : i32
    %dma_wait3A_398 = arith.constant 0 : i32
    %dma_wait3A_399 = tpu.memref_slice %arg5[%dma_wait3A_397, %dma_wait3A_398] : memref<10240x128xf32, #tpu.memory_space<hbm>> -> memref<128x128xf32, #tpu.memory_space<hbm>>
    %dma_wait3A_400 = arith.constant 0 : i32
    %dma_wait3A_401 = arith.constant 0 : i32
    %dma_wait3A_402 = tpu.memref_slice %arg5[%dma_wait3A_400, %dma_wait3A_401] : memref<10240x128xf32, #tpu.memory_space<hbm>> -> memref<128x128xf32, #tpu.memory_space<hbm>>
    tpu.wait_dma2 semaphore(%arg14 : memref<!tpu.dma_semaphore, #tpu.memory_space<semaphore_mem>>) src(%dma_wait3A_402 : memref<128x128xf32, #tpu.memory_space<hbm>>) dst(%arg12 : memref<128x128xf32, #tpu.memory_space<vmem>>)
    %dma_wait3A_403 = arith.constant 0 : i32
    %dma_wait3A_404 = arith.constant 0 : i32
    %dma_wait3A_405 = tpu.memref_slice %arg5[%dma_wait3A_403, %dma_wait3A_404] : memref<10240x128xf32, #tpu.memory_space<hbm>> -> memref<128x128xf32, #tpu.memory_space<hbm>>
    %dma_wait3A_406 = arith.constant 0 : i32
    %dma_wait3A_407 = arith.constant 0 : i32
    %dma_wait3A_408 = tpu.memref_slice %arg5[%dma_wait3A_406, %dma_wait3A_407] : memref<10240x128xf32, #tpu.memory_space<hbm>> -> memref<128x128xf32, #tpu.memory_space<hbm>>
    tpu.wait_dma2 semaphore(%arg14 : memref<!tpu.dma_semaphore, #tpu.memory_space<semaphore_mem>>) src(%dma_wait3A_408 : memref<128x128xf32, #tpu.memory_space<hbm>>) dst(%arg12 : memref<128x128xf32, #tpu.memory_space<vmem>>)
    %dma_wait3A_409 = arith.constant 0 : i32
    %dma_wait3A_410 = arith.constant 0 : i32
    %dma_wait3A_411 = tpu.memref_slice %arg5[%dma_wait3A_409, %dma_wait3A_410] : memref<10240x128xf32, #tpu.memory_space<hbm>> -> memref<128x128xf32, #tpu.memory_space<hbm>>
    %dma_wait3A_412 = arith.constant 0 : i32
    %dma_wait3A_413 = arith.constant 0 : i32
    %dma_wait3A_414 = tpu.memref_slice %arg5[%dma_wait3A_412, %dma_wait3A_413] : memref<10240x128xf32, #tpu.memory_space<hbm>> -> memref<128x128xf32, #tpu.memory_space<hbm>>
    tpu.wait_dma2 semaphore(%arg14 : memref<!tpu.dma_semaphore, #tpu.memory_space<semaphore_mem>>) src(%dma_wait3A_414 : memref<128x128xf32, #tpu.memory_space<hbm>>) dst(%arg12 : memref<128x128xf32, #tpu.memory_space<vmem>>)
    %dma_wait3A_415 = arith.constant 0 : i32
    %dma_wait3A_416 = arith.constant 0 : i32
    %dma_wait3A_417 = tpu.memref_slice %arg5[%dma_wait3A_415, %dma_wait3A_416] : memref<10240x128xf32, #tpu.memory_space<hbm>> -> memref<128x128xf32, #tpu.memory_space<hbm>>
    %dma_wait3A_418 = arith.constant 0 : i32
    %dma_wait3A_419 = arith.constant 0 : i32
    %dma_wait3A_420 = tpu.memref_slice %arg5[%dma_wait3A_418, %dma_wait3A_419] : memref<10240x128xf32, #tpu.memory_space<hbm>> -> memref<128x128xf32, #tpu.memory_space<hbm>>
    tpu.wait_dma2 semaphore(%arg14 : memref<!tpu.dma_semaphore, #tpu.memory_space<semaphore_mem>>) src(%dma_wait3A_420 : memref<128x128xf32, #tpu.memory_space<hbm>>) dst(%arg12 : memref<128x128xf32, #tpu.memory_space<vmem>>)
    %dma_wait3A_421 = arith.constant 0 : i32
    %dma_wait3A_422 = arith.constant 0 : i32
    %dma_wait3A_423 = tpu.memref_slice %arg5[%dma_wait3A_421, %dma_wait3A_422] : memref<10240x128xf32, #tpu.memory_space<hbm>> -> memref<128x128xf32, #tpu.memory_space<hbm>>
    %dma_wait3A_424 = arith.constant 0 : i32
    %dma_wait3A_425 = arith.constant 0 : i32
    %dma_wait3A_426 = tpu.memref_slice %arg5[%dma_wait3A_424, %dma_wait3A_425] : memref<10240x128xf32, #tpu.memory_space<hbm>> -> memref<128x128xf32, #tpu.memory_space<hbm>>
    tpu.wait_dma2 semaphore(%arg14 : memref<!tpu.dma_semaphore, #tpu.memory_space<semaphore_mem>>) src(%dma_wait3A_426 : memref<128x128xf32, #tpu.memory_space<hbm>>) dst(%arg12 : memref<128x128xf32, #tpu.memory_space<vmem>>)
    %dma_wait3A_427 = arith.constant 0 : i32
    %dma_wait3A_428 = arith.constant 0 : i32
    %dma_wait3A_429 = tpu.memref_slice %arg5[%dma_wait3A_427, %dma_wait3A_428] : memref<10240x128xf32, #tpu.memory_space<hbm>> -> memref<128x128xf32, #tpu.memory_space<hbm>>
    %dma_wait3A_430 = arith.constant 0 : i32
    %dma_wait3A_431 = arith.constant 0 : i32
    %dma_wait3A_432 = tpu.memref_slice %arg5[%dma_wait3A_430, %dma_wait3A_431] : memref<10240x128xf32, #tpu.memory_space<hbm>> -> memref<128x128xf32, #tpu.memory_space<hbm>>
    tpu.wait_dma2 semaphore(%arg14 : memref<!tpu.dma_semaphore, #tpu.memory_space<semaphore_mem>>) src(%dma_wait3A_432 : memref<128x128xf32, #tpu.memory_space<hbm>>) dst(%arg12 : memref<128x128xf32, #tpu.memory_space<vmem>>)
    %dma_wait3A_433 = arith.constant 0 : i32
    %dma_wait3A_434 = arith.constant 0 : i32
    %dma_wait3A_435 = tpu.memref_slice %arg5[%dma_wait3A_433, %dma_wait3A_434] : memref<10240x128xf32, #tpu.memory_space<hbm>> -> memref<128x128xf32, #tpu.memory_space<hbm>>
    %dma_wait3A_436 = arith.constant 0 : i32
    %dma_wait3A_437 = arith.constant 0 : i32
    %dma_wait3A_438 = tpu.memref_slice %arg5[%dma_wait3A_436, %dma_wait3A_437] : memref<10240x128xf32, #tpu.memory_space<hbm>> -> memref<128x128xf32, #tpu.memory_space<hbm>>
    tpu.wait_dma2 semaphore(%arg14 : memref<!tpu.dma_semaphore, #tpu.memory_space<semaphore_mem>>) src(%dma_wait3A_438 : memref<128x128xf32, #tpu.memory_space<hbm>>) dst(%arg12 : memref<128x128xf32, #tpu.memory_space<vmem>>)
    %scan3A_439 = arith.constant 24 : i32
    %scan3A_440 = arith.constant 0 : i32
    %scan3A_441 = arith.constant 8 : i32
    %scan3A_442 = arith.addi %scan3A_440, %scan3A_441 : i32
    %scan3A_443 = arith.constant 1 : i32
    scf.for %scan3A_704 = %scan3A_440 to %scan3A_442 step %scan3A_443  : i32 {
      %add3A_705 = arith.addi %scan3A_439, %scan3A_704 : i32
      %dma_start3A_706 = arith.constant 0 : i32
      %dma_start3A_707 = tpu.memref_slice %arg10[%add3A_705, %dma_start3A_706] : memref<40x128xi32, #tpu.memory_space<vmem>> -> memref<1x128xi32, #tpu.memory_space<vmem>>
      %dma_start3A_708 = tpu.memref_squeeze %dma_start3A_707 : memref<1x128xi32, #tpu.memory_space<vmem>> -> memref<128xi32, #tpu.memory_space<vmem>>
      %dma_start3A_709 = arith.constant 0 : i32
      %dma_start3A_710 = arith.constant 0 : i32
      %dma_start3A_711 = tpu.memref_slice %arg15[%dma_start3A_709, %dma_start3A_710] : memref<10240x128xf32, #tpu.memory_space<vmem_shared>> -> memref<10240x128xf32, #tpu.memory_space<vmem_shared>>
      tpu.enqueue_indirect_dma source(%arg11 : memref<128x128xf32, #tpu.memory_space<vmem>>) target(%dma_start3A_711 : memref<10240x128xf32, #tpu.memory_space<vmem_shared>>) offsets(%dma_start3A_708 : memref<128xi32, #tpu.memory_space<vmem>>) semaphore(%arg14 : memref<!tpu.dma_semaphore, #tpu.memory_space<semaphore_mem>>) {add = true}
    }
    %scan3A_444 = arith.constant 8 : i32
    %dma_wait3A_445 = arith.constant 0 : i32
    %dma_wait3A_446 = arith.constant 0 : i32
    %dma_wait3A_447 = tpu.memref_slice %arg5[%dma_wait3A_445, %dma_wait3A_446] : memref<10240x128xf32, #tpu.memory_space<hbm>> -> memref<128x128xf32, #tpu.memory_space<hbm>>
    %dma_wait3A_448 = arith.constant 0 : i32
    %dma_wait3A_449 = arith.constant 0 : i32
    %dma_wait3A_450 = tpu.memref_slice %arg5[%dma_wait3A_448, %dma_wait3A_449] : memref<10240x128xf32, #tpu.memory_space<hbm>> -> memref<128x128xf32, #tpu.memory_space<hbm>>
    tpu.wait_dma2 semaphore(%arg14 : memref<!tpu.dma_semaphore, #tpu.memory_space<semaphore_mem>>) src(%dma_wait3A_450 : memref<128x128xf32, #tpu.memory_space<hbm>>) dst(%arg12 : memref<128x128xf32, #tpu.memory_space<vmem>>)
    %dma_wait3A_451 = arith.constant 0 : i32
    %dma_wait3A_452 = arith.constant 0 : i32
    %dma_wait3A_453 = tpu.memref_slice %arg5[%dma_wait3A_451, %dma_wait3A_452] : memref<10240x128xf32, #tpu.memory_space<hbm>> -> memref<128x128xf32, #tpu.memory_space<hbm>>
    %dma_wait3A_454 = arith.constant 0 : i32
    %dma_wait3A_455 = arith.constant 0 : i32
    %dma_wait3A_456 = tpu.memref_slice %arg5[%dma_wait3A_454, %dma_wait3A_455] : memref<10240x128xf32, #tpu.memory_space<hbm>> -> memref<128x128xf32, #tpu.memory_space<hbm>>
    tpu.wait_dma2 semaphore(%arg14 : memref<!tpu.dma_semaphore, #tpu.memory_space<semaphore_mem>>) src(%dma_wait3A_456 : memref<128x128xf32, #tpu.memory_space<hbm>>) dst(%arg12 : memref<128x128xf32, #tpu.memory_space<vmem>>)
    %dma_wait3A_457 = arith.constant 0 : i32
    %dma_wait3A_458 = arith.constant 0 : i32
    %dma_wait3A_459 = tpu.memref_slice %arg5[%dma_wait3A_457, %dma_wait3A_458] : memref<10240x128xf32, #tpu.memory_space<hbm>> -> memref<128x128xf32, #tpu.memory_space<hbm>>
    %dma_wait3A_460 = arith.constant 0 : i32
    %dma_wait3A_461 = arith.constant 0 : i32
    %dma_wait3A_462 = tpu.memref_slice %arg5[%dma_wait3A_460, %dma_wait3A_461] : memref<10240x128xf32, #tpu.memory_space<hbm>> -> memref<128x128xf32, #tpu.memory_space<hbm>>
    tpu.wait_dma2 semaphore(%arg14 : memref<!tpu.dma_semaphore, #tpu.memory_space<semaphore_mem>>) src(%dma_wait3A_462 : memref<128x128xf32, #tpu.memory_space<hbm>>) dst(%arg12 : memref<128x128xf32, #tpu.memory_space<vmem>>)
    %dma_wait3A_463 = arith.constant 0 : i32
    %dma_wait3A_464 = arith.constant 0 : i32
    %dma_wait3A_465 = tpu.memref_slice %arg5[%dma_wait3A_463, %dma_wait3A_464] : memref<10240x128xf32, #tpu.memory_space<hbm>> -> memref<128x128xf32, #tpu.memory_space<hbm>>
    %dma_wait3A_466 = arith.constant 0 : i32
    %dma_wait3A_467 = arith.constant 0 : i32
    %dma_wait3A_468 = tpu.memref_slice %arg5[%dma_wait3A_466, %dma_wait3A_467] : memref<10240x128xf32, #tpu.memory_space<hbm>> -> memref<128x128xf32, #tpu.memory_space<hbm>>
    tpu.wait_dma2 semaphore(%arg14 : memref<!tpu.dma_semaphore, #tpu.memory_space<semaphore_mem>>) src(%dma_wait3A_468 : memref<128x128xf32, #tpu.memory_space<hbm>>) dst(%arg12 : memref<128x128xf32, #tpu.memory_space<vmem>>)
    %dma_wait3A_469 = arith.constant 0 : i32
    %dma_wait3A_470 = arith.constant 0 : i32
    %dma_wait3A_471 = tpu.memref_slice %arg5[%dma_wait3A_469, %dma_wait3A_470] : memref<10240x128xf32, #tpu.memory_space<hbm>> -> memref<128x128xf32, #tpu.memory_space<hbm>>
    %dma_wait3A_472 = arith.constant 0 : i32
    %dma_wait3A_473 = arith.constant 0 : i32
    %dma_wait3A_474 = tpu.memref_slice %arg5[%dma_wait3A_472, %dma_wait3A_473] : memref<10240x128xf32, #tpu.memory_space<hbm>> -> memref<128x128xf32, #tpu.memory_space<hbm>>
    tpu.wait_dma2 semaphore(%arg14 : memref<!tpu.dma_semaphore, #tpu.memory_space<semaphore_mem>>) src(%dma_wait3A_474 : memref<128x128xf32, #tpu.memory_space<hbm>>) dst(%arg12 : memref<128x128xf32, #tpu.memory_space<vmem>>)
    %dma_wait3A_475 = arith.constant 0 : i32
    %dma_wait3A_476 = arith.constant 0 : i32
    %dma_wait3A_477 = tpu.memref_slice %arg5[%dma_wait3A_475, %dma_wait3A_476] : memref<10240x128xf32, #tpu.memory_space<hbm>> -> memref<128x128xf32, #tpu.memory_space<hbm>>
    %dma_wait3A_478 = arith.constant 0 : i32
    %dma_wait3A_479 = arith.constant 0 : i32
    %dma_wait3A_480 = tpu.memref_slice %arg5[%dma_wait3A_478, %dma_wait3A_479] : memref<10240x128xf32, #tpu.memory_space<hbm>> -> memref<128x128xf32, #tpu.memory_space<hbm>>
    tpu.wait_dma2 semaphore(%arg14 : memref<!tpu.dma_semaphore, #tpu.memory_space<semaphore_mem>>) src(%dma_wait3A_480 : memref<128x128xf32, #tpu.memory_space<hbm>>) dst(%arg12 : memref<128x128xf32, #tpu.memory_space<vmem>>)
    %dma_wait3A_481 = arith.constant 0 : i32
    %dma_wait3A_482 = arith.constant 0 : i32
    %dma_wait3A_483 = tpu.memref_slice %arg5[%dma_wait3A_481, %dma_wait3A_482] : memref<10240x128xf32, #tpu.memory_space<hbm>> -> memref<128x128xf32, #tpu.memory_space<hbm>>
    %dma_wait3A_484 = arith.constant 0 : i32
    %dma_wait3A_485 = arith.constant 0 : i32
    %dma_wait3A_486 = tpu.memref_slice %arg5[%dma_wait3A_484, %dma_wait3A_485] : memref<10240x128xf32, #tpu.memory_space<hbm>> -> memref<128x128xf32, #tpu.memory_space<hbm>>
    tpu.wait_dma2 semaphore(%arg14 : memref<!tpu.dma_semaphore, #tpu.memory_space<semaphore_mem>>) src(%dma_wait3A_486 : memref<128x128xf32, #tpu.memory_space<hbm>>) dst(%arg12 : memref<128x128xf32, #tpu.memory_space<vmem>>)
    %dma_wait3A_487 = arith.constant 0 : i32
    %dma_wait3A_488 = arith.constant 0 : i32
    %dma_wait3A_489 = tpu.memref_slice %arg5[%dma_wait3A_487, %dma_wait3A_488] : memref<10240x128xf32, #tpu.memory_space<hbm>> -> memref<128x128xf32, #tpu.memory_space<hbm>>
    %dma_wait3A_490 = arith.constant 0 : i32
    %dma_wait3A_491 = arith.constant 0 : i32
    %dma_wait3A_492 = tpu.memref_slice %arg5[%dma_wait3A_490, %dma_wait3A_491] : memref<10240x128xf32, #tpu.memory_space<hbm>> -> memref<128x128xf32, #tpu.memory_space<hbm>>
    tpu.wait_dma2 semaphore(%arg14 : memref<!tpu.dma_semaphore, #tpu.memory_space<semaphore_mem>>) src(%dma_wait3A_492 : memref<128x128xf32, #tpu.memory_space<hbm>>) dst(%arg12 : memref<128x128xf32, #tpu.memory_space<vmem>>)
    %scan3A_493 = arith.constant 32 : i32
    %scan3A_494 = arith.constant 0 : i32
    %scan3A_495 = arith.constant 8 : i32
    %scan3A_496 = arith.addi %scan3A_494, %scan3A_495 : i32
    %scan3A_497 = arith.constant 1 : i32
    scf.for %scan3A_704 = %scan3A_494 to %scan3A_496 step %scan3A_497  : i32 {
      %add3A_705 = arith.addi %scan3A_493, %scan3A_704 : i32
      %dma_start3A_706 = arith.constant 0 : i32
      %dma_start3A_707 = tpu.memref_slice %arg10[%add3A_705, %dma_start3A_706] : memref<40x128xi32, #tpu.memory_space<vmem>> -> memref<1x128xi32, #tpu.memory_space<vmem>>
      %dma_start3A_708 = tpu.memref_squeeze %dma_start3A_707 : memref<1x128xi32, #tpu.memory_space<vmem>> -> memref<128xi32, #tpu.memory_space<vmem>>
      %dma_start3A_709 = arith.constant 0 : i32
      %dma_start3A_710 = arith.constant 0 : i32
      %dma_start3A_711 = tpu.memref_slice %arg15[%dma_start3A_709, %dma_start3A_710] : memref<10240x128xf32, #tpu.memory_space<vmem_shared>> -> memref<10240x128xf32, #tpu.memory_space<vmem_shared>>
      tpu.enqueue_indirect_dma source(%arg11 : memref<128x128xf32, #tpu.memory_space<vmem>>) target(%dma_start3A_711 : memref<10240x128xf32, #tpu.memory_space<vmem_shared>>) offsets(%dma_start3A_708 : memref<128xi32, #tpu.memory_space<vmem>>) semaphore(%arg14 : memref<!tpu.dma_semaphore, #tpu.memory_space<semaphore_mem>>) {add = true}
    }
    %scan3A_498 = arith.constant 8 : i32
    %dma_wait3A_499 = arith.constant 0 : i32
    %dma_wait3A_500 = arith.constant 0 : i32
    %dma_wait3A_501 = tpu.memref_slice %arg5[%dma_wait3A_499, %dma_wait3A_500] : memref<10240x128xf32, #tpu.memory_space<hbm>> -> memref<128x128xf32, #tpu.memory_space<hbm>>
    %dma_wait3A_502 = arith.constant 0 : i32
    %dma_wait3A_503 = arith.constant 0 : i32
    %dma_wait3A_504 = tpu.memref_slice %arg5[%dma_wait3A_502, %dma_wait3A_503] : memref<10240x128xf32, #tpu.memory_space<hbm>> -> memref<128x128xf32, #tpu.memory_space<hbm>>
    tpu.wait_dma2 semaphore(%arg14 : memref<!tpu.dma_semaphore, #tpu.memory_space<semaphore_mem>>) src(%dma_wait3A_504 : memref<128x128xf32, #tpu.memory_space<hbm>>) dst(%arg12 : memref<128x128xf32, #tpu.memory_space<vmem>>)
    %dma_wait3A_505 = arith.constant 0 : i32
    %dma_wait3A_506 = arith.constant 0 : i32
    %dma_wait3A_507 = tpu.memref_slice %arg5[%dma_wait3A_505, %dma_wait3A_506] : memref<10240x128xf32, #tpu.memory_space<hbm>> -> memref<128x128xf32, #tpu.memory_space<hbm>>
    %dma_wait3A_508 = arith.constant 0 : i32
    %dma_wait3A_509 = arith.constant 0 : i32
    %dma_wait3A_510 = tpu.memref_slice %arg5[%dma_wait3A_508, %dma_wait3A_509] : memref<10240x128xf32, #tpu.memory_space<hbm>> -> memref<128x128xf32, #tpu.memory_space<hbm>>
    tpu.wait_dma2 semaphore(%arg14 : memref<!tpu.dma_semaphore, #tpu.memory_space<semaphore_mem>>) src(%dma_wait3A_510 : memref<128x128xf32, #tpu.memory_space<hbm>>) dst(%arg12 : memref<128x128xf32, #tpu.memory_space<vmem>>)
    %dma_wait3A_511 = arith.constant 0 : i32
    %dma_wait3A_512 = arith.constant 0 : i32
    %dma_wait3A_513 = tpu.memref_slice %arg5[%dma_wait3A_511, %dma_wait3A_512] : memref<10240x128xf32, #tpu.memory_space<hbm>> -> memref<128x128xf32, #tpu.memory_space<hbm>>
    %dma_wait3A_514 = arith.constant 0 : i32
    %dma_wait3A_515 = arith.constant 0 : i32
    %dma_wait3A_516 = tpu.memref_slice %arg5[%dma_wait3A_514, %dma_wait3A_515] : memref<10240x128xf32, #tpu.memory_space<hbm>> -> memref<128x128xf32, #tpu.memory_space<hbm>>
    tpu.wait_dma2 semaphore(%arg14 : memref<!tpu.dma_semaphore, #tpu.memory_space<semaphore_mem>>) src(%dma_wait3A_516 : memref<128x128xf32, #tpu.memory_space<hbm>>) dst(%arg12 : memref<128x128xf32, #tpu.memory_space<vmem>>)
    %dma_wait3A_517 = arith.constant 0 : i32
    %dma_wait3A_518 = arith.constant 0 : i32
    %dma_wait3A_519 = tpu.memref_slice %arg5[%dma_wait3A_517, %dma_wait3A_518] : memref<10240x128xf32, #tpu.memory_space<hbm>> -> memref<128x128xf32, #tpu.memory_space<hbm>>
    %dma_wait3A_520 = arith.constant 0 : i32
    %dma_wait3A_521 = arith.constant 0 : i32
    %dma_wait3A_522 = tpu.memref_slice %arg5[%dma_wait3A_520, %dma_wait3A_521] : memref<10240x128xf32, #tpu.memory_space<hbm>> -> memref<128x128xf32, #tpu.memory_space<hbm>>
    tpu.wait_dma2 semaphore(%arg14 : memref<!tpu.dma_semaphore, #tpu.memory_space<semaphore_mem>>) src(%dma_wait3A_522 : memref<128x128xf32, #tpu.memory_space<hbm>>) dst(%arg12 : memref<128x128xf32, #tpu.memory_space<vmem>>)
    %dma_wait3A_523 = arith.constant 0 : i32
    %dma_wait3A_524 = arith.constant 0 : i32
    %dma_wait3A_525 = tpu.memref_slice %arg5[%dma_wait3A_523, %dma_wait3A_524] : memref<10240x128xf32, #tpu.memory_space<hbm>> -> memref<128x128xf32, #tpu.memory_space<hbm>>
    %dma_wait3A_526 = arith.constant 0 : i32
    %dma_wait3A_527 = arith.constant 0 : i32
    %dma_wait3A_528 = tpu.memref_slice %arg5[%dma_wait3A_526, %dma_wait3A_527] : memref<10240x128xf32, #tpu.memory_space<hbm>> -> memref<128x128xf32, #tpu.memory_space<hbm>>
    tpu.wait_dma2 semaphore(%arg14 : memref<!tpu.dma_semaphore, #tpu.memory_space<semaphore_mem>>) src(%dma_wait3A_528 : memref<128x128xf32, #tpu.memory_space<hbm>>) dst(%arg12 : memref<128x128xf32, #tpu.memory_space<vmem>>)
    %dma_wait3A_529 = arith.constant 0 : i32
    %dma_wait3A_530 = arith.constant 0 : i32
    %dma_wait3A_531 = tpu.memref_slice %arg5[%dma_wait3A_529, %dma_wait3A_530] : memref<10240x128xf32, #tpu.memory_space<hbm>> -> memref<128x128xf32, #tpu.memory_space<hbm>>
    %dma_wait3A_532 = arith.constant 0 : i32
    %dma_wait3A_533 = arith.constant 0 : i32
    %dma_wait3A_534 = tpu.memref_slice %arg5[%dma_wait3A_532, %dma_wait3A_533] : memref<10240x128xf32, #tpu.memory_space<hbm>> -> memref<128x128xf32, #tpu.memory_space<hbm>>
    tpu.wait_dma2 semaphore(%arg14 : memref<!tpu.dma_semaphore, #tpu.memory_space<semaphore_mem>>) src(%dma_wait3A_534 : memref<128x128xf32, #tpu.memory_space<hbm>>) dst(%arg12 : memref<128x128xf32, #tpu.memory_space<vmem>>)
    %dma_wait3A_535 = arith.constant 0 : i32
    %dma_wait3A_536 = arith.constant 0 : i32
    %dma_wait3A_537 = tpu.memref_slice %arg5[%dma_wait3A_535, %dma_wait3A_536] : memref<10240x128xf32, #tpu.memory_space<hbm>> -> memref<128x128xf32, #tpu.memory_space<hbm>>
    %dma_wait3A_538 = arith.constant 0 : i32
    %dma_wait3A_539 = arith.constant 0 : i32
    %dma_wait3A_540 = tpu.memref_slice %arg5[%dma_wait3A_538, %dma_wait3A_539] : memref<10240x128xf32, #tpu.memory_space<hbm>> -> memref<128x128xf32, #tpu.memory_space<hbm>>
    tpu.wait_dma2 semaphore(%arg14 : memref<!tpu.dma_semaphore, #tpu.memory_space<semaphore_mem>>) src(%dma_wait3A_540 : memref<128x128xf32, #tpu.memory_space<hbm>>) dst(%arg12 : memref<128x128xf32, #tpu.memory_space<vmem>>)
    %dma_wait3A_541 = arith.constant 0 : i32
    %dma_wait3A_542 = arith.constant 0 : i32
    %dma_wait3A_543 = tpu.memref_slice %arg5[%dma_wait3A_541, %dma_wait3A_542] : memref<10240x128xf32, #tpu.memory_space<hbm>> -> memref<128x128xf32, #tpu.memory_space<hbm>>
    %dma_wait3A_544 = arith.constant 0 : i32
    %dma_wait3A_545 = arith.constant 0 : i32
    %dma_wait3A_546 = tpu.memref_slice %arg5[%dma_wait3A_544, %dma_wait3A_545] : memref<10240x128xf32, #tpu.memory_space<hbm>> -> memref<128x128xf32, #tpu.memory_space<hbm>>
    tpu.wait_dma2 semaphore(%arg14 : memref<!tpu.dma_semaphore, #tpu.memory_space<semaphore_mem>>) src(%dma_wait3A_546 : memref<128x128xf32, #tpu.memory_space<hbm>>) dst(%arg12 : memref<128x128xf32, #tpu.memory_space<vmem>>)
    %barrier3A_547 = arith.constant 0 : index
    tpu.barrier barrier_id(%barrier3A_547)
    %mul3A_548 = arith.constant 10240 : i32
    %mul3A_549 = arith.muli %arg0, %mul3A_548 : i32
    %add3A_550 = arith.addi %mul3A_549, %mul3A_4 : i32
    "tpu.region"() ({
      %run_scoped3A = tpu.sem_alloc : memref<!tpu.dma_semaphore, #tpu.memory_space<semaphore_mem>>
      %dma_start3A_704 = arith.constant 0 : i32
      %dma_start3A_705 = tpu.memref_slice %arg8[%add3A_550, %dma_start3A_704] : memref<20480x128xf32, #tpu.memory_space<hbm>> -> memref<640x128xf32, #tpu.memory_space<hbm>>
      %dma_start3A_706 = arith.constant 0 : i32
      %dma_start3A_707 = tpu.memref_slice %arg15[%mul3A_4, %dma_start3A_706] : memref<10240x128xf32, #tpu.memory_space<vmem_shared>> -> memref<640x128xf32, #tpu.memory_space<vmem_shared>>
      tpu.enqueue_dma source(%dma_start3A_707 : memref<640x128xf32, #tpu.memory_space<vmem_shared>>) target(%dma_start3A_705 : memref<640x128xf32, #tpu.memory_space<hbm>>) target_semaphore(%run_scoped3A : memref<!tpu.dma_semaphore, #tpu.memory_space<semaphore_mem>>)
      %dma_wait3A_708 = arith.constant 0 : i32
      %dma_wait3A_709 = tpu.memref_slice %arg8[%add3A_550, %dma_wait3A_708] : memref<20480x128xf32, #tpu.memory_space<hbm>> -> memref<640x128xf32, #tpu.memory_space<hbm>>
      %dma_wait3A_710 = arith.constant 0 : i32
      %dma_wait3A_711 = tpu.memref_slice %arg15[%mul3A_4, %dma_wait3A_710] : memref<10240x128xf32, #tpu.memory_space<vmem_shared>> -> memref<640x128xf32, #tpu.memory_space<vmem_shared>>
      tpu.wait_dma2 semaphore(%run_scoped3A : memref<!tpu.dma_semaphore, #tpu.memory_space<semaphore_mem>>) src(%dma_wait3A_711 : memref<640x128xf32, #tpu.memory_space<vmem_shared>>) dst(%dma_wait3A_709 : memref<640x128xf32, #tpu.memory_space<hbm>>)
      tpu.yield
    }) : () -> ()
    "tpu.region"() ({
      %run_scoped3A = tpu.sem_alloc : memref<!tpu.dma_semaphore, #tpu.memory_space<semaphore_mem>>
      %dma_start3A_704 = arith.constant 0 : i32
      %dma_start3A_705 = tpu.memref_slice %arg3[%mul3A_2, %dma_start3A_704] : memref<2560x128xi32, #tpu.memory_space<hbm>> -> memref<80x128xi32, #tpu.memory_space<hbm>>
      %dma_start3A_706 = arith.constant 0 : i32
      %dma_start3A_707 = tpu.memref_slice %arg3[%mul3A_2, %dma_start3A_706] : memref<2560x128xi32, #tpu.memory_space<hbm>> -> memref<80x128xi32, #tpu.memory_space<hbm>>
      tpu.enqueue_dma source(%dma_start3A_707 : memref<80x128xi32, #tpu.memory_space<hbm>>) target(%arg9 : memref<80x128xi32, #tpu.memory_space<vmem>>) target_semaphore(%run_scoped3A : memref<!tpu.dma_semaphore, #tpu.memory_space<semaphore_mem>>)
      %dma_wait3A_708 = arith.constant 0 : i32
      %dma_wait3A_709 = tpu.memref_slice %arg3[%mul3A_2, %dma_wait3A_708] : memref<2560x128xi32, #tpu.memory_space<hbm>> -> memref<80x128xi32, #tpu.memory_space<hbm>>
      %dma_wait3A_710 = arith.constant 0 : i32
      %dma_wait3A_711 = tpu.memref_slice %arg3[%mul3A_2, %dma_wait3A_710] : memref<2560x128xi32, #tpu.memory_space<hbm>> -> memref<80x128xi32, #tpu.memory_space<hbm>>
      tpu.wait_dma2 semaphore(%run_scoped3A : memref<!tpu.dma_semaphore, #tpu.memory_space<semaphore_mem>>) src(%dma_wait3A_711 : memref<80x128xi32, #tpu.memory_space<hbm>>) dst(%arg9 : memref<80x128xi32, #tpu.memory_space<vmem>>)
      tpu.yield
    }) : () -> ()
    %barrier3A_551 = arith.constant 0 : index
    tpu.barrier barrier_id(%barrier3A_551)
    %add3A_552 = arith.constant 0 : i32
    %add3A_553 = arith.addi %mul3A_2, %add3A_552 : i32
    "tpu.region"() ({
      %run_scoped3A = tpu.sem_alloc : memref<!tpu.dma_semaphore, #tpu.memory_space<semaphore_mem>>
      %dma_start3A_704 = arith.constant 0 : i32
      %dma_start3A_705 = tpu.memref_slice %arg4[%add3A_553, %dma_start3A_704] : memref<2560x128xi32, #tpu.memory_space<hbm>> -> memref<40x128xi32, #tpu.memory_space<hbm>>
      %dma_start3A_706 = arith.constant 0 : i32
      %dma_start3A_707 = tpu.memref_slice %arg4[%add3A_553, %dma_start3A_706] : memref<2560x128xi32, #tpu.memory_space<hbm>> -> memref<40x128xi32, #tpu.memory_space<hbm>>
      tpu.enqueue_dma source(%dma_start3A_707 : memref<40x128xi32, #tpu.memory_space<hbm>>) target(%arg10 : memref<40x128xi32, #tpu.memory_space<vmem>>) target_semaphore(%run_scoped3A : memref<!tpu.dma_semaphore, #tpu.memory_space<semaphore_mem>>)
      %dma_wait3A_708 = arith.constant 0 : i32
      %dma_wait3A_709 = tpu.memref_slice %arg4[%add3A_553, %dma_wait3A_708] : memref<2560x128xi32, #tpu.memory_space<hbm>> -> memref<40x128xi32, #tpu.memory_space<hbm>>
      %dma_wait3A_710 = arith.constant 0 : i32
      %dma_wait3A_711 = tpu.memref_slice %arg4[%add3A_553, %dma_wait3A_710] : memref<2560x128xi32, #tpu.memory_space<hbm>> -> memref<40x128xi32, #tpu.memory_space<hbm>>
      tpu.wait_dma2 semaphore(%run_scoped3A : memref<!tpu.dma_semaphore, #tpu.memory_space<semaphore_mem>>) src(%dma_wait3A_711 : memref<40x128xi32, #tpu.memory_space<hbm>>) dst(%arg10 : memref<40x128xi32, #tpu.memory_space<vmem>>)
      tpu.yield
    }) : () -> ()
    %dma_start3A = arith.constant 0 : i32
    %dma_start3A_554 = arith.constant 0 : i32
    %dma_start3A_555 = tpu.memref_slice %arg9[%dma_start3A, %dma_start3A_554] : memref<80x128xi32, #tpu.memory_space<vmem>> -> memref<1x128xi32, #tpu.memory_space<vmem>>
    %dma_start3A_556 = tpu.memref_squeeze %dma_start3A_555 : memref<1x128xi32, #tpu.memory_space<vmem>> -> memref<128xi32, #tpu.memory_space<vmem>>
    %dma_start3A_557 = arith.constant 0 : i32
    %dma_start3A_558 = arith.constant 0 : i32
    %dma_start3A_559 = tpu.memref_slice %arg2[%dma_start3A_557, %dma_start3A_558] : memref<10240x128xf32, #tpu.memory_space<hbm>> -> memref<10240x128xf32, #tpu.memory_space<hbm>>
    tpu.enqueue_indirect_dma source(%dma_start3A_559 : memref<10240x128xf32, #tpu.memory_space<hbm>>) target(%arg11 : memref<128x128xf32, #tpu.memory_space<vmem>>) offsets(%dma_start3A_556 : memref<128xi32, #tpu.memory_space<vmem>>) semaphore(%arg13 : memref<!tpu.dma_semaphore, #tpu.memory_space<semaphore_mem>>)
    %dma_wait3A_560 = arith.constant 0 : i32
    %dma_wait3A_561 = arith.constant 0 : i32
    %dma_wait3A_562 = tpu.memref_slice %arg9[%dma_wait3A_560, %dma_wait3A_561] : memref<80x128xi32, #tpu.memory_space<vmem>> -> memref<1x128xi32, #tpu.memory_space<vmem>>
    %dma_wait3A_563 = tpu.memref_squeeze %dma_wait3A_562 : memref<1x128xi32, #tpu.memory_space<vmem>> -> memref<128xi32, #tpu.memory_space<vmem>>
    %dma_wait3A_564 = arith.constant 0 : i32
    %dma_wait3A_565 = arith.constant 0 : i32
    %dma_wait3A_566 = tpu.memref_slice %arg2[%dma_wait3A_564, %dma_wait3A_565] : memref<10240x128xf32, #tpu.memory_space<hbm>> -> memref<10240x128xf32, #tpu.memory_space<hbm>>
    tpu.wait_indirect_dma semaphore(%arg13 : memref<!tpu.dma_semaphore, #tpu.memory_space<semaphore_mem>>) src(%dma_wait3A_566 : memref<10240x128xf32, #tpu.memory_space<hbm>>) dst(%arg11 : memref<128x128xf32, #tpu.memory_space<vmem>>)
    %dma_start3A_567 = arith.constant 0 : i32
    %dma_start3A_568 = arith.constant 0 : i32
    %dma_start3A_569 = tpu.memref_slice %arg10[%dma_start3A_567, %dma_start3A_568] : memref<40x128xi32, #tpu.memory_space<vmem>> -> memref<1x128xi32, #tpu.memory_space<vmem>>
    %dma_start3A_570 = tpu.memref_squeeze %dma_start3A_569 : memref<1x128xi32, #tpu.memory_space<vmem>> -> memref<128xi32, #tpu.memory_space<vmem>>
    %dma_start3A_571 = arith.constant 0 : i32
    %dma_start3A_572 = arith.constant 0 : i32
    %dma_start3A_573 = tpu.memref_slice %arg15[%dma_start3A_571, %dma_start3A_572] : memref<10240x128xf32, #tpu.memory_space<vmem_shared>> -> memref<10240x128xf32, #tpu.memory_space<vmem_shared>>
    tpu.enqueue_indirect_dma source(%arg11 : memref<128x128xf32, #tpu.memory_space<vmem>>) target(%dma_start3A_573 : memref<10240x128xf32, #tpu.memory_space<vmem_shared>>) offsets(%dma_start3A_570 : memref<128xi32, #tpu.memory_space<vmem>>) semaphore(%arg14 : memref<!tpu.dma_semaphore, #tpu.memory_space<semaphore_mem>>) {add = true}
    %dma_start3A_574 = arith.constant 1 : i32
    %dma_start3A_575 = arith.constant 0 : i32
    %dma_start3A_576 = tpu.memref_slice %arg9[%dma_start3A_574, %dma_start3A_575] : memref<80x128xi32, #tpu.memory_space<vmem>> -> memref<1x128xi32, #tpu.memory_space<vmem>>
    %dma_start3A_577 = tpu.memref_squeeze %dma_start3A_576 : memref<1x128xi32, #tpu.memory_space<vmem>> -> memref<128xi32, #tpu.memory_space<vmem>>
    %dma_start3A_578 = arith.constant 0 : i32
    %dma_start3A_579 = arith.constant 0 : i32
    %dma_start3A_580 = tpu.memref_slice %arg2[%dma_start3A_578, %dma_start3A_579] : memref<10240x128xf32, #tpu.memory_space<hbm>> -> memref<10240x128xf32, #tpu.memory_space<hbm>>
    tpu.enqueue_indirect_dma source(%dma_start3A_580 : memref<10240x128xf32, #tpu.memory_space<hbm>>) target(%arg12 : memref<128x128xf32, #tpu.memory_space<vmem>>) offsets(%dma_start3A_577 : memref<128xi32, #tpu.memory_space<vmem>>) semaphore(%arg13 : memref<!tpu.dma_semaphore, #tpu.memory_space<semaphore_mem>>)
    %dma_wait3A_581 = arith.constant 0 : i32
    %dma_wait3A_582 = arith.constant 0 : i32
    %dma_wait3A_583 = tpu.memref_slice %arg9[%dma_wait3A_581, %dma_wait3A_582] : memref<80x128xi32, #tpu.memory_space<vmem>> -> memref<1x128xi32, #tpu.memory_space<vmem>>
    %dma_wait3A_584 = tpu.memref_squeeze %dma_wait3A_583 : memref<1x128xi32, #tpu.memory_space<vmem>> -> memref<128xi32, #tpu.memory_space<vmem>>
    %dma_wait3A_585 = arith.constant 0 : i32
    %dma_wait3A_586 = arith.constant 0 : i32
    %dma_wait3A_587 = tpu.memref_slice %arg2[%dma_wait3A_585, %dma_wait3A_586] : memref<10240x128xf32, #tpu.memory_space<hbm>> -> memref<10240x128xf32, #tpu.memory_space<hbm>>
    tpu.wait_indirect_dma semaphore(%arg13 : memref<!tpu.dma_semaphore, #tpu.memory_space<semaphore_mem>>) src(%dma_wait3A_587 : memref<10240x128xf32, #tpu.memory_space<hbm>>) dst(%arg12 : memref<128x128xf32, #tpu.memory_space<vmem>>)
    %dma_start3A_588 = arith.constant 1 : i32
    %dma_start3A_589 = arith.constant 0 : i32
    %dma_start3A_590 = tpu.memref_slice %arg10[%dma_start3A_588, %dma_start3A_589] : memref<40x128xi32, #tpu.memory_space<vmem>> -> memref<1x128xi32, #tpu.memory_space<vmem>>
    %dma_start3A_591 = tpu.memref_squeeze %dma_start3A_590 : memref<1x128xi32, #tpu.memory_space<vmem>> -> memref<128xi32, #tpu.memory_space<vmem>>
    %dma_start3A_592 = arith.constant 0 : i32
    %dma_start3A_593 = arith.constant 0 : i32
    %dma_start3A_594 = tpu.memref_slice %arg15[%dma_start3A_592, %dma_start3A_593] : memref<10240x128xf32, #tpu.memory_space<vmem_shared>> -> memref<10240x128xf32, #tpu.memory_space<vmem_shared>>
    tpu.enqueue_indirect_dma source(%arg12 : memref<128x128xf32, #tpu.memory_space<vmem>>) target(%dma_start3A_594 : memref<10240x128xf32, #tpu.memory_space<vmem_shared>>) offsets(%dma_start3A_591 : memref<128xi32, #tpu.memory_space<vmem>>) semaphore(%arg14 : memref<!tpu.dma_semaphore, #tpu.memory_space<semaphore_mem>>) {add = true}
    %dma_wait3A_595 = arith.constant 0 : i32
    %dma_wait3A_596 = arith.constant 0 : i32
    %dma_wait3A_597 = tpu.memref_slice %arg5[%dma_wait3A_595, %dma_wait3A_596] : memref<10240x128xf32, #tpu.memory_space<hbm>> -> memref<128x128xf32, #tpu.memory_space<hbm>>
    %dma_wait3A_598 = arith.constant 0 : i32
    %dma_wait3A_599 = arith.constant 0 : i32
    %dma_wait3A_600 = tpu.memref_slice %arg5[%dma_wait3A_598, %dma_wait3A_599] : memref<10240x128xf32, #tpu.memory_space<hbm>> -> memref<128x128xf32, #tpu.memory_space<hbm>>
    tpu.wait_dma2 semaphore(%arg14 : memref<!tpu.dma_semaphore, #tpu.memory_space<semaphore_mem>>) src(%dma_wait3A_600 : memref<128x128xf32, #tpu.memory_space<hbm>>) dst(%arg12 : memref<128x128xf32, #tpu.memory_space<vmem>>)
    %dma_start3A_601 = arith.constant 2 : i32
    %dma_start3A_602 = arith.constant 0 : i32
    %dma_start3A_603 = tpu.memref_slice %arg9[%dma_start3A_601, %dma_start3A_602] : memref<80x128xi32, #tpu.memory_space<vmem>> -> memref<1x128xi32, #tpu.memory_space<vmem>>
    %dma_start3A_604 = tpu.memref_squeeze %dma_start3A_603 : memref<1x128xi32, #tpu.memory_space<vmem>> -> memref<128xi32, #tpu.memory_space<vmem>>
    %dma_start3A_605 = arith.constant 0 : i32
    %dma_start3A_606 = arith.constant 0 : i32
    %dma_start3A_607 = tpu.memref_slice %arg2[%dma_start3A_605, %dma_start3A_606] : memref<10240x128xf32, #tpu.memory_space<hbm>> -> memref<10240x128xf32, #tpu.memory_space<hbm>>
    tpu.enqueue_indirect_dma source(%dma_start3A_607 : memref<10240x128xf32, #tpu.memory_space<hbm>>) target(%arg11 : memref<128x128xf32, #tpu.memory_space<vmem>>) offsets(%dma_start3A_604 : memref<128xi32, #tpu.memory_space<vmem>>) semaphore(%arg13 : memref<!tpu.dma_semaphore, #tpu.memory_space<semaphore_mem>>)
    %scan3A_608 = arith.constant 0 : i32
    %scan3A_609 = arith.constant 1 : i32
    %scan3A_610 = arith.constant 19 : i32
    %scan3A_611 = arith.addi %scan3A_609, %scan3A_610 : i32
    %scan3A_612 = arith.constant 1 : i32
    scf.for %scan3A_704 = %scan3A_609 to %scan3A_611 step %scan3A_612  : i32 {
      %mul3A_705 = arith.constant 40 : i32
      %mul3A_706 = arith.muli %scan3A_608, %mul3A_705 : i32
      %mul3A_707 = arith.constant 2 : i32
      %mul3A_708 = arith.muli %mul3A_707, %scan3A_704 : i32
      %add3A_709 = arith.addi %mul3A_706, %mul3A_708 : i32
      %mul3A_710 = arith.constant 40 : i32
      %mul3A_711 = arith.muli %scan3A_608, %mul3A_710 : i32
      %add3A_712 = arith.constant 40 : i32
      %add3A_713 = arith.addi %mul3A_711, %add3A_712 : i32
      %sub3A = arith.constant 1 : i32
      %sub3A_714 = arith.subi %add3A_713, %sub3A : i32
      %dma_wait3A_715 = arith.constant 0 : i32
      %dma_wait3A_716 = arith.constant 0 : i32
      %dma_wait3A_717 = tpu.memref_slice %arg9[%dma_wait3A_715, %dma_wait3A_716] : memref<80x128xi32, #tpu.memory_space<vmem>> -> memref<1x128xi32, #tpu.memory_space<vmem>>
      %dma_wait3A_718 = tpu.memref_squeeze %dma_wait3A_717 : memref<1x128xi32, #tpu.memory_space<vmem>> -> memref<128xi32, #tpu.memory_space<vmem>>
      %dma_wait3A_719 = arith.constant 0 : i32
      %dma_wait3A_720 = arith.constant 0 : i32
      %dma_wait3A_721 = tpu.memref_slice %arg2[%dma_wait3A_719, %dma_wait3A_720] : memref<10240x128xf32, #tpu.memory_space<hbm>> -> memref<10240x128xf32, #tpu.memory_space<hbm>>
      tpu.wait_indirect_dma semaphore(%arg13 : memref<!tpu.dma_semaphore, #tpu.memory_space<semaphore_mem>>) src(%dma_wait3A_721 : memref<10240x128xf32, #tpu.memory_space<hbm>>) dst(%arg11 : memref<128x128xf32, #tpu.memory_space<vmem>>)
      %mul3A_722 = arith.constant 2 : i32
      %mul3A_723 = arith.muli %mul3A_722, %scan3A_704 : i32
      %dma_start3A_724 = arith.constant 0 : i32
      %dma_start3A_725 = tpu.memref_slice %arg10[%mul3A_723, %dma_start3A_724] : memref<40x128xi32, #tpu.memory_space<vmem>> -> memref<1x128xi32, #tpu.memory_space<vmem>>
      %dma_start3A_726 = tpu.memref_squeeze %dma_start3A_725 : memref<1x128xi32, #tpu.memory_space<vmem>> -> memref<128xi32, #tpu.memory_space<vmem>>
      %dma_start3A_727 = arith.constant 0 : i32
      %dma_start3A_728 = arith.constant 0 : i32
      %dma_start3A_729 = tpu.memref_slice %arg15[%dma_start3A_727, %dma_start3A_728] : memref<10240x128xf32, #tpu.memory_space<vmem_shared>> -> memref<10240x128xf32, #tpu.memory_space<vmem_shared>>
      tpu.enqueue_indirect_dma source(%arg11 : memref<128x128xf32, #tpu.memory_space<vmem>>) target(%dma_start3A_729 : memref<10240x128xf32, #tpu.memory_space<vmem_shared>>) offsets(%dma_start3A_726 : memref<128xi32, #tpu.memory_space<vmem>>) semaphore(%arg14 : memref<!tpu.dma_semaphore, #tpu.memory_space<semaphore_mem>>) {add = true}
      %dma_wait3A_730 = arith.constant 0 : i32
      %dma_wait3A_731 = arith.constant 0 : i32
      %dma_wait3A_732 = tpu.memref_slice %arg5[%dma_wait3A_730, %dma_wait3A_731] : memref<10240x128xf32, #tpu.memory_space<hbm>> -> memref<128x128xf32, #tpu.memory_space<hbm>>
      %dma_wait3A_733 = arith.constant 0 : i32
      %dma_wait3A_734 = arith.constant 0 : i32
      %dma_wait3A_735 = tpu.memref_slice %arg5[%dma_wait3A_733, %dma_wait3A_734] : memref<10240x128xf32, #tpu.memory_space<hbm>> -> memref<128x128xf32, #tpu.memory_space<hbm>>
      tpu.wait_dma2 semaphore(%arg14 : memref<!tpu.dma_semaphore, #tpu.memory_space<semaphore_mem>>) src(%dma_wait3A_735 : memref<128x128xf32, #tpu.memory_space<hbm>>) dst(%arg12 : memref<128x128xf32, #tpu.memory_space<vmem>>)
      %add3A_736 = arith.constant 1 : i32
      %add3A_737 = arith.addi %add3A_709, %add3A_736 : i32
      %dma_start3A_738 = arith.constant 0 : i32
      %dma_start3A_739 = tpu.memref_slice %arg9[%add3A_737, %dma_start3A_738] : memref<80x128xi32, #tpu.memory_space<vmem>> -> memref<1x128xi32, #tpu.memory_space<vmem>>
      %dma_start3A_740 = tpu.memref_squeeze %dma_start3A_739 : memref<1x128xi32, #tpu.memory_space<vmem>> -> memref<128xi32, #tpu.memory_space<vmem>>
      %dma_start3A_741 = arith.constant 0 : i32
      %dma_start3A_742 = arith.constant 0 : i32
      %dma_start3A_743 = tpu.memref_slice %arg2[%dma_start3A_741, %dma_start3A_742] : memref<10240x128xf32, #tpu.memory_space<hbm>> -> memref<10240x128xf32, #tpu.memory_space<hbm>>
      tpu.enqueue_indirect_dma source(%dma_start3A_743 : memref<10240x128xf32, #tpu.memory_space<hbm>>) target(%arg12 : memref<128x128xf32, #tpu.memory_space<vmem>>) offsets(%dma_start3A_740 : memref<128xi32, #tpu.memory_space<vmem>>) semaphore(%arg13 : memref<!tpu.dma_semaphore, #tpu.memory_space<semaphore_mem>>)
      %dma_wait3A_744 = arith.constant 0 : i32
      %dma_wait3A_745 = arith.constant 0 : i32
      %dma_wait3A_746 = tpu.memref_slice %arg9[%dma_wait3A_744, %dma_wait3A_745] : memref<80x128xi32, #tpu.memory_space<vmem>> -> memref<1x128xi32, #tpu.memory_space<vmem>>
      %dma_wait3A_747 = tpu.memref_squeeze %dma_wait3A_746 : memref<1x128xi32, #tpu.memory_space<vmem>> -> memref<128xi32, #tpu.memory_space<vmem>>
      %dma_wait3A_748 = arith.constant 0 : i32
      %dma_wait3A_749 = arith.constant 0 : i32
      %dma_wait3A_750 = tpu.memref_slice %arg2[%dma_wait3A_748, %dma_wait3A_749] : memref<10240x128xf32, #tpu.memory_space<hbm>> -> memref<10240x128xf32, #tpu.memory_space<hbm>>
      tpu.wait_indirect_dma semaphore(%arg13 : memref<!tpu.dma_semaphore, #tpu.memory_space<semaphore_mem>>) src(%dma_wait3A_750 : memref<10240x128xf32, #tpu.memory_space<hbm>>) dst(%arg12 : memref<128x128xf32, #tpu.memory_space<vmem>>)
      %mul3A_751 = arith.constant 2 : i32
      %mul3A_752 = arith.muli %mul3A_751, %scan3A_704 : i32
      %add3A_753 = arith.constant 1 : i32
      %add3A_754 = arith.addi %mul3A_752, %add3A_753 : i32
      %dma_start3A_755 = arith.constant 0 : i32
      %dma_start3A_756 = tpu.memref_slice %arg10[%add3A_754, %dma_start3A_755] : memref<40x128xi32, #tpu.memory_space<vmem>> -> memref<1x128xi32, #tpu.memory_space<vmem>>
      %dma_start3A_757 = tpu.memref_squeeze %dma_start3A_756 : memref<1x128xi32, #tpu.memory_space<vmem>> -> memref<128xi32, #tpu.memory_space<vmem>>
      %dma_start3A_758 = arith.constant 0 : i32
      %dma_start3A_759 = arith.constant 0 : i32
      %dma_start3A_760 = tpu.memref_slice %arg15[%dma_start3A_758, %dma_start3A_759] : memref<10240x128xf32, #tpu.memory_space<vmem_shared>> -> memref<10240x128xf32, #tpu.memory_space<vmem_shared>>
      tpu.enqueue_indirect_dma source(%arg12 : memref<128x128xf32, #tpu.memory_space<vmem>>) target(%dma_start3A_760 : memref<10240x128xf32, #tpu.memory_space<vmem_shared>>) offsets(%dma_start3A_757 : memref<128xi32, #tpu.memory_space<vmem>>) semaphore(%arg14 : memref<!tpu.dma_semaphore, #tpu.memory_space<semaphore_mem>>) {add = true}
      %dma_wait3A_761 = arith.constant 0 : i32
      %dma_wait3A_762 = arith.constant 0 : i32
      %dma_wait3A_763 = tpu.memref_slice %arg5[%dma_wait3A_761, %dma_wait3A_762] : memref<10240x128xf32, #tpu.memory_space<hbm>> -> memref<128x128xf32, #tpu.memory_space<hbm>>
      %dma_wait3A_764 = arith.constant 0 : i32
      %dma_wait3A_765 = arith.constant 0 : i32
      %dma_wait3A_766 = tpu.memref_slice %arg5[%dma_wait3A_764, %dma_wait3A_765] : memref<10240x128xf32, #tpu.memory_space<hbm>> -> memref<128x128xf32, #tpu.memory_space<hbm>>
      tpu.wait_dma2 semaphore(%arg14 : memref<!tpu.dma_semaphore, #tpu.memory_space<semaphore_mem>>) src(%dma_wait3A_766 : memref<128x128xf32, #tpu.memory_space<hbm>>) dst(%arg12 : memref<128x128xf32, #tpu.memory_space<vmem>>)
      %add3A_767 = arith.constant 2 : i32
      %add3A_768 = arith.addi %add3A_709, %add3A_767 : i32
      %min3A = arith.minsi %add3A_768, %sub3A_714 : i32
      %dma_start3A_769 = arith.constant 0 : i32
      %dma_start3A_770 = tpu.memref_slice %arg9[%min3A, %dma_start3A_769] : memref<80x128xi32, #tpu.memory_space<vmem>> -> memref<1x128xi32, #tpu.memory_space<vmem>>
      %dma_start3A_771 = tpu.memref_squeeze %dma_start3A_770 : memref<1x128xi32, #tpu.memory_space<vmem>> -> memref<128xi32, #tpu.memory_space<vmem>>
      %dma_start3A_772 = arith.constant 0 : i32
      %dma_start3A_773 = arith.constant 0 : i32
      %dma_start3A_774 = tpu.memref_slice %arg2[%dma_start3A_772, %dma_start3A_773] : memref<10240x128xf32, #tpu.memory_space<hbm>> -> memref<10240x128xf32, #tpu.memory_space<hbm>>
      tpu.enqueue_indirect_dma source(%dma_start3A_774 : memref<10240x128xf32, #tpu.memory_space<hbm>>) target(%arg11 : memref<128x128xf32, #tpu.memory_space<vmem>>) offsets(%dma_start3A_771 : memref<128xi32, #tpu.memory_space<vmem>>) semaphore(%arg13 : memref<!tpu.dma_semaphore, #tpu.memory_space<semaphore_mem>>)
    }
    %scan3A_613 = arith.constant 19 : i32
    %dma_wait3A_614 = arith.constant 0 : i32
    %dma_wait3A_615 = arith.constant 0 : i32
    %dma_wait3A_616 = tpu.memref_slice %arg5[%dma_wait3A_614, %dma_wait3A_615] : memref<10240x128xf32, #tpu.memory_space<hbm>> -> memref<128x128xf32, #tpu.memory_space<hbm>>
    %dma_wait3A_617 = arith.constant 0 : i32
    %dma_wait3A_618 = arith.constant 0 : i32
    %dma_wait3A_619 = tpu.memref_slice %arg5[%dma_wait3A_617, %dma_wait3A_618] : memref<10240x128xf32, #tpu.memory_space<hbm>> -> memref<128x128xf32, #tpu.memory_space<hbm>>
    tpu.wait_dma2 semaphore(%arg14 : memref<!tpu.dma_semaphore, #tpu.memory_space<semaphore_mem>>) src(%dma_wait3A_619 : memref<128x128xf32, #tpu.memory_space<hbm>>) dst(%arg12 : memref<128x128xf32, #tpu.memory_space<vmem>>)
    %dma_wait3A_620 = arith.constant 0 : i32
    %dma_wait3A_621 = arith.constant 0 : i32
    %dma_wait3A_622 = tpu.memref_slice %arg9[%dma_wait3A_620, %dma_wait3A_621] : memref<80x128xi32, #tpu.memory_space<vmem>> -> memref<1x128xi32, #tpu.memory_space<vmem>>
    %dma_wait3A_623 = tpu.memref_squeeze %dma_wait3A_622 : memref<1x128xi32, #tpu.memory_space<vmem>> -> memref<128xi32, #tpu.memory_space<vmem>>
    %dma_wait3A_624 = arith.constant 0 : i32
    %dma_wait3A_625 = arith.constant 0 : i32
    %dma_wait3A_626 = tpu.memref_slice %arg2[%dma_wait3A_624, %dma_wait3A_625] : memref<10240x128xf32, #tpu.memory_space<hbm>> -> memref<10240x128xf32, #tpu.memory_space<hbm>>
    tpu.wait_indirect_dma semaphore(%arg13 : memref<!tpu.dma_semaphore, #tpu.memory_space<semaphore_mem>>) src(%dma_wait3A_626 : memref<10240x128xf32, #tpu.memory_space<hbm>>) dst(%arg11 : memref<128x128xf32, #tpu.memory_space<vmem>>)
    %add3A_627 = arith.constant 40 : i32
    %add3A_628 = arith.addi %mul3A_2, %add3A_627 : i32
    "tpu.region"() ({
      %run_scoped3A = tpu.sem_alloc : memref<!tpu.dma_semaphore, #tpu.memory_space<semaphore_mem>>
      %dma_start3A_704 = arith.constant 0 : i32
      %dma_start3A_705 = tpu.memref_slice %arg4[%add3A_628, %dma_start3A_704] : memref<2560x128xi32, #tpu.memory_space<hbm>> -> memref<40x128xi32, #tpu.memory_space<hbm>>
      %dma_start3A_706 = arith.constant 0 : i32
      %dma_start3A_707 = tpu.memref_slice %arg4[%add3A_628, %dma_start3A_706] : memref<2560x128xi32, #tpu.memory_space<hbm>> -> memref<40x128xi32, #tpu.memory_space<hbm>>
      tpu.enqueue_dma source(%dma_start3A_707 : memref<40x128xi32, #tpu.memory_space<hbm>>) target(%arg10 : memref<40x128xi32, #tpu.memory_space<vmem>>) target_semaphore(%run_scoped3A : memref<!tpu.dma_semaphore, #tpu.memory_space<semaphore_mem>>)
      %dma_wait3A_708 = arith.constant 0 : i32
      %dma_wait3A_709 = tpu.memref_slice %arg4[%add3A_628, %dma_wait3A_708] : memref<2560x128xi32, #tpu.memory_space<hbm>> -> memref<40x128xi32, #tpu.memory_space<hbm>>
      %dma_wait3A_710 = arith.constant 0 : i32
      %dma_wait3A_711 = tpu.memref_slice %arg4[%add3A_628, %dma_wait3A_710] : memref<2560x128xi32, #tpu.memory_space<hbm>> -> memref<40x128xi32, #tpu.memory_space<hbm>>
      tpu.wait_dma2 semaphore(%run_scoped3A : memref<!tpu.dma_semaphore, #tpu.memory_space<semaphore_mem>>) src(%dma_wait3A_711 : memref<40x128xi32, #tpu.memory_space<hbm>>) dst(%arg10 : memref<40x128xi32, #tpu.memory_space<vmem>>)
      tpu.yield
    }) : () -> ()
    %dma_start3A_629 = arith.constant 40 : i32
    %dma_start3A_630 = arith.constant 0 : i32
    %dma_start3A_631 = tpu.memref_slice %arg9[%dma_start3A_629, %dma_start3A_630] : memref<80x128xi32, #tpu.memory_space<vmem>> -> memref<1x128xi32, #tpu.memory_space<vmem>>
    %dma_start3A_632 = tpu.memref_squeeze %dma_start3A_631 : memref<1x128xi32, #tpu.memory_space<vmem>> -> memref<128xi32, #tpu.memory_space<vmem>>
    %dma_start3A_633 = arith.constant 0 : i32
    %dma_start3A_634 = arith.constant 0 : i32
    %dma_start3A_635 = tpu.memref_slice %arg2[%dma_start3A_633, %dma_start3A_634] : memref<10240x128xf32, #tpu.memory_space<hbm>> -> memref<10240x128xf32, #tpu.memory_space<hbm>>
    tpu.enqueue_indirect_dma source(%dma_start3A_635 : memref<10240x128xf32, #tpu.memory_space<hbm>>) target(%arg11 : memref<128x128xf32, #tpu.memory_space<vmem>>) offsets(%dma_start3A_632 : memref<128xi32, #tpu.memory_space<vmem>>) semaphore(%arg13 : memref<!tpu.dma_semaphore, #tpu.memory_space<semaphore_mem>>)
    %dma_wait3A_636 = arith.constant 0 : i32
    %dma_wait3A_637 = arith.constant 0 : i32
    %dma_wait3A_638 = tpu.memref_slice %arg9[%dma_wait3A_636, %dma_wait3A_637] : memref<80x128xi32, #tpu.memory_space<vmem>> -> memref<1x128xi32, #tpu.memory_space<vmem>>
    %dma_wait3A_639 = tpu.memref_squeeze %dma_wait3A_638 : memref<1x128xi32, #tpu.memory_space<vmem>> -> memref<128xi32, #tpu.memory_space<vmem>>
    %dma_wait3A_640 = arith.constant 0 : i32
    %dma_wait3A_641 = arith.constant 0 : i32
    %dma_wait3A_642 = tpu.memref_slice %arg2[%dma_wait3A_640, %dma_wait3A_641] : memref<10240x128xf32, #tpu.memory_space<hbm>> -> memref<10240x128xf32, #tpu.memory_space<hbm>>
    tpu.wait_indirect_dma semaphore(%arg13 : memref<!tpu.dma_semaphore, #tpu.memory_space<semaphore_mem>>) src(%dma_wait3A_642 : memref<10240x128xf32, #tpu.memory_space<hbm>>) dst(%arg11 : memref<128x128xf32, #tpu.memory_space<vmem>>)
    %dma_start3A_643 = arith.constant 0 : i32
    %dma_start3A_644 = arith.constant 0 : i32
    %dma_start3A_645 = tpu.memref_slice %arg10[%dma_start3A_643, %dma_start3A_644] : memref<40x128xi32, #tpu.memory_space<vmem>> -> memref<1x128xi32, #tpu.memory_space<vmem>>
    %dma_start3A_646 = tpu.memref_squeeze %dma_start3A_645 : memref<1x128xi32, #tpu.memory_space<vmem>> -> memref<128xi32, #tpu.memory_space<vmem>>
    %dma_start3A_647 = arith.constant 0 : i32
    %dma_start3A_648 = arith.constant 0 : i32
    %dma_start3A_649 = tpu.memref_slice %arg15[%dma_start3A_647, %dma_start3A_648] : memref<10240x128xf32, #tpu.memory_space<vmem_shared>> -> memref<10240x128xf32, #tpu.memory_space<vmem_shared>>
    tpu.enqueue_indirect_dma source(%arg11 : memref<128x128xf32, #tpu.memory_space<vmem>>) target(%dma_start3A_649 : memref<10240x128xf32, #tpu.memory_space<vmem_shared>>) offsets(%dma_start3A_646 : memref<128xi32, #tpu.memory_space<vmem>>) semaphore(%arg14 : memref<!tpu.dma_semaphore, #tpu.memory_space<semaphore_mem>>) {add = true}
    %dma_start3A_650 = arith.constant 41 : i32
    %dma_start3A_651 = arith.constant 0 : i32
    %dma_start3A_652 = tpu.memref_slice %arg9[%dma_start3A_650, %dma_start3A_651] : memref<80x128xi32, #tpu.memory_space<vmem>> -> memref<1x128xi32, #tpu.memory_space<vmem>>
    %dma_start3A_653 = tpu.memref_squeeze %dma_start3A_652 : memref<1x128xi32, #tpu.memory_space<vmem>> -> memref<128xi32, #tpu.memory_space<vmem>>
    %dma_start3A_654 = arith.constant 0 : i32
    %dma_start3A_655 = arith.constant 0 : i32
    %dma_start3A_656 = tpu.memref_slice %arg2[%dma_start3A_654, %dma_start3A_655] : memref<10240x128xf32, #tpu.memory_space<hbm>> -> memref<10240x128xf32, #tpu.memory_space<hbm>>
    tpu.enqueue_indirect_dma source(%dma_start3A_656 : memref<10240x128xf32, #tpu.memory_space<hbm>>) target(%arg12 : memref<128x128xf32, #tpu.memory_space<vmem>>) offsets(%dma_start3A_653 : memref<128xi32, #tpu.memory_space<vmem>>) semaphore(%arg13 : memref<!tpu.dma_semaphore, #tpu.memory_space<semaphore_mem>>)
    %dma_wait3A_657 = arith.constant 0 : i32
    %dma_wait3A_658 = arith.constant 0 : i32
    %dma_wait3A_659 = tpu.memref_slice %arg9[%dma_wait3A_657, %dma_wait3A_658] : memref<80x128xi32, #tpu.memory_space<vmem>> -> memref<1x128xi32, #tpu.memory_space<vmem>>
    %dma_wait3A_660 = tpu.memref_squeeze %dma_wait3A_659 : memref<1x128xi32, #tpu.memory_space<vmem>> -> memref<128xi32, #tpu.memory_space<vmem>>
    %dma_wait3A_661 = arith.constant 0 : i32
    %dma_wait3A_662 = arith.constant 0 : i32
    %dma_wait3A_663 = tpu.memref_slice %arg2[%dma_wait3A_661, %dma_wait3A_662] : memref<10240x128xf32, #tpu.memory_space<hbm>> -> memref<10240x128xf32, #tpu.memory_space<hbm>>
    tpu.wait_indirect_dma semaphore(%arg13 : memref<!tpu.dma_semaphore, #tpu.memory_space<semaphore_mem>>) src(%dma_wait3A_663 : memref<10240x128xf32, #tpu.memory_space<hbm>>) dst(%arg12 : memref<128x128xf32, #tpu.memory_space<vmem>>)
    %dma_start3A_664 = arith.constant 1 : i32
    %dma_start3A_665 = arith.constant 0 : i32
    %dma_start3A_666 = tpu.memref_slice %arg10[%dma_start3A_664, %dma_start3A_665] : memref<40x128xi32, #tpu.memory_space<vmem>> -> memref<1x128xi32, #tpu.memory_space<vmem>>
    %dma_start3A_667 = tpu.memref_squeeze %dma_start3A_666 : memref<1x128xi32, #tpu.memory_space<vmem>> -> memref<128xi32, #tpu.memory_space<vmem>>
    %dma_start3A_668 = arith.constant 0 : i32
    %dma_start3A_669 = arith.constant 0 : i32
    %dma_start3A_670 = tpu.memref_slice %arg15[%dma_start3A_668, %dma_start3A_669] : memref<10240x128xf32, #tpu.memory_space<vmem_shared>> -> memref<10240x128xf32, #tpu.memory_space<vmem_shared>>
    tpu.enqueue_indirect_dma source(%arg12 : memref<128x128xf32, #tpu.memory_space<vmem>>) target(%dma_start3A_670 : memref<10240x128xf32, #tpu.memory_space<vmem_shared>>) offsets(%dma_start3A_667 : memref<128xi32, #tpu.memory_space<vmem>>) semaphore(%arg14 : memref<!tpu.dma_semaphore, #tpu.memory_space<semaphore_mem>>) {add = true}
    %dma_wait3A_671 = arith.constant 0 : i32
    %dma_wait3A_672 = arith.constant 0 : i32
    %dma_wait3A_673 = tpu.memref_slice %arg5[%dma_wait3A_671, %dma_wait3A_672] : memref<10240x128xf32, #tpu.memory_space<hbm>> -> memref<128x128xf32, #tpu.memory_space<hbm>>
    %dma_wait3A_674 = arith.constant 0 : i32
    %dma_wait3A_675 = arith.constant 0 : i32
    %dma_wait3A_676 = tpu.memref_slice %arg5[%dma_wait3A_674, %dma_wait3A_675] : memref<10240x128xf32, #tpu.memory_space<hbm>> -> memref<128x128xf32, #tpu.memory_space<hbm>>
    tpu.wait_dma2 semaphore(%arg14 : memref<!tpu.dma_semaphore, #tpu.memory_space<semaphore_mem>>) src(%dma_wait3A_676 : memref<128x128xf32, #tpu.memory_space<hbm>>) dst(%arg12 : memref<128x128xf32, #tpu.memory_space<vmem>>)
    %dma_start3A_677 = arith.constant 42 : i32
    %dma_start3A_678 = arith.constant 0 : i32
    %dma_start3A_679 = tpu.memref_slice %arg9[%dma_start3A_677, %dma_start3A_678] : memref<80x128xi32, #tpu.memory_space<vmem>> -> memref<1x128xi32, #tpu.memory_space<vmem>>
    %dma_start3A_680 = tpu.memref_squeeze %dma_start3A_679 : memref<1x128xi32, #tpu.memory_space<vmem>> -> memref<128xi32, #tpu.memory_space<vmem>>
    %dma_start3A_681 = arith.constant 0 : i32
    %dma_start3A_682 = arith.constant 0 : i32
    %dma_start3A_683 = tpu.memref_slice %arg2[%dma_start3A_681, %dma_start3A_682] : memref<10240x128xf32, #tpu.memory_space<hbm>> -> memref<10240x128xf32, #tpu.memory_space<hbm>>
    tpu.enqueue_indirect_dma source(%dma_start3A_683 : memref<10240x128xf32, #tpu.memory_space<hbm>>) target(%arg11 : memref<128x128xf32, #tpu.memory_space<vmem>>) offsets(%dma_start3A_680 : memref<128xi32, #tpu.memory_space<vmem>>) semaphore(%arg13 : memref<!tpu.dma_semaphore, #tpu.memory_space<semaphore_mem>>)
    %scan3A_684 = arith.constant 1 : i32
    %scan3A_685 = arith.constant 1 : i32
    %scan3A_686 = arith.constant 19 : i32
    %scan3A_687 = arith.addi %scan3A_685, %scan3A_686 : i32
    %scan3A_688 = arith.constant 1 : i32
    scf.for %scan3A_704 = %scan3A_685 to %scan3A_687 step %scan3A_688  : i32 {
      %mul3A_705 = arith.constant 40 : i32
      %mul3A_706 = arith.muli %scan3A_684, %mul3A_705 : i32
      %mul3A_707 = arith.constant 2 : i32
      %mul3A_708 = arith.muli %mul3A_707, %scan3A_704 : i32
      %add3A_709 = arith.addi %mul3A_706, %mul3A_708 : i32
      %mul3A_710 = arith.constant 40 : i32
      %mul3A_711 = arith.muli %scan3A_684, %mul3A_710 : i32
      %add3A_712 = arith.constant 40 : i32
      %add3A_713 = arith.addi %mul3A_711, %add3A_712 : i32
      %sub3A = arith.constant 1 : i32
      %sub3A_714 = arith.subi %add3A_713, %sub3A : i32
      %dma_wait3A_715 = arith.constant 0 : i32
      %dma_wait3A_716 = arith.constant 0 : i32
      %dma_wait3A_717 = tpu.memref_slice %arg9[%dma_wait3A_715, %dma_wait3A_716] : memref<80x128xi32, #tpu.memory_space<vmem>> -> memref<1x128xi32, #tpu.memory_space<vmem>>
      %dma_wait3A_718 = tpu.memref_squeeze %dma_wait3A_717 : memref<1x128xi32, #tpu.memory_space<vmem>> -> memref<128xi32, #tpu.memory_space<vmem>>
      %dma_wait3A_719 = arith.constant 0 : i32
      %dma_wait3A_720 = arith.constant 0 : i32
      %dma_wait3A_721 = tpu.memref_slice %arg2[%dma_wait3A_719, %dma_wait3A_720] : memref<10240x128xf32, #tpu.memory_space<hbm>> -> memref<10240x128xf32, #tpu.memory_space<hbm>>
      tpu.wait_indirect_dma semaphore(%arg13 : memref<!tpu.dma_semaphore, #tpu.memory_space<semaphore_mem>>) src(%dma_wait3A_721 : memref<10240x128xf32, #tpu.memory_space<hbm>>) dst(%arg11 : memref<128x128xf32, #tpu.memory_space<vmem>>)
      %mul3A_722 = arith.constant 2 : i32
      %mul3A_723 = arith.muli %mul3A_722, %scan3A_704 : i32
      %dma_start3A_724 = arith.constant 0 : i32
      %dma_start3A_725 = tpu.memref_slice %arg10[%mul3A_723, %dma_start3A_724] : memref<40x128xi32, #tpu.memory_space<vmem>> -> memref<1x128xi32, #tpu.memory_space<vmem>>
      %dma_start3A_726 = tpu.memref_squeeze %dma_start3A_725 : memref<1x128xi32, #tpu.memory_space<vmem>> -> memref<128xi32, #tpu.memory_space<vmem>>
      %dma_start3A_727 = arith.constant 0 : i32
      %dma_start3A_728 = arith.constant 0 : i32
      %dma_start3A_729 = tpu.memref_slice %arg15[%dma_start3A_727, %dma_start3A_728] : memref<10240x128xf32, #tpu.memory_space<vmem_shared>> -> memref<10240x128xf32, #tpu.memory_space<vmem_shared>>
      tpu.enqueue_indirect_dma source(%arg11 : memref<128x128xf32, #tpu.memory_space<vmem>>) target(%dma_start3A_729 : memref<10240x128xf32, #tpu.memory_space<vmem_shared>>) offsets(%dma_start3A_726 : memref<128xi32, #tpu.memory_space<vmem>>) semaphore(%arg14 : memref<!tpu.dma_semaphore, #tpu.memory_space<semaphore_mem>>) {add = true}
      %dma_wait3A_730 = arith.constant 0 : i32
      %dma_wait3A_731 = arith.constant 0 : i32
      %dma_wait3A_732 = tpu.memref_slice %arg5[%dma_wait3A_730, %dma_wait3A_731] : memref<10240x128xf32, #tpu.memory_space<hbm>> -> memref<128x128xf32, #tpu.memory_space<hbm>>
      %dma_wait3A_733 = arith.constant 0 : i32
      %dma_wait3A_734 = arith.constant 0 : i32
      %dma_wait3A_735 = tpu.memref_slice %arg5[%dma_wait3A_733, %dma_wait3A_734] : memref<10240x128xf32, #tpu.memory_space<hbm>> -> memref<128x128xf32, #tpu.memory_space<hbm>>
      tpu.wait_dma2 semaphore(%arg14 : memref<!tpu.dma_semaphore, #tpu.memory_space<semaphore_mem>>) src(%dma_wait3A_735 : memref<128x128xf32, #tpu.memory_space<hbm>>) dst(%arg12 : memref<128x128xf32, #tpu.memory_space<vmem>>)
      %add3A_736 = arith.constant 1 : i32
      %add3A_737 = arith.addi %add3A_709, %add3A_736 : i32
      %dma_start3A_738 = arith.constant 0 : i32
      %dma_start3A_739 = tpu.memref_slice %arg9[%add3A_737, %dma_start3A_738] : memref<80x128xi32, #tpu.memory_space<vmem>> -> memref<1x128xi32, #tpu.memory_space<vmem>>
      %dma_start3A_740 = tpu.memref_squeeze %dma_start3A_739 : memref<1x128xi32, #tpu.memory_space<vmem>> -> memref<128xi32, #tpu.memory_space<vmem>>
      %dma_start3A_741 = arith.constant 0 : i32
      %dma_start3A_742 = arith.constant 0 : i32
      %dma_start3A_743 = tpu.memref_slice %arg2[%dma_start3A_741, %dma_start3A_742] : memref<10240x128xf32, #tpu.memory_space<hbm>> -> memref<10240x128xf32, #tpu.memory_space<hbm>>
      tpu.enqueue_indirect_dma source(%dma_start3A_743 : memref<10240x128xf32, #tpu.memory_space<hbm>>) target(%arg12 : memref<128x128xf32, #tpu.memory_space<vmem>>) offsets(%dma_start3A_740 : memref<128xi32, #tpu.memory_space<vmem>>) semaphore(%arg13 : memref<!tpu.dma_semaphore, #tpu.memory_space<semaphore_mem>>)
      %dma_wait3A_744 = arith.constant 0 : i32
      %dma_wait3A_745 = arith.constant 0 : i32
      %dma_wait3A_746 = tpu.memref_slice %arg9[%dma_wait3A_744, %dma_wait3A_745] : memref<80x128xi32, #tpu.memory_space<vmem>> -> memref<1x128xi32, #tpu.memory_space<vmem>>
      %dma_wait3A_747 = tpu.memref_squeeze %dma_wait3A_746 : memref<1x128xi32, #tpu.memory_space<vmem>> -> memref<128xi32, #tpu.memory_space<vmem>>
      %dma_wait3A_748 = arith.constant 0 : i32
      %dma_wait3A_749 = arith.constant 0 : i32
      %dma_wait3A_750 = tpu.memref_slice %arg2[%dma_wait3A_748, %dma_wait3A_749] : memref<10240x128xf32, #tpu.memory_space<hbm>> -> memref<10240x128xf32, #tpu.memory_space<hbm>>
      tpu.wait_indirect_dma semaphore(%arg13 : memref<!tpu.dma_semaphore, #tpu.memory_space<semaphore_mem>>) src(%dma_wait3A_750 : memref<10240x128xf32, #tpu.memory_space<hbm>>) dst(%arg12 : memref<128x128xf32, #tpu.memory_space<vmem>>)
      %mul3A_751 = arith.constant 2 : i32
      %mul3A_752 = arith.muli %mul3A_751, %scan3A_704 : i32
      %add3A_753 = arith.constant 1 : i32
      %add3A_754 = arith.addi %mul3A_752, %add3A_753 : i32
      %dma_start3A_755 = arith.constant 0 : i32
      %dma_start3A_756 = tpu.memref_slice %arg10[%add3A_754, %dma_start3A_755] : memref<40x128xi32, #tpu.memory_space<vmem>> -> memref<1x128xi32, #tpu.memory_space<vmem>>
      %dma_start3A_757 = tpu.memref_squeeze %dma_start3A_756 : memref<1x128xi32, #tpu.memory_space<vmem>> -> memref<128xi32, #tpu.memory_space<vmem>>
      %dma_start3A_758 = arith.constant 0 : i32
      %dma_start3A_759 = arith.constant 0 : i32
      %dma_start3A_760 = tpu.memref_slice %arg15[%dma_start3A_758, %dma_start3A_759] : memref<10240x128xf32, #tpu.memory_space<vmem_shared>> -> memref<10240x128xf32, #tpu.memory_space<vmem_shared>>
      tpu.enqueue_indirect_dma source(%arg12 : memref<128x128xf32, #tpu.memory_space<vmem>>) target(%dma_start3A_760 : memref<10240x128xf32, #tpu.memory_space<vmem_shared>>) offsets(%dma_start3A_757 : memref<128xi32, #tpu.memory_space<vmem>>) semaphore(%arg14 : memref<!tpu.dma_semaphore, #tpu.memory_space<semaphore_mem>>) {add = true}
      %dma_wait3A_761 = arith.constant 0 : i32
      %dma_wait3A_762 = arith.constant 0 : i32
      %dma_wait3A_763 = tpu.memref_slice %arg5[%dma_wait3A_761, %dma_wait3A_762] : memref<10240x128xf32, #tpu.memory_space<hbm>> -> memref<128x128xf32, #tpu.memory_space<hbm>>
      %dma_wait3A_764 = arith.constant 0 : i32
      %dma_wait3A_765 = arith.constant 0 : i32
      %dma_wait3A_766 = tpu.memref_slice %arg5[%dma_wait3A_764, %dma_wait3A_765] : memref<10240x128xf32, #tpu.memory_space<hbm>> -> memref<128x128xf32, #tpu.memory_space<hbm>>
      tpu.wait_dma2 semaphore(%arg14 : memref<!tpu.dma_semaphore, #tpu.memory_space<semaphore_mem>>) src(%dma_wait3A_766 : memref<128x128xf32, #tpu.memory_space<hbm>>) dst(%arg12 : memref<128x128xf32, #tpu.memory_space<vmem>>)
      %add3A_767 = arith.constant 2 : i32
      %add3A_768 = arith.addi %add3A_709, %add3A_767 : i32
      %min3A = arith.minsi %add3A_768, %sub3A_714 : i32
      %dma_start3A_769 = arith.constant 0 : i32
      %dma_start3A_770 = tpu.memref_slice %arg9[%min3A, %dma_start3A_769] : memref<80x128xi32, #tpu.memory_space<vmem>> -> memref<1x128xi32, #tpu.memory_space<vmem>>
      %dma_start3A_771 = tpu.memref_squeeze %dma_start3A_770 : memref<1x128xi32, #tpu.memory_space<vmem>> -> memref<128xi32, #tpu.memory_space<vmem>>
      %dma_start3A_772 = arith.constant 0 : i32
      %dma_start3A_773 = arith.constant 0 : i32
      %dma_start3A_774 = tpu.memref_slice %arg2[%dma_start3A_772, %dma_start3A_773] : memref<10240x128xf32, #tpu.memory_space<hbm>> -> memref<10240x128xf32, #tpu.memory_space<hbm>>
      tpu.enqueue_indirect_dma source(%dma_start3A_774 : memref<10240x128xf32, #tpu.memory_space<hbm>>) target(%arg11 : memref<128x128xf32, #tpu.memory_space<vmem>>) offsets(%dma_start3A_771 : memref<128xi32, #tpu.memory_space<vmem>>) semaphore(%arg13 : memref<!tpu.dma_semaphore, #tpu.memory_space<semaphore_mem>>)
    }
    %scan3A_689 = arith.constant 19 : i32
    %dma_wait3A_690 = arith.constant 0 : i32
    %dma_wait3A_691 = arith.constant 0 : i32
    %dma_wait3A_692 = tpu.memref_slice %arg5[%dma_wait3A_690, %dma_wait3A_691] : memref<10240x128xf32, #tpu.memory_space<hbm>> -> memref<128x128xf32, #tpu.memory_space<hbm>>
    %dma_wait3A_693 = arith.constant 0 : i32
    %dma_wait3A_694 = arith.constant 0 : i32
    %dma_wait3A_695 = tpu.memref_slice %arg5[%dma_wait3A_693, %dma_wait3A_694] : memref<10240x128xf32, #tpu.memory_space<hbm>> -> memref<128x128xf32, #tpu.memory_space<hbm>>
    tpu.wait_dma2 semaphore(%arg14 : memref<!tpu.dma_semaphore, #tpu.memory_space<semaphore_mem>>) src(%dma_wait3A_695 : memref<128x128xf32, #tpu.memory_space<hbm>>) dst(%arg12 : memref<128x128xf32, #tpu.memory_space<vmem>>)
    %dma_wait3A_696 = arith.constant 0 : i32
    %dma_wait3A_697 = arith.constant 0 : i32
    %dma_wait3A_698 = tpu.memref_slice %arg9[%dma_wait3A_696, %dma_wait3A_697] : memref<80x128xi32, #tpu.memory_space<vmem>> -> memref<1x128xi32, #tpu.memory_space<vmem>>
    %dma_wait3A_699 = tpu.memref_squeeze %dma_wait3A_698 : memref<1x128xi32, #tpu.memory_space<vmem>> -> memref<128xi32, #tpu.memory_space<vmem>>
    %dma_wait3A_700 = arith.constant 0 : i32
    %dma_wait3A_701 = arith.constant 0 : i32
    %dma_wait3A_702 = tpu.memref_slice %arg2[%dma_wait3A_700, %dma_wait3A_701] : memref<10240x128xf32, #tpu.memory_space<hbm>> -> memref<10240x128xf32, #tpu.memory_space<hbm>>
    tpu.wait_indirect_dma semaphore(%arg13 : memref<!tpu.dma_semaphore, #tpu.memory_space<semaphore_mem>>) src(%dma_wait3A_702 : memref<10240x128xf32, #tpu.memory_space<hbm>>) dst(%arg11 : memref<128x128xf32, #tpu.memory_space<vmem>>)
    %barrier3A_703 = arith.constant 0 : index
    tpu.barrier barrier_id(%barrier3A_703)
    "tpu.region"() ({
      %run_scoped3A = tpu.sem_alloc : memref<!tpu.dma_semaphore, #tpu.memory_space<semaphore_mem>>
      %dma_start3A_704 = arith.constant 0 : i32
      %dma_start3A_705 = tpu.memref_slice %arg7[%add3A_550, %dma_start3A_704] : memref<20480x128xf32, #tpu.memory_space<hbm>> -> memref<640x128xf32, #tpu.memory_space<hbm>>
      %dma_start3A_706 = arith.constant 0 : i32
      %dma_start3A_707 = tpu.memref_slice %arg15[%mul3A_4, %dma_start3A_706] : memref<10240x128xf32, #tpu.memory_space<vmem_shared>> -> memref<640x128xf32, #tpu.memory_space<vmem_shared>>
      tpu.enqueue_dma source(%dma_start3A_707 : memref<640x128xf32, #tpu.memory_space<vmem_shared>>) target(%dma_start3A_705 : memref<640x128xf32, #tpu.memory_space<hbm>>) target_semaphore(%run_scoped3A : memref<!tpu.dma_semaphore, #tpu.memory_space<semaphore_mem>>)
      %dma_wait3A_708 = arith.constant 0 : i32
      %dma_wait3A_709 = tpu.memref_slice %arg7[%add3A_550, %dma_wait3A_708] : memref<20480x128xf32, #tpu.memory_space<hbm>> -> memref<640x128xf32, #tpu.memory_space<hbm>>
      %dma_wait3A_710 = arith.constant 0 : i32
      %dma_wait3A_711 = tpu.memref_slice %arg15[%mul3A_4, %dma_wait3A_710] : memref<10240x128xf32, #tpu.memory_space<vmem_shared>> -> memref<640x128xf32, #tpu.memory_space<vmem_shared>>
      tpu.wait_dma2 semaphore(%run_scoped3A : memref<!tpu.dma_semaphore, #tpu.memory_space<semaphore_mem>>) src(%dma_wait3A_711 : memref<640x128xf32, #tpu.memory_space<vmem_shared>>) dst(%dma_wait3A_709 : memref<640x128xf32, #tpu.memory_space<hbm>>)
      tpu.yield
    }) : () -> ()
    return
  }
}

#map = affine_map<(d0, d1) -> (0, 0)>
module attributes {stable_mosaic.version = 14 : i64} {
  func.func @body(%arg0: i32, %arg1: i32, %arg2: memref<10240x128xf32, #tpu.memory_space<hbm>>, %arg3: memref<2560x128xi32, #tpu.memory_space<hbm>>, %arg4: memref<2560x128xi32, #tpu.memory_space<hbm>>, %arg5: memref<10240x128xf32, #tpu.memory_space<hbm>>, %arg6: memref<128x128xf32, #tpu.memory_space<hbm>>, %arg7: memref<20480x128xf32, #tpu.memory_space<hbm>>, %arg8: memref<20480x128xf32, #tpu.memory_space<hbm>>, %arg9: memref<80x128xi32, #tpu.memory_space<vmem>>, %arg10: memref<40x128xi32, #tpu.memory_space<vmem>>, %arg11: memref<128x128xf32, #tpu.memory_space<vmem>>, %arg12: memref<128x128xf32, #tpu.memory_space<vmem>>, %arg13: memref<!tpu.dma_semaphore, #tpu.memory_space<semaphore_mem>>, %arg14: memref<!tpu.dma_semaphore, #tpu.memory_space<semaphore_mem>>, %arg15: memref<10240x128xf32, #tpu.memory_space<vmem_shared>>) attributes {dimension_semantics = [#tpu.dimension_semantics<core_parallel>, #tpu.dimension_semantics<subcore_parallel>], iteration_bounds = array<i64: 2, 16>, scalar_prefetch = 0 : i64, scratch_operands = 7 : i64, tpu.core_type = #tpu.core_type<sc_vector_subcore>, window_params = [{transform_indices = #map}, {transform_indices = #map}, {transform_indices = #map}, {transform_indices = #map}, {transform_indices = #map}, {transform_indices = #map}, {transform_indices = #map}]} {
    %mul3A = arith.constant 2 : i32
    %mul3A_0 = arith.muli %arg1, %mul3A : i32
    %add3A = arith.addi %mul3A_0, %arg0 : i32
    %mul3A_1 = arith.constant 80 : i32
    %mul3A_2 = arith.muli %add3A, %mul3A_1 : i32
    %mul3A_3 = arith.constant 640 : i32
    %mul3A_4 = arith.muli %arg1, %mul3A_3 : i32
    "tpu.region"() ({
      %run_scoped3A = tpu.sem_alloc : memref<!tpu.dma_semaphore, #tpu.memory_space<semaphore_mem>>
      tpu.enqueue_dma source(%arg6 : memref<128x128xf32, #tpu.memory_space<hbm>>) target(%arg11 : memref<128x128xf32, #tpu.memory_space<vmem>>) target_semaphore(%run_scoped3A : memref<!tpu.dma_semaphore, #tpu.memory_space<semaphore_mem>>)
      tpu.wait_dma2 semaphore(%run_scoped3A : memref<!tpu.dma_semaphore, #tpu.memory_space<semaphore_mem>>) src(%arg6 : memref<128x128xf32, #tpu.memory_space<hbm>>) dst(%arg11 : memref<128x128xf32, #tpu.memory_space<vmem>>)
      tpu.yield
    }) : () -> ()
    "tpu.region"() ({
      %run_scoped3A = tpu.sem_alloc : memref<!tpu.dma_semaphore, #tpu.memory_space<semaphore_mem>>
      %dma_start3A_704 = arith.constant 0 : i32
      %dma_start3A_705 = tpu.memref_slice %arg15[%mul3A_4, %dma_start3A_704] : memref<10240x128xf32, #tpu.memory_space<vmem_shared>> -> memref<640x128xf32, #tpu.memory_space<vmem_shared>>
      %dma_start3A_706 = arith.constant 0 : i32
      %dma_start3A_707 = tpu.memref_slice %arg5[%mul3A_4, %dma_start3A_706] : memref<10240x128xf32, #tpu.memory_space<hbm>> -> memref<640x128xf32, #tpu.memory_space<hbm>>
      tpu.enqueue_dma source(%dma_start3A_707 : memref<640x128xf32, #tpu.memory_space<hbm>>) target(%dma_start3A_705 : memref<640x128xf32, #tpu.memory_space<vmem_shared>>) target_semaphore(%run_scoped3A : memref<!tpu.dma_semaphore, #tpu.memory_space<semaphore_mem>>)
      %dma_wait3A_708 = arith.constant 0 : i32
      %dma_wait3A_709 = tpu.memref_slice %arg15[%mul3A_4, %dma_wait3A_708] : memref<10240x128xf32, #tpu.memory_space<vmem_shared>> -> memref<640x128xf32, #tpu.memory_space<vmem_shared>>
      %dma_wait3A_710 = arith.constant 0 : i32
      %dma_wait3A_711 = tpu.memref_slice %arg5[%mul3A_4, %dma_wait3A_710] : memref<10240x128xf32, #tpu.memory_space<hbm>> -> memref<640x128xf32, #tpu.memory_space<hbm>>
      tpu.wait_dma2 semaphore(%run_scoped3A : memref<!tpu.dma_semaphore, #tpu.memory_space<semaphore_mem>>) src(%dma_wait3A_711 : memref<640x128xf32, #tpu.memory_space<hbm>>) dst(%dma_wait3A_709 : memref<640x128xf32, #tpu.memory_space<vmem_shared>>)
      tpu.yield
    }) : () -> ()
    %barrier3A = arith.constant 0 : index
    tpu.barrier barrier_id(%barrier3A)
    %add3A_5 = arith.constant 0 : i32
    %add3A_6 = arith.addi %mul3A_2, %add3A_5 : i32
    "tpu.region"() ({
      %run_scoped3A = tpu.sem_alloc : memref<!tpu.dma_semaphore, #tpu.memory_space<semaphore_mem>>
      %dma_start3A_704 = arith.constant 0 : i32
      %dma_start3A_705 = tpu.memref_slice %arg4[%add3A_6, %dma_start3A_704] : memref<2560x128xi32, #tpu.memory_space<hbm>> -> memref<40x128xi32, #tpu.memory_space<hbm>>
      %dma_start3A_706 = arith.constant 0 : i32
      %dma_start3A_707 = tpu.memref_slice %arg4[%add3A_6, %dma_start3A_706] : memref<2560x128xi32, #tpu.memory_space<hbm>> -> memref<40x128xi32, #tpu.memory_space<hbm>>
      tpu.enqueue_dma source(%dma_start3A_707 : memref<40x128xi32, #tpu.memory_space<hbm>>) target(%arg10 : memref<40x128xi32, #tpu.memory_space<vmem>>) target_semaphore(%run_scoped3A : memref<!tpu.dma_semaphore, #tpu.memory_space<semaphore_mem>>)
      %dma_wait3A_708 = arith.constant 0 : i32
      %dma_wait3A_709 = tpu.memref_slice %arg4[%add3A_6, %dma_wait3A_708] : memref<2560x128xi32, #tpu.memory_space<hbm>> -> memref<40x128xi32, #tpu.memory_space<hbm>>
      %dma_wait3A_710 = arith.constant 0 : i32
      %dma_wait3A_711 = tpu.memref_slice %arg4[%add3A_6, %dma_wait3A_710] : memref<2560x128xi32, #tpu.memory_space<hbm>> -> memref<40x128xi32, #tpu.memory_space<hbm>>
      tpu.wait_dma2 semaphore(%run_scoped3A : memref<!tpu.dma_semaphore, #tpu.memory_space<semaphore_mem>>) src(%dma_wait3A_711 : memref<40x128xi32, #tpu.memory_space<hbm>>) dst(%arg10 : memref<40x128xi32, #tpu.memory_space<vmem>>)
      tpu.yield
    }) : () -> ()
    %scan3A = arith.constant 0 : i32
    %scan3A_7 = arith.constant 0 : i32
    %scan3A_8 = arith.constant 8 : i32
    %scan3A_9 = arith.addi %scan3A_7, %scan3A_8 : i32
    %scan3A_10 = arith.constant 1 : i32
    scf.for %scan3A_704 = %scan3A_7 to %scan3A_9 step %scan3A_10  : i32 {
      %add3A_705 = arith.addi %scan3A, %scan3A_704 : i32
      %dma_start3A_706 = arith.constant 0 : i32
      %dma_start3A_707 = tpu.memref_slice %arg10[%add3A_705, %dma_start3A_706] : memref<40x128xi32, #tpu.memory_space<vmem>> -> memref<1x128xi32, #tpu.memory_space<vmem>>
      %dma_start3A_708 = tpu.memref_squeeze %dma_start3A_707 : memref<1x128xi32, #tpu.memory_space<vmem>> -> memref<128xi32, #tpu.memory_space<vmem>>
      %dma_start3A_709 = arith.constant 0 : i32
      %dma_start3A_710 = arith.constant 0 : i32
      %dma_start3A_711 = tpu.memref_slice %arg15[%dma_start3A_709, %dma_start3A_710] : memref<10240x128xf32, #tpu.memory_space<vmem_shared>> -> memref<10240x128xf32, #tpu.memory_space<vmem_shared>>
      tpu.enqueue_indirect_dma source(%arg11 : memref<128x128xf32, #tpu.memory_space<vmem>>) target(%dma_start3A_711 : memref<10240x128xf32, #tpu.memory_space<vmem_shared>>) offsets(%dma_start3A_708 : memref<128xi32, #tpu.memory_space<vmem>>) semaphore(%arg14 : memref<!tpu.dma_semaphore, #tpu.memory_space<semaphore_mem>>) {add = true}
    }
    %scan3A_11 = arith.constant 8 : i32
    %dma_wait3A = arith.constant 0 : i32
    %dma_wait3A_12 = arith.constant 0 : i32
    %dma_wait3A_13 = tpu.memref_slice %arg5[%dma_wait3A, %dma_wait3A_12] : memref<10240x128xf32, #tpu.memory_space<hbm>> -> memref<128x128xf32, #tpu.memory_space<hbm>>
    %dma_wait3A_14 = arith.constant 0 : i32
    %dma_wait3A_15 = arith.constant 0 : i32
    %dma_wait3A_16 = tpu.memref_slice %arg5[%dma_wait3A_14, %dma_wait3A_15] : memref<10240x128xf32, #tpu.memory_space<hbm>> -> memref<128x128xf32, #tpu.memory_space<hbm>>
    tpu.wait_dma2 semaphore(%arg14 : memref<!tpu.dma_semaphore, #tpu.memory_space<semaphore_mem>>) src(%dma_wait3A_16 : memref<128x128xf32, #tpu.memory_space<hbm>>) dst(%arg12 : memref<128x128xf32, #tpu.memory_space<vmem>>)
    %dma_wait3A_17 = arith.constant 0 : i32
    %dma_wait3A_18 = arith.constant 0 : i32
    %dma_wait3A_19 = tpu.memref_slice %arg5[%dma_wait3A_17, %dma_wait3A_18] : memref<10240x128xf32, #tpu.memory_space<hbm>> -> memref<128x128xf32, #tpu.memory_space<hbm>>
    %dma_wait3A_20 = arith.constant 0 : i32
    %dma_wait3A_21 = arith.constant 0 : i32
    %dma_wait3A_22 = tpu.memref_slice %arg5[%dma_wait3A_20, %dma_wait3A_21] : memref<10240x128xf32, #tpu.memory_space<hbm>> -> memref<128x128xf32, #tpu.memory_space<hbm>>
    tpu.wait_dma2 semaphore(%arg14 : memref<!tpu.dma_semaphore, #tpu.memory_space<semaphore_mem>>) src(%dma_wait3A_22 : memref<128x128xf32, #tpu.memory_space<hbm>>) dst(%arg12 : memref<128x128xf32, #tpu.memory_space<vmem>>)
    %dma_wait3A_23 = arith.constant 0 : i32
    %dma_wait3A_24 = arith.constant 0 : i32
    %dma_wait3A_25 = tpu.memref_slice %arg5[%dma_wait3A_23, %dma_wait3A_24] : memref<10240x128xf32, #tpu.memory_space<hbm>> -> memref<128x128xf32, #tpu.memory_space<hbm>>
    %dma_wait3A_26 = arith.constant 0 : i32
    %dma_wait3A_27 = arith.constant 0 : i32
    %dma_wait3A_28 = tpu.memref_slice %arg5[%dma_wait3A_26, %dma_wait3A_27] : memref<10240x128xf32, #tpu.memory_space<hbm>> -> memref<128x128xf32, #tpu.memory_space<hbm>>
    tpu.wait_dma2 semaphore(%arg14 : memref<!tpu.dma_semaphore, #tpu.memory_space<semaphore_mem>>) src(%dma_wait3A_28 : memref<128x128xf32, #tpu.memory_space<hbm>>) dst(%arg12 : memref<128x128xf32, #tpu.memory_space<vmem>>)
    %dma_wait3A_29 = arith.constant 0 : i32
    %dma_wait3A_30 = arith.constant 0 : i32
    %dma_wait3A_31 = tpu.memref_slice %arg5[%dma_wait3A_29, %dma_wait3A_30] : memref<10240x128xf32, #tpu.memory_space<hbm>> -> memref<128x128xf32, #tpu.memory_space<hbm>>
    %dma_wait3A_32 = arith.constant 0 : i32
    %dma_wait3A_33 = arith.constant 0 : i32
    %dma_wait3A_34 = tpu.memref_slice %arg5[%dma_wait3A_32, %dma_wait3A_33] : memref<10240x128xf32, #tpu.memory_space<hbm>> -> memref<128x128xf32, #tpu.memory_space<hbm>>
    tpu.wait_dma2 semaphore(%arg14 : memref<!tpu.dma_semaphore, #tpu.memory_space<semaphore_mem>>) src(%dma_wait3A_34 : memref<128x128xf32, #tpu.memory_space<hbm>>) dst(%arg12 : memref<128x128xf32, #tpu.memory_space<vmem>>)
    %dma_wait3A_35 = arith.constant 0 : i32
    %dma_wait3A_36 = arith.constant 0 : i32
    %dma_wait3A_37 = tpu.memref_slice %arg5[%dma_wait3A_35, %dma_wait3A_36] : memref<10240x128xf32, #tpu.memory_space<hbm>> -> memref<128x128xf32, #tpu.memory_space<hbm>>
    %dma_wait3A_38 = arith.constant 0 : i32
    %dma_wait3A_39 = arith.constant 0 : i32
    %dma_wait3A_40 = tpu.memref_slice %arg5[%dma_wait3A_38, %dma_wait3A_39] : memref<10240x128xf32, #tpu.memory_space<hbm>> -> memref<128x128xf32, #tpu.memory_space<hbm>>
    tpu.wait_dma2 semaphore(%arg14 : memref<!tpu.dma_semaphore, #tpu.memory_space<semaphore_mem>>) src(%dma_wait3A_40 : memref<128x128xf32, #tpu.memory_space<hbm>>) dst(%arg12 : memref<128x128xf32, #tpu.memory_space<vmem>>)
    %dma_wait3A_41 = arith.constant 0 : i32
    %dma_wait3A_42 = arith.constant 0 : i32
    %dma_wait3A_43 = tpu.memref_slice %arg5[%dma_wait3A_41, %dma_wait3A_42] : memref<10240x128xf32, #tpu.memory_space<hbm>> -> memref<128x128xf32, #tpu.memory_space<hbm>>
    %dma_wait3A_44 = arith.constant 0 : i32
    %dma_wait3A_45 = arith.constant 0 : i32
    %dma_wait3A_46 = tpu.memref_slice %arg5[%dma_wait3A_44, %dma_wait3A_45] : memref<10240x128xf32, #tpu.memory_space<hbm>> -> memref<128x128xf32, #tpu.memory_space<hbm>>
    tpu.wait_dma2 semaphore(%arg14 : memref<!tpu.dma_semaphore, #tpu.memory_space<semaphore_mem>>) src(%dma_wait3A_46 : memref<128x128xf32, #tpu.memory_space<hbm>>) dst(%arg12 : memref<128x128xf32, #tpu.memory_space<vmem>>)
    %dma_wait3A_47 = arith.constant 0 : i32
    %dma_wait3A_48 = arith.constant 0 : i32
    %dma_wait3A_49 = tpu.memref_slice %arg5[%dma_wait3A_47, %dma_wait3A_48] : memref<10240x128xf32, #tpu.memory_space<hbm>> -> memref<128x128xf32, #tpu.memory_space<hbm>>
    %dma_wait3A_50 = arith.constant 0 : i32
    %dma_wait3A_51 = arith.constant 0 : i32
    %dma_wait3A_52 = tpu.memref_slice %arg5[%dma_wait3A_50, %dma_wait3A_51] : memref<10240x128xf32, #tpu.memory_space<hbm>> -> memref<128x128xf32, #tpu.memory_space<hbm>>
    tpu.wait_dma2 semaphore(%arg14 : memref<!tpu.dma_semaphore, #tpu.memory_space<semaphore_mem>>) src(%dma_wait3A_52 : memref<128x128xf32, #tpu.memory_space<hbm>>) dst(%arg12 : memref<128x128xf32, #tpu.memory_space<vmem>>)
    %dma_wait3A_53 = arith.constant 0 : i32
    %dma_wait3A_54 = arith.constant 0 : i32
    %dma_wait3A_55 = tpu.memref_slice %arg5[%dma_wait3A_53, %dma_wait3A_54] : memref<10240x128xf32, #tpu.memory_space<hbm>> -> memref<128x128xf32, #tpu.memory_space<hbm>>
    %dma_wait3A_56 = arith.constant 0 : i32
    %dma_wait3A_57 = arith.constant 0 : i32
    %dma_wait3A_58 = tpu.memref_slice %arg5[%dma_wait3A_56, %dma_wait3A_57] : memref<10240x128xf32, #tpu.memory_space<hbm>> -> memref<128x128xf32, #tpu.memory_space<hbm>>
    tpu.wait_dma2 semaphore(%arg14 : memref<!tpu.dma_semaphore, #tpu.memory_space<semaphore_mem>>) src(%dma_wait3A_58 : memref<128x128xf32, #tpu.memory_space<hbm>>) dst(%arg12 : memref<128x128xf32, #tpu.memory_space<vmem>>)
    %scan3A_59 = arith.constant 8 : i32
    %scan3A_60 = arith.constant 0 : i32
    %scan3A_61 = arith.constant 8 : i32
    %scan3A_62 = arith.addi %scan3A_60, %scan3A_61 : i32
    %scan3A_63 = arith.constant 1 : i32
    scf.for %scan3A_704 = %scan3A_60 to %scan3A_62 step %scan3A_63  : i32 {
      %add3A_705 = arith.addi %scan3A_59, %scan3A_704 : i32
      %dma_start3A_706 = arith.constant 0 : i32
      %dma_start3A_707 = tpu.memref_slice %arg10[%add3A_705, %dma_start3A_706] : memref<40x128xi32, #tpu.memory_space<vmem>> -> memref<1x128xi32, #tpu.memory_space<vmem>>
      %dma_start3A_708 = tpu.memref_squeeze %dma_start3A_707 : memref<1x128xi32, #tpu.memory_space<vmem>> -> memref<128xi32, #tpu.memory_space<vmem>>
      %dma_start3A_709 = arith.constant 0 : i32
      %dma_start3A_710 = arith.constant 0 : i32
      %dma_start3A_711 = tpu.memref_slice %arg15[%dma_start3A_709, %dma_start3A_710] : memref<10240x128xf32, #tpu.memory_space<vmem_shared>> -> memref<10240x128xf32, #tpu.memory_space<vmem_shared>>
      tpu.enqueue_indirect_dma source(%arg11 : memref<128x128xf32, #tpu.memory_space<vmem>>) target(%dma_start3A_711 : memref<10240x128xf32, #tpu.memory_space<vmem_shared>>) offsets(%dma_start3A_708 : memref<128xi32, #tpu.memory_space<vmem>>) semaphore(%arg14 : memref<!tpu.dma_semaphore, #tpu.memory_space<semaphore_mem>>) {add = true}
    }
    %scan3A_64 = arith.constant 8 : i32
    %dma_wait3A_65 = arith.constant 0 : i32
    %dma_wait3A_66 = arith.constant 0 : i32
    %dma_wait3A_67 = tpu.memref_slice %arg5[%dma_wait3A_65, %dma_wait3A_66] : memref<10240x128xf32, #tpu.memory_space<hbm>> -> memref<128x128xf32, #tpu.memory_space<hbm>>
    %dma_wait3A_68 = arith.constant 0 : i32
    %dma_wait3A_69 = arith.constant 0 : i32
    %dma_wait3A_70 = tpu.memref_slice %arg5[%dma_wait3A_68, %dma_wait3A_69] : memref<10240x128xf32, #tpu.memory_space<hbm>> -> memref<128x128xf32, #tpu.memory_space<hbm>>
    tpu.wait_dma2 semaphore(%arg14 : memref<!tpu.dma_semaphore, #tpu.memory_space<semaphore_mem>>) src(%dma_wait3A_70 : memref<128x128xf32, #tpu.memory_space<hbm>>) dst(%arg12 : memref<128x128xf32, #tpu.memory_space<vmem>>)
    %dma_wait3A_71 = arith.constant 0 : i32
    %dma_wait3A_72 = arith.constant 0 : i32
    %dma_wait3A_73 = tpu.memref_slice %arg5[%dma_wait3A_71, %dma_wait3A_72] : memref<10240x128xf32, #tpu.memory_space<hbm>> -> memref<128x128xf32, #tpu.memory_space<hbm>>
    %dma_wait3A_74 = arith.constant 0 : i32
    %dma_wait3A_75 = arith.constant 0 : i32
    %dma_wait3A_76 = tpu.memref_slice %arg5[%dma_wait3A_74, %dma_wait3A_75] : memref<10240x128xf32, #tpu.memory_space<hbm>> -> memref<128x128xf32, #tpu.memory_space<hbm>>
    tpu.wait_dma2 semaphore(%arg14 : memref<!tpu.dma_semaphore, #tpu.memory_space<semaphore_mem>>) src(%dma_wait3A_76 : memref<128x128xf32, #tpu.memory_space<hbm>>) dst(%arg12 : memref<128x128xf32, #tpu.memory_space<vmem>>)
    %dma_wait3A_77 = arith.constant 0 : i32
    %dma_wait3A_78 = arith.constant 0 : i32
    %dma_wait3A_79 = tpu.memref_slice %arg5[%dma_wait3A_77, %dma_wait3A_78] : memref<10240x128xf32, #tpu.memory_space<hbm>> -> memref<128x128xf32, #tpu.memory_space<hbm>>
    %dma_wait3A_80 = arith.constant 0 : i32
    %dma_wait3A_81 = arith.constant 0 : i32
    %dma_wait3A_82 = tpu.memref_slice %arg5[%dma_wait3A_80, %dma_wait3A_81] : memref<10240x128xf32, #tpu.memory_space<hbm>> -> memref<128x128xf32, #tpu.memory_space<hbm>>
    tpu.wait_dma2 semaphore(%arg14 : memref<!tpu.dma_semaphore, #tpu.memory_space<semaphore_mem>>) src(%dma_wait3A_82 : memref<128x128xf32, #tpu.memory_space<hbm>>) dst(%arg12 : memref<128x128xf32, #tpu.memory_space<vmem>>)
    %dma_wait3A_83 = arith.constant 0 : i32
    %dma_wait3A_84 = arith.constant 0 : i32
    %dma_wait3A_85 = tpu.memref_slice %arg5[%dma_wait3A_83, %dma_wait3A_84] : memref<10240x128xf32, #tpu.memory_space<hbm>> -> memref<128x128xf32, #tpu.memory_space<hbm>>
    %dma_wait3A_86 = arith.constant 0 : i32
    %dma_wait3A_87 = arith.constant 0 : i32
    %dma_wait3A_88 = tpu.memref_slice %arg5[%dma_wait3A_86, %dma_wait3A_87] : memref<10240x128xf32, #tpu.memory_space<hbm>> -> memref<128x128xf32, #tpu.memory_space<hbm>>
    tpu.wait_dma2 semaphore(%arg14 : memref<!tpu.dma_semaphore, #tpu.memory_space<semaphore_mem>>) src(%dma_wait3A_88 : memref<128x128xf32, #tpu.memory_space<hbm>>) dst(%arg12 : memref<128x128xf32, #tpu.memory_space<vmem>>)
    %dma_wait3A_89 = arith.constant 0 : i32
    %dma_wait3A_90 = arith.constant 0 : i32
    %dma_wait3A_91 = tpu.memref_slice %arg5[%dma_wait3A_89, %dma_wait3A_90] : memref<10240x128xf32, #tpu.memory_space<hbm>> -> memref<128x128xf32, #tpu.memory_space<hbm>>
    %dma_wait3A_92 = arith.constant 0 : i32
    %dma_wait3A_93 = arith.constant 0 : i32
    %dma_wait3A_94 = tpu.memref_slice %arg5[%dma_wait3A_92, %dma_wait3A_93] : memref<10240x128xf32, #tpu.memory_space<hbm>> -> memref<128x128xf32, #tpu.memory_space<hbm>>
    tpu.wait_dma2 semaphore(%arg14 : memref<!tpu.dma_semaphore, #tpu.memory_space<semaphore_mem>>) src(%dma_wait3A_94 : memref<128x128xf32, #tpu.memory_space<hbm>>) dst(%arg12 : memref<128x128xf32, #tpu.memory_space<vmem>>)
    %dma_wait3A_95 = arith.constant 0 : i32
    %dma_wait3A_96 = arith.constant 0 : i32
    %dma_wait3A_97 = tpu.memref_slice %arg5[%dma_wait3A_95, %dma_wait3A_96] : memref<10240x128xf32, #tpu.memory_space<hbm>> -> memref<128x128xf32, #tpu.memory_space<hbm>>
    %dma_wait3A_98 = arith.constant 0 : i32
    %dma_wait3A_99 = arith.constant 0 : i32
    %dma_wait3A_100 = tpu.memref_slice %arg5[%dma_wait3A_98, %dma_wait3A_99] : memref<10240x128xf32, #tpu.memory_space<hbm>> -> memref<128x128xf32, #tpu.memory_space<hbm>>
    tpu.wait_dma2 semaphore(%arg14 : memref<!tpu.dma_semaphore, #tpu.memory_space<semaphore_mem>>) src(%dma_wait3A_100 : memref<128x128xf32, #tpu.memory_space<hbm>>) dst(%arg12 : memref<128x128xf32, #tpu.memory_space<vmem>>)
    %dma_wait3A_101 = arith.constant 0 : i32
    %dma_wait3A_102 = arith.constant 0 : i32
    %dma_wait3A_103 = tpu.memref_slice %arg5[%dma_wait3A_101, %dma_wait3A_102] : memref<10240x128xf32, #tpu.memory_space<hbm>> -> memref<128x128xf32, #tpu.memory_space<hbm>>
    %dma_wait3A_104 = arith.constant 0 : i32
    %dma_wait3A_105 = arith.constant 0 : i32
    %dma_wait3A_106 = tpu.memref_slice %arg5[%dma_wait3A_104, %dma_wait3A_105] : memref<10240x128xf32, #tpu.memory_space<hbm>> -> memref<128x128xf32, #tpu.memory_space<hbm>>
    tpu.wait_dma2 semaphore(%arg14 : memref<!tpu.dma_semaphore, #tpu.memory_space<semaphore_mem>>) src(%dma_wait3A_106 : memref<128x128xf32, #tpu.memory_space<hbm>>) dst(%arg12 : memref<128x128xf32, #tpu.memory_space<vmem>>)
    %dma_wait3A_107 = arith.constant 0 : i32
    %dma_wait3A_108 = arith.constant 0 : i32
    %dma_wait3A_109 = tpu.memref_slice %arg5[%dma_wait3A_107, %dma_wait3A_108] : memref<10240x128xf32, #tpu.memory_space<hbm>> -> memref<128x128xf32, #tpu.memory_space<hbm>>
    %dma_wait3A_110 = arith.constant 0 : i32
    %dma_wait3A_111 = arith.constant 0 : i32
    %dma_wait3A_112 = tpu.memref_slice %arg5[%dma_wait3A_110, %dma_wait3A_111] : memref<10240x128xf32, #tpu.memory_space<hbm>> -> memref<128x128xf32, #tpu.memory_space<hbm>>
    tpu.wait_dma2 semaphore(%arg14 : memref<!tpu.dma_semaphore, #tpu.memory_space<semaphore_mem>>) src(%dma_wait3A_112 : memref<128x128xf32, #tpu.memory_space<hbm>>) dst(%arg12 : memref<128x128xf32, #tpu.memory_space<vmem>>)
    %scan3A_113 = arith.constant 16 : i32
    %scan3A_114 = arith.constant 0 : i32
    %scan3A_115 = arith.constant 8 : i32
    %scan3A_116 = arith.addi %scan3A_114, %scan3A_115 : i32
    %scan3A_117 = arith.constant 1 : i32
    scf.for %scan3A_704 = %scan3A_114 to %scan3A_116 step %scan3A_117  : i32 {
      %add3A_705 = arith.addi %scan3A_113, %scan3A_704 : i32
      %dma_start3A_706 = arith.constant 0 : i32
      %dma_start3A_707 = tpu.memref_slice %arg10[%add3A_705, %dma_start3A_706] : memref<40x128xi32, #tpu.memory_space<vmem>> -> memref<1x128xi32, #tpu.memory_space<vmem>>
      %dma_start3A_708 = tpu.memref_squeeze %dma_start3A_707 : memref<1x128xi32, #tpu.memory_space<vmem>> -> memref<128xi32, #tpu.memory_space<vmem>>
      %dma_start3A_709 = arith.constant 0 : i32
      %dma_start3A_710 = arith.constant 0 : i32
      %dma_start3A_711 = tpu.memref_slice %arg15[%dma_start3A_709, %dma_start3A_710] : memref<10240x128xf32, #tpu.memory_space<vmem_shared>> -> memref<10240x128xf32, #tpu.memory_space<vmem_shared>>
      tpu.enqueue_indirect_dma source(%arg11 : memref<128x128xf32, #tpu.memory_space<vmem>>) target(%dma_start3A_711 : memref<10240x128xf32, #tpu.memory_space<vmem_shared>>) offsets(%dma_start3A_708 : memref<128xi32, #tpu.memory_space<vmem>>) semaphore(%arg14 : memref<!tpu.dma_semaphore, #tpu.memory_space<semaphore_mem>>) {add = true}
    }
    %scan3A_118 = arith.constant 8 : i32
    %dma_wait3A_119 = arith.constant 0 : i32
    %dma_wait3A_120 = arith.constant 0 : i32
    %dma_wait3A_121 = tpu.memref_slice %arg5[%dma_wait3A_119, %dma_wait3A_120] : memref<10240x128xf32, #tpu.memory_space<hbm>> -> memref<128x128xf32, #tpu.memory_space<hbm>>
    %dma_wait3A_122 = arith.constant 0 : i32
    %dma_wait3A_123 = arith.constant 0 : i32
    %dma_wait3A_124 = tpu.memref_slice %arg5[%dma_wait3A_122, %dma_wait3A_123] : memref<10240x128xf32, #tpu.memory_space<hbm>> -> memref<128x128xf32, #tpu.memory_space<hbm>>
    tpu.wait_dma2 semaphore(%arg14 : memref<!tpu.dma_semaphore, #tpu.memory_space<semaphore_mem>>) src(%dma_wait3A_124 : memref<128x128xf32, #tpu.memory_space<hbm>>) dst(%arg12 : memref<128x128xf32, #tpu.memory_space<vmem>>)
    %dma_wait3A_125 = arith.constant 0 : i32
    %dma_wait3A_126 = arith.constant 0 : i32
    %dma_wait3A_127 = tpu.memref_slice %arg5[%dma_wait3A_125, %dma_wait3A_126] : memref<10240x128xf32, #tpu.memory_space<hbm>> -> memref<128x128xf32, #tpu.memory_space<hbm>>
    %dma_wait3A_128 = arith.constant 0 : i32
    %dma_wait3A_129 = arith.constant 0 : i32
    %dma_wait3A_130 = tpu.memref_slice %arg5[%dma_wait3A_128, %dma_wait3A_129] : memref<10240x128xf32, #tpu.memory_space<hbm>> -> memref<128x128xf32, #tpu.memory_space<hbm>>
    tpu.wait_dma2 semaphore(%arg14 : memref<!tpu.dma_semaphore, #tpu.memory_space<semaphore_mem>>) src(%dma_wait3A_130 : memref<128x128xf32, #tpu.memory_space<hbm>>) dst(%arg12 : memref<128x128xf32, #tpu.memory_space<vmem>>)
    %dma_wait3A_131 = arith.constant 0 : i32
    %dma_wait3A_132 = arith.constant 0 : i32
    %dma_wait3A_133 = tpu.memref_slice %arg5[%dma_wait3A_131, %dma_wait3A_132] : memref<10240x128xf32, #tpu.memory_space<hbm>> -> memref<128x128xf32, #tpu.memory_space<hbm>>
    %dma_wait3A_134 = arith.constant 0 : i32
    %dma_wait3A_135 = arith.constant 0 : i32
    %dma_wait3A_136 = tpu.memref_slice %arg5[%dma_wait3A_134, %dma_wait3A_135] : memref<10240x128xf32, #tpu.memory_space<hbm>> -> memref<128x128xf32, #tpu.memory_space<hbm>>
    tpu.wait_dma2 semaphore(%arg14 : memref<!tpu.dma_semaphore, #tpu.memory_space<semaphore_mem>>) src(%dma_wait3A_136 : memref<128x128xf32, #tpu.memory_space<hbm>>) dst(%arg12 : memref<128x128xf32, #tpu.memory_space<vmem>>)
    %dma_wait3A_137 = arith.constant 0 : i32
    %dma_wait3A_138 = arith.constant 0 : i32
    %dma_wait3A_139 = tpu.memref_slice %arg5[%dma_wait3A_137, %dma_wait3A_138] : memref<10240x128xf32, #tpu.memory_space<hbm>> -> memref<128x128xf32, #tpu.memory_space<hbm>>
    %dma_wait3A_140 = arith.constant 0 : i32
    %dma_wait3A_141 = arith.constant 0 : i32
    %dma_wait3A_142 = tpu.memref_slice %arg5[%dma_wait3A_140, %dma_wait3A_141] : memref<10240x128xf32, #tpu.memory_space<hbm>> -> memref<128x128xf32, #tpu.memory_space<hbm>>
    tpu.wait_dma2 semaphore(%arg14 : memref<!tpu.dma_semaphore, #tpu.memory_space<semaphore_mem>>) src(%dma_wait3A_142 : memref<128x128xf32, #tpu.memory_space<hbm>>) dst(%arg12 : memref<128x128xf32, #tpu.memory_space<vmem>>)
    %dma_wait3A_143 = arith.constant 0 : i32
    %dma_wait3A_144 = arith.constant 0 : i32
    %dma_wait3A_145 = tpu.memref_slice %arg5[%dma_wait3A_143, %dma_wait3A_144] : memref<10240x128xf32, #tpu.memory_space<hbm>> -> memref<128x128xf32, #tpu.memory_space<hbm>>
    %dma_wait3A_146 = arith.constant 0 : i32
    %dma_wait3A_147 = arith.constant 0 : i32
    %dma_wait3A_148 = tpu.memref_slice %arg5[%dma_wait3A_146, %dma_wait3A_147] : memref<10240x128xf32, #tpu.memory_space<hbm>> -> memref<128x128xf32, #tpu.memory_space<hbm>>
    tpu.wait_dma2 semaphore(%arg14 : memref<!tpu.dma_semaphore, #tpu.memory_space<semaphore_mem>>) src(%dma_wait3A_148 : memref<128x128xf32, #tpu.memory_space<hbm>>) dst(%arg12 : memref<128x128xf32, #tpu.memory_space<vmem>>)
    %dma_wait3A_149 = arith.constant 0 : i32
    %dma_wait3A_150 = arith.constant 0 : i32
    %dma_wait3A_151 = tpu.memref_slice %arg5[%dma_wait3A_149, %dma_wait3A_150] : memref<10240x128xf32, #tpu.memory_space<hbm>> -> memref<128x128xf32, #tpu.memory_space<hbm>>
    %dma_wait3A_152 = arith.constant 0 : i32
    %dma_wait3A_153 = arith.constant 0 : i32
    %dma_wait3A_154 = tpu.memref_slice %arg5[%dma_wait3A_152, %dma_wait3A_153] : memref<10240x128xf32, #tpu.memory_space<hbm>> -> memref<128x128xf32, #tpu.memory_space<hbm>>
    tpu.wait_dma2 semaphore(%arg14 : memref<!tpu.dma_semaphore, #tpu.memory_space<semaphore_mem>>) src(%dma_wait3A_154 : memref<128x128xf32, #tpu.memory_space<hbm>>) dst(%arg12 : memref<128x128xf32, #tpu.memory_space<vmem>>)
    %dma_wait3A_155 = arith.constant 0 : i32
    %dma_wait3A_156 = arith.constant 0 : i32
    %dma_wait3A_157 = tpu.memref_slice %arg5[%dma_wait3A_155, %dma_wait3A_156] : memref<10240x128xf32, #tpu.memory_space<hbm>> -> memref<128x128xf32, #tpu.memory_space<hbm>>
    %dma_wait3A_158 = arith.constant 0 : i32
    %dma_wait3A_159 = arith.constant 0 : i32
    %dma_wait3A_160 = tpu.memref_slice %arg5[%dma_wait3A_158, %dma_wait3A_159] : memref<10240x128xf32, #tpu.memory_space<hbm>> -> memref<128x128xf32, #tpu.memory_space<hbm>>
    tpu.wait_dma2 semaphore(%arg14 : memref<!tpu.dma_semaphore, #tpu.memory_space<semaphore_mem>>) src(%dma_wait3A_160 : memref<128x128xf32, #tpu.memory_space<hbm>>) dst(%arg12 : memref<128x128xf32, #tpu.memory_space<vmem>>)
    %dma_wait3A_161 = arith.constant 0 : i32
    %dma_wait3A_162 = arith.constant 0 : i32
    %dma_wait3A_163 = tpu.memref_slice %arg5[%dma_wait3A_161, %dma_wait3A_162] : memref<10240x128xf32, #tpu.memory_space<hbm>> -> memref<128x128xf32, #tpu.memory_space<hbm>>
    %dma_wait3A_164 = arith.constant 0 : i32
    %dma_wait3A_165 = arith.constant 0 : i32
    %dma_wait3A_166 = tpu.memref_slice %arg5[%dma_wait3A_164, %dma_wait3A_165] : memref<10240x128xf32, #tpu.memory_space<hbm>> -> memref<128x128xf32, #tpu.memory_space<hbm>>
    tpu.wait_dma2 semaphore(%arg14 : memref<!tpu.dma_semaphore, #tpu.memory_space<semaphore_mem>>) src(%dma_wait3A_166 : memref<128x128xf32, #tpu.memory_space<hbm>>) dst(%arg12 : memref<128x128xf32, #tpu.memory_space<vmem>>)
    %scan3A_167 = arith.constant 24 : i32
    %scan3A_168 = arith.constant 0 : i32
    %scan3A_169 = arith.constant 8 : i32
    %scan3A_170 = arith.addi %scan3A_168, %scan3A_169 : i32
    %scan3A_171 = arith.constant 1 : i32
    scf.for %scan3A_704 = %scan3A_168 to %scan3A_170 step %scan3A_171  : i32 {
      %add3A_705 = arith.addi %scan3A_167, %scan3A_704 : i32
      %dma_start3A_706 = arith.constant 0 : i32
      %dma_start3A_707 = tpu.memref_slice %arg10[%add3A_705, %dma_start3A_706] : memref<40x128xi32, #tpu.memory_space<vmem>> -> memref<1x128xi32, #tpu.memory_space<vmem>>
      %dma_start3A_708 = tpu.memref_squeeze %dma_start3A_707 : memref<1x128xi32, #tpu.memory_space<vmem>> -> memref<128xi32, #tpu.memory_space<vmem>>
      %dma_start3A_709 = arith.constant 0 : i32
      %dma_start3A_710 = arith.constant 0 : i32
      %dma_start3A_711 = tpu.memref_slice %arg15[%dma_start3A_709, %dma_start3A_710] : memref<10240x128xf32, #tpu.memory_space<vmem_shared>> -> memref<10240x128xf32, #tpu.memory_space<vmem_shared>>
      tpu.enqueue_indirect_dma source(%arg11 : memref<128x128xf32, #tpu.memory_space<vmem>>) target(%dma_start3A_711 : memref<10240x128xf32, #tpu.memory_space<vmem_shared>>) offsets(%dma_start3A_708 : memref<128xi32, #tpu.memory_space<vmem>>) semaphore(%arg14 : memref<!tpu.dma_semaphore, #tpu.memory_space<semaphore_mem>>) {add = true}
    }
    %scan3A_172 = arith.constant 8 : i32
    %dma_wait3A_173 = arith.constant 0 : i32
    %dma_wait3A_174 = arith.constant 0 : i32
    %dma_wait3A_175 = tpu.memref_slice %arg5[%dma_wait3A_173, %dma_wait3A_174] : memref<10240x128xf32, #tpu.memory_space<hbm>> -> memref<128x128xf32, #tpu.memory_space<hbm>>
    %dma_wait3A_176 = arith.constant 0 : i32
    %dma_wait3A_177 = arith.constant 0 : i32
    %dma_wait3A_178 = tpu.memref_slice %arg5[%dma_wait3A_176, %dma_wait3A_177] : memref<10240x128xf32, #tpu.memory_space<hbm>> -> memref<128x128xf32, #tpu.memory_space<hbm>>
    tpu.wait_dma2 semaphore(%arg14 : memref<!tpu.dma_semaphore, #tpu.memory_space<semaphore_mem>>) src(%dma_wait3A_178 : memref<128x128xf32, #tpu.memory_space<hbm>>) dst(%arg12 : memref<128x128xf32, #tpu.memory_space<vmem>>)
    %dma_wait3A_179 = arith.constant 0 : i32
    %dma_wait3A_180 = arith.constant 0 : i32
    %dma_wait3A_181 = tpu.memref_slice %arg5[%dma_wait3A_179, %dma_wait3A_180] : memref<10240x128xf32, #tpu.memory_space<hbm>> -> memref<128x128xf32, #tpu.memory_space<hbm>>
    %dma_wait3A_182 = arith.constant 0 : i32
    %dma_wait3A_183 = arith.constant 0 : i32
    %dma_wait3A_184 = tpu.memref_slice %arg5[%dma_wait3A_182, %dma_wait3A_183] : memref<10240x128xf32, #tpu.memory_space<hbm>> -> memref<128x128xf32, #tpu.memory_space<hbm>>
    tpu.wait_dma2 semaphore(%arg14 : memref<!tpu.dma_semaphore, #tpu.memory_space<semaphore_mem>>) src(%dma_wait3A_184 : memref<128x128xf32, #tpu.memory_space<hbm>>) dst(%arg12 : memref<128x128xf32, #tpu.memory_space<vmem>>)
    %dma_wait3A_185 = arith.constant 0 : i32
    %dma_wait3A_186 = arith.constant 0 : i32
    %dma_wait3A_187 = tpu.memref_slice %arg5[%dma_wait3A_185, %dma_wait3A_186] : memref<10240x128xf32, #tpu.memory_space<hbm>> -> memref<128x128xf32, #tpu.memory_space<hbm>>
    %dma_wait3A_188 = arith.constant 0 : i32
    %dma_wait3A_189 = arith.constant 0 : i32
    %dma_wait3A_190 = tpu.memref_slice %arg5[%dma_wait3A_188, %dma_wait3A_189] : memref<10240x128xf32, #tpu.memory_space<hbm>> -> memref<128x128xf32, #tpu.memory_space<hbm>>
    tpu.wait_dma2 semaphore(%arg14 : memref<!tpu.dma_semaphore, #tpu.memory_space<semaphore_mem>>) src(%dma_wait3A_190 : memref<128x128xf32, #tpu.memory_space<hbm>>) dst(%arg12 : memref<128x128xf32, #tpu.memory_space<vmem>>)
    %dma_wait3A_191 = arith.constant 0 : i32
    %dma_wait3A_192 = arith.constant 0 : i32
    %dma_wait3A_193 = tpu.memref_slice %arg5[%dma_wait3A_191, %dma_wait3A_192] : memref<10240x128xf32, #tpu.memory_space<hbm>> -> memref<128x128xf32, #tpu.memory_space<hbm>>
    %dma_wait3A_194 = arith.constant 0 : i32
    %dma_wait3A_195 = arith.constant 0 : i32
    %dma_wait3A_196 = tpu.memref_slice %arg5[%dma_wait3A_194, %dma_wait3A_195] : memref<10240x128xf32, #tpu.memory_space<hbm>> -> memref<128x128xf32, #tpu.memory_space<hbm>>
    tpu.wait_dma2 semaphore(%arg14 : memref<!tpu.dma_semaphore, #tpu.memory_space<semaphore_mem>>) src(%dma_wait3A_196 : memref<128x128xf32, #tpu.memory_space<hbm>>) dst(%arg12 : memref<128x128xf32, #tpu.memory_space<vmem>>)
    %dma_wait3A_197 = arith.constant 0 : i32
    %dma_wait3A_198 = arith.constant 0 : i32
    %dma_wait3A_199 = tpu.memref_slice %arg5[%dma_wait3A_197, %dma_wait3A_198] : memref<10240x128xf32, #tpu.memory_space<hbm>> -> memref<128x128xf32, #tpu.memory_space<hbm>>
    %dma_wait3A_200 = arith.constant 0 : i32
    %dma_wait3A_201 = arith.constant 0 : i32
    %dma_wait3A_202 = tpu.memref_slice %arg5[%dma_wait3A_200, %dma_wait3A_201] : memref<10240x128xf32, #tpu.memory_space<hbm>> -> memref<128x128xf32, #tpu.memory_space<hbm>>
    tpu.wait_dma2 semaphore(%arg14 : memref<!tpu.dma_semaphore, #tpu.memory_space<semaphore_mem>>) src(%dma_wait3A_202 : memref<128x128xf32, #tpu.memory_space<hbm>>) dst(%arg12 : memref<128x128xf32, #tpu.memory_space<vmem>>)
    %dma_wait3A_203 = arith.constant 0 : i32
    %dma_wait3A_204 = arith.constant 0 : i32
    %dma_wait3A_205 = tpu.memref_slice %arg5[%dma_wait3A_203, %dma_wait3A_204] : memref<10240x128xf32, #tpu.memory_space<hbm>> -> memref<128x128xf32, #tpu.memory_space<hbm>>
    %dma_wait3A_206 = arith.constant 0 : i32
    %dma_wait3A_207 = arith.constant 0 : i32
    %dma_wait3A_208 = tpu.memref_slice %arg5[%dma_wait3A_206, %dma_wait3A_207] : memref<10240x128xf32, #tpu.memory_space<hbm>> -> memref<128x128xf32, #tpu.memory_space<hbm>>
    tpu.wait_dma2 semaphore(%arg14 : memref<!tpu.dma_semaphore, #tpu.memory_space<semaphore_mem>>) src(%dma_wait3A_208 : memref<128x128xf32, #tpu.memory_space<hbm>>) dst(%arg12 : memref<128x128xf32, #tpu.memory_space<vmem>>)
    %dma_wait3A_209 = arith.constant 0 : i32
    %dma_wait3A_210 = arith.constant 0 : i32
    %dma_wait3A_211 = tpu.memref_slice %arg5[%dma_wait3A_209, %dma_wait3A_210] : memref<10240x128xf32, #tpu.memory_space<hbm>> -> memref<128x128xf32, #tpu.memory_space<hbm>>
    %dma_wait3A_212 = arith.constant 0 : i32
    %dma_wait3A_213 = arith.constant 0 : i32
    %dma_wait3A_214 = tpu.memref_slice %arg5[%dma_wait3A_212, %dma_wait3A_213] : memref<10240x128xf32, #tpu.memory_space<hbm>> -> memref<128x128xf32, #tpu.memory_space<hbm>>
    tpu.wait_dma2 semaphore(%arg14 : memref<!tpu.dma_semaphore, #tpu.memory_space<semaphore_mem>>) src(%dma_wait3A_214 : memref<128x128xf32, #tpu.memory_space<hbm>>) dst(%arg12 : memref<128x128xf32, #tpu.memory_space<vmem>>)
    %dma_wait3A_215 = arith.constant 0 : i32
    %dma_wait3A_216 = arith.constant 0 : i32
    %dma_wait3A_217 = tpu.memref_slice %arg5[%dma_wait3A_215, %dma_wait3A_216] : memref<10240x128xf32, #tpu.memory_space<hbm>> -> memref<128x128xf32, #tpu.memory_space<hbm>>
    %dma_wait3A_218 = arith.constant 0 : i32
    %dma_wait3A_219 = arith.constant 0 : i32
    %dma_wait3A_220 = tpu.memref_slice %arg5[%dma_wait3A_218, %dma_wait3A_219] : memref<10240x128xf32, #tpu.memory_space<hbm>> -> memref<128x128xf32, #tpu.memory_space<hbm>>
    tpu.wait_dma2 semaphore(%arg14 : memref<!tpu.dma_semaphore, #tpu.memory_space<semaphore_mem>>) src(%dma_wait3A_220 : memref<128x128xf32, #tpu.memory_space<hbm>>) dst(%arg12 : memref<128x128xf32, #tpu.memory_space<vmem>>)
    %scan3A_221 = arith.constant 32 : i32
    %scan3A_222 = arith.constant 0 : i32
    %scan3A_223 = arith.constant 8 : i32
    %scan3A_224 = arith.addi %scan3A_222, %scan3A_223 : i32
    %scan3A_225 = arith.constant 1 : i32
    scf.for %scan3A_704 = %scan3A_222 to %scan3A_224 step %scan3A_225  : i32 {
      %add3A_705 = arith.addi %scan3A_221, %scan3A_704 : i32
      %dma_start3A_706 = arith.constant 0 : i32
      %dma_start3A_707 = tpu.memref_slice %arg10[%add3A_705, %dma_start3A_706] : memref<40x128xi32, #tpu.memory_space<vmem>> -> memref<1x128xi32, #tpu.memory_space<vmem>>
      %dma_start3A_708 = tpu.memref_squeeze %dma_start3A_707 : memref<1x128xi32, #tpu.memory_space<vmem>> -> memref<128xi32, #tpu.memory_space<vmem>>
      %dma_start3A_709 = arith.constant 0 : i32
      %dma_start3A_710 = arith.constant 0 : i32
      %dma_start3A_711 = tpu.memref_slice %arg15[%dma_start3A_709, %dma_start3A_710] : memref<10240x128xf32, #tpu.memory_space<vmem_shared>> -> memref<10240x128xf32, #tpu.memory_space<vmem_shared>>
      tpu.enqueue_indirect_dma source(%arg11 : memref<128x128xf32, #tpu.memory_space<vmem>>) target(%dma_start3A_711 : memref<10240x128xf32, #tpu.memory_space<vmem_shared>>) offsets(%dma_start3A_708 : memref<128xi32, #tpu.memory_space<vmem>>) semaphore(%arg14 : memref<!tpu.dma_semaphore, #tpu.memory_space<semaphore_mem>>) {add = true}
    }
    %scan3A_226 = arith.constant 8 : i32
    %dma_wait3A_227 = arith.constant 0 : i32
    %dma_wait3A_228 = arith.constant 0 : i32
    %dma_wait3A_229 = tpu.memref_slice %arg5[%dma_wait3A_227, %dma_wait3A_228] : memref<10240x128xf32, #tpu.memory_space<hbm>> -> memref<128x128xf32, #tpu.memory_space<hbm>>
    %dma_wait3A_230 = arith.constant 0 : i32
    %dma_wait3A_231 = arith.constant 0 : i32
    %dma_wait3A_232 = tpu.memref_slice %arg5[%dma_wait3A_230, %dma_wait3A_231] : memref<10240x128xf32, #tpu.memory_space<hbm>> -> memref<128x128xf32, #tpu.memory_space<hbm>>
    tpu.wait_dma2 semaphore(%arg14 : memref<!tpu.dma_semaphore, #tpu.memory_space<semaphore_mem>>) src(%dma_wait3A_232 : memref<128x128xf32, #tpu.memory_space<hbm>>) dst(%arg12 : memref<128x128xf32, #tpu.memory_space<vmem>>)
    %dma_wait3A_233 = arith.constant 0 : i32
    %dma_wait3A_234 = arith.constant 0 : i32
    %dma_wait3A_235 = tpu.memref_slice %arg5[%dma_wait3A_233, %dma_wait3A_234] : memref<10240x128xf32, #tpu.memory_space<hbm>> -> memref<128x128xf32, #tpu.memory_space<hbm>>
    %dma_wait3A_236 = arith.constant 0 : i32
    %dma_wait3A_237 = arith.constant 0 : i32
    %dma_wait3A_238 = tpu.memref_slice %arg5[%dma_wait3A_236, %dma_wait3A_237] : memref<10240x128xf32, #tpu.memory_space<hbm>> -> memref<128x128xf32, #tpu.memory_space<hbm>>
    tpu.wait_dma2 semaphore(%arg14 : memref<!tpu.dma_semaphore, #tpu.memory_space<semaphore_mem>>) src(%dma_wait3A_238 : memref<128x128xf32, #tpu.memory_space<hbm>>) dst(%arg12 : memref<128x128xf32, #tpu.memory_space<vmem>>)
    %dma_wait3A_239 = arith.constant 0 : i32
    %dma_wait3A_240 = arith.constant 0 : i32
    %dma_wait3A_241 = tpu.memref_slice %arg5[%dma_wait3A_239, %dma_wait3A_240] : memref<10240x128xf32, #tpu.memory_space<hbm>> -> memref<128x128xf32, #tpu.memory_space<hbm>>
    %dma_wait3A_242 = arith.constant 0 : i32
    %dma_wait3A_243 = arith.constant 0 : i32
    %dma_wait3A_244 = tpu.memref_slice %arg5[%dma_wait3A_242, %dma_wait3A_243] : memref<10240x128xf32, #tpu.memory_space<hbm>> -> memref<128x128xf32, #tpu.memory_space<hbm>>
    tpu.wait_dma2 semaphore(%arg14 : memref<!tpu.dma_semaphore, #tpu.memory_space<semaphore_mem>>) src(%dma_wait3A_244 : memref<128x128xf32, #tpu.memory_space<hbm>>) dst(%arg12 : memref<128x128xf32, #tpu.memory_space<vmem>>)
    %dma_wait3A_245 = arith.constant 0 : i32
    %dma_wait3A_246 = arith.constant 0 : i32
    %dma_wait3A_247 = tpu.memref_slice %arg5[%dma_wait3A_245, %dma_wait3A_246] : memref<10240x128xf32, #tpu.memory_space<hbm>> -> memref<128x128xf32, #tpu.memory_space<hbm>>
    %dma_wait3A_248 = arith.constant 0 : i32
    %dma_wait3A_249 = arith.constant 0 : i32
    %dma_wait3A_250 = tpu.memref_slice %arg5[%dma_wait3A_248, %dma_wait3A_249] : memref<10240x128xf32, #tpu.memory_space<hbm>> -> memref<128x128xf32, #tpu.memory_space<hbm>>
    tpu.wait_dma2 semaphore(%arg14 : memref<!tpu.dma_semaphore, #tpu.memory_space<semaphore_mem>>) src(%dma_wait3A_250 : memref<128x128xf32, #tpu.memory_space<hbm>>) dst(%arg12 : memref<128x128xf32, #tpu.memory_space<vmem>>)
    %dma_wait3A_251 = arith.constant 0 : i32
    %dma_wait3A_252 = arith.constant 0 : i32
    %dma_wait3A_253 = tpu.memref_slice %arg5[%dma_wait3A_251, %dma_wait3A_252] : memref<10240x128xf32, #tpu.memory_space<hbm>> -> memref<128x128xf32, #tpu.memory_space<hbm>>
    %dma_wait3A_254 = arith.constant 0 : i32
    %dma_wait3A_255 = arith.constant 0 : i32
    %dma_wait3A_256 = tpu.memref_slice %arg5[%dma_wait3A_254, %dma_wait3A_255] : memref<10240x128xf32, #tpu.memory_space<hbm>> -> memref<128x128xf32, #tpu.memory_space<hbm>>
    tpu.wait_dma2 semaphore(%arg14 : memref<!tpu.dma_semaphore, #tpu.memory_space<semaphore_mem>>) src(%dma_wait3A_256 : memref<128x128xf32, #tpu.memory_space<hbm>>) dst(%arg12 : memref<128x128xf32, #tpu.memory_space<vmem>>)
    %dma_wait3A_257 = arith.constant 0 : i32
    %dma_wait3A_258 = arith.constant 0 : i32
    %dma_wait3A_259 = tpu.memref_slice %arg5[%dma_wait3A_257, %dma_wait3A_258] : memref<10240x128xf32, #tpu.memory_space<hbm>> -> memref<128x128xf32, #tpu.memory_space<hbm>>
    %dma_wait3A_260 = arith.constant 0 : i32
    %dma_wait3A_261 = arith.constant 0 : i32
    %dma_wait3A_262 = tpu.memref_slice %arg5[%dma_wait3A_260, %dma_wait3A_261] : memref<10240x128xf32, #tpu.memory_space<hbm>> -> memref<128x128xf32, #tpu.memory_space<hbm>>
    tpu.wait_dma2 semaphore(%arg14 : memref<!tpu.dma_semaphore, #tpu.memory_space<semaphore_mem>>) src(%dma_wait3A_262 : memref<128x128xf32, #tpu.memory_space<hbm>>) dst(%arg12 : memref<128x128xf32, #tpu.memory_space<vmem>>)
    %dma_wait3A_263 = arith.constant 0 : i32
    %dma_wait3A_264 = arith.constant 0 : i32
    %dma_wait3A_265 = tpu.memref_slice %arg5[%dma_wait3A_263, %dma_wait3A_264] : memref<10240x128xf32, #tpu.memory_space<hbm>> -> memref<128x128xf32, #tpu.memory_space<hbm>>
    %dma_wait3A_266 = arith.constant 0 : i32
    %dma_wait3A_267 = arith.constant 0 : i32
    %dma_wait3A_268 = tpu.memref_slice %arg5[%dma_wait3A_266, %dma_wait3A_267] : memref<10240x128xf32, #tpu.memory_space<hbm>> -> memref<128x128xf32, #tpu.memory_space<hbm>>
    tpu.wait_dma2 semaphore(%arg14 : memref<!tpu.dma_semaphore, #tpu.memory_space<semaphore_mem>>) src(%dma_wait3A_268 : memref<128x128xf32, #tpu.memory_space<hbm>>) dst(%arg12 : memref<128x128xf32, #tpu.memory_space<vmem>>)
    %dma_wait3A_269 = arith.constant 0 : i32
    %dma_wait3A_270 = arith.constant 0 : i32
    %dma_wait3A_271 = tpu.memref_slice %arg5[%dma_wait3A_269, %dma_wait3A_270] : memref<10240x128xf32, #tpu.memory_space<hbm>> -> memref<128x128xf32, #tpu.memory_space<hbm>>
    %dma_wait3A_272 = arith.constant 0 : i32
    %dma_wait3A_273 = arith.constant 0 : i32
    %dma_wait3A_274 = tpu.memref_slice %arg5[%dma_wait3A_272, %dma_wait3A_273] : memref<10240x128xf32, #tpu.memory_space<hbm>> -> memref<128x128xf32, #tpu.memory_space<hbm>>
    tpu.wait_dma2 semaphore(%arg14 : memref<!tpu.dma_semaphore, #tpu.memory_space<semaphore_mem>>) src(%dma_wait3A_274 : memref<128x128xf32, #tpu.memory_space<hbm>>) dst(%arg12 : memref<128x128xf32, #tpu.memory_space<vmem>>)
    %add3A_275 = arith.constant 40 : i32
    %add3A_276 = arith.addi %mul3A_2, %add3A_275 : i32
    "tpu.region"() ({
      %run_scoped3A = tpu.sem_alloc : memref<!tpu.dma_semaphore, #tpu.memory_space<semaphore_mem>>
      %dma_start3A_704 = arith.constant 0 : i32
      %dma_start3A_705 = tpu.memref_slice %arg4[%add3A_276, %dma_start3A_704] : memref<2560x128xi32, #tpu.memory_space<hbm>> -> memref<40x128xi32, #tpu.memory_space<hbm>>
      %dma_start3A_706 = arith.constant 0 : i32
      %dma_start3A_707 = tpu.memref_slice %arg4[%add3A_276, %dma_start3A_706] : memref<2560x128xi32, #tpu.memory_space<hbm>> -> memref<40x128xi32, #tpu.memory_space<hbm>>
      tpu.enqueue_dma source(%dma_start3A_707 : memref<40x128xi32, #tpu.memory_space<hbm>>) target(%arg10 : memref<40x128xi32, #tpu.memory_space<vmem>>) target_semaphore(%run_scoped3A : memref<!tpu.dma_semaphore, #tpu.memory_space<semaphore_mem>>)
      %dma_wait3A_708 = arith.constant 0 : i32
      %dma_wait3A_709 = tpu.memref_slice %arg4[%add3A_276, %dma_wait3A_708] : memref<2560x128xi32, #tpu.memory_space<hbm>> -> memref<40x128xi32, #tpu.memory_space<hbm>>
      %dma_wait3A_710 = arith.constant 0 : i32
      %dma_wait3A_711 = tpu.memref_slice %arg4[%add3A_276, %dma_wait3A_710] : memref<2560x128xi32, #tpu.memory_space<hbm>> -> memref<40x128xi32, #tpu.memory_space<hbm>>
      tpu.wait_dma2 semaphore(%run_scoped3A : memref<!tpu.dma_semaphore, #tpu.memory_space<semaphore_mem>>) src(%dma_wait3A_711 : memref<40x128xi32, #tpu.memory_space<hbm>>) dst(%arg10 : memref<40x128xi32, #tpu.memory_space<vmem>>)
      tpu.yield
    }) : () -> ()
    %scan3A_277 = arith.constant 0 : i32
    %scan3A_278 = arith.constant 0 : i32
    %scan3A_279 = arith.constant 8 : i32
    %scan3A_280 = arith.addi %scan3A_278, %scan3A_279 : i32
    %scan3A_281 = arith.constant 1 : i32
    scf.for %scan3A_704 = %scan3A_278 to %scan3A_280 step %scan3A_281  : i32 {
      %add3A_705 = arith.addi %scan3A_277, %scan3A_704 : i32
      %dma_start3A_706 = arith.constant 0 : i32
      %dma_start3A_707 = tpu.memref_slice %arg10[%add3A_705, %dma_start3A_706] : memref<40x128xi32, #tpu.memory_space<vmem>> -> memref<1x128xi32, #tpu.memory_space<vmem>>
      %dma_start3A_708 = tpu.memref_squeeze %dma_start3A_707 : memref<1x128xi32, #tpu.memory_space<vmem>> -> memref<128xi32, #tpu.memory_space<vmem>>
      %dma_start3A_709 = arith.constant 0 : i32
      %dma_start3A_710 = arith.constant 0 : i32
      %dma_start3A_711 = tpu.memref_slice %arg15[%dma_start3A_709, %dma_start3A_710] : memref<10240x128xf32, #tpu.memory_space<vmem_shared>> -> memref<10240x128xf32, #tpu.memory_space<vmem_shared>>
      tpu.enqueue_indirect_dma source(%arg11 : memref<128x128xf32, #tpu.memory_space<vmem>>) target(%dma_start3A_711 : memref<10240x128xf32, #tpu.memory_space<vmem_shared>>) offsets(%dma_start3A_708 : memref<128xi32, #tpu.memory_space<vmem>>) semaphore(%arg14 : memref<!tpu.dma_semaphore, #tpu.memory_space<semaphore_mem>>) {add = true}
    }
    %scan3A_282 = arith.constant 8 : i32
    %dma_wait3A_283 = arith.constant 0 : i32
    %dma_wait3A_284 = arith.constant 0 : i32
    %dma_wait3A_285 = tpu.memref_slice %arg5[%dma_wait3A_283, %dma_wait3A_284] : memref<10240x128xf32, #tpu.memory_space<hbm>> -> memref<128x128xf32, #tpu.memory_space<hbm>>
    %dma_wait3A_286 = arith.constant 0 : i32
    %dma_wait3A_287 = arith.constant 0 : i32
    %dma_wait3A_288 = tpu.memref_slice %arg5[%dma_wait3A_286, %dma_wait3A_287] : memref<10240x128xf32, #tpu.memory_space<hbm>> -> memref<128x128xf32, #tpu.memory_space<hbm>>
    tpu.wait_dma2 semaphore(%arg14 : memref<!tpu.dma_semaphore, #tpu.memory_space<semaphore_mem>>) src(%dma_wait3A_288 : memref<128x128xf32, #tpu.memory_space<hbm>>) dst(%arg12 : memref<128x128xf32, #tpu.memory_space<vmem>>)
    %dma_wait3A_289 = arith.constant 0 : i32
    %dma_wait3A_290 = arith.constant 0 : i32
    %dma_wait3A_291 = tpu.memref_slice %arg5[%dma_wait3A_289, %dma_wait3A_290] : memref<10240x128xf32, #tpu.memory_space<hbm>> -> memref<128x128xf32, #tpu.memory_space<hbm>>
    %dma_wait3A_292 = arith.constant 0 : i32
    %dma_wait3A_293 = arith.constant 0 : i32
    %dma_wait3A_294 = tpu.memref_slice %arg5[%dma_wait3A_292, %dma_wait3A_293] : memref<10240x128xf32, #tpu.memory_space<hbm>> -> memref<128x128xf32, #tpu.memory_space<hbm>>
    tpu.wait_dma2 semaphore(%arg14 : memref<!tpu.dma_semaphore, #tpu.memory_space<semaphore_mem>>) src(%dma_wait3A_294 : memref<128x128xf32, #tpu.memory_space<hbm>>) dst(%arg12 : memref<128x128xf32, #tpu.memory_space<vmem>>)
    %dma_wait3A_295 = arith.constant 0 : i32
    %dma_wait3A_296 = arith.constant 0 : i32
    %dma_wait3A_297 = tpu.memref_slice %arg5[%dma_wait3A_295, %dma_wait3A_296] : memref<10240x128xf32, #tpu.memory_space<hbm>> -> memref<128x128xf32, #tpu.memory_space<hbm>>
    %dma_wait3A_298 = arith.constant 0 : i32
    %dma_wait3A_299 = arith.constant 0 : i32
    %dma_wait3A_300 = tpu.memref_slice %arg5[%dma_wait3A_298, %dma_wait3A_299] : memref<10240x128xf32, #tpu.memory_space<hbm>> -> memref<128x128xf32, #tpu.memory_space<hbm>>
    tpu.wait_dma2 semaphore(%arg14 : memref<!tpu.dma_semaphore, #tpu.memory_space<semaphore_mem>>) src(%dma_wait3A_300 : memref<128x128xf32, #tpu.memory_space<hbm>>) dst(%arg12 : memref<128x128xf32, #tpu.memory_space<vmem>>)
    %dma_wait3A_301 = arith.constant 0 : i32
    %dma_wait3A_302 = arith.constant 0 : i32
    %dma_wait3A_303 = tpu.memref_slice %arg5[%dma_wait3A_301, %dma_wait3A_302] : memref<10240x128xf32, #tpu.memory_space<hbm>> -> memref<128x128xf32, #tpu.memory_space<hbm>>
    %dma_wait3A_304 = arith.constant 0 : i32
    %dma_wait3A_305 = arith.constant 0 : i32
    %dma_wait3A_306 = tpu.memref_slice %arg5[%dma_wait3A_304, %dma_wait3A_305] : memref<10240x128xf32, #tpu.memory_space<hbm>> -> memref<128x128xf32, #tpu.memory_space<hbm>>
    tpu.wait_dma2 semaphore(%arg14 : memref<!tpu.dma_semaphore, #tpu.memory_space<semaphore_mem>>) src(%dma_wait3A_306 : memref<128x128xf32, #tpu.memory_space<hbm>>) dst(%arg12 : memref<128x128xf32, #tpu.memory_space<vmem>>)
    %dma_wait3A_307 = arith.constant 0 : i32
    %dma_wait3A_308 = arith.constant 0 : i32
    %dma_wait3A_309 = tpu.memref_slice %arg5[%dma_wait3A_307, %dma_wait3A_308] : memref<10240x128xf32, #tpu.memory_space<hbm>> -> memref<128x128xf32, #tpu.memory_space<hbm>>
    %dma_wait3A_310 = arith.constant 0 : i32
    %dma_wait3A_311 = arith.constant 0 : i32
    %dma_wait3A_312 = tpu.memref_slice %arg5[%dma_wait3A_310, %dma_wait3A_311] : memref<10240x128xf32, #tpu.memory_space<hbm>> -> memref<128x128xf32, #tpu.memory_space<hbm>>
    tpu.wait_dma2 semaphore(%arg14 : memref<!tpu.dma_semaphore, #tpu.memory_space<semaphore_mem>>) src(%dma_wait3A_312 : memref<128x128xf32, #tpu.memory_space<hbm>>) dst(%arg12 : memref<128x128xf32, #tpu.memory_space<vmem>>)
    %dma_wait3A_313 = arith.constant 0 : i32
    %dma_wait3A_314 = arith.constant 0 : i32
    %dma_wait3A_315 = tpu.memref_slice %arg5[%dma_wait3A_313, %dma_wait3A_314] : memref<10240x128xf32, #tpu.memory_space<hbm>> -> memref<128x128xf32, #tpu.memory_space<hbm>>
    %dma_wait3A_316 = arith.constant 0 : i32
    %dma_wait3A_317 = arith.constant 0 : i32
    %dma_wait3A_318 = tpu.memref_slice %arg5[%dma_wait3A_316, %dma_wait3A_317] : memref<10240x128xf32, #tpu.memory_space<hbm>> -> memref<128x128xf32, #tpu.memory_space<hbm>>
    tpu.wait_dma2 semaphore(%arg14 : memref<!tpu.dma_semaphore, #tpu.memory_space<semaphore_mem>>) src(%dma_wait3A_318 : memref<128x128xf32, #tpu.memory_space<hbm>>) dst(%arg12 : memref<128x128xf32, #tpu.memory_space<vmem>>)
    %dma_wait3A_319 = arith.constant 0 : i32
    %dma_wait3A_320 = arith.constant 0 : i32
    %dma_wait3A_321 = tpu.memref_slice %arg5[%dma_wait3A_319, %dma_wait3A_320] : memref<10240x128xf32, #tpu.memory_space<hbm>> -> memref<128x128xf32, #tpu.memory_space<hbm>>
    %dma_wait3A_322 = arith.constant 0 : i32
    %dma_wait3A_323 = arith.constant 0 : i32
    %dma_wait3A_324 = tpu.memref_slice %arg5[%dma_wait3A_322, %dma_wait3A_323] : memref<10240x128xf32, #tpu.memory_space<hbm>> -> memref<128x128xf32, #tpu.memory_space<hbm>>
    tpu.wait_dma2 semaphore(%arg14 : memref<!tpu.dma_semaphore, #tpu.memory_space<semaphore_mem>>) src(%dma_wait3A_324 : memref<128x128xf32, #tpu.memory_space<hbm>>) dst(%arg12 : memref<128x128xf32, #tpu.memory_space<vmem>>)
    %dma_wait3A_325 = arith.constant 0 : i32
    %dma_wait3A_326 = arith.constant 0 : i32
    %dma_wait3A_327 = tpu.memref_slice %arg5[%dma_wait3A_325, %dma_wait3A_326] : memref<10240x128xf32, #tpu.memory_space<hbm>> -> memref<128x128xf32, #tpu.memory_space<hbm>>
    %dma_wait3A_328 = arith.constant 0 : i32
    %dma_wait3A_329 = arith.constant 0 : i32
    %dma_wait3A_330 = tpu.memref_slice %arg5[%dma_wait3A_328, %dma_wait3A_329] : memref<10240x128xf32, #tpu.memory_space<hbm>> -> memref<128x128xf32, #tpu.memory_space<hbm>>
    tpu.wait_dma2 semaphore(%arg14 : memref<!tpu.dma_semaphore, #tpu.memory_space<semaphore_mem>>) src(%dma_wait3A_330 : memref<128x128xf32, #tpu.memory_space<hbm>>) dst(%arg12 : memref<128x128xf32, #tpu.memory_space<vmem>>)
    %scan3A_331 = arith.constant 8 : i32
    %scan3A_332 = arith.constant 0 : i32
    %scan3A_333 = arith.constant 8 : i32
    %scan3A_334 = arith.addi %scan3A_332, %scan3A_333 : i32
    %scan3A_335 = arith.constant 1 : i32
    scf.for %scan3A_704 = %scan3A_332 to %scan3A_334 step %scan3A_335  : i32 {
      %add3A_705 = arith.addi %scan3A_331, %scan3A_704 : i32
      %dma_start3A_706 = arith.constant 0 : i32
      %dma_start3A_707 = tpu.memref_slice %arg10[%add3A_705, %dma_start3A_706] : memref<40x128xi32, #tpu.memory_space<vmem>> -> memref<1x128xi32, #tpu.memory_space<vmem>>
      %dma_start3A_708 = tpu.memref_squeeze %dma_start3A_707 : memref<1x128xi32, #tpu.memory_space<vmem>> -> memref<128xi32, #tpu.memory_space<vmem>>
      %dma_start3A_709 = arith.constant 0 : i32
      %dma_start3A_710 = arith.constant 0 : i32
      %dma_start3A_711 = tpu.memref_slice %arg15[%dma_start3A_709, %dma_start3A_710] : memref<10240x128xf32, #tpu.memory_space<vmem_shared>> -> memref<10240x128xf32, #tpu.memory_space<vmem_shared>>
      tpu.enqueue_indirect_dma source(%arg11 : memref<128x128xf32, #tpu.memory_space<vmem>>) target(%dma_start3A_711 : memref<10240x128xf32, #tpu.memory_space<vmem_shared>>) offsets(%dma_start3A_708 : memref<128xi32, #tpu.memory_space<vmem>>) semaphore(%arg14 : memref<!tpu.dma_semaphore, #tpu.memory_space<semaphore_mem>>) {add = true}
    }
    %scan3A_336 = arith.constant 8 : i32
    %dma_wait3A_337 = arith.constant 0 : i32
    %dma_wait3A_338 = arith.constant 0 : i32
    %dma_wait3A_339 = tpu.memref_slice %arg5[%dma_wait3A_337, %dma_wait3A_338] : memref<10240x128xf32, #tpu.memory_space<hbm>> -> memref<128x128xf32, #tpu.memory_space<hbm>>
    %dma_wait3A_340 = arith.constant 0 : i32
    %dma_wait3A_341 = arith.constant 0 : i32
    %dma_wait3A_342 = tpu.memref_slice %arg5[%dma_wait3A_340, %dma_wait3A_341] : memref<10240x128xf32, #tpu.memory_space<hbm>> -> memref<128x128xf32, #tpu.memory_space<hbm>>
    tpu.wait_dma2 semaphore(%arg14 : memref<!tpu.dma_semaphore, #tpu.memory_space<semaphore_mem>>) src(%dma_wait3A_342 : memref<128x128xf32, #tpu.memory_space<hbm>>) dst(%arg12 : memref<128x128xf32, #tpu.memory_space<vmem>>)
    %dma_wait3A_343 = arith.constant 0 : i32
    %dma_wait3A_344 = arith.constant 0 : i32
    %dma_wait3A_345 = tpu.memref_slice %arg5[%dma_wait3A_343, %dma_wait3A_344] : memref<10240x128xf32, #tpu.memory_space<hbm>> -> memref<128x128xf32, #tpu.memory_space<hbm>>
    %dma_wait3A_346 = arith.constant 0 : i32
    %dma_wait3A_347 = arith.constant 0 : i32
    %dma_wait3A_348 = tpu.memref_slice %arg5[%dma_wait3A_346, %dma_wait3A_347] : memref<10240x128xf32, #tpu.memory_space<hbm>> -> memref<128x128xf32, #tpu.memory_space<hbm>>
    tpu.wait_dma2 semaphore(%arg14 : memref<!tpu.dma_semaphore, #tpu.memory_space<semaphore_mem>>) src(%dma_wait3A_348 : memref<128x128xf32, #tpu.memory_space<hbm>>) dst(%arg12 : memref<128x128xf32, #tpu.memory_space<vmem>>)
    %dma_wait3A_349 = arith.constant 0 : i32
    %dma_wait3A_350 = arith.constant 0 : i32
    %dma_wait3A_351 = tpu.memref_slice %arg5[%dma_wait3A_349, %dma_wait3A_350] : memref<10240x128xf32, #tpu.memory_space<hbm>> -> memref<128x128xf32, #tpu.memory_space<hbm>>
    %dma_wait3A_352 = arith.constant 0 : i32
    %dma_wait3A_353 = arith.constant 0 : i32
    %dma_wait3A_354 = tpu.memref_slice %arg5[%dma_wait3A_352, %dma_wait3A_353] : memref<10240x128xf32, #tpu.memory_space<hbm>> -> memref<128x128xf32, #tpu.memory_space<hbm>>
    tpu.wait_dma2 semaphore(%arg14 : memref<!tpu.dma_semaphore, #tpu.memory_space<semaphore_mem>>) src(%dma_wait3A_354 : memref<128x128xf32, #tpu.memory_space<hbm>>) dst(%arg12 : memref<128x128xf32, #tpu.memory_space<vmem>>)
    %dma_wait3A_355 = arith.constant 0 : i32
    %dma_wait3A_356 = arith.constant 0 : i32
    %dma_wait3A_357 = tpu.memref_slice %arg5[%dma_wait3A_355, %dma_wait3A_356] : memref<10240x128xf32, #tpu.memory_space<hbm>> -> memref<128x128xf32, #tpu.memory_space<hbm>>
    %dma_wait3A_358 = arith.constant 0 : i32
    %dma_wait3A_359 = arith.constant 0 : i32
    %dma_wait3A_360 = tpu.memref_slice %arg5[%dma_wait3A_358, %dma_wait3A_359] : memref<10240x128xf32, #tpu.memory_space<hbm>> -> memref<128x128xf32, #tpu.memory_space<hbm>>
    tpu.wait_dma2 semaphore(%arg14 : memref<!tpu.dma_semaphore, #tpu.memory_space<semaphore_mem>>) src(%dma_wait3A_360 : memref<128x128xf32, #tpu.memory_space<hbm>>) dst(%arg12 : memref<128x128xf32, #tpu.memory_space<vmem>>)
    %dma_wait3A_361 = arith.constant 0 : i32
    %dma_wait3A_362 = arith.constant 0 : i32
    %dma_wait3A_363 = tpu.memref_slice %arg5[%dma_wait3A_361, %dma_wait3A_362] : memref<10240x128xf32, #tpu.memory_space<hbm>> -> memref<128x128xf32, #tpu.memory_space<hbm>>
    %dma_wait3A_364 = arith.constant 0 : i32
    %dma_wait3A_365 = arith.constant 0 : i32
    %dma_wait3A_366 = tpu.memref_slice %arg5[%dma_wait3A_364, %dma_wait3A_365] : memref<10240x128xf32, #tpu.memory_space<hbm>> -> memref<128x128xf32, #tpu.memory_space<hbm>>
    tpu.wait_dma2 semaphore(%arg14 : memref<!tpu.dma_semaphore, #tpu.memory_space<semaphore_mem>>) src(%dma_wait3A_366 : memref<128x128xf32, #tpu.memory_space<hbm>>) dst(%arg12 : memref<128x128xf32, #tpu.memory_space<vmem>>)
    %dma_wait3A_367 = arith.constant 0 : i32
    %dma_wait3A_368 = arith.constant 0 : i32
    %dma_wait3A_369 = tpu.memref_slice %arg5[%dma_wait3A_367, %dma_wait3A_368] : memref<10240x128xf32, #tpu.memory_space<hbm>> -> memref<128x128xf32, #tpu.memory_space<hbm>>
    %dma_wait3A_370 = arith.constant 0 : i32
    %dma_wait3A_371 = arith.constant 0 : i32
    %dma_wait3A_372 = tpu.memref_slice %arg5[%dma_wait3A_370, %dma_wait3A_371] : memref<10240x128xf32, #tpu.memory_space<hbm>> -> memref<128x128xf32, #tpu.memory_space<hbm>>
    tpu.wait_dma2 semaphore(%arg14 : memref<!tpu.dma_semaphore, #tpu.memory_space<semaphore_mem>>) src(%dma_wait3A_372 : memref<128x128xf32, #tpu.memory_space<hbm>>) dst(%arg12 : memref<128x128xf32, #tpu.memory_space<vmem>>)
    %dma_wait3A_373 = arith.constant 0 : i32
    %dma_wait3A_374 = arith.constant 0 : i32
    %dma_wait3A_375 = tpu.memref_slice %arg5[%dma_wait3A_373, %dma_wait3A_374] : memref<10240x128xf32, #tpu.memory_space<hbm>> -> memref<128x128xf32, #tpu.memory_space<hbm>>
    %dma_wait3A_376 = arith.constant 0 : i32
    %dma_wait3A_377 = arith.constant 0 : i32
    %dma_wait3A_378 = tpu.memref_slice %arg5[%dma_wait3A_376, %dma_wait3A_377] : memref<10240x128xf32, #tpu.memory_space<hbm>> -> memref<128x128xf32, #tpu.memory_space<hbm>>
    tpu.wait_dma2 semaphore(%arg14 : memref<!tpu.dma_semaphore, #tpu.memory_space<semaphore_mem>>) src(%dma_wait3A_378 : memref<128x128xf32, #tpu.memory_space<hbm>>) dst(%arg12 : memref<128x128xf32, #tpu.memory_space<vmem>>)
    %dma_wait3A_379 = arith.constant 0 : i32
    %dma_wait3A_380 = arith.constant 0 : i32
    %dma_wait3A_381 = tpu.memref_slice %arg5[%dma_wait3A_379, %dma_wait3A_380] : memref<10240x128xf32, #tpu.memory_space<hbm>> -> memref<128x128xf32, #tpu.memory_space<hbm>>
    %dma_wait3A_382 = arith.constant 0 : i32
    %dma_wait3A_383 = arith.constant 0 : i32
    %dma_wait3A_384 = tpu.memref_slice %arg5[%dma_wait3A_382, %dma_wait3A_383] : memref<10240x128xf32, #tpu.memory_space<hbm>> -> memref<128x128xf32, #tpu.memory_space<hbm>>
    tpu.wait_dma2 semaphore(%arg14 : memref<!tpu.dma_semaphore, #tpu.memory_space<semaphore_mem>>) src(%dma_wait3A_384 : memref<128x128xf32, #tpu.memory_space<hbm>>) dst(%arg12 : memref<128x128xf32, #tpu.memory_space<vmem>>)
    %scan3A_385 = arith.constant 16 : i32
    %scan3A_386 = arith.constant 0 : i32
    %scan3A_387 = arith.constant 8 : i32
    %scan3A_388 = arith.addi %scan3A_386, %scan3A_387 : i32
    %scan3A_389 = arith.constant 1 : i32
    scf.for %scan3A_704 = %scan3A_386 to %scan3A_388 step %scan3A_389  : i32 {
      %add3A_705 = arith.addi %scan3A_385, %scan3A_704 : i32
      %dma_start3A_706 = arith.constant 0 : i32
      %dma_start3A_707 = tpu.memref_slice %arg10[%add3A_705, %dma_start3A_706] : memref<40x128xi32, #tpu.memory_space<vmem>> -> memref<1x128xi32, #tpu.memory_space<vmem>>
      %dma_start3A_708 = tpu.memref_squeeze %dma_start3A_707 : memref<1x128xi32, #tpu.memory_space<vmem>> -> memref<128xi32, #tpu.memory_space<vmem>>
      %dma_start3A_709 = arith.constant 0 : i32
      %dma_start3A_710 = arith.constant 0 : i32
      %dma_start3A_711 = tpu.memref_slice %arg15[%dma_start3A_709, %dma_start3A_710] : memref<10240x128xf32, #tpu.memory_space<vmem_shared>> -> memref<10240x128xf32, #tpu.memory_space<vmem_shared>>
      tpu.enqueue_indirect_dma source(%arg11 : memref<128x128xf32, #tpu.memory_space<vmem>>) target(%dma_start3A_711 : memref<10240x128xf32, #tpu.memory_space<vmem_shared>>) offsets(%dma_start3A_708 : memref<128xi32, #tpu.memory_space<vmem>>) semaphore(%arg14 : memref<!tpu.dma_semaphore, #tpu.memory_space<semaphore_mem>>) {add = true}
    }
    %scan3A_390 = arith.constant 8 : i32
    %dma_wait3A_391 = arith.constant 0 : i32
    %dma_wait3A_392 = arith.constant 0 : i32
    %dma_wait3A_393 = tpu.memref_slice %arg5[%dma_wait3A_391, %dma_wait3A_392] : memref<10240x128xf32, #tpu.memory_space<hbm>> -> memref<128x128xf32, #tpu.memory_space<hbm>>
    %dma_wait3A_394 = arith.constant 0 : i32
    %dma_wait3A_395 = arith.constant 0 : i32
    %dma_wait3A_396 = tpu.memref_slice %arg5[%dma_wait3A_394, %dma_wait3A_395] : memref<10240x128xf32, #tpu.memory_space<hbm>> -> memref<128x128xf32, #tpu.memory_space<hbm>>
    tpu.wait_dma2 semaphore(%arg14 : memref<!tpu.dma_semaphore, #tpu.memory_space<semaphore_mem>>) src(%dma_wait3A_396 : memref<128x128xf32, #tpu.memory_space<hbm>>) dst(%arg12 : memref<128x128xf32, #tpu.memory_space<vmem>>)
    %dma_wait3A_397 = arith.constant 0 : i32
    %dma_wait3A_398 = arith.constant 0 : i32
    %dma_wait3A_399 = tpu.memref_slice %arg5[%dma_wait3A_397, %dma_wait3A_398] : memref<10240x128xf32, #tpu.memory_space<hbm>> -> memref<128x128xf32, #tpu.memory_space<hbm>>
    %dma_wait3A_400 = arith.constant 0 : i32
    %dma_wait3A_401 = arith.constant 0 : i32
    %dma_wait3A_402 = tpu.memref_slice %arg5[%dma_wait3A_400, %dma_wait3A_401] : memref<10240x128xf32, #tpu.memory_space<hbm>> -> memref<128x128xf32, #tpu.memory_space<hbm>>
    tpu.wait_dma2 semaphore(%arg14 : memref<!tpu.dma_semaphore, #tpu.memory_space<semaphore_mem>>) src(%dma_wait3A_402 : memref<128x128xf32, #tpu.memory_space<hbm>>) dst(%arg12 : memref<128x128xf32, #tpu.memory_space<vmem>>)
    %dma_wait3A_403 = arith.constant 0 : i32
    %dma_wait3A_404 = arith.constant 0 : i32
    %dma_wait3A_405 = tpu.memref_slice %arg5[%dma_wait3A_403, %dma_wait3A_404] : memref<10240x128xf32, #tpu.memory_space<hbm>> -> memref<128x128xf32, #tpu.memory_space<hbm>>
    %dma_wait3A_406 = arith.constant 0 : i32
    %dma_wait3A_407 = arith.constant 0 : i32
    %dma_wait3A_408 = tpu.memref_slice %arg5[%dma_wait3A_406, %dma_wait3A_407] : memref<10240x128xf32, #tpu.memory_space<hbm>> -> memref<128x128xf32, #tpu.memory_space<hbm>>
    tpu.wait_dma2 semaphore(%arg14 : memref<!tpu.dma_semaphore, #tpu.memory_space<semaphore_mem>>) src(%dma_wait3A_408 : memref<128x128xf32, #tpu.memory_space<hbm>>) dst(%arg12 : memref<128x128xf32, #tpu.memory_space<vmem>>)
    %dma_wait3A_409 = arith.constant 0 : i32
    %dma_wait3A_410 = arith.constant 0 : i32
    %dma_wait3A_411 = tpu.memref_slice %arg5[%dma_wait3A_409, %dma_wait3A_410] : memref<10240x128xf32, #tpu.memory_space<hbm>> -> memref<128x128xf32, #tpu.memory_space<hbm>>
    %dma_wait3A_412 = arith.constant 0 : i32
    %dma_wait3A_413 = arith.constant 0 : i32
    %dma_wait3A_414 = tpu.memref_slice %arg5[%dma_wait3A_412, %dma_wait3A_413] : memref<10240x128xf32, #tpu.memory_space<hbm>> -> memref<128x128xf32, #tpu.memory_space<hbm>>
    tpu.wait_dma2 semaphore(%arg14 : memref<!tpu.dma_semaphore, #tpu.memory_space<semaphore_mem>>) src(%dma_wait3A_414 : memref<128x128xf32, #tpu.memory_space<hbm>>) dst(%arg12 : memref<128x128xf32, #tpu.memory_space<vmem>>)
    %dma_wait3A_415 = arith.constant 0 : i32
    %dma_wait3A_416 = arith.constant 0 : i32
    %dma_wait3A_417 = tpu.memref_slice %arg5[%dma_wait3A_415, %dma_wait3A_416] : memref<10240x128xf32, #tpu.memory_space<hbm>> -> memref<128x128xf32, #tpu.memory_space<hbm>>
    %dma_wait3A_418 = arith.constant 0 : i32
    %dma_wait3A_419 = arith.constant 0 : i32
    %dma_wait3A_420 = tpu.memref_slice %arg5[%dma_wait3A_418, %dma_wait3A_419] : memref<10240x128xf32, #tpu.memory_space<hbm>> -> memref<128x128xf32, #tpu.memory_space<hbm>>
    tpu.wait_dma2 semaphore(%arg14 : memref<!tpu.dma_semaphore, #tpu.memory_space<semaphore_mem>>) src(%dma_wait3A_420 : memref<128x128xf32, #tpu.memory_space<hbm>>) dst(%arg12 : memref<128x128xf32, #tpu.memory_space<vmem>>)
    %dma_wait3A_421 = arith.constant 0 : i32
    %dma_wait3A_422 = arith.constant 0 : i32
    %dma_wait3A_423 = tpu.memref_slice %arg5[%dma_wait3A_421, %dma_wait3A_422] : memref<10240x128xf32, #tpu.memory_space<hbm>> -> memref<128x128xf32, #tpu.memory_space<hbm>>
    %dma_wait3A_424 = arith.constant 0 : i32
    %dma_wait3A_425 = arith.constant 0 : i32
    %dma_wait3A_426 = tpu.memref_slice %arg5[%dma_wait3A_424, %dma_wait3A_425] : memref<10240x128xf32, #tpu.memory_space<hbm>> -> memref<128x128xf32, #tpu.memory_space<hbm>>
    tpu.wait_dma2 semaphore(%arg14 : memref<!tpu.dma_semaphore, #tpu.memory_space<semaphore_mem>>) src(%dma_wait3A_426 : memref<128x128xf32, #tpu.memory_space<hbm>>) dst(%arg12 : memref<128x128xf32, #tpu.memory_space<vmem>>)
    %dma_wait3A_427 = arith.constant 0 : i32
    %dma_wait3A_428 = arith.constant 0 : i32
    %dma_wait3A_429 = tpu.memref_slice %arg5[%dma_wait3A_427, %dma_wait3A_428] : memref<10240x128xf32, #tpu.memory_space<hbm>> -> memref<128x128xf32, #tpu.memory_space<hbm>>
    %dma_wait3A_430 = arith.constant 0 : i32
    %dma_wait3A_431 = arith.constant 0 : i32
    %dma_wait3A_432 = tpu.memref_slice %arg5[%dma_wait3A_430, %dma_wait3A_431] : memref<10240x128xf32, #tpu.memory_space<hbm>> -> memref<128x128xf32, #tpu.memory_space<hbm>>
    tpu.wait_dma2 semaphore(%arg14 : memref<!tpu.dma_semaphore, #tpu.memory_space<semaphore_mem>>) src(%dma_wait3A_432 : memref<128x128xf32, #tpu.memory_space<hbm>>) dst(%arg12 : memref<128x128xf32, #tpu.memory_space<vmem>>)
    %dma_wait3A_433 = arith.constant 0 : i32
    %dma_wait3A_434 = arith.constant 0 : i32
    %dma_wait3A_435 = tpu.memref_slice %arg5[%dma_wait3A_433, %dma_wait3A_434] : memref<10240x128xf32, #tpu.memory_space<hbm>> -> memref<128x128xf32, #tpu.memory_space<hbm>>
    %dma_wait3A_436 = arith.constant 0 : i32
    %dma_wait3A_437 = arith.constant 0 : i32
    %dma_wait3A_438 = tpu.memref_slice %arg5[%dma_wait3A_436, %dma_wait3A_437] : memref<10240x128xf32, #tpu.memory_space<hbm>> -> memref<128x128xf32, #tpu.memory_space<hbm>>
    tpu.wait_dma2 semaphore(%arg14 : memref<!tpu.dma_semaphore, #tpu.memory_space<semaphore_mem>>) src(%dma_wait3A_438 : memref<128x128xf32, #tpu.memory_space<hbm>>) dst(%arg12 : memref<128x128xf32, #tpu.memory_space<vmem>>)
    %scan3A_439 = arith.constant 24 : i32
    %scan3A_440 = arith.constant 0 : i32
    %scan3A_441 = arith.constant 8 : i32
    %scan3A_442 = arith.addi %scan3A_440, %scan3A_441 : i32
    %scan3A_443 = arith.constant 1 : i32
    scf.for %scan3A_704 = %scan3A_440 to %scan3A_442 step %scan3A_443  : i32 {
      %add3A_705 = arith.addi %scan3A_439, %scan3A_704 : i32
      %dma_start3A_706 = arith.constant 0 : i32
      %dma_start3A_707 = tpu.memref_slice %arg10[%add3A_705, %dma_start3A_706] : memref<40x128xi32, #tpu.memory_space<vmem>> -> memref<1x128xi32, #tpu.memory_space<vmem>>
      %dma_start3A_708 = tpu.memref_squeeze %dma_start3A_707 : memref<1x128xi32, #tpu.memory_space<vmem>> -> memref<128xi32, #tpu.memory_space<vmem>>
      %dma_start3A_709 = arith.constant 0 : i32
      %dma_start3A_710 = arith.constant 0 : i32
      %dma_start3A_711 = tpu.memref_slice %arg15[%dma_start3A_709, %dma_start3A_710] : memref<10240x128xf32, #tpu.memory_space<vmem_shared>> -> memref<10240x128xf32, #tpu.memory_space<vmem_shared>>
      tpu.enqueue_indirect_dma source(%arg11 : memref<128x128xf32, #tpu.memory_space<vmem>>) target(%dma_start3A_711 : memref<10240x128xf32, #tpu.memory_space<vmem_shared>>) offsets(%dma_start3A_708 : memref<128xi32, #tpu.memory_space<vmem>>) semaphore(%arg14 : memref<!tpu.dma_semaphore, #tpu.memory_space<semaphore_mem>>) {add = true}
    }
    %scan3A_444 = arith.constant 8 : i32
    %dma_wait3A_445 = arith.constant 0 : i32
    %dma_wait3A_446 = arith.constant 0 : i32
    %dma_wait3A_447 = tpu.memref_slice %arg5[%dma_wait3A_445, %dma_wait3A_446] : memref<10240x128xf32, #tpu.memory_space<hbm>> -> memref<128x128xf32, #tpu.memory_space<hbm>>
    %dma_wait3A_448 = arith.constant 0 : i32
    %dma_wait3A_449 = arith.constant 0 : i32
    %dma_wait3A_450 = tpu.memref_slice %arg5[%dma_wait3A_448, %dma_wait3A_449] : memref<10240x128xf32, #tpu.memory_space<hbm>> -> memref<128x128xf32, #tpu.memory_space<hbm>>
    tpu.wait_dma2 semaphore(%arg14 : memref<!tpu.dma_semaphore, #tpu.memory_space<semaphore_mem>>) src(%dma_wait3A_450 : memref<128x128xf32, #tpu.memory_space<hbm>>) dst(%arg12 : memref<128x128xf32, #tpu.memory_space<vmem>>)
    %dma_wait3A_451 = arith.constant 0 : i32
    %dma_wait3A_452 = arith.constant 0 : i32
    %dma_wait3A_453 = tpu.memref_slice %arg5[%dma_wait3A_451, %dma_wait3A_452] : memref<10240x128xf32, #tpu.memory_space<hbm>> -> memref<128x128xf32, #tpu.memory_space<hbm>>
    %dma_wait3A_454 = arith.constant 0 : i32
    %dma_wait3A_455 = arith.constant 0 : i32
    %dma_wait3A_456 = tpu.memref_slice %arg5[%dma_wait3A_454, %dma_wait3A_455] : memref<10240x128xf32, #tpu.memory_space<hbm>> -> memref<128x128xf32, #tpu.memory_space<hbm>>
    tpu.wait_dma2 semaphore(%arg14 : memref<!tpu.dma_semaphore, #tpu.memory_space<semaphore_mem>>) src(%dma_wait3A_456 : memref<128x128xf32, #tpu.memory_space<hbm>>) dst(%arg12 : memref<128x128xf32, #tpu.memory_space<vmem>>)
    %dma_wait3A_457 = arith.constant 0 : i32
    %dma_wait3A_458 = arith.constant 0 : i32
    %dma_wait3A_459 = tpu.memref_slice %arg5[%dma_wait3A_457, %dma_wait3A_458] : memref<10240x128xf32, #tpu.memory_space<hbm>> -> memref<128x128xf32, #tpu.memory_space<hbm>>
    %dma_wait3A_460 = arith.constant 0 : i32
    %dma_wait3A_461 = arith.constant 0 : i32
    %dma_wait3A_462 = tpu.memref_slice %arg5[%dma_wait3A_460, %dma_wait3A_461] : memref<10240x128xf32, #tpu.memory_space<hbm>> -> memref<128x128xf32, #tpu.memory_space<hbm>>
    tpu.wait_dma2 semaphore(%arg14 : memref<!tpu.dma_semaphore, #tpu.memory_space<semaphore_mem>>) src(%dma_wait3A_462 : memref<128x128xf32, #tpu.memory_space<hbm>>) dst(%arg12 : memref<128x128xf32, #tpu.memory_space<vmem>>)
    %dma_wait3A_463 = arith.constant 0 : i32
    %dma_wait3A_464 = arith.constant 0 : i32
    %dma_wait3A_465 = tpu.memref_slice %arg5[%dma_wait3A_463, %dma_wait3A_464] : memref<10240x128xf32, #tpu.memory_space<hbm>> -> memref<128x128xf32, #tpu.memory_space<hbm>>
    %dma_wait3A_466 = arith.constant 0 : i32
    %dma_wait3A_467 = arith.constant 0 : i32
    %dma_wait3A_468 = tpu.memref_slice %arg5[%dma_wait3A_466, %dma_wait3A_467] : memref<10240x128xf32, #tpu.memory_space<hbm>> -> memref<128x128xf32, #tpu.memory_space<hbm>>
    tpu.wait_dma2 semaphore(%arg14 : memref<!tpu.dma_semaphore, #tpu.memory_space<semaphore_mem>>) src(%dma_wait3A_468 : memref<128x128xf32, #tpu.memory_space<hbm>>) dst(%arg12 : memref<128x128xf32, #tpu.memory_space<vmem>>)
    %dma_wait3A_469 = arith.constant 0 : i32
    %dma_wait3A_470 = arith.constant 0 : i32
    %dma_wait3A_471 = tpu.memref_slice %arg5[%dma_wait3A_469, %dma_wait3A_470] : memref<10240x128xf32, #tpu.memory_space<hbm>> -> memref<128x128xf32, #tpu.memory_space<hbm>>
    %dma_wait3A_472 = arith.constant 0 : i32
    %dma_wait3A_473 = arith.constant 0 : i32
    %dma_wait3A_474 = tpu.memref_slice %arg5[%dma_wait3A_472, %dma_wait3A_473] : memref<10240x128xf32, #tpu.memory_space<hbm>> -> memref<128x128xf32, #tpu.memory_space<hbm>>
    tpu.wait_dma2 semaphore(%arg14 : memref<!tpu.dma_semaphore, #tpu.memory_space<semaphore_mem>>) src(%dma_wait3A_474 : memref<128x128xf32, #tpu.memory_space<hbm>>) dst(%arg12 : memref<128x128xf32, #tpu.memory_space<vmem>>)
    %dma_wait3A_475 = arith.constant 0 : i32
    %dma_wait3A_476 = arith.constant 0 : i32
    %dma_wait3A_477 = tpu.memref_slice %arg5[%dma_wait3A_475, %dma_wait3A_476] : memref<10240x128xf32, #tpu.memory_space<hbm>> -> memref<128x128xf32, #tpu.memory_space<hbm>>
    %dma_wait3A_478 = arith.constant 0 : i32
    %dma_wait3A_479 = arith.constant 0 : i32
    %dma_wait3A_480 = tpu.memref_slice %arg5[%dma_wait3A_478, %dma_wait3A_479] : memref<10240x128xf32, #tpu.memory_space<hbm>> -> memref<128x128xf32, #tpu.memory_space<hbm>>
    tpu.wait_dma2 semaphore(%arg14 : memref<!tpu.dma_semaphore, #tpu.memory_space<semaphore_mem>>) src(%dma_wait3A_480 : memref<128x128xf32, #tpu.memory_space<hbm>>) dst(%arg12 : memref<128x128xf32, #tpu.memory_space<vmem>>)
    %dma_wait3A_481 = arith.constant 0 : i32
    %dma_wait3A_482 = arith.constant 0 : i32
    %dma_wait3A_483 = tpu.memref_slice %arg5[%dma_wait3A_481, %dma_wait3A_482] : memref<10240x128xf32, #tpu.memory_space<hbm>> -> memref<128x128xf32, #tpu.memory_space<hbm>>
    %dma_wait3A_484 = arith.constant 0 : i32
    %dma_wait3A_485 = arith.constant 0 : i32
    %dma_wait3A_486 = tpu.memref_slice %arg5[%dma_wait3A_484, %dma_wait3A_485] : memref<10240x128xf32, #tpu.memory_space<hbm>> -> memref<128x128xf32, #tpu.memory_space<hbm>>
    tpu.wait_dma2 semaphore(%arg14 : memref<!tpu.dma_semaphore, #tpu.memory_space<semaphore_mem>>) src(%dma_wait3A_486 : memref<128x128xf32, #tpu.memory_space<hbm>>) dst(%arg12 : memref<128x128xf32, #tpu.memory_space<vmem>>)
    %dma_wait3A_487 = arith.constant 0 : i32
    %dma_wait3A_488 = arith.constant 0 : i32
    %dma_wait3A_489 = tpu.memref_slice %arg5[%dma_wait3A_487, %dma_wait3A_488] : memref<10240x128xf32, #tpu.memory_space<hbm>> -> memref<128x128xf32, #tpu.memory_space<hbm>>
    %dma_wait3A_490 = arith.constant 0 : i32
    %dma_wait3A_491 = arith.constant 0 : i32
    %dma_wait3A_492 = tpu.memref_slice %arg5[%dma_wait3A_490, %dma_wait3A_491] : memref<10240x128xf32, #tpu.memory_space<hbm>> -> memref<128x128xf32, #tpu.memory_space<hbm>>
    tpu.wait_dma2 semaphore(%arg14 : memref<!tpu.dma_semaphore, #tpu.memory_space<semaphore_mem>>) src(%dma_wait3A_492 : memref<128x128xf32, #tpu.memory_space<hbm>>) dst(%arg12 : memref<128x128xf32, #tpu.memory_space<vmem>>)
    %scan3A_493 = arith.constant 32 : i32
    %scan3A_494 = arith.constant 0 : i32
    %scan3A_495 = arith.constant 8 : i32
    %scan3A_496 = arith.addi %scan3A_494, %scan3A_495 : i32
    %scan3A_497 = arith.constant 1 : i32
    scf.for %scan3A_704 = %scan3A_494 to %scan3A_496 step %scan3A_497  : i32 {
      %add3A_705 = arith.addi %scan3A_493, %scan3A_704 : i32
      %dma_start3A_706 = arith.constant 0 : i32
      %dma_start3A_707 = tpu.memref_slice %arg10[%add3A_705, %dma_start3A_706] : memref<40x128xi32, #tpu.memory_space<vmem>> -> memref<1x128xi32, #tpu.memory_space<vmem>>
      %dma_start3A_708 = tpu.memref_squeeze %dma_start3A_707 : memref<1x128xi32, #tpu.memory_space<vmem>> -> memref<128xi32, #tpu.memory_space<vmem>>
      %dma_start3A_709 = arith.constant 0 : i32
      %dma_start3A_710 = arith.constant 0 : i32
      %dma_start3A_711 = tpu.memref_slice %arg15[%dma_start3A_709, %dma_start3A_710] : memref<10240x128xf32, #tpu.memory_space<vmem_shared>> -> memref<10240x128xf32, #tpu.memory_space<vmem_shared>>
      tpu.enqueue_indirect_dma source(%arg11 : memref<128x128xf32, #tpu.memory_space<vmem>>) target(%dma_start3A_711 : memref<10240x128xf32, #tpu.memory_space<vmem_shared>>) offsets(%dma_start3A_708 : memref<128xi32, #tpu.memory_space<vmem>>) semaphore(%arg14 : memref<!tpu.dma_semaphore, #tpu.memory_space<semaphore_mem>>) {add = true}
    }
    %scan3A_498 = arith.constant 8 : i32
    %dma_wait3A_499 = arith.constant 0 : i32
    %dma_wait3A_500 = arith.constant 0 : i32
    %dma_wait3A_501 = tpu.memref_slice %arg5[%dma_wait3A_499, %dma_wait3A_500] : memref<10240x128xf32, #tpu.memory_space<hbm>> -> memref<128x128xf32, #tpu.memory_space<hbm>>
    %dma_wait3A_502 = arith.constant 0 : i32
    %dma_wait3A_503 = arith.constant 0 : i32
    %dma_wait3A_504 = tpu.memref_slice %arg5[%dma_wait3A_502, %dma_wait3A_503] : memref<10240x128xf32, #tpu.memory_space<hbm>> -> memref<128x128xf32, #tpu.memory_space<hbm>>
    tpu.wait_dma2 semaphore(%arg14 : memref<!tpu.dma_semaphore, #tpu.memory_space<semaphore_mem>>) src(%dma_wait3A_504 : memref<128x128xf32, #tpu.memory_space<hbm>>) dst(%arg12 : memref<128x128xf32, #tpu.memory_space<vmem>>)
    %dma_wait3A_505 = arith.constant 0 : i32
    %dma_wait3A_506 = arith.constant 0 : i32
    %dma_wait3A_507 = tpu.memref_slice %arg5[%dma_wait3A_505, %dma_wait3A_506] : memref<10240x128xf32, #tpu.memory_space<hbm>> -> memref<128x128xf32, #tpu.memory_space<hbm>>
    %dma_wait3A_508 = arith.constant 0 : i32
    %dma_wait3A_509 = arith.constant 0 : i32
    %dma_wait3A_510 = tpu.memref_slice %arg5[%dma_wait3A_508, %dma_wait3A_509] : memref<10240x128xf32, #tpu.memory_space<hbm>> -> memref<128x128xf32, #tpu.memory_space<hbm>>
    tpu.wait_dma2 semaphore(%arg14 : memref<!tpu.dma_semaphore, #tpu.memory_space<semaphore_mem>>) src(%dma_wait3A_510 : memref<128x128xf32, #tpu.memory_space<hbm>>) dst(%arg12 : memref<128x128xf32, #tpu.memory_space<vmem>>)
    %dma_wait3A_511 = arith.constant 0 : i32
    %dma_wait3A_512 = arith.constant 0 : i32
    %dma_wait3A_513 = tpu.memref_slice %arg5[%dma_wait3A_511, %dma_wait3A_512] : memref<10240x128xf32, #tpu.memory_space<hbm>> -> memref<128x128xf32, #tpu.memory_space<hbm>>
    %dma_wait3A_514 = arith.constant 0 : i32
    %dma_wait3A_515 = arith.constant 0 : i32
    %dma_wait3A_516 = tpu.memref_slice %arg5[%dma_wait3A_514, %dma_wait3A_515] : memref<10240x128xf32, #tpu.memory_space<hbm>> -> memref<128x128xf32, #tpu.memory_space<hbm>>
    tpu.wait_dma2 semaphore(%arg14 : memref<!tpu.dma_semaphore, #tpu.memory_space<semaphore_mem>>) src(%dma_wait3A_516 : memref<128x128xf32, #tpu.memory_space<hbm>>) dst(%arg12 : memref<128x128xf32, #tpu.memory_space<vmem>>)
    %dma_wait3A_517 = arith.constant 0 : i32
    %dma_wait3A_518 = arith.constant 0 : i32
    %dma_wait3A_519 = tpu.memref_slice %arg5[%dma_wait3A_517, %dma_wait3A_518] : memref<10240x128xf32, #tpu.memory_space<hbm>> -> memref<128x128xf32, #tpu.memory_space<hbm>>
    %dma_wait3A_520 = arith.constant 0 : i32
    %dma_wait3A_521 = arith.constant 0 : i32
    %dma_wait3A_522 = tpu.memref_slice %arg5[%dma_wait3A_520, %dma_wait3A_521] : memref<10240x128xf32, #tpu.memory_space<hbm>> -> memref<128x128xf32, #tpu.memory_space<hbm>>
    tpu.wait_dma2 semaphore(%arg14 : memref<!tpu.dma_semaphore, #tpu.memory_space<semaphore_mem>>) src(%dma_wait3A_522 : memref<128x128xf32, #tpu.memory_space<hbm>>) dst(%arg12 : memref<128x128xf32, #tpu.memory_space<vmem>>)
    %dma_wait3A_523 = arith.constant 0 : i32
    %dma_wait3A_524 = arith.constant 0 : i32
    %dma_wait3A_525 = tpu.memref_slice %arg5[%dma_wait3A_523, %dma_wait3A_524] : memref<10240x128xf32, #tpu.memory_space<hbm>> -> memref<128x128xf32, #tpu.memory_space<hbm>>
    %dma_wait3A_526 = arith.constant 0 : i32
    %dma_wait3A_527 = arith.constant 0 : i32
    %dma_wait3A_528 = tpu.memref_slice %arg5[%dma_wait3A_526, %dma_wait3A_527] : memref<10240x128xf32, #tpu.memory_space<hbm>> -> memref<128x128xf32, #tpu.memory_space<hbm>>
    tpu.wait_dma2 semaphore(%arg14 : memref<!tpu.dma_semaphore, #tpu.memory_space<semaphore_mem>>) src(%dma_wait3A_528 : memref<128x128xf32, #tpu.memory_space<hbm>>) dst(%arg12 : memref<128x128xf32, #tpu.memory_space<vmem>>)
    %dma_wait3A_529 = arith.constant 0 : i32
    %dma_wait3A_530 = arith.constant 0 : i32
    %dma_wait3A_531 = tpu.memref_slice %arg5[%dma_wait3A_529, %dma_wait3A_530] : memref<10240x128xf32, #tpu.memory_space<hbm>> -> memref<128x128xf32, #tpu.memory_space<hbm>>
    %dma_wait3A_532 = arith.constant 0 : i32
    %dma_wait3A_533 = arith.constant 0 : i32
    %dma_wait3A_534 = tpu.memref_slice %arg5[%dma_wait3A_532, %dma_wait3A_533] : memref<10240x128xf32, #tpu.memory_space<hbm>> -> memref<128x128xf32, #tpu.memory_space<hbm>>
    tpu.wait_dma2 semaphore(%arg14 : memref<!tpu.dma_semaphore, #tpu.memory_space<semaphore_mem>>) src(%dma_wait3A_534 : memref<128x128xf32, #tpu.memory_space<hbm>>) dst(%arg12 : memref<128x128xf32, #tpu.memory_space<vmem>>)
    %dma_wait3A_535 = arith.constant 0 : i32
    %dma_wait3A_536 = arith.constant 0 : i32
    %dma_wait3A_537 = tpu.memref_slice %arg5[%dma_wait3A_535, %dma_wait3A_536] : memref<10240x128xf32, #tpu.memory_space<hbm>> -> memref<128x128xf32, #tpu.memory_space<hbm>>
    %dma_wait3A_538 = arith.constant 0 : i32
    %dma_wait3A_539 = arith.constant 0 : i32
    %dma_wait3A_540 = tpu.memref_slice %arg5[%dma_wait3A_538, %dma_wait3A_539] : memref<10240x128xf32, #tpu.memory_space<hbm>> -> memref<128x128xf32, #tpu.memory_space<hbm>>
    tpu.wait_dma2 semaphore(%arg14 : memref<!tpu.dma_semaphore, #tpu.memory_space<semaphore_mem>>) src(%dma_wait3A_540 : memref<128x128xf32, #tpu.memory_space<hbm>>) dst(%arg12 : memref<128x128xf32, #tpu.memory_space<vmem>>)
    %dma_wait3A_541 = arith.constant 0 : i32
    %dma_wait3A_542 = arith.constant 0 : i32
    %dma_wait3A_543 = tpu.memref_slice %arg5[%dma_wait3A_541, %dma_wait3A_542] : memref<10240x128xf32, #tpu.memory_space<hbm>> -> memref<128x128xf32, #tpu.memory_space<hbm>>
    %dma_wait3A_544 = arith.constant 0 : i32
    %dma_wait3A_545 = arith.constant 0 : i32
    %dma_wait3A_546 = tpu.memref_slice %arg5[%dma_wait3A_544, %dma_wait3A_545] : memref<10240x128xf32, #tpu.memory_space<hbm>> -> memref<128x128xf32, #tpu.memory_space<hbm>>
    tpu.wait_dma2 semaphore(%arg14 : memref<!tpu.dma_semaphore, #tpu.memory_space<semaphore_mem>>) src(%dma_wait3A_546 : memref<128x128xf32, #tpu.memory_space<hbm>>) dst(%arg12 : memref<128x128xf32, #tpu.memory_space<vmem>>)
    %barrier3A_547 = arith.constant 0 : index
    tpu.barrier barrier_id(%barrier3A_547)
    %mul3A_548 = arith.constant 10240 : i32
    %mul3A_549 = arith.muli %arg0, %mul3A_548 : i32
    %add3A_550 = arith.addi %mul3A_549, %mul3A_4 : i32
    "tpu.region"() ({
      %run_scoped3A = tpu.sem_alloc : memref<!tpu.dma_semaphore, #tpu.memory_space<semaphore_mem>>
      %dma_start3A_704 = arith.constant 0 : i32
      %dma_start3A_705 = tpu.memref_slice %arg8[%add3A_550, %dma_start3A_704] : memref<20480x128xf32, #tpu.memory_space<hbm>> -> memref<640x128xf32, #tpu.memory_space<hbm>>
      %dma_start3A_706 = arith.constant 0 : i32
      %dma_start3A_707 = tpu.memref_slice %arg15[%mul3A_4, %dma_start3A_706] : memref<10240x128xf32, #tpu.memory_space<vmem_shared>> -> memref<640x128xf32, #tpu.memory_space<vmem_shared>>
      tpu.enqueue_dma source(%dma_start3A_707 : memref<640x128xf32, #tpu.memory_space<vmem_shared>>) target(%dma_start3A_705 : memref<640x128xf32, #tpu.memory_space<hbm>>) target_semaphore(%run_scoped3A : memref<!tpu.dma_semaphore, #tpu.memory_space<semaphore_mem>>)
      %dma_wait3A_708 = arith.constant 0 : i32
      %dma_wait3A_709 = tpu.memref_slice %arg8[%add3A_550, %dma_wait3A_708] : memref<20480x128xf32, #tpu.memory_space<hbm>> -> memref<640x128xf32, #tpu.memory_space<hbm>>
      %dma_wait3A_710 = arith.constant 0 : i32
      %dma_wait3A_711 = tpu.memref_slice %arg15[%mul3A_4, %dma_wait3A_710] : memref<10240x128xf32, #tpu.memory_space<vmem_shared>> -> memref<640x128xf32, #tpu.memory_space<vmem_shared>>
      tpu.wait_dma2 semaphore(%run_scoped3A : memref<!tpu.dma_semaphore, #tpu.memory_space<semaphore_mem>>) src(%dma_wait3A_711 : memref<640x128xf32, #tpu.memory_space<vmem_shared>>) dst(%dma_wait3A_709 : memref<640x128xf32, #tpu.memory_space<hbm>>)
      tpu.yield
    }) : () -> ()
    "tpu.region"() ({
      %run_scoped3A = tpu.sem_alloc : memref<!tpu.dma_semaphore, #tpu.memory_space<semaphore_mem>>
      %dma_start3A_704 = arith.constant 0 : i32
      %dma_start3A_705 = tpu.memref_slice %arg3[%mul3A_2, %dma_start3A_704] : memref<2560x128xi32, #tpu.memory_space<hbm>> -> memref<80x128xi32, #tpu.memory_space<hbm>>
      %dma_start3A_706 = arith.constant 0 : i32
      %dma_start3A_707 = tpu.memref_slice %arg3[%mul3A_2, %dma_start3A_706] : memref<2560x128xi32, #tpu.memory_space<hbm>> -> memref<80x128xi32, #tpu.memory_space<hbm>>
      tpu.enqueue_dma source(%dma_start3A_707 : memref<80x128xi32, #tpu.memory_space<hbm>>) target(%arg9 : memref<80x128xi32, #tpu.memory_space<vmem>>) target_semaphore(%run_scoped3A : memref<!tpu.dma_semaphore, #tpu.memory_space<semaphore_mem>>)
      %dma_wait3A_708 = arith.constant 0 : i32
      %dma_wait3A_709 = tpu.memref_slice %arg3[%mul3A_2, %dma_wait3A_708] : memref<2560x128xi32, #tpu.memory_space<hbm>> -> memref<80x128xi32, #tpu.memory_space<hbm>>
      %dma_wait3A_710 = arith.constant 0 : i32
      %dma_wait3A_711 = tpu.memref_slice %arg3[%mul3A_2, %dma_wait3A_710] : memref<2560x128xi32, #tpu.memory_space<hbm>> -> memref<80x128xi32, #tpu.memory_space<hbm>>
      tpu.wait_dma2 semaphore(%run_scoped3A : memref<!tpu.dma_semaphore, #tpu.memory_space<semaphore_mem>>) src(%dma_wait3A_711 : memref<80x128xi32, #tpu.memory_space<hbm>>) dst(%arg9 : memref<80x128xi32, #tpu.memory_space<vmem>>)
      tpu.yield
    }) : () -> ()
    %barrier3A_551 = arith.constant 0 : index
    tpu.barrier barrier_id(%barrier3A_551)
    %add3A_552 = arith.constant 0 : i32
    %add3A_553 = arith.addi %mul3A_2, %add3A_552 : i32
    "tpu.region"() ({
      %run_scoped3A = tpu.sem_alloc : memref<!tpu.dma_semaphore, #tpu.memory_space<semaphore_mem>>
      %dma_start3A_704 = arith.constant 0 : i32
      %dma_start3A_705 = tpu.memref_slice %arg4[%add3A_553, %dma_start3A_704] : memref<2560x128xi32, #tpu.memory_space<hbm>> -> memref<40x128xi32, #tpu.memory_space<hbm>>
      %dma_start3A_706 = arith.constant 0 : i32
      %dma_start3A_707 = tpu.memref_slice %arg4[%add3A_553, %dma_start3A_706] : memref<2560x128xi32, #tpu.memory_space<hbm>> -> memref<40x128xi32, #tpu.memory_space<hbm>>
      tpu.enqueue_dma source(%dma_start3A_707 : memref<40x128xi32, #tpu.memory_space<hbm>>) target(%arg10 : memref<40x128xi32, #tpu.memory_space<vmem>>) target_semaphore(%run_scoped3A : memref<!tpu.dma_semaphore, #tpu.memory_space<semaphore_mem>>)
      %dma_wait3A_708 = arith.constant 0 : i32
      %dma_wait3A_709 = tpu.memref_slice %arg4[%add3A_553, %dma_wait3A_708] : memref<2560x128xi32, #tpu.memory_space<hbm>> -> memref<40x128xi32, #tpu.memory_space<hbm>>
      %dma_wait3A_710 = arith.constant 0 : i32
      %dma_wait3A_711 = tpu.memref_slice %arg4[%add3A_553, %dma_wait3A_710] : memref<2560x128xi32, #tpu.memory_space<hbm>> -> memref<40x128xi32, #tpu.memory_space<hbm>>
      tpu.wait_dma2 semaphore(%run_scoped3A : memref<!tpu.dma_semaphore, #tpu.memory_space<semaphore_mem>>) src(%dma_wait3A_711 : memref<40x128xi32, #tpu.memory_space<hbm>>) dst(%arg10 : memref<40x128xi32, #tpu.memory_space<vmem>>)
      tpu.yield
    }) : () -> ()
    %dma_start3A = arith.constant 0 : i32
    %dma_start3A_554 = arith.constant 0 : i32
    %dma_start3A_555 = tpu.memref_slice %arg9[%dma_start3A, %dma_start3A_554] : memref<80x128xi32, #tpu.memory_space<vmem>> -> memref<1x128xi32, #tpu.memory_space<vmem>>
    %dma_start3A_556 = tpu.memref_squeeze %dma_start3A_555 : memref<1x128xi32, #tpu.memory_space<vmem>> -> memref<128xi32, #tpu.memory_space<vmem>>
    %dma_start3A_557 = arith.constant 0 : i32
    %dma_start3A_558 = arith.constant 0 : i32
    %dma_start3A_559 = tpu.memref_slice %arg2[%dma_start3A_557, %dma_start3A_558] : memref<10240x128xf32, #tpu.memory_space<hbm>> -> memref<10240x128xf32, #tpu.memory_space<hbm>>
    tpu.enqueue_indirect_dma source(%dma_start3A_559 : memref<10240x128xf32, #tpu.memory_space<hbm>>) target(%arg11 : memref<128x128xf32, #tpu.memory_space<vmem>>) offsets(%dma_start3A_556 : memref<128xi32, #tpu.memory_space<vmem>>) semaphore(%arg13 : memref<!tpu.dma_semaphore, #tpu.memory_space<semaphore_mem>>)
    %dma_wait3A_560 = arith.constant 0 : i32
    %dma_wait3A_561 = arith.constant 0 : i32
    %dma_wait3A_562 = tpu.memref_slice %arg9[%dma_wait3A_560, %dma_wait3A_561] : memref<80x128xi32, #tpu.memory_space<vmem>> -> memref<1x128xi32, #tpu.memory_space<vmem>>
    %dma_wait3A_563 = tpu.memref_squeeze %dma_wait3A_562 : memref<1x128xi32, #tpu.memory_space<vmem>> -> memref<128xi32, #tpu.memory_space<vmem>>
    %dma_wait3A_564 = arith.constant 0 : i32
    %dma_wait3A_565 = arith.constant 0 : i32
    %dma_wait3A_566 = tpu.memref_slice %arg2[%dma_wait3A_564, %dma_wait3A_565] : memref<10240x128xf32, #tpu.memory_space<hbm>> -> memref<10240x128xf32, #tpu.memory_space<hbm>>
    tpu.wait_indirect_dma semaphore(%arg13 : memref<!tpu.dma_semaphore, #tpu.memory_space<semaphore_mem>>) src(%dma_wait3A_566 : memref<10240x128xf32, #tpu.memory_space<hbm>>) dst(%arg11 : memref<128x128xf32, #tpu.memory_space<vmem>>)
    %dma_start3A_567 = arith.constant 0 : i32
    %dma_start3A_568 = arith.constant 0 : i32
    %dma_start3A_569 = tpu.memref_slice %arg10[%dma_start3A_567, %dma_start3A_568] : memref<40x128xi32, #tpu.memory_space<vmem>> -> memref<1x128xi32, #tpu.memory_space<vmem>>
    %dma_start3A_570 = tpu.memref_squeeze %dma_start3A_569 : memref<1x128xi32, #tpu.memory_space<vmem>> -> memref<128xi32, #tpu.memory_space<vmem>>
    %dma_start3A_571 = arith.constant 0 : i32
    %dma_start3A_572 = arith.constant 0 : i32
    %dma_start3A_573 = tpu.memref_slice %arg15[%dma_start3A_571, %dma_start3A_572] : memref<10240x128xf32, #tpu.memory_space<vmem_shared>> -> memref<10240x128xf32, #tpu.memory_space<vmem_shared>>
    tpu.enqueue_indirect_dma source(%arg11 : memref<128x128xf32, #tpu.memory_space<vmem>>) target(%dma_start3A_573 : memref<10240x128xf32, #tpu.memory_space<vmem_shared>>) offsets(%dma_start3A_570 : memref<128xi32, #tpu.memory_space<vmem>>) semaphore(%arg14 : memref<!tpu.dma_semaphore, #tpu.memory_space<semaphore_mem>>) {add = true}
    %dma_start3A_574 = arith.constant 1 : i32
    %dma_start3A_575 = arith.constant 0 : i32
    %dma_start3A_576 = tpu.memref_slice %arg9[%dma_start3A_574, %dma_start3A_575] : memref<80x128xi32, #tpu.memory_space<vmem>> -> memref<1x128xi32, #tpu.memory_space<vmem>>
    %dma_start3A_577 = tpu.memref_squeeze %dma_start3A_576 : memref<1x128xi32, #tpu.memory_space<vmem>> -> memref<128xi32, #tpu.memory_space<vmem>>
    %dma_start3A_578 = arith.constant 0 : i32
    %dma_start3A_579 = arith.constant 0 : i32
    %dma_start3A_580 = tpu.memref_slice %arg2[%dma_start3A_578, %dma_start3A_579] : memref<10240x128xf32, #tpu.memory_space<hbm>> -> memref<10240x128xf32, #tpu.memory_space<hbm>>
    tpu.enqueue_indirect_dma source(%dma_start3A_580 : memref<10240x128xf32, #tpu.memory_space<hbm>>) target(%arg12 : memref<128x128xf32, #tpu.memory_space<vmem>>) offsets(%dma_start3A_577 : memref<128xi32, #tpu.memory_space<vmem>>) semaphore(%arg13 : memref<!tpu.dma_semaphore, #tpu.memory_space<semaphore_mem>>)
    %dma_wait3A_581 = arith.constant 0 : i32
    %dma_wait3A_582 = arith.constant 0 : i32
    %dma_wait3A_583 = tpu.memref_slice %arg9[%dma_wait3A_581, %dma_wait3A_582] : memref<80x128xi32, #tpu.memory_space<vmem>> -> memref<1x128xi32, #tpu.memory_space<vmem>>
    %dma_wait3A_584 = tpu.memref_squeeze %dma_wait3A_583 : memref<1x128xi32, #tpu.memory_space<vmem>> -> memref<128xi32, #tpu.memory_space<vmem>>
    %dma_wait3A_585 = arith.constant 0 : i32
    %dma_wait3A_586 = arith.constant 0 : i32
    %dma_wait3A_587 = tpu.memref_slice %arg2[%dma_wait3A_585, %dma_wait3A_586] : memref<10240x128xf32, #tpu.memory_space<hbm>> -> memref<10240x128xf32, #tpu.memory_space<hbm>>
    tpu.wait_indirect_dma semaphore(%arg13 : memref<!tpu.dma_semaphore, #tpu.memory_space<semaphore_mem>>) src(%dma_wait3A_587 : memref<10240x128xf32, #tpu.memory_space<hbm>>) dst(%arg12 : memref<128x128xf32, #tpu.memory_space<vmem>>)
    %dma_start3A_588 = arith.constant 1 : i32
    %dma_start3A_589 = arith.constant 0 : i32
    %dma_start3A_590 = tpu.memref_slice %arg10[%dma_start3A_588, %dma_start3A_589] : memref<40x128xi32, #tpu.memory_space<vmem>> -> memref<1x128xi32, #tpu.memory_space<vmem>>
    %dma_start3A_591 = tpu.memref_squeeze %dma_start3A_590 : memref<1x128xi32, #tpu.memory_space<vmem>> -> memref<128xi32, #tpu.memory_space<vmem>>
    %dma_start3A_592 = arith.constant 0 : i32
    %dma_start3A_593 = arith.constant 0 : i32
    %dma_start3A_594 = tpu.memref_slice %arg15[%dma_start3A_592, %dma_start3A_593] : memref<10240x128xf32, #tpu.memory_space<vmem_shared>> -> memref<10240x128xf32, #tpu.memory_space<vmem_shared>>
    tpu.enqueue_indirect_dma source(%arg12 : memref<128x128xf32, #tpu.memory_space<vmem>>) target(%dma_start3A_594 : memref<10240x128xf32, #tpu.memory_space<vmem_shared>>) offsets(%dma_start3A_591 : memref<128xi32, #tpu.memory_space<vmem>>) semaphore(%arg14 : memref<!tpu.dma_semaphore, #tpu.memory_space<semaphore_mem>>) {add = true}
    %dma_wait3A_595 = arith.constant 0 : i32
    %dma_wait3A_596 = arith.constant 0 : i32
    %dma_wait3A_597 = tpu.memref_slice %arg5[%dma_wait3A_595, %dma_wait3A_596] : memref<10240x128xf32, #tpu.memory_space<hbm>> -> memref<128x128xf32, #tpu.memory_space<hbm>>
    %dma_wait3A_598 = arith.constant 0 : i32
    %dma_wait3A_599 = arith.constant 0 : i32
    %dma_wait3A_600 = tpu.memref_slice %arg5[%dma_wait3A_598, %dma_wait3A_599] : memref<10240x128xf32, #tpu.memory_space<hbm>> -> memref<128x128xf32, #tpu.memory_space<hbm>>
    tpu.wait_dma2 semaphore(%arg14 : memref<!tpu.dma_semaphore, #tpu.memory_space<semaphore_mem>>) src(%dma_wait3A_600 : memref<128x128xf32, #tpu.memory_space<hbm>>) dst(%arg12 : memref<128x128xf32, #tpu.memory_space<vmem>>)
    %dma_start3A_601 = arith.constant 2 : i32
    %dma_start3A_602 = arith.constant 0 : i32
    %dma_start3A_603 = tpu.memref_slice %arg9[%dma_start3A_601, %dma_start3A_602] : memref<80x128xi32, #tpu.memory_space<vmem>> -> memref<1x128xi32, #tpu.memory_space<vmem>>
    %dma_start3A_604 = tpu.memref_squeeze %dma_start3A_603 : memref<1x128xi32, #tpu.memory_space<vmem>> -> memref<128xi32, #tpu.memory_space<vmem>>
    %dma_start3A_605 = arith.constant 0 : i32
    %dma_start3A_606 = arith.constant 0 : i32
    %dma_start3A_607 = tpu.memref_slice %arg2[%dma_start3A_605, %dma_start3A_606] : memref<10240x128xf32, #tpu.memory_space<hbm>> -> memref<10240x128xf32, #tpu.memory_space<hbm>>
    tpu.enqueue_indirect_dma source(%dma_start3A_607 : memref<10240x128xf32, #tpu.memory_space<hbm>>) target(%arg11 : memref<128x128xf32, #tpu.memory_space<vmem>>) offsets(%dma_start3A_604 : memref<128xi32, #tpu.memory_space<vmem>>) semaphore(%arg13 : memref<!tpu.dma_semaphore, #tpu.memory_space<semaphore_mem>>)
    %scan3A_608 = arith.constant 0 : i32
    %scan3A_609 = arith.constant 1 : i32
    %scan3A_610 = arith.constant 19 : i32
    %scan3A_611 = arith.addi %scan3A_609, %scan3A_610 : i32
    %scan3A_612 = arith.constant 1 : i32
    scf.for %scan3A_704 = %scan3A_609 to %scan3A_611 step %scan3A_612  : i32 {
      %mul3A_705 = arith.constant 40 : i32
      %mul3A_706 = arith.muli %scan3A_608, %mul3A_705 : i32
      %mul3A_707 = arith.constant 2 : i32
      %mul3A_708 = arith.muli %mul3A_707, %scan3A_704 : i32
      %add3A_709 = arith.addi %mul3A_706, %mul3A_708 : i32
      %mul3A_710 = arith.constant 40 : i32
      %mul3A_711 = arith.muli %scan3A_608, %mul3A_710 : i32
      %add3A_712 = arith.constant 40 : i32
      %add3A_713 = arith.addi %mul3A_711, %add3A_712 : i32
      %sub3A = arith.constant 1 : i32
      %sub3A_714 = arith.subi %add3A_713, %sub3A : i32
      %dma_wait3A_715 = arith.constant 0 : i32
      %dma_wait3A_716 = arith.constant 0 : i32
      %dma_wait3A_717 = tpu.memref_slice %arg9[%dma_wait3A_715, %dma_wait3A_716] : memref<80x128xi32, #tpu.memory_space<vmem>> -> memref<1x128xi32, #tpu.memory_space<vmem>>
      %dma_wait3A_718 = tpu.memref_squeeze %dma_wait3A_717 : memref<1x128xi32, #tpu.memory_space<vmem>> -> memref<128xi32, #tpu.memory_space<vmem>>
      %dma_wait3A_719 = arith.constant 0 : i32
      %dma_wait3A_720 = arith.constant 0 : i32
      %dma_wait3A_721 = tpu.memref_slice %arg2[%dma_wait3A_719, %dma_wait3A_720] : memref<10240x128xf32, #tpu.memory_space<hbm>> -> memref<10240x128xf32, #tpu.memory_space<hbm>>
      tpu.wait_indirect_dma semaphore(%arg13 : memref<!tpu.dma_semaphore, #tpu.memory_space<semaphore_mem>>) src(%dma_wait3A_721 : memref<10240x128xf32, #tpu.memory_space<hbm>>) dst(%arg11 : memref<128x128xf32, #tpu.memory_space<vmem>>)
      %mul3A_722 = arith.constant 2 : i32
      %mul3A_723 = arith.muli %mul3A_722, %scan3A_704 : i32
      %dma_start3A_724 = arith.constant 0 : i32
      %dma_start3A_725 = tpu.memref_slice %arg10[%mul3A_723, %dma_start3A_724] : memref<40x128xi32, #tpu.memory_space<vmem>> -> memref<1x128xi32, #tpu.memory_space<vmem>>
      %dma_start3A_726 = tpu.memref_squeeze %dma_start3A_725 : memref<1x128xi32, #tpu.memory_space<vmem>> -> memref<128xi32, #tpu.memory_space<vmem>>
      %dma_start3A_727 = arith.constant 0 : i32
      %dma_start3A_728 = arith.constant 0 : i32
      %dma_start3A_729 = tpu.memref_slice %arg15[%dma_start3A_727, %dma_start3A_728] : memref<10240x128xf32, #tpu.memory_space<vmem_shared>> -> memref<10240x128xf32, #tpu.memory_space<vmem_shared>>
      tpu.enqueue_indirect_dma source(%arg11 : memref<128x128xf32, #tpu.memory_space<vmem>>) target(%dma_start3A_729 : memref<10240x128xf32, #tpu.memory_space<vmem_shared>>) offsets(%dma_start3A_726 : memref<128xi32, #tpu.memory_space<vmem>>) semaphore(%arg14 : memref<!tpu.dma_semaphore, #tpu.memory_space<semaphore_mem>>) {add = true}
      %dma_wait3A_730 = arith.constant 0 : i32
      %dma_wait3A_731 = arith.constant 0 : i32
      %dma_wait3A_732 = tpu.memref_slice %arg5[%dma_wait3A_730, %dma_wait3A_731] : memref<10240x128xf32, #tpu.memory_space<hbm>> -> memref<128x128xf32, #tpu.memory_space<hbm>>
      %dma_wait3A_733 = arith.constant 0 : i32
      %dma_wait3A_734 = arith.constant 0 : i32
      %dma_wait3A_735 = tpu.memref_slice %arg5[%dma_wait3A_733, %dma_wait3A_734] : memref<10240x128xf32, #tpu.memory_space<hbm>> -> memref<128x128xf32, #tpu.memory_space<hbm>>
      tpu.wait_dma2 semaphore(%arg14 : memref<!tpu.dma_semaphore, #tpu.memory_space<semaphore_mem>>) src(%dma_wait3A_735 : memref<128x128xf32, #tpu.memory_space<hbm>>) dst(%arg12 : memref<128x128xf32, #tpu.memory_space<vmem>>)
      %add3A_736 = arith.constant 1 : i32
      %add3A_737 = arith.addi %add3A_709, %add3A_736 : i32
      %dma_start3A_738 = arith.constant 0 : i32
      %dma_start3A_739 = tpu.memref_slice %arg9[%add3A_737, %dma_start3A_738] : memref<80x128xi32, #tpu.memory_space<vmem>> -> memref<1x128xi32, #tpu.memory_space<vmem>>
      %dma_start3A_740 = tpu.memref_squeeze %dma_start3A_739 : memref<1x128xi32, #tpu.memory_space<vmem>> -> memref<128xi32, #tpu.memory_space<vmem>>
      %dma_start3A_741 = arith.constant 0 : i32
      %dma_start3A_742 = arith.constant 0 : i32
      %dma_start3A_743 = tpu.memref_slice %arg2[%dma_start3A_741, %dma_start3A_742] : memref<10240x128xf32, #tpu.memory_space<hbm>> -> memref<10240x128xf32, #tpu.memory_space<hbm>>
      tpu.enqueue_indirect_dma source(%dma_start3A_743 : memref<10240x128xf32, #tpu.memory_space<hbm>>) target(%arg12 : memref<128x128xf32, #tpu.memory_space<vmem>>) offsets(%dma_start3A_740 : memref<128xi32, #tpu.memory_space<vmem>>) semaphore(%arg13 : memref<!tpu.dma_semaphore, #tpu.memory_space<semaphore_mem>>)
      %dma_wait3A_744 = arith.constant 0 : i32
      %dma_wait3A_745 = arith.constant 0 : i32
      %dma_wait3A_746 = tpu.memref_slice %arg9[%dma_wait3A_744, %dma_wait3A_745] : memref<80x128xi32, #tpu.memory_space<vmem>> -> memref<1x128xi32, #tpu.memory_space<vmem>>
      %dma_wait3A_747 = tpu.memref_squeeze %dma_wait3A_746 : memref<1x128xi32, #tpu.memory_space<vmem>> -> memref<128xi32, #tpu.memory_space<vmem>>
      %dma_wait3A_748 = arith.constant 0 : i32
      %dma_wait3A_749 = arith.constant 0 : i32
      %dma_wait3A_750 = tpu.memref_slice %arg2[%dma_wait3A_748, %dma_wait3A_749] : memref<10240x128xf32, #tpu.memory_space<hbm>> -> memref<10240x128xf32, #tpu.memory_space<hbm>>
      tpu.wait_indirect_dma semaphore(%arg13 : memref<!tpu.dma_semaphore, #tpu.memory_space<semaphore_mem>>) src(%dma_wait3A_750 : memref<10240x128xf32, #tpu.memory_space<hbm>>) dst(%arg12 : memref<128x128xf32, #tpu.memory_space<vmem>>)
      %mul3A_751 = arith.constant 2 : i32
      %mul3A_752 = arith.muli %mul3A_751, %scan3A_704 : i32
      %add3A_753 = arith.constant 1 : i32
      %add3A_754 = arith.addi %mul3A_752, %add3A_753 : i32
      %dma_start3A_755 = arith.constant 0 : i32
      %dma_start3A_756 = tpu.memref_slice %arg10[%add3A_754, %dma_start3A_755] : memref<40x128xi32, #tpu.memory_space<vmem>> -> memref<1x128xi32, #tpu.memory_space<vmem>>
      %dma_start3A_757 = tpu.memref_squeeze %dma_start3A_756 : memref<1x128xi32, #tpu.memory_space<vmem>> -> memref<128xi32, #tpu.memory_space<vmem>>
      %dma_start3A_758 = arith.constant 0 : i32
      %dma_start3A_759 = arith.constant 0 : i32
      %dma_start3A_760 = tpu.memref_slice %arg15[%dma_start3A_758, %dma_start3A_759] : memref<10240x128xf32, #tpu.memory_space<vmem_shared>> -> memref<10240x128xf32, #tpu.memory_space<vmem_shared>>
      tpu.enqueue_indirect_dma source(%arg12 : memref<128x128xf32, #tpu.memory_space<vmem>>) target(%dma_start3A_760 : memref<10240x128xf32, #tpu.memory_space<vmem_shared>>) offsets(%dma_start3A_757 : memref<128xi32, #tpu.memory_space<vmem>>) semaphore(%arg14 : memref<!tpu.dma_semaphore, #tpu.memory_space<semaphore_mem>>) {add = true}
      %dma_wait3A_761 = arith.constant 0 : i32
      %dma_wait3A_762 = arith.constant 0 : i32
      %dma_wait3A_763 = tpu.memref_slice %arg5[%dma_wait3A_761, %dma_wait3A_762] : memref<10240x128xf32, #tpu.memory_space<hbm>> -> memref<128x128xf32, #tpu.memory_space<hbm>>
      %dma_wait3A_764 = arith.constant 0 : i32
      %dma_wait3A_765 = arith.constant 0 : i32
      %dma_wait3A_766 = tpu.memref_slice %arg5[%dma_wait3A_764, %dma_wait3A_765] : memref<10240x128xf32, #tpu.memory_space<hbm>> -> memref<128x128xf32, #tpu.memory_space<hbm>>
      tpu.wait_dma2 semaphore(%arg14 : memref<!tpu.dma_semaphore, #tpu.memory_space<semaphore_mem>>) src(%dma_wait3A_766 : memref<128x128xf32, #tpu.memory_space<hbm>>) dst(%arg12 : memref<128x128xf32, #tpu.memory_space<vmem>>)
      %add3A_767 = arith.constant 2 : i32
      %add3A_768 = arith.addi %add3A_709, %add3A_767 : i32
      %min3A = arith.minsi %add3A_768, %sub3A_714 : i32
      %dma_start3A_769 = arith.constant 0 : i32
      %dma_start3A_770 = tpu.memref_slice %arg9[%min3A, %dma_start3A_769] : memref<80x128xi32, #tpu.memory_space<vmem>> -> memref<1x128xi32, #tpu.memory_space<vmem>>
      %dma_start3A_771 = tpu.memref_squeeze %dma_start3A_770 : memref<1x128xi32, #tpu.memory_space<vmem>> -> memref<128xi32, #tpu.memory_space<vmem>>
      %dma_start3A_772 = arith.constant 0 : i32
      %dma_start3A_773 = arith.constant 0 : i32
      %dma_start3A_774 = tpu.memref_slice %arg2[%dma_start3A_772, %dma_start3A_773] : memref<10240x128xf32, #tpu.memory_space<hbm>> -> memref<10240x128xf32, #tpu.memory_space<hbm>>
      tpu.enqueue_indirect_dma source(%dma_start3A_774 : memref<10240x128xf32, #tpu.memory_space<hbm>>) target(%arg11 : memref<128x128xf32, #tpu.memory_space<vmem>>) offsets(%dma_start3A_771 : memref<128xi32, #tpu.memory_space<vmem>>) semaphore(%arg13 : memref<!tpu.dma_semaphore, #tpu.memory_space<semaphore_mem>>)
    }
    %scan3A_613 = arith.constant 19 : i32
    %dma_wait3A_614 = arith.constant 0 : i32
    %dma_wait3A_615 = arith.constant 0 : i32
    %dma_wait3A_616 = tpu.memref_slice %arg5[%dma_wait3A_614, %dma_wait3A_615] : memref<10240x128xf32, #tpu.memory_space<hbm>> -> memref<128x128xf32, #tpu.memory_space<hbm>>
    %dma_wait3A_617 = arith.constant 0 : i32
    %dma_wait3A_618 = arith.constant 0 : i32
    %dma_wait3A_619 = tpu.memref_slice %arg5[%dma_wait3A_617, %dma_wait3A_618] : memref<10240x128xf32, #tpu.memory_space<hbm>> -> memref<128x128xf32, #tpu.memory_space<hbm>>
    tpu.wait_dma2 semaphore(%arg14 : memref<!tpu.dma_semaphore, #tpu.memory_space<semaphore_mem>>) src(%dma_wait3A_619 : memref<128x128xf32, #tpu.memory_space<hbm>>) dst(%arg12 : memref<128x128xf32, #tpu.memory_space<vmem>>)
    %dma_wait3A_620 = arith.constant 0 : i32
    %dma_wait3A_621 = arith.constant 0 : i32
    %dma_wait3A_622 = tpu.memref_slice %arg9[%dma_wait3A_620, %dma_wait3A_621] : memref<80x128xi32, #tpu.memory_space<vmem>> -> memref<1x128xi32, #tpu.memory_space<vmem>>
    %dma_wait3A_623 = tpu.memref_squeeze %dma_wait3A_622 : memref<1x128xi32, #tpu.memory_space<vmem>> -> memref<128xi32, #tpu.memory_space<vmem>>
    %dma_wait3A_624 = arith.constant 0 : i32
    %dma_wait3A_625 = arith.constant 0 : i32
    %dma_wait3A_626 = tpu.memref_slice %arg2[%dma_wait3A_624, %dma_wait3A_625] : memref<10240x128xf32, #tpu.memory_space<hbm>> -> memref<10240x128xf32, #tpu.memory_space<hbm>>
    tpu.wait_indirect_dma semaphore(%arg13 : memref<!tpu.dma_semaphore, #tpu.memory_space<semaphore_mem>>) src(%dma_wait3A_626 : memref<10240x128xf32, #tpu.memory_space<hbm>>) dst(%arg11 : memref<128x128xf32, #tpu.memory_space<vmem>>)
    %add3A_627 = arith.constant 40 : i32
    %add3A_628 = arith.addi %mul3A_2, %add3A_627 : i32
    "tpu.region"() ({
      %run_scoped3A = tpu.sem_alloc : memref<!tpu.dma_semaphore, #tpu.memory_space<semaphore_mem>>
      %dma_start3A_704 = arith.constant 0 : i32
      %dma_start3A_705 = tpu.memref_slice %arg4[%add3A_628, %dma_start3A_704] : memref<2560x128xi32, #tpu.memory_space<hbm>> -> memref<40x128xi32, #tpu.memory_space<hbm>>
      %dma_start3A_706 = arith.constant 0 : i32
      %dma_start3A_707 = tpu.memref_slice %arg4[%add3A_628, %dma_start3A_706] : memref<2560x128xi32, #tpu.memory_space<hbm>> -> memref<40x128xi32, #tpu.memory_space<hbm>>
      tpu.enqueue_dma source(%dma_start3A_707 : memref<40x128xi32, #tpu.memory_space<hbm>>) target(%arg10 : memref<40x128xi32, #tpu.memory_space<vmem>>) target_semaphore(%run_scoped3A : memref<!tpu.dma_semaphore, #tpu.memory_space<semaphore_mem>>)
      %dma_wait3A_708 = arith.constant 0 : i32
      %dma_wait3A_709 = tpu.memref_slice %arg4[%add3A_628, %dma_wait3A_708] : memref<2560x128xi32, #tpu.memory_space<hbm>> -> memref<40x128xi32, #tpu.memory_space<hbm>>
      %dma_wait3A_710 = arith.constant 0 : i32
      %dma_wait3A_711 = tpu.memref_slice %arg4[%add3A_628, %dma_wait3A_710] : memref<2560x128xi32, #tpu.memory_space<hbm>> -> memref<40x128xi32, #tpu.memory_space<hbm>>
      tpu.wait_dma2 semaphore(%run_scoped3A : memref<!tpu.dma_semaphore, #tpu.memory_space<semaphore_mem>>) src(%dma_wait3A_711 : memref<40x128xi32, #tpu.memory_space<hbm>>) dst(%arg10 : memref<40x128xi32, #tpu.memory_space<vmem>>)
      tpu.yield
    }) : () -> ()
    %dma_start3A_629 = arith.constant 40 : i32
    %dma_start3A_630 = arith.constant 0 : i32
    %dma_start3A_631 = tpu.memref_slice %arg9[%dma_start3A_629, %dma_start3A_630] : memref<80x128xi32, #tpu.memory_space<vmem>> -> memref<1x128xi32, #tpu.memory_space<vmem>>
    %dma_start3A_632 = tpu.memref_squeeze %dma_start3A_631 : memref<1x128xi32, #tpu.memory_space<vmem>> -> memref<128xi32, #tpu.memory_space<vmem>>
    %dma_start3A_633 = arith.constant 0 : i32
    %dma_start3A_634 = arith.constant 0 : i32
    %dma_start3A_635 = tpu.memref_slice %arg2[%dma_start3A_633, %dma_start3A_634] : memref<10240x128xf32, #tpu.memory_space<hbm>> -> memref<10240x128xf32, #tpu.memory_space<hbm>>
    tpu.enqueue_indirect_dma source(%dma_start3A_635 : memref<10240x128xf32, #tpu.memory_space<hbm>>) target(%arg11 : memref<128x128xf32, #tpu.memory_space<vmem>>) offsets(%dma_start3A_632 : memref<128xi32, #tpu.memory_space<vmem>>) semaphore(%arg13 : memref<!tpu.dma_semaphore, #tpu.memory_space<semaphore_mem>>)
    %dma_wait3A_636 = arith.constant 0 : i32
    %dma_wait3A_637 = arith.constant 0 : i32
    %dma_wait3A_638 = tpu.memref_slice %arg9[%dma_wait3A_636, %dma_wait3A_637] : memref<80x128xi32, #tpu.memory_space<vmem>> -> memref<1x128xi32, #tpu.memory_space<vmem>>
    %dma_wait3A_639 = tpu.memref_squeeze %dma_wait3A_638 : memref<1x128xi32, #tpu.memory_space<vmem>> -> memref<128xi32, #tpu.memory_space<vmem>>
    %dma_wait3A_640 = arith.constant 0 : i32
    %dma_wait3A_641 = arith.constant 0 : i32
    %dma_wait3A_642 = tpu.memref_slice %arg2[%dma_wait3A_640, %dma_wait3A_641] : memref<10240x128xf32, #tpu.memory_space<hbm>> -> memref<10240x128xf32, #tpu.memory_space<hbm>>
    tpu.wait_indirect_dma semaphore(%arg13 : memref<!tpu.dma_semaphore, #tpu.memory_space<semaphore_mem>>) src(%dma_wait3A_642 : memref<10240x128xf32, #tpu.memory_space<hbm>>) dst(%arg11 : memref<128x128xf32, #tpu.memory_space<vmem>>)
    %dma_start3A_643 = arith.constant 0 : i32
    %dma_start3A_644 = arith.constant 0 : i32
    %dma_start3A_645 = tpu.memref_slice %arg10[%dma_start3A_643, %dma_start3A_644] : memref<40x128xi32, #tpu.memory_space<vmem>> -> memref<1x128xi32, #tpu.memory_space<vmem>>
    %dma_start3A_646 = tpu.memref_squeeze %dma_start3A_645 : memref<1x128xi32, #tpu.memory_space<vmem>> -> memref<128xi32, #tpu.memory_space<vmem>>
    %dma_start3A_647 = arith.constant 0 : i32
    %dma_start3A_648 = arith.constant 0 : i32
    %dma_start3A_649 = tpu.memref_slice %arg15[%dma_start3A_647, %dma_start3A_648] : memref<10240x128xf32, #tpu.memory_space<vmem_shared>> -> memref<10240x128xf32, #tpu.memory_space<vmem_shared>>
    tpu.enqueue_indirect_dma source(%arg11 : memref<128x128xf32, #tpu.memory_space<vmem>>) target(%dma_start3A_649 : memref<10240x128xf32, #tpu.memory_space<vmem_shared>>) offsets(%dma_start3A_646 : memref<128xi32, #tpu.memory_space<vmem>>) semaphore(%arg14 : memref<!tpu.dma_semaphore, #tpu.memory_space<semaphore_mem>>) {add = true}
    %dma_start3A_650 = arith.constant 41 : i32
    %dma_start3A_651 = arith.constant 0 : i32
    %dma_start3A_652 = tpu.memref_slice %arg9[%dma_start3A_650, %dma_start3A_651] : memref<80x128xi32, #tpu.memory_space<vmem>> -> memref<1x128xi32, #tpu.memory_space<vmem>>
    %dma_start3A_653 = tpu.memref_squeeze %dma_start3A_652 : memref<1x128xi32, #tpu.memory_space<vmem>> -> memref<128xi32, #tpu.memory_space<vmem>>
    %dma_start3A_654 = arith.constant 0 : i32
    %dma_start3A_655 = arith.constant 0 : i32
    %dma_start3A_656 = tpu.memref_slice %arg2[%dma_start3A_654, %dma_start3A_655] : memref<10240x128xf32, #tpu.memory_space<hbm>> -> memref<10240x128xf32, #tpu.memory_space<hbm>>
    tpu.enqueue_indirect_dma source(%dma_start3A_656 : memref<10240x128xf32, #tpu.memory_space<hbm>>) target(%arg12 : memref<128x128xf32, #tpu.memory_space<vmem>>) offsets(%dma_start3A_653 : memref<128xi32, #tpu.memory_space<vmem>>) semaphore(%arg13 : memref<!tpu.dma_semaphore, #tpu.memory_space<semaphore_mem>>)
    %dma_wait3A_657 = arith.constant 0 : i32
    %dma_wait3A_658 = arith.constant 0 : i32
    %dma_wait3A_659 = tpu.memref_slice %arg9[%dma_wait3A_657, %dma_wait3A_658] : memref<80x128xi32, #tpu.memory_space<vmem>> -> memref<1x128xi32, #tpu.memory_space<vmem>>
    %dma_wait3A_660 = tpu.memref_squeeze %dma_wait3A_659 : memref<1x128xi32, #tpu.memory_space<vmem>> -> memref<128xi32, #tpu.memory_space<vmem>>
    %dma_wait3A_661 = arith.constant 0 : i32
    %dma_wait3A_662 = arith.constant 0 : i32
    %dma_wait3A_663 = tpu.memref_slice %arg2[%dma_wait3A_661, %dma_wait3A_662] : memref<10240x128xf32, #tpu.memory_space<hbm>> -> memref<10240x128xf32, #tpu.memory_space<hbm>>
    tpu.wait_indirect_dma semaphore(%arg13 : memref<!tpu.dma_semaphore, #tpu.memory_space<semaphore_mem>>) src(%dma_wait3A_663 : memref<10240x128xf32, #tpu.memory_space<hbm>>) dst(%arg12 : memref<128x128xf32, #tpu.memory_space<vmem>>)
    %dma_start3A_664 = arith.constant 1 : i32
    %dma_start3A_665 = arith.constant 0 : i32
    %dma_start3A_666 = tpu.memref_slice %arg10[%dma_start3A_664, %dma_start3A_665] : memref<40x128xi32, #tpu.memory_space<vmem>> -> memref<1x128xi32, #tpu.memory_space<vmem>>
    %dma_start3A_667 = tpu.memref_squeeze %dma_start3A_666 : memref<1x128xi32, #tpu.memory_space<vmem>> -> memref<128xi32, #tpu.memory_space<vmem>>
    %dma_start3A_668 = arith.constant 0 : i32
    %dma_start3A_669 = arith.constant 0 : i32
    %dma_start3A_670 = tpu.memref_slice %arg15[%dma_start3A_668, %dma_start3A_669] : memref<10240x128xf32, #tpu.memory_space<vmem_shared>> -> memref<10240x128xf32, #tpu.memory_space<vmem_shared>>
    tpu.enqueue_indirect_dma source(%arg12 : memref<128x128xf32, #tpu.memory_space<vmem>>) target(%dma_start3A_670 : memref<10240x128xf32, #tpu.memory_space<vmem_shared>>) offsets(%dma_start3A_667 : memref<128xi32, #tpu.memory_space<vmem>>) semaphore(%arg14 : memref<!tpu.dma_semaphore, #tpu.memory_space<semaphore_mem>>) {add = true}
    %dma_wait3A_671 = arith.constant 0 : i32
    %dma_wait3A_672 = arith.constant 0 : i32
    %dma_wait3A_673 = tpu.memref_slice %arg5[%dma_wait3A_671, %dma_wait3A_672] : memref<10240x128xf32, #tpu.memory_space<hbm>> -> memref<128x128xf32, #tpu.memory_space<hbm>>
    %dma_wait3A_674 = arith.constant 0 : i32
    %dma_wait3A_675 = arith.constant 0 : i32
    %dma_wait3A_676 = tpu.memref_slice %arg5[%dma_wait3A_674, %dma_wait3A_675] : memref<10240x128xf32, #tpu.memory_space<hbm>> -> memref<128x128xf32, #tpu.memory_space<hbm>>
    tpu.wait_dma2 semaphore(%arg14 : memref<!tpu.dma_semaphore, #tpu.memory_space<semaphore_mem>>) src(%dma_wait3A_676 : memref<128x128xf32, #tpu.memory_space<hbm>>) dst(%arg12 : memref<128x128xf32, #tpu.memory_space<vmem>>)
    %dma_start3A_677 = arith.constant 42 : i32
    %dma_start3A_678 = arith.constant 0 : i32
    %dma_start3A_679 = tpu.memref_slice %arg9[%dma_start3A_677, %dma_start3A_678] : memref<80x128xi32, #tpu.memory_space<vmem>> -> memref<1x128xi32, #tpu.memory_space<vmem>>
    %dma_start3A_680 = tpu.memref_squeeze %dma_start3A_679 : memref<1x128xi32, #tpu.memory_space<vmem>> -> memref<128xi32, #tpu.memory_space<vmem>>
    %dma_start3A_681 = arith.constant 0 : i32
    %dma_start3A_682 = arith.constant 0 : i32
    %dma_start3A_683 = tpu.memref_slice %arg2[%dma_start3A_681, %dma_start3A_682] : memref<10240x128xf32, #tpu.memory_space<hbm>> -> memref<10240x128xf32, #tpu.memory_space<hbm>>
    tpu.enqueue_indirect_dma source(%dma_start3A_683 : memref<10240x128xf32, #tpu.memory_space<hbm>>) target(%arg11 : memref<128x128xf32, #tpu.memory_space<vmem>>) offsets(%dma_start3A_680 : memref<128xi32, #tpu.memory_space<vmem>>) semaphore(%arg13 : memref<!tpu.dma_semaphore, #tpu.memory_space<semaphore_mem>>)
    %scan3A_684 = arith.constant 1 : i32
    %scan3A_685 = arith.constant 1 : i32
    %scan3A_686 = arith.constant 19 : i32
    %scan3A_687 = arith.addi %scan3A_685, %scan3A_686 : i32
    %scan3A_688 = arith.constant 1 : i32
    scf.for %scan3A_704 = %scan3A_685 to %scan3A_687 step %scan3A_688  : i32 {
      %mul3A_705 = arith.constant 40 : i32
      %mul3A_706 = arith.muli %scan3A_684, %mul3A_705 : i32
      %mul3A_707 = arith.constant 2 : i32
      %mul3A_708 = arith.muli %mul3A_707, %scan3A_704 : i32
      %add3A_709 = arith.addi %mul3A_706, %mul3A_708 : i32
      %mul3A_710 = arith.constant 40 : i32
      %mul3A_711 = arith.muli %scan3A_684, %mul3A_710 : i32
      %add3A_712 = arith.constant 40 : i32
      %add3A_713 = arith.addi %mul3A_711, %add3A_712 : i32
      %sub3A = arith.constant 1 : i32
      %sub3A_714 = arith.subi %add3A_713, %sub3A : i32
      %dma_wait3A_715 = arith.constant 0 : i32
      %dma_wait3A_716 = arith.constant 0 : i32
      %dma_wait3A_717 = tpu.memref_slice %arg9[%dma_wait3A_715, %dma_wait3A_716] : memref<80x128xi32, #tpu.memory_space<vmem>> -> memref<1x128xi32, #tpu.memory_space<vmem>>
      %dma_wait3A_718 = tpu.memref_squeeze %dma_wait3A_717 : memref<1x128xi32, #tpu.memory_space<vmem>> -> memref<128xi32, #tpu.memory_space<vmem>>
      %dma_wait3A_719 = arith.constant 0 : i32
      %dma_wait3A_720 = arith.constant 0 : i32
      %dma_wait3A_721 = tpu.memref_slice %arg2[%dma_wait3A_719, %dma_wait3A_720] : memref<10240x128xf32, #tpu.memory_space<hbm>> -> memref<10240x128xf32, #tpu.memory_space<hbm>>
      tpu.wait_indirect_dma semaphore(%arg13 : memref<!tpu.dma_semaphore, #tpu.memory_space<semaphore_mem>>) src(%dma_wait3A_721 : memref<10240x128xf32, #tpu.memory_space<hbm>>) dst(%arg11 : memref<128x128xf32, #tpu.memory_space<vmem>>)
      %mul3A_722 = arith.constant 2 : i32
      %mul3A_723 = arith.muli %mul3A_722, %scan3A_704 : i32
      %dma_start3A_724 = arith.constant 0 : i32
      %dma_start3A_725 = tpu.memref_slice %arg10[%mul3A_723, %dma_start3A_724] : memref<40x128xi32, #tpu.memory_space<vmem>> -> memref<1x128xi32, #tpu.memory_space<vmem>>
      %dma_start3A_726 = tpu.memref_squeeze %dma_start3A_725 : memref<1x128xi32, #tpu.memory_space<vmem>> -> memref<128xi32, #tpu.memory_space<vmem>>
      %dma_start3A_727 = arith.constant 0 : i32
      %dma_start3A_728 = arith.constant 0 : i32
      %dma_start3A_729 = tpu.memref_slice %arg15[%dma_start3A_727, %dma_start3A_728] : memref<10240x128xf32, #tpu.memory_space<vmem_shared>> -> memref<10240x128xf32, #tpu.memory_space<vmem_shared>>
      tpu.enqueue_indirect_dma source(%arg11 : memref<128x128xf32, #tpu.memory_space<vmem>>) target(%dma_start3A_729 : memref<10240x128xf32, #tpu.memory_space<vmem_shared>>) offsets(%dma_start3A_726 : memref<128xi32, #tpu.memory_space<vmem>>) semaphore(%arg14 : memref<!tpu.dma_semaphore, #tpu.memory_space<semaphore_mem>>) {add = true}
      %dma_wait3A_730 = arith.constant 0 : i32
      %dma_wait3A_731 = arith.constant 0 : i32
      %dma_wait3A_732 = tpu.memref_slice %arg5[%dma_wait3A_730, %dma_wait3A_731] : memref<10240x128xf32, #tpu.memory_space<hbm>> -> memref<128x128xf32, #tpu.memory_space<hbm>>
      %dma_wait3A_733 = arith.constant 0 : i32
      %dma_wait3A_734 = arith.constant 0 : i32
      %dma_wait3A_735 = tpu.memref_slice %arg5[%dma_wait3A_733, %dma_wait3A_734] : memref<10240x128xf32, #tpu.memory_space<hbm>> -> memref<128x128xf32, #tpu.memory_space<hbm>>
      tpu.wait_dma2 semaphore(%arg14 : memref<!tpu.dma_semaphore, #tpu.memory_space<semaphore_mem>>) src(%dma_wait3A_735 : memref<128x128xf32, #tpu.memory_space<hbm>>) dst(%arg12 : memref<128x128xf32, #tpu.memory_space<vmem>>)
      %add3A_736 = arith.constant 1 : i32
      %add3A_737 = arith.addi %add3A_709, %add3A_736 : i32
      %dma_start3A_738 = arith.constant 0 : i32
      %dma_start3A_739 = tpu.memref_slice %arg9[%add3A_737, %dma_start3A_738] : memref<80x128xi32, #tpu.memory_space<vmem>> -> memref<1x128xi32, #tpu.memory_space<vmem>>
      %dma_start3A_740 = tpu.memref_squeeze %dma_start3A_739 : memref<1x128xi32, #tpu.memory_space<vmem>> -> memref<128xi32, #tpu.memory_space<vmem>>
      %dma_start3A_741 = arith.constant 0 : i32
      %dma_start3A_742 = arith.constant 0 : i32
      %dma_start3A_743 = tpu.memref_slice %arg2[%dma_start3A_741, %dma_start3A_742] : memref<10240x128xf32, #tpu.memory_space<hbm>> -> memref<10240x128xf32, #tpu.memory_space<hbm>>
      tpu.enqueue_indirect_dma source(%dma_start3A_743 : memref<10240x128xf32, #tpu.memory_space<hbm>>) target(%arg12 : memref<128x128xf32, #tpu.memory_space<vmem>>) offsets(%dma_start3A_740 : memref<128xi32, #tpu.memory_space<vmem>>) semaphore(%arg13 : memref<!tpu.dma_semaphore, #tpu.memory_space<semaphore_mem>>)
      %dma_wait3A_744 = arith.constant 0 : i32
      %dma_wait3A_745 = arith.constant 0 : i32
      %dma_wait3A_746 = tpu.memref_slice %arg9[%dma_wait3A_744, %dma_wait3A_745] : memref<80x128xi32, #tpu.memory_space<vmem>> -> memref<1x128xi32, #tpu.memory_space<vmem>>
      %dma_wait3A_747 = tpu.memref_squeeze %dma_wait3A_746 : memref<1x128xi32, #tpu.memory_space<vmem>> -> memref<128xi32, #tpu.memory_space<vmem>>
      %dma_wait3A_748 = arith.constant 0 : i32
      %dma_wait3A_749 = arith.constant 0 : i32
      %dma_wait3A_750 = tpu.memref_slice %arg2[%dma_wait3A_748, %dma_wait3A_749] : memref<10240x128xf32, #tpu.memory_space<hbm>> -> memref<10240x128xf32, #tpu.memory_space<hbm>>
      tpu.wait_indirect_dma semaphore(%arg13 : memref<!tpu.dma_semaphore, #tpu.memory_space<semaphore_mem>>) src(%dma_wait3A_750 : memref<10240x128xf32, #tpu.memory_space<hbm>>) dst(%arg12 : memref<128x128xf32, #tpu.memory_space<vmem>>)
      %mul3A_751 = arith.constant 2 : i32
      %mul3A_752 = arith.muli %mul3A_751, %scan3A_704 : i32
      %add3A_753 = arith.constant 1 : i32
      %add3A_754 = arith.addi %mul3A_752, %add3A_753 : i32
      %dma_start3A_755 = arith.constant 0 : i32
      %dma_start3A_756 = tpu.memref_slice %arg10[%add3A_754, %dma_start3A_755] : memref<40x128xi32, #tpu.memory_space<vmem>> -> memref<1x128xi32, #tpu.memory_space<vmem>>
      %dma_start3A_757 = tpu.memref_squeeze %dma_start3A_756 : memref<1x128xi32, #tpu.memory_space<vmem>> -> memref<128xi32, #tpu.memory_space<vmem>>
      %dma_start3A_758 = arith.constant 0 : i32
      %dma_start3A_759 = arith.constant 0 : i32
      %dma_start3A_760 = tpu.memref_slice %arg15[%dma_start3A_758, %dma_start3A_759] : memref<10240x128xf32, #tpu.memory_space<vmem_shared>> -> memref<10240x128xf32, #tpu.memory_space<vmem_shared>>
      tpu.enqueue_indirect_dma source(%arg12 : memref<128x128xf32, #tpu.memory_space<vmem>>) target(%dma_start3A_760 : memref<10240x128xf32, #tpu.memory_space<vmem_shared>>) offsets(%dma_start3A_757 : memref<128xi32, #tpu.memory_space<vmem>>) semaphore(%arg14 : memref<!tpu.dma_semaphore, #tpu.memory_space<semaphore_mem>>) {add = true}
      %dma_wait3A_761 = arith.constant 0 : i32
      %dma_wait3A_762 = arith.constant 0 : i32
      %dma_wait3A_763 = tpu.memref_slice %arg5[%dma_wait3A_761, %dma_wait3A_762] : memref<10240x128xf32, #tpu.memory_space<hbm>> -> memref<128x128xf32, #tpu.memory_space<hbm>>
      %dma_wait3A_764 = arith.constant 0 : i32
      %dma_wait3A_765 = arith.constant 0 : i32
      %dma_wait3A_766 = tpu.memref_slice %arg5[%dma_wait3A_764, %dma_wait3A_765] : memref<10240x128xf32, #tpu.memory_space<hbm>> -> memref<128x128xf32, #tpu.memory_space<hbm>>
      tpu.wait_dma2 semaphore(%arg14 : memref<!tpu.dma_semaphore, #tpu.memory_space<semaphore_mem>>) src(%dma_wait3A_766 : memref<128x128xf32, #tpu.memory_space<hbm>>) dst(%arg12 : memref<128x128xf32, #tpu.memory_space<vmem>>)
      %add3A_767 = arith.constant 2 : i32
      %add3A_768 = arith.addi %add3A_709, %add3A_767 : i32
      %min3A = arith.minsi %add3A_768, %sub3A_714 : i32
      %dma_start3A_769 = arith.constant 0 : i32
      %dma_start3A_770 = tpu.memref_slice %arg9[%min3A, %dma_start3A_769] : memref<80x128xi32, #tpu.memory_space<vmem>> -> memref<1x128xi32, #tpu.memory_space<vmem>>
      %dma_start3A_771 = tpu.memref_squeeze %dma_start3A_770 : memref<1x128xi32, #tpu.memory_space<vmem>> -> memref<128xi32, #tpu.memory_space<vmem>>
      %dma_start3A_772 = arith.constant 0 : i32
      %dma_start3A_773 = arith.constant 0 : i32
      %dma_start3A_774 = tpu.memref_slice %arg2[%dma_start3A_772, %dma_start3A_773] : memref<10240x128xf32, #tpu.memory_space<hbm>> -> memref<10240x128xf32, #tpu.memory_space<hbm>>
      tpu.enqueue_indirect_dma source(%dma_start3A_774 : memref<10240x128xf32, #tpu.memory_space<hbm>>) target(%arg11 : memref<128x128xf32, #tpu.memory_space<vmem>>) offsets(%dma_start3A_771 : memref<128xi32, #tpu.memory_space<vmem>>) semaphore(%arg13 : memref<!tpu.dma_semaphore, #tpu.memory_space<semaphore_mem>>)
    }
    %scan3A_689 = arith.constant 19 : i32
    %dma_wait3A_690 = arith.constant 0 : i32
    %dma_wait3A_691 = arith.constant 0 : i32
    %dma_wait3A_692 = tpu.memref_slice %arg5[%dma_wait3A_690, %dma_wait3A_691] : memref<10240x128xf32, #tpu.memory_space<hbm>> -> memref<128x128xf32, #tpu.memory_space<hbm>>
    %dma_wait3A_693 = arith.constant 0 : i32
    %dma_wait3A_694 = arith.constant 0 : i32
    %dma_wait3A_695 = tpu.memref_slice %arg5[%dma_wait3A_693, %dma_wait3A_694] : memref<10240x128xf32, #tpu.memory_space<hbm>> -> memref<128x128xf32, #tpu.memory_space<hbm>>
    tpu.wait_dma2 semaphore(%arg14 : memref<!tpu.dma_semaphore, #tpu.memory_space<semaphore_mem>>) src(%dma_wait3A_695 : memref<128x128xf32, #tpu.memory_space<hbm>>) dst(%arg12 : memref<128x128xf32, #tpu.memory_space<vmem>>)
    %dma_wait3A_696 = arith.constant 0 : i32
    %dma_wait3A_697 = arith.constant 0 : i32
    %dma_wait3A_698 = tpu.memref_slice %arg9[%dma_wait3A_696, %dma_wait3A_697] : memref<80x128xi32, #tpu.memory_space<vmem>> -> memref<1x128xi32, #tpu.memory_space<vmem>>
    %dma_wait3A_699 = tpu.memref_squeeze %dma_wait3A_698 : memref<1x128xi32, #tpu.memory_space<vmem>> -> memref<128xi32, #tpu.memory_space<vmem>>
    %dma_wait3A_700 = arith.constant 0 : i32
    %dma_wait3A_701 = arith.constant 0 : i32
    %dma_wait3A_702 = tpu.memref_slice %arg2[%dma_wait3A_700, %dma_wait3A_701] : memref<10240x128xf32, #tpu.memory_space<hbm>> -> memref<10240x128xf32, #tpu.memory_space<hbm>>
    tpu.wait_indirect_dma semaphore(%arg13 : memref<!tpu.dma_semaphore, #tpu.memory_space<semaphore_mem>>) src(%dma_wait3A_702 : memref<10240x128xf32, #tpu.memory_space<hbm>>) dst(%arg11 : memref<128x128xf32, #tpu.memory_space<vmem>>)
    %barrier3A_703 = arith.constant 0 : index
    tpu.barrier barrier_id(%barrier3A_703)
    "tpu.region"() ({
      %run_scoped3A = tpu.sem_alloc : memref<!tpu.dma_semaphore, #tpu.memory_space<semaphore_mem>>
      %dma_start3A_704 = arith.constant 0 : i32
      %dma_start3A_705 = tpu.memref_slice %arg7[%add3A_550, %dma_start3A_704] : memref<20480x128xf32, #tpu.memory_space<hbm>> -> memref<640x128xf32, #tpu.memory_space<hbm>>
      %dma_start3A_706 = arith.constant 0 : i32
      %dma_start3A_707 = tpu.memref_slice %arg15[%mul3A_4, %dma_start3A_706] : memref<10240x128xf32, #tpu.memory_space<vmem_shared>> -> memref<640x128xf32, #tpu.memory_space<vmem_shared>>
      tpu.enqueue_dma source(%dma_start3A_707 : memref<640x128xf32, #tpu.memory_space<vmem_shared>>) target(%dma_start3A_705 : memref<640x128xf32, #tpu.memory_space<hbm>>) target_semaphore(%run_scoped3A : memref<!tpu.dma_semaphore, #tpu.memory_space<semaphore_mem>>)
      %dma_wait3A_708 = arith.constant 0 : i32
      %dma_wait3A_709 = tpu.memref_slice %arg7[%add3A_550, %dma_wait3A_708] : memref<20480x128xf32, #tpu.memory_space<hbm>> -> memref<640x128xf32, #tpu.memory_space<hbm>>
      %dma_wait3A_710 = arith.constant 0 : i32
      %dma_wait3A_711 = tpu.memref_slice %arg15[%mul3A_4, %dma_wait3A_710] : memref<10240x128xf32, #tpu.memory_space<vmem_shared>> -> memref<640x128xf32, #tpu.memory_space<vmem_shared>>
      tpu.wait_dma2 semaphore(%run_scoped3A : memref<!tpu.dma_semaphore, #tpu.memory_space<semaphore_mem>>) src(%dma_wait3A_711 : memref<640x128xf32, #tpu.memory_space<vmem_shared>>) dst(%dma_wait3A_709 : memref<640x128xf32, #tpu.memory_space<hbm>>)
      tpu.yield
    }) : () -> ()
    return
  }
}

module attributes {stable_mosaic.version = 14 : i64} {
  func.func @body(%arg0: i32, %arg1: memref<640x128xf32, #tpu.memory_space<vmem>>, %arg2: memref<1x128xf32, #tpu.memory_space<vmem>>, %arg3: memref<1x128xf32, #tpu.memory_space<vmem>>, %arg4: memref<128x128xf32, #tpu.memory_space<vmem>>, %arg5: memref<1x128xf32, #tpu.memory_space<vmem>>, %arg6: memref<640x128xf32, #tpu.memory_space<vmem>>) attributes {dimension_semantics = [#tpu.dimension_semantics<arbitrary>], iteration_bounds = array<i64: 16>, scalar_prefetch = 0 : i64, scratch_operands = 0 : i64, tpu.core_type = #tpu.core_type<tc>, window_params = [{transform_indices = @transform_0, window_bounds = array<i64: 640, 128>}, {pipeline_mode = #tpu.pipeline_mode<synchronous>, transform_indices = @transform_1, window_bounds = array<i64: 1, 128>}, {pipeline_mode = #tpu.pipeline_mode<synchronous>, transform_indices = @transform_2, window_bounds = array<i64: 1, 128>}, {pipeline_mode = #tpu.pipeline_mode<synchronous>, transform_indices = @transform_3, window_bounds = array<i64: 128, 128>}, {pipeline_mode = #tpu.pipeline_mode<synchronous>, transform_indices = @transform_4, window_bounds = array<i64: 1, 128>}, {transform_indices = @transform_5, window_bounds = array<i64: 640, 128>}]} {
    %get3A = arith.constant 0 : index
    %get3A_0 = arith.constant 0 : index
    %get3A_1 = vector.load %arg1[%get3A, %get3A_0] : memref<640x128xf32, #tpu.memory_space<vmem>>, vector<640x128xf32>
    %get3A_2 = arith.constant 0 : index
    %get3A_3 = arith.constant 0 : index
    %get3A_4 = vector.load %arg2[%get3A_2, %get3A_3] : memref<1x128xf32, #tpu.memory_space<vmem>>, vector<1x128xf32>
    %get3A_5 = arith.constant 0 : index
    %get3A_6 = arith.constant 0 : index
    %get3A_7 = vector.load %arg3[%get3A_5, %get3A_6] : memref<1x128xf32, #tpu.memory_space<vmem>>, vector<1x128xf32>
    %reduce_sum3A = arith.constant dense<0.000000e+00> : vector<640xf32>
    %reduce_sum3A_8 = vector.multi_reduction <add>, %get3A_1, %reduce_sum3A [1] : vector<640x128xf32> to vector<640xf32>
    %broadcast_in_dim3A = vector.shape_cast %reduce_sum3A_8 : vector<640xf32> to vector<640x1xf32>
    %div3A = arith.constant 1.280000e+02 : f32
    %div3A_9 = vector.broadcast %div3A : f32 to vector<640x1xf32>
    %div3A_10 = arith.divf %broadcast_in_dim3A, %div3A_9 : vector<640x1xf32>
    %jit3A = arith.constant 0 : i32
    %reduce_sum3A_11 = arith.constant dense<0.000000e+00> : vector<640xf32>
    %reduce_sum3A_12 = vector.multi_reduction <add>, %get3A_1, %reduce_sum3A_11 [1] : vector<640x128xf32> to vector<640xf32>
    %broadcast_in_dim3A_13 = vector.shape_cast %reduce_sum3A_12 : vector<640xf32> to vector<640x1xf32>
    %div3A_14 = arith.constant 1.280000e+02 : f32
    %div3A_15 = vector.broadcast %div3A_14 : f32 to vector<640x1xf32>
    %div3A_16 = arith.divf %broadcast_in_dim3A_13, %div3A_15 : vector<640x1xf32>
    %sub3A = vector.broadcast %div3A_16 : vector<640x1xf32> to vector<640x128xf32>
    %sub3A_17 = arith.subf %get3A_1, %sub3A : vector<640x128xf32>
    %square3A = arith.mulf %sub3A_17, %sub3A_17 : vector<640x128xf32>
    %convert_element_type3A = arith.sitofp %jit3A : i32 to f32
    %sub3A_18 = arith.constant 1.280000e+02 : f32
    %sub3A_19 = arith.subf %sub3A_18, %convert_element_type3A : f32
    %reduce_sum3A_20 = arith.constant dense<0.000000e+00> : vector<640xf32>
    %reduce_sum3A_21 = vector.multi_reduction <add>, %square3A, %reduce_sum3A_20 [1] : vector<640x128xf32> to vector<640xf32>
    %broadcast_in_dim3A_22 = vector.shape_cast %reduce_sum3A_21 : vector<640xf32> to vector<640x1xf32>
    %div3A_23 = vector.broadcast %sub3A_19 : f32 to vector<640x1xf32>
    %div3A_24 = arith.divf %broadcast_in_dim3A_22, %div3A_23 : vector<640x1xf32>
    %gt3A = arith.constant 0.000000e+00 : f32
    %gt3A_25 = arith.cmpf ogt, %sub3A_19, %gt3A : f32
    %jit3A_26 = arith.constant 0x7FC00000 : f32
    %broadcast_in_dim3A_27 = vector.broadcast %jit3A_26 : f32 to vector<640x1xf32>
    %select_n3A = arith.select %gt3A_25, %div3A_24, %broadcast_in_dim3A_27 : vector<640x1xf32>
    %sub3A_28 = vector.broadcast %div3A_10 : vector<640x1xf32> to vector<640x128xf32>
    %sub3A_29 = arith.subf %get3A_1, %sub3A_28 : vector<640x128xf32>
    %add3A = arith.constant 9.99999974E-6 : f32
    %add3A_30 = vector.broadcast %add3A : f32 to vector<640x1xf32>
    %add3A_31 = arith.addf %select_n3A, %add3A_30 : vector<640x1xf32>
    %sqrt3A = math.sqrt %add3A_31 : vector<640x1xf32>
    %div3A_32 = vector.broadcast %sqrt3A : vector<640x1xf32> to vector<640x128xf32>
    %div3A_33 = arith.divf %sub3A_29, %div3A_32 : vector<640x128xf32>
    %mul3A = vector.broadcast %get3A_4 : vector<1x128xf32> to vector<640x128xf32>
    %mul3A_34 = arith.mulf %div3A_33, %mul3A : vector<640x128xf32>
    %add3A_35 = vector.broadcast %get3A_7 : vector<1x128xf32> to vector<640x128xf32>
    %add3A_36 = arith.addf %mul3A_34, %add3A_35 : vector<640x128xf32>
    %get3A_37 = arith.constant 0 : index
    %get3A_38 = arith.constant 0 : index
    %get3A_39 = vector.load %arg4[%get3A_37, %get3A_38] : memref<128x128xf32, #tpu.memory_space<vmem>>, vector<128x128xf32>
    %dot_general3A = arith.constant dense<0.000000e+00> : vector<640x128xf32>
    %dot_general3A_40 = tpu.matmul %add3A_36, %get3A_39, %dot_general3A {dimension_numbers = #tpu.dot_dimension_numbers<[1], [0], [0], [1], [0, 0, 1, 1], [], []>, transpose_lhs_hint = false} : vector<640x128xf32>, vector<128x128xf32>, vector<640x128xf32> -> vector<640x128xf32>
    %get3A_41 = arith.constant 0 : index
    %get3A_42 = arith.constant 0 : index
    %get3A_43 = vector.load %arg5[%get3A_41, %get3A_42] : memref<1x128xf32, #tpu.memory_space<vmem>>, vector<1x128xf32>
    %add3A_44 = vector.broadcast %get3A_43 : vector<1x128xf32> to vector<640x128xf32>
    %add3A_45 = arith.addf %dot_general3A_40, %add3A_44 : vector<640x128xf32>
    %swap3A = arith.constant 0 : index
    %swap3A_46 = arith.constant 0 : index
    %swap3A_47 = vector.load %arg6[%swap3A, %swap3A_46] : memref<640x128xf32, #tpu.memory_space<vmem>>, vector<640x128xf32>
    tpu.vector_store %arg6[%swap3A, %swap3A_46], %add3A_45 {strides = array<i32>} : memref<640x128xf32, #tpu.memory_space<vmem>>, vector<640x128xf32>,
    return
  }
  func.func @transform_0(%arg0: i32) -> (i32, i32) {
    %c0_i32 = arith.constant 0 : i32
    %c0_i32_0 = arith.constant 0 : i32
    return %arg0, %c0_i32 : i32, i32
  }
  func.func @transform_1(%arg0: i32) -> (i32, i32) {
    %c0_i32 = arith.constant 0 : i32
    %c0_i32_0 = arith.constant 0 : i32
    %c0_i32_1 = arith.constant 0 : i32
    return %c0_i32, %c0_i32_0 : i32, i32
  }
  func.func @transform_2(%arg0: i32) -> (i32, i32) {
    %c0_i32 = arith.constant 0 : i32
    %c0_i32_0 = arith.constant 0 : i32
    %c0_i32_1 = arith.constant 0 : i32
    return %c0_i32, %c0_i32_0 : i32, i32
  }
  func.func @transform_3(%arg0: i32) -> (i32, i32) {
    %c0_i32 = arith.constant 0 : i32
    %c0_i32_0 = arith.constant 0 : i32
    %c0_i32_1 = arith.constant 0 : i32
    return %c0_i32, %c0_i32_0 : i32, i32
  }
  func.func @transform_4(%arg0: i32) -> (i32, i32) {
    %c0_i32 = arith.constant 0 : i32
    %c0_i32_0 = arith.constant 0 : i32
    %c0_i32_1 = arith.constant 0 : i32
    return %c0_i32, %c0_i32_0 : i32, i32
  }
  func.func @transform_5(%arg0: i32) -> (i32, i32) {
    %c0_i32 = arith.constant 0 : i32
    %c0_i32_0 = arith.constant 0 : i32
    return %arg0, %c0_i32 : i32, i32
  }
}

module attributes {stable_mosaic.version = 14 : i64} {
  func.func @body(%arg0: i32, %arg1: memref<640x128xf32, #tpu.memory_space<vmem>>, %arg2: memref<640x128xf32, #tpu.memory_space<vmem>>, %arg3: memref<640x128xf32, #tpu.memory_space<vmem>>, %arg4: memref<640x128xf32, #tpu.memory_space<vmem>>, %arg5: memref<128x128xf32, #tpu.memory_space<vmem>>, %arg6: memref<1x128xf32, #tpu.memory_space<vmem>>, %arg7: memref<1x128xf32, #tpu.memory_space<vmem>>, %arg8: memref<1x128xf32, #tpu.memory_space<vmem>>, %arg9: memref<128x128xf32, #tpu.memory_space<vmem>>, %arg10: memref<1x128xf32, #tpu.memory_space<vmem>>, %arg11: memref<640x128xf32, #tpu.memory_space<vmem>>) attributes {dimension_semantics = [#tpu.dimension_semantics<arbitrary>], iteration_bounds = array<i64: 16>, scalar_prefetch = 0 : i64, scratch_operands = 0 : i64, tpu.core_type = #tpu.core_type<tc>, window_params = [{transform_indices = @transform_0, window_bounds = array<i64: 640, 128>}, {transform_indices = @transform_1, window_bounds = array<i64: 640, 128>}, {transform_indices = @transform_2, window_bounds = array<i64: 640, 128>}, {transform_indices = @transform_3, window_bounds = array<i64: 640, 128>}, {pipeline_mode = #tpu.pipeline_mode<synchronous>, transform_indices = @transform_4, window_bounds = array<i64: 128, 128>}, {pipeline_mode = #tpu.pipeline_mode<synchronous>, transform_indices = @transform_5, window_bounds = array<i64: 1, 128>}, {pipeline_mode = #tpu.pipeline_mode<synchronous>, transform_indices = @transform_6, window_bounds = array<i64: 1, 128>}, {pipeline_mode = #tpu.pipeline_mode<synchronous>, transform_indices = @transform_7, window_bounds = array<i64: 1, 128>}, {pipeline_mode = #tpu.pipeline_mode<synchronous>, transform_indices = @transform_8, window_bounds = array<i64: 128, 128>}, {pipeline_mode = #tpu.pipeline_mode<synchronous>, transform_indices = @transform_9, window_bounds = array<i64: 1, 128>}, {transform_indices = @transform_10, window_bounds = array<i64: 640, 128>}]} {
    %get3A = arith.constant 0 : index
    %get3A_0 = arith.constant 0 : index
    %get3A_1 = vector.load %arg3[%get3A, %get3A_0] : memref<640x128xf32, #tpu.memory_space<vmem>>, vector<640x128xf32>
    %get3A_2 = arith.constant 0 : index
    %get3A_3 = arith.constant 0 : index
    %get3A_4 = vector.load %arg4[%get3A_2, %get3A_3] : memref<640x128xf32, #tpu.memory_space<vmem>>, vector<640x128xf32>
    %add3A = arith.addf %get3A_1, %get3A_4 : vector<640x128xf32>
    %get3A_5 = arith.constant 0 : index
    %get3A_6 = arith.constant 0 : index
    %get3A_7 = vector.load %arg1[%get3A_5, %get3A_6] : memref<640x128xf32, #tpu.memory_space<vmem>>, vector<640x128xf32>
    %get3A_8 = arith.constant 0 : index
    %get3A_9 = arith.constant 0 : index
    %get3A_10 = vector.load %arg2[%get3A_8, %get3A_9] : memref<640x128xf32, #tpu.memory_space<vmem>>, vector<640x128xf32>
    %add3A_11 = arith.addf %get3A_7, %get3A_10 : vector<640x128xf32>
    %sub3A = arith.subf %add3A_11, %add3A : vector<640x128xf32>
    %slice3A = vector.extract_strided_slice %add3A {offsets = [0, 0], sizes = [640, 1], strides = [1, 1]} : vector<640x128xf32> to vector<640x1xf32>
    %jit3A = arith.constant 1.000000e+00 : f32
    %max3A = vector.broadcast %jit3A : f32 to vector<640x1xf32>
    %max3A_12 = arith.maximumf %max3A, %slice3A : vector<640x1xf32>
    %div3A = vector.broadcast %max3A_12 : vector<640x1xf32> to vector<640x128xf32>
    %div3A_13 = arith.divf %sub3A, %div3A : vector<640x128xf32>
    %get3A_14 = arith.constant 0 : index
    %get3A_15 = arith.constant 0 : index
    %get3A_16 = vector.load %arg5[%get3A_14, %get3A_15] : memref<128x128xf32, #tpu.memory_space<vmem>>, vector<128x128xf32>
    %dot_general3A = arith.constant dense<0.000000e+00> : vector<640x128xf32>
    %dot_general3A_17 = tpu.matmul %div3A_13, %get3A_16, %dot_general3A {dimension_numbers = #tpu.dot_dimension_numbers<[1], [0], [0], [1], [0, 0, 1, 1], [], []>, transpose_lhs_hint = false} : vector<640x128xf32>, vector<128x128xf32>, vector<640x128xf32> -> vector<640x128xf32>
    %get3A_18 = arith.constant 0 : index
    %get3A_19 = arith.constant 0 : index
    %get3A_20 = vector.load %arg6[%get3A_18, %get3A_19] : memref<1x128xf32, #tpu.memory_space<vmem>>, vector<1x128xf32>
    %add3A_21 = vector.broadcast %get3A_20 : vector<1x128xf32> to vector<640x128xf32>
    %add3A_22 = arith.addf %dot_general3A_17, %add3A_21 : vector<640x128xf32>
    %get3A_23 = arith.constant 0 : index
    %get3A_24 = arith.constant 0 : index
    %get3A_25 = vector.load %arg7[%get3A_23, %get3A_24] : memref<1x128xf32, #tpu.memory_space<vmem>>, vector<1x128xf32>
    %get3A_26 = arith.constant 0 : index
    %get3A_27 = arith.constant 0 : index
    %get3A_28 = vector.load %arg8[%get3A_26, %get3A_27] : memref<1x128xf32, #tpu.memory_space<vmem>>, vector<1x128xf32>
    %reduce_sum3A = arith.constant dense<0.000000e+00> : vector<640xf32>
    %reduce_sum3A_29 = vector.multi_reduction <add>, %add3A_22, %reduce_sum3A [1] : vector<640x128xf32> to vector<640xf32>
    %broadcast_in_dim3A = vector.shape_cast %reduce_sum3A_29 : vector<640xf32> to vector<640x1xf32>
    %div3A_30 = arith.constant 1.280000e+02 : f32
    %div3A_31 = vector.broadcast %div3A_30 : f32 to vector<640x1xf32>
    %div3A_32 = arith.divf %broadcast_in_dim3A, %div3A_31 : vector<640x1xf32>
    %jit3A_33 = arith.constant 0 : i32
    %reduce_sum3A_34 = arith.constant dense<0.000000e+00> : vector<640xf32>
    %reduce_sum3A_35 = vector.multi_reduction <add>, %add3A_22, %reduce_sum3A_34 [1] : vector<640x128xf32> to vector<640xf32>
    %broadcast_in_dim3A_36 = vector.shape_cast %reduce_sum3A_35 : vector<640xf32> to vector<640x1xf32>
    %div3A_37 = arith.constant 1.280000e+02 : f32
    %div3A_38 = vector.broadcast %div3A_37 : f32 to vector<640x1xf32>
    %div3A_39 = arith.divf %broadcast_in_dim3A_36, %div3A_38 : vector<640x1xf32>
    %sub3A_40 = vector.broadcast %div3A_39 : vector<640x1xf32> to vector<640x128xf32>
    %sub3A_41 = arith.subf %add3A_22, %sub3A_40 : vector<640x128xf32>
    %square3A = arith.mulf %sub3A_41, %sub3A_41 : vector<640x128xf32>
    %convert_element_type3A = arith.sitofp %jit3A_33 : i32 to f32
    %sub3A_42 = arith.constant 1.280000e+02 : f32
    %sub3A_43 = arith.subf %sub3A_42, %convert_element_type3A : f32
    %reduce_sum3A_44 = arith.constant dense<0.000000e+00> : vector<640xf32>
    %reduce_sum3A_45 = vector.multi_reduction <add>, %square3A, %reduce_sum3A_44 [1] : vector<640x128xf32> to vector<640xf32>
    %broadcast_in_dim3A_46 = vector.shape_cast %reduce_sum3A_45 : vector<640xf32> to vector<640x1xf32>
    %div3A_47 = vector.broadcast %sub3A_43 : f32 to vector<640x1xf32>
    %div3A_48 = arith.divf %broadcast_in_dim3A_46, %div3A_47 : vector<640x1xf32>
    %gt3A = arith.constant 0.000000e+00 : f32
    %gt3A_49 = arith.cmpf ogt, %sub3A_43, %gt3A : f32
    %jit3A_50 = arith.constant 0x7FC00000 : f32
    %broadcast_in_dim3A_51 = vector.broadcast %jit3A_50 : f32 to vector<640x1xf32>
    %select_n3A = arith.select %gt3A_49, %div3A_48, %broadcast_in_dim3A_51 : vector<640x1xf32>
    %sub3A_52 = vector.broadcast %div3A_32 : vector<640x1xf32> to vector<640x128xf32>
    %sub3A_53 = arith.subf %add3A_22, %sub3A_52 : vector<640x128xf32>
    %add3A_54 = arith.constant 9.99999974E-6 : f32
    %add3A_55 = vector.broadcast %add3A_54 : f32 to vector<640x1xf32>
    %add3A_56 = arith.addf %select_n3A, %add3A_55 : vector<640x1xf32>
    %sqrt3A = math.sqrt %add3A_56 : vector<640x1xf32>
    %div3A_57 = vector.broadcast %sqrt3A : vector<640x1xf32> to vector<640x128xf32>
    %div3A_58 = arith.divf %sub3A_53, %div3A_57 : vector<640x128xf32>
    %mul3A = vector.broadcast %get3A_25 : vector<1x128xf32> to vector<640x128xf32>
    %mul3A_59 = arith.mulf %div3A_58, %mul3A : vector<640x128xf32>
    %add3A_60 = vector.broadcast %get3A_28 : vector<1x128xf32> to vector<640x128xf32>
    %add3A_61 = arith.addf %mul3A_59, %add3A_60 : vector<640x128xf32>
    %get3A_62 = arith.constant 0 : index
    %get3A_63 = arith.constant 0 : index
    %get3A_64 = vector.load %arg9[%get3A_62, %get3A_63] : memref<128x128xf32, #tpu.memory_space<vmem>>, vector<128x128xf32>
    %dot_general3A_65 = arith.constant dense<0.000000e+00> : vector<640x128xf32>
    %dot_general3A_66 = tpu.matmul %add3A_61, %get3A_64, %dot_general3A_65 {dimension_numbers = #tpu.dot_dimension_numbers<[1], [0], [0], [1], [0, 0, 1, 1], [], []>, transpose_lhs_hint = false} : vector<640x128xf32>, vector<128x128xf32>, vector<640x128xf32> -> vector<640x128xf32>
    %get3A_67 = arith.constant 0 : index
    %get3A_68 = arith.constant 0 : index
    %get3A_69 = vector.load %arg10[%get3A_67, %get3A_68] : memref<1x128xf32, #tpu.memory_space<vmem>>, vector<1x128xf32>
    %add3A_70 = vector.broadcast %get3A_69 : vector<1x128xf32> to vector<640x128xf32>
    %add3A_71 = arith.addf %dot_general3A_66, %add3A_70 : vector<640x128xf32>
    %swap3A = arith.constant 0 : index
    %swap3A_72 = arith.constant 0 : index
    %swap3A_73 = vector.load %arg11[%swap3A, %swap3A_72] : memref<640x128xf32, #tpu.memory_space<vmem>>, vector<640x128xf32>
    tpu.vector_store %arg11[%swap3A, %swap3A_72], %add3A_71 {strides = array<i32>} : memref<640x128xf32, #tpu.memory_space<vmem>>, vector<640x128xf32>,
    return
  }
  func.func @transform_0(%arg0: i32) -> (i32, i32) {
    %c0_i32 = arith.constant 0 : i32
    %c0_i32_0 = arith.constant 0 : i32
    return %arg0, %c0_i32 : i32, i32
  }
  func.func @transform_1(%arg0: i32) -> (i32, i32) {
    %add3A = arith.constant 16 : i32
    %add3A_0 = arith.addi %arg0, %add3A : i32
    %c0_i32 = arith.constant 0 : i32
    %c0_i32_1 = arith.constant 0 : i32
    return %add3A_0, %c0_i32 : i32, i32
  }
  func.func @transform_2(%arg0: i32) -> (i32, i32) {
    %c0_i32 = arith.constant 0 : i32
    %c0_i32_0 = arith.constant 0 : i32
    return %arg0, %c0_i32 : i32, i32
  }
  func.func @transform_3(%arg0: i32) -> (i32, i32) {
    %add3A = arith.constant 16 : i32
    %add3A_0 = arith.addi %arg0, %add3A : i32
    %c0_i32 = arith.constant 0 : i32
    %c0_i32_1 = arith.constant 0 : i32
    return %add3A_0, %c0_i32 : i32, i32
  }
  func.func @transform_4(%arg0: i32) -> (i32, i32) {
    %c0_i32 = arith.constant 0 : i32
    %c0_i32_0 = arith.constant 0 : i32
    %c0_i32_1 = arith.constant 0 : i32
    return %c0_i32, %c0_i32_0 : i32, i32
  }
  func.func @transform_5(%arg0: i32) -> (i32, i32) {
    %c0_i32 = arith.constant 0 : i32
    %c0_i32_0 = arith.constant 0 : i32
    %c0_i32_1 = arith.constant 0 : i32
    return %c0_i32, %c0_i32_0 : i32, i32
  }
  func.func @transform_6(%arg0: i32) -> (i32, i32) {
    %c0_i32 = arith.constant 0 : i32
    %c0_i32_0 = arith.constant 0 : i32
    %c0_i32_1 = arith.constant 0 : i32
    return %c0_i32, %c0_i32_0 : i32, i32
  }
  func.func @transform_7(%arg0: i32) -> (i32, i32) {
    %c0_i32 = arith.constant 0 : i32
    %c0_i32_0 = arith.constant 0 : i32
    %c0_i32_1 = arith.constant 0 : i32
    return %c0_i32, %c0_i32_0 : i32, i32
  }
  func.func @transform_8(%arg0: i32) -> (i32, i32) {
    %c0_i32 = arith.constant 0 : i32
    %c0_i32_0 = arith.constant 0 : i32
    %c0_i32_1 = arith.constant 0 : i32
    return %c0_i32, %c0_i32_0 : i32, i32
  }
  func.func @transform_9(%arg0: i32) -> (i32, i32) {
    %c0_i32 = arith.constant 0 : i32
    %c0_i32_0 = arith.constant 0 : i32
    %c0_i32_1 = arith.constant 0 : i32
    return %c0_i32, %c0_i32_0 : i32, i32
  }
  func.func @transform_10(%arg0: i32) -> (i32, i32) {
    %c0_i32 = arith.constant 0 : i32
    %c0_i32_0 = arith.constant 0 : i32
    return %arg0, %c0_i32 : i32, i32
  }
}

module attributes {stable_mosaic.version = 14 : i64} {
  func.func @body(%arg0: i32, %arg1: memref<640x128xf32, #tpu.memory_space<vmem>>, %arg2: memref<640x128xf32, #tpu.memory_space<vmem>>, %arg3: memref<640x128xf32, #tpu.memory_space<vmem>>, %arg4: memref<640x128xf32, #tpu.memory_space<vmem>>, %arg5: memref<640x128xf32, #tpu.memory_space<vmem>>, %arg6: memref<128x128xf32, #tpu.memory_space<vmem>>, %arg7: memref<128x128xf32, #tpu.memory_space<vmem>>, %arg8: memref<1x128xf32, #tpu.memory_space<vmem>>, %arg9: memref<1x128xf32, #tpu.memory_space<vmem>>, %arg10: memref<1x128xf32, #tpu.memory_space<vmem>>, %arg11: memref<640x128xf32, #tpu.memory_space<vmem>>) attributes {dimension_semantics = [#tpu.dimension_semantics<arbitrary>], iteration_bounds = array<i64: 16>, scalar_prefetch = 0 : i64, scratch_operands = 0 : i64, tpu.core_type = #tpu.core_type<tc>, window_params = [{transform_indices = @transform_0, window_bounds = array<i64: 640, 128>}, {transform_indices = @transform_1, window_bounds = array<i64: 640, 128>}, {transform_indices = @transform_2, window_bounds = array<i64: 640, 128>}, {transform_indices = @transform_3, window_bounds = array<i64: 640, 128>}, {transform_indices = @transform_4, window_bounds = array<i64: 640, 128>}, {pipeline_mode = #tpu.pipeline_mode<synchronous>, transform_indices = @transform_5, window_bounds = array<i64: 128, 128>}, {pipeline_mode = #tpu.pipeline_mode<synchronous>, transform_indices = @transform_6, window_bounds = array<i64: 128, 128>}, {pipeline_mode = #tpu.pipeline_mode<synchronous>, transform_indices = @transform_7, window_bounds = array<i64: 1, 128>}, {pipeline_mode = #tpu.pipeline_mode<synchronous>, transform_indices = @transform_8, window_bounds = array<i64: 1, 128>}, {pipeline_mode = #tpu.pipeline_mode<synchronous>, transform_indices = @transform_9, window_bounds = array<i64: 1, 128>}, {transform_indices = @transform_10, window_bounds = array<i64: 640, 128>}]} {
    %get3A = arith.constant 0 : index
    %get3A_0 = arith.constant 0 : index
    %get3A_1 = vector.load %arg3[%get3A, %get3A_0] : memref<640x128xf32, #tpu.memory_space<vmem>>, vector<640x128xf32>
    %get3A_2 = arith.constant 0 : index
    %get3A_3 = arith.constant 0 : index
    %get3A_4 = vector.load %arg4[%get3A_2, %get3A_3] : memref<640x128xf32, #tpu.memory_space<vmem>>, vector<640x128xf32>
    %add3A = arith.addf %get3A_1, %get3A_4 : vector<640x128xf32>
    %get3A_5 = arith.constant 0 : index
    %get3A_6 = arith.constant 0 : index
    %get3A_7 = vector.load %arg1[%get3A_5, %get3A_6] : memref<640x128xf32, #tpu.memory_space<vmem>>, vector<640x128xf32>
    %get3A_8 = arith.constant 0 : index
    %get3A_9 = arith.constant 0 : index
    %get3A_10 = vector.load %arg2[%get3A_8, %get3A_9] : memref<640x128xf32, #tpu.memory_space<vmem>>, vector<640x128xf32>
    %add3A_11 = arith.addf %get3A_7, %get3A_10 : vector<640x128xf32>
    %sub3A = arith.subf %add3A_11, %add3A : vector<640x128xf32>
    %slice3A = vector.extract_strided_slice %add3A {offsets = [0, 0], sizes = [640, 1], strides = [1, 1]} : vector<640x128xf32> to vector<640x1xf32>
    %jit3A = arith.constant 1.000000e+00 : f32
    %max3A = vector.broadcast %jit3A : f32 to vector<640x1xf32>
    %max3A_12 = arith.maximumf %max3A, %slice3A : vector<640x1xf32>
    %div3A = vector.broadcast %max3A_12 : vector<640x1xf32> to vector<640x128xf32>
    %div3A_13 = arith.divf %sub3A, %div3A : vector<640x128xf32>
    %get3A_14 = arith.constant 0 : index
    %get3A_15 = arith.constant 0 : index
    %get3A_16 = vector.load %arg5[%get3A_14, %get3A_15] : memref<640x128xf32, #tpu.memory_space<vmem>>, vector<640x128xf32>
    %get3A_17 = arith.constant 0 : index
    %get3A_18 = arith.constant 0 : index
    %get3A_19 = vector.load %arg6[%get3A_17, %get3A_18] : memref<128x128xf32, #tpu.memory_space<vmem>>, vector<128x128xf32>
    %dot_general3A = arith.constant dense<0.000000e+00> : vector<640x128xf32>
    %dot_general3A_20 = tpu.matmul %get3A_16, %get3A_19, %dot_general3A {dimension_numbers = #tpu.dot_dimension_numbers<[1], [0], [0], [1], [0, 0, 1, 1], [], []>, transpose_lhs_hint = false} : vector<640x128xf32>, vector<128x128xf32>, vector<640x128xf32> -> vector<640x128xf32>
    %get3A_21 = arith.constant 0 : index
    %get3A_22 = arith.constant 0 : index
    %get3A_23 = vector.load %arg7[%get3A_21, %get3A_22] : memref<128x128xf32, #tpu.memory_space<vmem>>, vector<128x128xf32>
    %dot_general3A_24 = arith.constant dense<0.000000e+00> : vector<640x128xf32>
    %dot_general3A_25 = tpu.matmul %div3A_13, %get3A_23, %dot_general3A_24 {dimension_numbers = #tpu.dot_dimension_numbers<[1], [0], [0], [1], [0, 0, 1, 1], [], []>, transpose_lhs_hint = false} : vector<640x128xf32>, vector<128x128xf32>, vector<640x128xf32> -> vector<640x128xf32>
    %add3A_26 = arith.addf %dot_general3A_20, %dot_general3A_25 : vector<640x128xf32>
    %get3A_27 = arith.constant 0 : index
    %get3A_28 = arith.constant 0 : index
    %get3A_29 = vector.load %arg8[%get3A_27, %get3A_28] : memref<1x128xf32, #tpu.memory_space<vmem>>, vector<1x128xf32>
    %add3A_30 = vector.broadcast %get3A_29 : vector<1x128xf32> to vector<640x128xf32>
    %add3A_31 = arith.addf %add3A_26, %add3A_30 : vector<640x128xf32>
    %get3A_32 = arith.constant 0 : index
    %get3A_33 = arith.constant 0 : index
    %get3A_34 = vector.load %arg9[%get3A_32, %get3A_33] : memref<1x128xf32, #tpu.memory_space<vmem>>, vector<1x128xf32>
    %get3A_35 = arith.constant 0 : index
    %get3A_36 = arith.constant 0 : index
    %get3A_37 = vector.load %arg10[%get3A_35, %get3A_36] : memref<1x128xf32, #tpu.memory_space<vmem>>, vector<1x128xf32>
    %reduce_sum3A = arith.constant dense<0.000000e+00> : vector<640xf32>
    %reduce_sum3A_38 = vector.multi_reduction <add>, %add3A_31, %reduce_sum3A [1] : vector<640x128xf32> to vector<640xf32>
    %broadcast_in_dim3A = vector.shape_cast %reduce_sum3A_38 : vector<640xf32> to vector<640x1xf32>
    %div3A_39 = arith.constant 1.280000e+02 : f32
    %div3A_40 = vector.broadcast %div3A_39 : f32 to vector<640x1xf32>
    %div3A_41 = arith.divf %broadcast_in_dim3A, %div3A_40 : vector<640x1xf32>
    %jit3A_42 = arith.constant 0 : i32
    %reduce_sum3A_43 = arith.constant dense<0.000000e+00> : vector<640xf32>
    %reduce_sum3A_44 = vector.multi_reduction <add>, %add3A_31, %reduce_sum3A_43 [1] : vector<640x128xf32> to vector<640xf32>
    %broadcast_in_dim3A_45 = vector.shape_cast %reduce_sum3A_44 : vector<640xf32> to vector<640x1xf32>
    %div3A_46 = arith.constant 1.280000e+02 : f32
    %div3A_47 = vector.broadcast %div3A_46 : f32 to vector<640x1xf32>
    %div3A_48 = arith.divf %broadcast_in_dim3A_45, %div3A_47 : vector<640x1xf32>
    %sub3A_49 = vector.broadcast %div3A_48 : vector<640x1xf32> to vector<640x128xf32>
    %sub3A_50 = arith.subf %add3A_31, %sub3A_49 : vector<640x128xf32>
    %square3A = arith.mulf %sub3A_50, %sub3A_50 : vector<640x128xf32>
    %convert_element_type3A = arith.sitofp %jit3A_42 : i32 to f32
    %sub3A_51 = arith.constant 1.280000e+02 : f32
    %sub3A_52 = arith.subf %sub3A_51, %convert_element_type3A : f32
    %reduce_sum3A_53 = arith.constant dense<0.000000e+00> : vector<640xf32>
    %reduce_sum3A_54 = vector.multi_reduction <add>, %square3A, %reduce_sum3A_53 [1] : vector<640x128xf32> to vector<640xf32>
    %broadcast_in_dim3A_55 = vector.shape_cast %reduce_sum3A_54 : vector<640xf32> to vector<640x1xf32>
    %div3A_56 = vector.broadcast %sub3A_52 : f32 to vector<640x1xf32>
    %div3A_57 = arith.divf %broadcast_in_dim3A_55, %div3A_56 : vector<640x1xf32>
    %gt3A = arith.constant 0.000000e+00 : f32
    %gt3A_58 = arith.cmpf ogt, %sub3A_52, %gt3A : f32
    %jit3A_59 = arith.constant 0x7FC00000 : f32
    %broadcast_in_dim3A_60 = vector.broadcast %jit3A_59 : f32 to vector<640x1xf32>
    %select_n3A = arith.select %gt3A_58, %div3A_57, %broadcast_in_dim3A_60 : vector<640x1xf32>
    %sub3A_61 = vector.broadcast %div3A_41 : vector<640x1xf32> to vector<640x128xf32>
    %sub3A_62 = arith.subf %add3A_31, %sub3A_61 : vector<640x128xf32>
    %add3A_63 = arith.constant 9.99999974E-6 : f32
    %add3A_64 = vector.broadcast %add3A_63 : f32 to vector<640x1xf32>
    %add3A_65 = arith.addf %select_n3A, %add3A_64 : vector<640x1xf32>
    %sqrt3A = math.sqrt %add3A_65 : vector<640x1xf32>
    %div3A_66 = vector.broadcast %sqrt3A : vector<640x1xf32> to vector<640x128xf32>
    %div3A_67 = arith.divf %sub3A_62, %div3A_66 : vector<640x128xf32>
    %mul3A = vector.broadcast %get3A_34 : vector<1x128xf32> to vector<640x128xf32>
    %mul3A_68 = arith.mulf %div3A_67, %mul3A : vector<640x128xf32>
    %add3A_69 = vector.broadcast %get3A_37 : vector<1x128xf32> to vector<640x128xf32>
    %add3A_70 = arith.addf %mul3A_68, %add3A_69 : vector<640x128xf32>
    %add3A_71 = arith.addf %add3A_70, %get3A_16 : vector<640x128xf32>
    %swap3A = arith.constant 0 : index
    %swap3A_72 = arith.constant 0 : index
    %swap3A_73 = vector.load %arg11[%swap3A, %swap3A_72] : memref<640x128xf32, #tpu.memory_space<vmem>>, vector<640x128xf32>
    tpu.vector_store %arg11[%swap3A, %swap3A_72], %add3A_71 {strides = array<i32>} : memref<640x128xf32, #tpu.memory_space<vmem>>, vector<640x128xf32>,
    return
  }
  func.func @transform_0(%arg0: i32) -> (i32, i32) {
    %c0_i32 = arith.constant 0 : i32
    %c0_i32_0 = arith.constant 0 : i32
    return %arg0, %c0_i32 : i32, i32
  }
  func.func @transform_1(%arg0: i32) -> (i32, i32) {
    %add3A = arith.constant 16 : i32
    %add3A_0 = arith.addi %arg0, %add3A : i32
    %c0_i32 = arith.constant 0 : i32
    %c0_i32_1 = arith.constant 0 : i32
    return %add3A_0, %c0_i32 : i32, i32
  }
  func.func @transform_2(%arg0: i32) -> (i32, i32) {
    %c0_i32 = arith.constant 0 : i32
    %c0_i32_0 = arith.constant 0 : i32
    return %arg0, %c0_i32 : i32, i32
  }
  func.func @transform_3(%arg0: i32) -> (i32, i32) {
    %add3A = arith.constant 16 : i32
    %add3A_0 = arith.addi %arg0, %add3A : i32
    %c0_i32 = arith.constant 0 : i32
    %c0_i32_1 = arith.constant 0 : i32
    return %add3A_0, %c0_i32 : i32, i32
  }
  func.func @transform_4(%arg0: i32) -> (i32, i32) {
    %c0_i32 = arith.constant 0 : i32
    %c0_i32_0 = arith.constant 0 : i32
    return %arg0, %c0_i32 : i32, i32
  }
  func.func @transform_5(%arg0: i32) -> (i32, i32) {
    %c0_i32 = arith.constant 0 : i32
    %c0_i32_0 = arith.constant 0 : i32
    %c0_i32_1 = arith.constant 0 : i32
    return %c0_i32, %c0_i32_0 : i32, i32
  }
  func.func @transform_6(%arg0: i32) -> (i32, i32) {
    %c0_i32 = arith.constant 0 : i32
    %c0_i32_0 = arith.constant 0 : i32
    %c0_i32_1 = arith.constant 0 : i32
    return %c0_i32, %c0_i32_0 : i32, i32
  }
  func.func @transform_7(%arg0: i32) -> (i32, i32) {
    %c0_i32 = arith.constant 0 : i32
    %c0_i32_0 = arith.constant 0 : i32
    %c0_i32_1 = arith.constant 0 : i32
    return %c0_i32, %c0_i32_0 : i32, i32
  }
  func.func @transform_8(%arg0: i32) -> (i32, i32) {
    %c0_i32 = arith.constant 0 : i32
    %c0_i32_0 = arith.constant 0 : i32
    %c0_i32_1 = arith.constant 0 : i32
    return %c0_i32, %c0_i32_0 : i32, i32
  }
  func.func @transform_9(%arg0: i32) -> (i32, i32) {
    %c0_i32 = arith.constant 0 : i32
    %c0_i32_0 = arith.constant 0 : i32
    %c0_i32_1 = arith.constant 0 : i32
    return %c0_i32, %c0_i32_0 : i32, i32
  }
  func.func @transform_10(%arg0: i32) -> (i32, i32) {
    %c0_i32 = arith.constant 0 : i32
    %c0_i32_0 = arith.constant 0 : i32
    return %arg0, %c0_i32 : i32, i32
  }
}

</mosaic_0001>

<sc_bundles>
// kernel: kernel.10.cloned.1.call-start
scs
__scs_entry_jumppad:
0x0: {  	(pc) =	sbr.rel $0x88, $3  }
0x1: {  	(tag) =	ssettag $0x0;
	lr =	simm.s32 $0x1  }
0x2: {  	[smem:$0x3F91] =	sst lr;
	_ =	strace $0xD0000000  }
0x3: {  	_ = 	snop  }
0x4: {  	_ = 	snop  }
0x5: {  	_ = 	snop  }
0x6: {  	_ = 	snop  }
0x7: {  	_ = 	snop  }
__scs_overlays_trampoline_lowered:
0x8: {  	[smem:$0x3FA0] =	sst s0  }
0x9: {  	[smem:$0x3FA1] =	sst s1  }
0xa: {  	[smem:$0x3FA2] =	sst s2  }
0xb: {  	[smem:$0x3FA3] =	sst s3  }
0xc: {  	[smem:$0x3FA4] =	sst s4  }
0xd: {  	[smem:$0x3FA5] =	sst s5  }
0xe: {  	[smem:$0x3FA6] =	sst s6  }
0xf: {  	[smem:$0x3FA7] =	sst s7  }
0x10: {  	[smem:$0x3FA8] =	sst s8  }
0x11: {  	[smem:$0x3FA9] =	sst s9;
	s0 =	simm.s32 @!p0 $0x0  }
0x12: {  	s1 =	sld [smem:$0x3F8F];
	s0 =	simm.s32 @p0 $0x1  }
0x13: {  	[smem:$0x3FAA] =	sst s0;
	s0 =	simm.s32 @!p1 $0x0  }
0x14: {  	s2 =	sld [smem:$0x3F8E];
	s0 =	simm.s32 @p1 $0x1  }
0x15: {  	[smem:$0x3FAB] =	sst s0;
	s0 =	simm.s32 @!p2 $0x0  }
0x16: {  	s3 =	sld [smem:$0x3FDB];
	s0 =	simm.s32 @p2 $0x1  }
0x17: {  	s4 =	simm.s32 $0x1BF5;
	[smem:$0x3FAD] =	sst s0  }
0x18: {  	s0 =	sld [smem:$0x3F90];
	_ =	swait.ge [sflag:s4], $0x0  }
0x19: {  	s7 =	sld [smem:$0x3F91]  }
0x1a: {  	s8 =	sadd.s32 $0xFFFFE003, lr  }
0x1b: {  	s9 =	sadd.s32 $0xFFFFFEF7, lr;
	s5 =	simm.s32 $0xFFFFFFFF;
	p2 =	slt.u32 s8, $0xFFFFF086  }
0x1c: {  	p1 =	slt.u32 s9, $0xF7A;
	s5 =	simm.s32 @!p2 $0x0  }
0x1d: {  	s5 =	simm.s32 @p1 $0x1;
	p0 =	seq.s32 s7, s2  }
0x1e: {  	s7 =	smul.u32 @!p0 $0xF7A, s2;
	p2 =	seq.s32 @!p0 s5, $0x0  }
0x1f: {  	s9 =	smul.u32 $0xF7A, s1;
	s8 =	simm.s32 @!p0 $0x1BF5;
	p2 =	por !p2, p0  }
0x20: {  	[sflag:s8] =	ssyncset.s32 @!p0 $0xFFFFF086;
	s6 =	sadd.s32 @!p0 s3, s7;
	s7 =	simm.s32 @!p0 $0x108  }
0x21: {  	s3 =	sadd.s32 s3, s9;
	s6 =	sadd.s32 @!p0 $0x88, s6;
	s7 =	simm.s32 @p2 $0x1082  }
0x22: {  	[simem:s7], [sflag:s8] =	dma.local @!p0 [hbm:s6], $0xF7A  }
0x23: {  	s9 =	sor.u32 $0xD0000000, s2;
	s6 =	simm.s32 $0x108;
	_ =	swait.ge @!p0 [sflag:s8], $0x0  }
0x24: {  	s3 =	sadd.s32 $0x88, s3;
	s6 =	simm.s32 @!p1 $0x1082;
	[sflag:s4] =	ssyncset.s32 $0xFFFFF086  }
0x25: {  	[simem:s6], [sflag:s4] =	dma.local [hbm:s3], $0xF7A  }
0x26: {  	[smem:$0x3F91] =	sst s1;
	(tag) =	ssettag s2;
	_ =	strace s9  }
0x27: {  	s1 =	sld [smem:$0x3FA1]  }
0x28: {  	s2 =	sld [smem:$0x3FA2]  }
0x29: {  	s4 =	sld [smem:$0x3FA4]  }
0x2a: {  	p0 =	seq.s32 s5, $0x0;
	s5 =	sld [smem:$0x3FA5]  }
0x2b: {  	s6 =	sld [smem:$0x3FA6]  }
0x2c: {  	s7 =	sld [smem:$0x3FA7]  }
0x2d: {  	s3 =	simm.s32 $0x108;
	s8 =	sld [smem:$0x3FA8]  }
0x2e: {  	s3 =	simm.s32 @!p0 $0x1082;
	s9 =	sld [smem:$0x3FA9]  }
0x2f: {  	lr =	sadd.s32 s0, s3;
	s0 =	sld [smem:$0x3FA0]  }
0x30: {  	s3 =	sld [smem:$0x3FA3]  }
0x31: {  	[smem:$0x3FAC] =	sst s10  }
0x32: {  	s10 =	sld [smem:$0x3FAA];
	_ =	sdelay $0x3  }
0x33: {  	p0 =	seq.s32 s10, $0x1;
	s10 =	sld [smem:$0x3FAC];
	_ =	sdelay $0x3  }
0x34: {  	[smem:$0x3FAC] =	sst s10  }
0x35: {  	s10 =	sld [smem:$0x3FAB];
	_ =	sdelay $0x3  }
0x36: {  	p1 =	seq.s32 s10, $0x1;
	s10 =	sld [smem:$0x3FAC];
	_ =	sdelay $0x3  }
0x37: {  	[smem:$0x3FAC] =	sst s10  }
0x38: {  	s10 =	sld [smem:$0x3FAD]  }
0x39: {  	_ = 	snop;
	(pc) =	sbr.ind lr, $3  }
0x3a: {  	_ = 	snop  }
0x3b: {  	_ = 	snop  }
0x3c: {  	p2 =	seq.s32 s10, $0x1;
	s10 =	sld [smem:$0x3FAC]  }
0x3d: {  	_ =	shalt  }
0x3e: {  	_ =	shalt  }
0x3f: {  	_ =	shalt  }
0x40: {  	_ =	shalt  }
0x41: {  	_ =	shalt  }
0x42: {  	_ =	shalt  }
0x43: {  	_ =	shalt  }
0x44: {  	_ =	shalt  }
0x45: {  	_ =	shalt  }
0x46: {  	_ =	shalt  }
0x47: {  	_ =	shalt  }
0x48: {  	_ =	shalt  }
0x49: {  	_ =	shalt  }
0x4a: {  	_ =	shalt  }
0x4b: {  	_ =	shalt  }
0x4c: {  	_ =	shalt  }
0x4d: {  	_ =	shalt  }
0x4e: {  	_ =	shalt  }
0x4f: {  	_ =	shalt  }
0x50: {  	_ =	shalt  }
0x51: {  	_ =	shalt  }
0x52: {  	_ =	shalt  }
0x53: {  	_ =	shalt  }
0x54: {  	_ =	shalt  }
0x55: {  	_ =	shalt  }
0x56: {  	_ =	shalt  }
0x57: {  	_ =	shalt  }
0x58: {  	_ =	shalt  }
0x59: {  	_ =	shalt  }
0x5a: {  	_ =	shalt  }
0x5b: {  	_ =	shalt  }
0x5c: {  	_ =	shalt  }
0x5d: {  	_ =	shalt  }
0x5e: {  	_ =	shalt  }
0x5f: {  	_ =	shalt  }
0x60: {  	_ =	shalt  }
0x61: {  	_ =	shalt  }
0x62: {  	_ =	shalt  }
0x63: {  	_ =	shalt  }
0x64: {  	_ =	shalt  }
0x65: {  	_ =	shalt  }
0x66: {  	_ =	shalt  }
0x67: {  	_ =	shalt  }
0x68: {  	_ =	shalt  }
0x69: {  	_ =	shalt  }
0x6a: {  	_ =	shalt  }
0x6b: {  	_ =	shalt  }
0x6c: {  	_ =	shalt  }
0x6d: {  	_ =	shalt  }
0x6e: {  	_ =	shalt  }
0x6f: {  	_ =	shalt  }
0x70: {  	_ =	shalt  }
0x71: {  	_ =	shalt  }
0x72: {  	_ =	shalt  }
0x73: {  	_ =	shalt  }
0x74: {  	_ =	shalt  }
0x75: {  	_ =	shalt  }
0x76: {  	_ =	shalt  }
0x77: {  	_ =	shalt  }
0x78: {  	_ =	shalt  }
0x79: {  	_ =	shalt  }
0x7a: {  	_ =	shalt  }
0x7b: {  	_ =	shalt  }
0x7c: {  	_ =	shalt  }
0x7d: {  	_ =	shalt  }
0x7e: {  	_ =	shalt  }
0x7f: {  	_ =	shalt  }
0x80: {  	_ =	shalt  }
0x81: {  	_ =	shalt  }
0x82: {  	_ =	shalt  }
0x83: {  	_ =	shalt  }
0x84: {  	_ =	shalt  }
0x85: {  	_ =	shalt  }
0x86: {  	_ =	shalt  }
0x87: {  	_ =	shalt  }
.Lfunc_end0:
.L_simem_size_0:
called_computation.1_lowered:
.L_overlay_start_0:
0x88: {  	s2 =	sld [smem:$0x3FD9]  }
0x89: {  	s3 =	sld [smem:$0x3FFE];
	_ =	sdelay $0x1  }
0x8a: {  	s1 =	srdreg.scid  }
0x8b: {  	s0 =	sand.u32 $0x1, s1  }
0x8c: {  	s17 =	sshll.u32 s0, $0xA;
	s2 =	sadd.s32 s3, s2  }
0x8d: {  	s2 =	sadd.s32 s2, s17  }
0x8e: {  	[smem:$0x3FB8] =	sst s2  }
0x8f: {  	_ = 	snop  }
0x90: {  	s2 =	sld [smem:$0x3FD0];
	(tm) =	ssettm $0x1  }
0x91: {  	s18 =	sld [smem:$0x3FFB];
	_ =	sdelay $0x3  }
0x92: {  	_ =	strace s18  }
0x93: {  	s3 =	sld [smem:$0x3FFC];
	_ =	sdelay $0x3  }
0x94: {  	_ =	strace s3  }
0x95: {  	s3 =	sld [smem:$0x3FFD];
	_ =	sdelay $0x3  }
0x96: {  	_ =	strace s3  }
0x97: {  	_ =	strace $0x8FFFFFFF  }
0x98: {  	s19 =	sld [smem:$0x3FDB];
	_ =	sdelay $0x1  }
0x99: {  	s4 =	simm.s32 $_scs_section_size  }
0x9a: {  	s5 =	simm.s32 $_size__tile_overlayer_lowered;
	s6 =	simm.s32 $_tile_overlayer_lowered  }
0x9b: {  	s22 =	simm.s32 $0x1BFF;
	s21 =	sshll.u32 s6, $0x1;
	s3 =	sadd.s32 s4, s19  }
0x9c: {  	s7 =	simm.s32 $0x0;
	s20 =	sshll.u32 s5, $0x1;
	s5 =	sadd.s32 s21, s3  }
0x9d: {  	[timem:s7], [sflag:s22] =	dma.local [hbm:s5], s20  }
0x9e: {  	_ =	swait.ge [sflag:s22], s20  }
0x9f: {  	s4 =	ssub.s32 $0x0, s20;
	[sflag:s22] =	ssyncset.done $0x0  }
0xa0: {  	[sflag:s22] =	ssyncadd.s32 s4;
	_ =	sdelay $0x1  }
0xa1: {  	s23 =	simm.s32 $0x1B8B  }
0xa2: {  	_ =	swait.ge [sflag:s23], $0x1  }
0xa3: {  	[sflag:s23] =	ssyncset.done $0x0  }
0xa4: {  	s25 =	simm.s32 $0x1B8E;
	s24 =	sld [smem:$0x3FFE];
	[sflag:s23] =	ssyncadd.s32 $0xFFFFFFFF  }
0xa5: {  	s26 =	simm.s32 $execute0_lowered;
	[smem:$0x3FD2] =	sst s25  }
0xa6: {  	s5 =	sshll.u32 s26, $0x1;
	_ =	strace $0x80000049;
	[dreg:$0x1] =	wrdreg $0xFFFFFFFF  }
0xa7: {  	s28 =	simm.s32 $_size_execute0_lowered;
	s3 =	sadd.s32 s3, s5;
	[dreg:$0x0] =	wrdreg $0x0  }
0xa8: {  	s5 =	sshll.u32 s28, $0x1;
	[dreg:$0x2] =	wrdreg s3  }
0xa9: {  	[dreg:$0x3] =	wrdreg s5  }
0xaa: {  	[dreg:$0x4] =	wrdreg $0xC0  }
0xab: {  	_ =	task [dreg:s7], $0x5FFFF  }
0xac: {  	[dreg:$0x1] =	wrdreg $0xFFFFFFFF  }
0xad: {  	[dreg:$0x0] =	wrdreg $0x60  }
0xae: {  	[dreg:$0x2] =	wrdreg s24  }
0xaf: {  	[dreg:$0x3] =	wrdreg s2  }
0xb0: {  	[dreg:$0x4] =	wrdreg $0xBC000  }
0xb1: {  	[dreg:$0x5] =	wrdreg $0x9  }
0xb2: {  	_ =	task.clear_ibuf [dreg:s7], $0x6FFFF;
	_ =	strace $0x90000049  }
0xb3: {  	s29 =	simm.s32 $0x9;
	_ =	strace $0x8000004B  }
0xb4: {  	_ =	swait.ge [sflag:s29], $0x1  }
0xb5: {  	[sflag:s29] =	ssyncadd.s32 $0xFFFFFFFF  }
0xb6: {  	_ =	strace $0x9000004B  }
0xb7: {  	_ =	sfence  }
0xb8: {  	s30 =	sld [smem:$0x0];
	_ =	sdelay $0x2  }
0xb9: {  	s31 =	sshll.u32 s1, $0xD;
	s1 =	sshrl.u32 s1, $0x2  }
0xba: {  	s3 =	sand.u32 $0x4000, s31;
	s1 =	sadd.s32 s1, s30  }
0xbb: {  	s0 =	sor.u32 s3, s0;
	s1 =	sshll.u32 s1, $0x11  }
0xbc: {  	s0 =	sor.u32 s1, s0  }
0xbd: {  	s0 =	sadd.s32 $0x8F2B, s0  }
0xbe: {  	[sflag:s0] =	ssyncadd.remote.s32 $0x1  }
0xbf: {  	_ =	sfence.sel $0xFFFF  }
0xc0: {  	[dreg:$0x0] =	wrdreg $0xFFFFFFFF;
	(pc) =	sbr.abs _section_cstart, $3  }
0xc1: {  	[dreg:$0x1] =	wrdreg $0xFFFFFFFF  }
0xc2: {  	_ =	task.clear_ibuf [dreg:s7], $0x2FFFF;
	_ =	strace $0x9FFFFFFF  }
0xc3: {  	(tm) =	ssettm $0x7FFFFFFF  }
tec
execute0_lowered:
.L_overlay_start_1:
0x0: {  	(tag) =	ssettag $0x1  }
0x1: {  	s0 =	rddreg [dreg:$0x0]  }
0x2: {  	s1 =	rddreg [dreg:$0x1]  }
0x3: {  	s2 =	rddreg [dreg:$0x2];
	s14 =	stileid.u32;
	s3 =	simm.s32 $0x0  }
0x4: {  	s4 =	srdreg.scid;
	s13 =	simm.s32 $0x3C00;
	s18 =	simm.s32 $0x80  }
0x5: {  	s19 =	simm.s32 $0x3B00;
	s28 =	simm.s32 $0x0;
	s16 =	simm.s32 $0x2B80  }
0x6: {  	s15 =	simm.s32 $0x3080;
	s17 =	simm.s32 $0x3100;
	s5 =	smul.u32 $0x2800, s14  }
0x7: {  	[smem:$0x7FF] =	sst s3;
	s6 =	sand.u32 $0x1, s4;
	s7 =	smul.u32 $0x280, s14  }
0x8: {  	s4 =	sadd.s32 $0xD000, s0;
	s9 =	sadd.s32 $0x3000, s0;
	s10 =	sshll.u32 s14, $0x1  }
0x9: {  	s21 =	smul.u32 $0x50000, s14;
	s12 =	sadd.s32 $0x5D000, s0;
	s31 =	sshll.u32 s14, $0x6  }
0xa: {  	s14 =	simm.s32 $0x3;
	_ =	strace $0x8000004A;
	s8 =	smul.u32 $0x2800, s6  }
0xb: {  	s20 =	sor.u32 s6, s10;
	s6 =	ssub.s32 $0x2, s6;
	[dreg:$0x4] =	wrdreg s12  }
0xc: {  	s5 =	sadd.s32 s5, s0;
	s11 =	smul.u32 $0x2800, s20;
	s22 =	sshrl.u32 s6, $0x1  }
0xd: {  	s10 =	sshrl.u32 s21, $0x2;
	s23 =	smul.u32 $0x500, s20;
	s20 =	simm.s32 $0x2E00  }
0xe: {  	s21 =	simm.s32 $0x3000;
	s7 =	sadd.s32 s7, s8;
	s6 =	ssub.s32 s6, s22  }
0xf: {  	s10 =	sadd.s32 s10, s2;
	s5 =	sadd.s32 $0x35000, s5;
	s22 =	simm.s32 $0x1  }
0x10: {  	s7 =	sshll.u32 s7, $0x4;
	s24 =	sshrl.u32 s11, $0x3;
	[dreg:$0x5] =	wrdreg s5  }
0x11: {  	s25 =	sadd.s32 s9, s23;
	s1 =	sadd.s32 s1, s23;
	s30 =	smax.u32 s6, $0x1  }
0x12: {  	s5 =	sor.u32 $0x1C03, s31;
	s6 =	sshrl.u32 s10, $0x3;
	s23 =	simm.s32 $0x7C00  }
0x13: {  	s10 =	simm.s32 $0x2D00;
	s11 =	simm.s32 $0x2D80;
	[dreg:$0xa] =	wrdreg s25  }
0x14: {  	s0 =	sadd.s32 s7, s0;
	s8 =	sadd.s32 s9, s24;
	[dreg:$0x7] =	wrdreg s1  }
0x15: {  	[dreg:$0x9] =	wrdreg s30;
	s7 =	simm.s32 $0x2800;
	s26 =	sadd.s32 $0x280, s8  }
0x16: {  	s1 =	simm.s32 $0x2880;
	s29 =	sadd.s32 $0xAD800, s0;
	[dreg:$0xb] =	wrdreg s26  }
0x17: {  	s24 =	simm.s32 $0x2E80;
	s0 =	sadd.s32 $0x5D800, s0;
	[dreg:$0x6] =	wrdreg s29  }
0x18: {  	s25 =	simm.s32 $0x2F00;
	[dreg:$0x8] =	wrdreg s0;
	s26 =	simm.s32 $0x2  }
.LBB2_1:
0x19: {  	s29 =	rddreg [dreg:$0x4]  }
0x1a: {  	[tilespmem:s13], [sflag:$0x3] =	stream.linear.gather [hbm4b:s29+s3], $0x4000, $0x38;
	[tilespmem:$0x1FC00] =	vst v63  }
0x1b: {  	_ =	swait.ge [sflag:s14], $0x4000  }
0x1c: {  	[sflag:s14] =	ssyncset.done $0x0  }
0x1d: {  	s29 =	rddreg [dreg:$0x5];
	[sflag:s14] =	ssyncadd.s32 $0xFFFFC000  }
0x1e: {  	[spmem:s6], [sflag:s5] =	dma.local [hbm:s29], $0x2800  }
0x1f: {  	_ =	swait.ge [sflag:s14], $0x2800  }
0x20: {  	[sflag:s14] =	ssyncset.done $0x0  }
0x21: {  	[sflag:s14] =	ssyncadd.s32 $0xFFFFD800  }
0x22: {  	[bflag:$0x0] =	sbarrier.arrive $0xFFFF  }
0x23: {  	s8 =	rddreg [dreg:$0xa]  }
0x24: {  	[tilespmem:s7], [sflag:$0x3] =	stream.linear.gather [hbm4b:s8+s3], $0x1400, $0x38;
	[tilespmem:$0x1FC00] =	vst v63  }
0x25: {  	_ =	swait.ge [sflag:s14], $0x1400  }
0x26: {  	[sflag:s14] =	ssyncset.done $0x0  }
0x27: {  	[sflag:s14] =	ssyncadd.s32 $0xFFFFEC00  }
0x28: {  	[spmem:s2] =	stream.indirect.scatter.add.f32 [tilespmem:s13], [sflag:$0x2], $0x80, s7, s18, $0xb8;
	[tilespmem:$0x1FC00] =	vst v63  }
0x29: {  	_ = 	snop  }
0x2a: {  	[spmem:s2] =	stream.indirect.scatter.add.f32 [tilespmem:s13], [sflag:$0x2], $0x80, s1, s18, $0xb8;
	[tilespmem:$0x1FC00] =	vst v63  }
0x2b: {  	s29 =	simm.s32 $0x2900  }
0x2c: {  	[spmem:s2] =	stream.indirect.scatter.add.f32 [tilespmem:s13], [sflag:$0x2], $0x80, s29, s18, $0xb8;
	[tilespmem:$0x1FC00] =	vst v63  }
0x2d: {  	s30 =	simm.s32 $0x2980  }
0x2e: {  	[spmem:s2] =	stream.indirect.scatter.add.f32 [tilespmem:s13], [sflag:$0x2], $0x80, s30, s18, $0xb8;
	[tilespmem:$0x1FC00] =	vst v63  }
0x2f: {  	s31 =	simm.s32 $0x2A00  }
0x30: {  	[spmem:s2] =	stream.indirect.scatter.add.f32 [tilespmem:s13], [sflag:$0x2], $0x80, s31, s18, $0xb8;
	[tilespmem:$0x1FC00] =	vst v63  }
0x31: {  	s0 =	simm.s32 $0x2A80  }
0x32: {  	[spmem:s2] =	stream.indirect.scatter.add.f32 [tilespmem:s13], [sflag:$0x2], $0x80, s0, s18, $0xb8;
	[tilespmem:$0x1FC00] =	vst v63  }
0x33: {  	s1 =	simm.s32 $0x2B00  }
0x34: {  	[spmem:s2] =	stream.indirect.scatter.add.f32 [tilespmem:s13], [sflag:$0x2], $0x80, s1, s18, $0xb8;
	[tilespmem:$0x1FC00] =	vst v63  }
0x35: {  	_ = 	snop  }
0x36: {  	[spmem:s2] =	stream.indirect.scatter.add.f32 [tilespmem:s13], [sflag:$0x2], $0x80, s16, s18, $0xb8;
	[tilespmem:$0x1FC00] =	vst v63  }
0x37: {  	_ =	swait.ge [sflag:s26], $0x4000  }
0x38: {  	[sflag:s26] =	ssyncset.done $0x0  }
0x39: {  	[sflag:s26] =	ssyncadd.s32 $0xFFFFC000  }
0x3a: {  	_ =	swait.ge [sflag:s26], $0x4000  }
0x3b: {  	[sflag:s26] =	ssyncset.done $0x0  }
0x3c: {  	[sflag:s26] =	ssyncadd.s32 $0xFFFFC000  }
0x3d: {  	_ =	swait.ge [sflag:s26], $0x4000  }
0x3e: {  	[sflag:s26] =	ssyncset.done $0x0  }
0x3f: {  	[sflag:s26] =	ssyncadd.s32 $0xFFFFC000  }
0x40: {  	_ =	swait.ge [sflag:s26], $0x4000  }
0x41: {  	[sflag:s26] =	ssyncset.done $0x0  }
0x42: {  	[sflag:s26] =	ssyncadd.s32 $0xFFFFC000  }
0x43: {  	_ =	swait.ge [sflag:s26], $0x4000  }
0x44: {  	[sflag:s26] =	ssyncset.done $0x0  }
0x45: {  	[sflag:s26] =	ssyncadd.s32 $0xFFFFC000  }
0x46: {  	_ =	swait.ge [sflag:s26], $0x4000  }
0x47: {  	[sflag:s26] =	ssyncset.done $0x0  }
0x48: {  	[sflag:s26] =	ssyncadd.s32 $0xFFFFC000  }
0x49: {  	_ =	swait.ge [sflag:s26], $0x4000  }
0x4a: {  	[sflag:s26] =	ssyncset.done $0x0  }
0x4b: {  	[sflag:s26] =	ssyncadd.s32 $0xFFFFC000  }
0x4c: {  	_ =	swait.ge [sflag:s26], $0x4000  }
0x4d: {  	[sflag:s26] =	ssyncset.done $0x0  }
0x4e: {  	s3 =	simm.s32 $0x2C00;
	[sflag:s26] =	ssyncadd.s32 $0xFFFFC000  }
0x4f: {  	[spmem:s2] =	stream.indirect.scatter.add.f32 [tilespmem:s13], [sflag:$0x2], $0x80, s3, s18, $0xb8;
	[tilespmem:$0x1FC00] =	vst v63  }
0x50: {  	s9 =	simm.s32 $0x2C80  }
0x51: {  	[spmem:s2] =	stream.indirect.scatter.add.f32 [tilespmem:s13], [sflag:$0x2], $0x80, s9, s18, $0xb8;
	[tilespmem:$0x1FC00] =	vst v63  }
0x52: {  	_ = 	snop  }
0x53: {  	[spmem:s2] =	stream.indirect.scatter.add.f32 [tilespmem:s13], [sflag:$0x2], $0x80, s10, s18, $0xb8;
	[tilespmem:$0x1FC00] =	vst v63  }
0x54: {  	_ = 	snop  }
0x55: {  	[spmem:s2] =	stream.indirect.scatter.add.f32 [tilespmem:s13], [sflag:$0x2], $0x80, s11, s18, $0xb8;
	[tilespmem:$0x1FC00] =	vst v63  }
0x56: {  	_ = 	snop  }
0x57: {  	[spmem:s2] =	stream.indirect.scatter.add.f32 [tilespmem:s13], [sflag:$0x2], $0x80, s20, s18, $0xb8;
	[tilespmem:$0x1FC00] =	vst v63  }
0x58: {  	_ = 	snop  }
0x59: {  	[spmem:s2] =	stream.indirect.scatter.add.f32 [tilespmem:s13], [sflag:$0x2], $0x80, s24, s18, $0xb8;
	[tilespmem:$0x1FC00] =	vst v63  }
0x5a: {  	_ = 	snop  }
0x5b: {  	[spmem:s2] =	stream.indirect.scatter.add.f32 [tilespmem:s13], [sflag:$0x2], $0x80, s25, s18, $0xb8;
	[tilespmem:$0x1FC00] =	vst v63  }
0x5c: {  	s7 =	simm.s32 $0x2F80  }
0x5d: {  	[spmem:s2] =	stream.indirect.scatter.add.f32 [tilespmem:s13], [sflag:$0x2], $0x80, s7, s18, $0xb8;
	[tilespmem:$0x1FC00] =	vst v63  }
0x5e: {  	_ =	swait.ge [sflag:s26], $0x4000  }
0x5f: {  	[sflag:s26] =	ssyncset.done $0x0  }
0x60: {  	[sflag:s26] =	ssyncadd.s32 $0xFFFFC000  }
0x61: {  	_ =	swait.ge [sflag:s26], $0x4000  }
0x62: {  	[sflag:s26] =	ssyncset.done $0x0  }
0x63: {  	[sflag:s26] =	ssyncadd.s32 $0xFFFFC000  }
0x64: {  	_ =	swait.ge [sflag:s26], $0x4000  }
0x65: {  	[sflag:s26] =	ssyncset.done $0x0  }
0x66: {  	[sflag:s26] =	ssyncadd.s32 $0xFFFFC000  }
0x67: {  	_ =	swait.ge [sflag:s26], $0x4000  }
0x68: {  	[sflag:s26] =	ssyncset.done $0x0  }
0x69: {  	[sflag:s26] =	ssyncadd.s32 $0xFFFFC000  }
0x6a: {  	_ =	swait.ge [sflag:s26], $0x4000  }
0x6b: {  	[sflag:s26] =	ssyncset.done $0x0  }
0x6c: {  	[sflag:s26] =	ssyncadd.s32 $0xFFFFC000  }
0x6d: {  	_ =	swait.ge [sflag:s26], $0x4000  }
0x6e: {  	[sflag:s26] =	ssyncset.done $0x0  }
0x6f: {  	[sflag:s26] =	ssyncadd.s32 $0xFFFFC000  }
0x70: {  	_ =	swait.ge [sflag:s26], $0x4000  }
0x71: {  	[sflag:s26] =	ssyncset.done $0x0  }
0x72: {  	[sflag:s26] =	ssyncadd.s32 $0xFFFFC000  }
0x73: {  	_ =	swait.ge [sflag:s26], $0x4000  }
0x74: {  	[sflag:s26] =	ssyncset.done $0x0  }
0x75: {  	[sflag:s26] =	ssyncadd.s32 $0xFFFFC000  }
0x76: {  	[spmem:s2] =	stream.indirect.scatter.add.f32 [tilespmem:s13], [sflag:$0x2], $0x80, s21, s18, $0xb8;
	[tilespmem:$0x1FC00] =	vst v63  }
0x77: {  	_ = 	snop  }
0x78: {  	[spmem:s2] =	stream.indirect.scatter.add.f32 [tilespmem:s13], [sflag:$0x2], $0x80, s15, s18, $0xb8;
	[tilespmem:$0x1FC00] =	vst v63  }
0x79: {  	_ = 	snop  }
0x7a: {  	[spmem:s2] =	stream.indirect.scatter.add.f32 [tilespmem:s13], [sflag:$0x2], $0x80, s17, s18, $0xb8;
	[tilespmem:$0x1FC00] =	vst v63  }
0x7b: {  	s12 =	simm.s32 $0x3180  }
0x7c: {  	[spmem:s2] =	stream.indirect.scatter.add.f32 [tilespmem:s13], [sflag:$0x2], $0x80, s12, s18, $0xb8;
	[tilespmem:$0x1FC00] =	vst v63  }
0x7d: {  	s12 =	simm.s32 $0x3200  }
0x7e: {  	[spmem:s2] =	stream.indirect.scatter.add.f32 [tilespmem:s13], [sflag:$0x2], $0x80, s12, s18, $0xb8;
	[tilespmem:$0x1FC00] =	vst v63  }
0x7f: {  	s12 =	simm.s32 $0x3280  }
0x80: {  	[spmem:s2] =	stream.indirect.scatter.add.f32 [tilespmem:s13], [sflag:$0x2], $0x80, s12, s18, $0xb8;
	[tilespmem:$0x1FC00] =	vst v63  }
0x81: {  	s12 =	simm.s32 $0x3300  }
0x82: {  	[spmem:s2] =	stream.indirect.scatter.add.f32 [tilespmem:s13], [sflag:$0x2], $0x80, s12, s18, $0xb8;
	[tilespmem:$0x1FC00] =	vst v63  }
0x83: {  	s12 =	simm.s32 $0x3380  }
0x84: {  	[spmem:s2] =	stream.indirect.scatter.add.f32 [tilespmem:s13], [sflag:$0x2], $0x80, s12, s18, $0xb8;
	[tilespmem:$0x1FC00] =	vst v63  }
0x85: {  	_ =	swait.ge [sflag:s26], $0x4000  }
0x86: {  	[sflag:s26] =	ssyncset.done $0x0  }
0x87: {  	[sflag:s26] =	ssyncadd.s32 $0xFFFFC000  }
0x88: {  	_ =	swait.ge [sflag:s26], $0x4000  }
0x89: {  	[sflag:s26] =	ssyncset.done $0x0  }
0x8a: {  	[sflag:s26] =	ssyncadd.s32 $0xFFFFC000  }
0x8b: {  	_ =	swait.ge [sflag:s26], $0x4000  }
0x8c: {  	[sflag:s26] =	ssyncset.done $0x0  }
0x8d: {  	[sflag:s26] =	ssyncadd.s32 $0xFFFFC000  }
0x8e: {  	_ =	swait.ge [sflag:s26], $0x4000  }
0x8f: {  	[sflag:s26] =	ssyncset.done $0x0  }
0x90: {  	[sflag:s26] =	ssyncadd.s32 $0xFFFFC000  }
0x91: {  	_ =	swait.ge [sflag:s26], $0x4000  }
0x92: {  	[sflag:s26] =	ssyncset.done $0x0  }
0x93: {  	[sflag:s26] =	ssyncadd.s32 $0xFFFFC000  }
0x94: {  	_ =	swait.ge [sflag:s26], $0x4000  }
0x95: {  	[sflag:s26] =	ssyncset.done $0x0  }
0x96: {  	[sflag:s26] =	ssyncadd.s32 $0xFFFFC000  }
0x97: {  	_ =	swait.ge [sflag:s26], $0x4000  }
0x98: {  	[sflag:s26] =	ssyncset.done $0x0  }
0x99: {  	[sflag:s26] =	ssyncadd.s32 $0xFFFFC000  }
0x9a: {  	_ =	swait.ge [sflag:s26], $0x4000  }
0x9b: {  	[sflag:s26] =	ssyncset.done $0x0  }
0x9c: {  	s12 =	simm.s32 $0x3400;
	[sflag:s26] =	ssyncadd.s32 $0xFFFFC000  }
0x9d: {  	[spmem:s2] =	stream.indirect.scatter.add.f32 [tilespmem:s13], [sflag:$0x2], $0x80, s12, s18, $0xb8;
	[tilespmem:$0x1FC00] =	vst v63  }
0x9e: {  	s12 =	simm.s32 $0x3480  }
0x9f: {  	[spmem:s2] =	stream.indirect.scatter.add.f32 [tilespmem:s13], [sflag:$0x2], $0x80, s12, s18, $0xb8;
	[tilespmem:$0x1FC00] =	vst v63  }
0xa0: {  	s12 =	simm.s32 $0x3500  }
0xa1: {  	[spmem:s2] =	stream.indirect.scatter.add.f32 [tilespmem:s13], [sflag:$0x2], $0x80, s12, s18, $0xb8;
	[tilespmem:$0x1FC00] =	vst v63  }
0xa2: {  	s12 =	simm.s32 $0x3580  }
0xa3: {  	[spmem:s2] =	stream.indirect.scatter.add.f32 [tilespmem:s13], [sflag:$0x2], $0x80, s12, s18, $0xb8;
	[tilespmem:$0x1FC00] =	vst v63  }
0xa4: {  	s12 =	simm.s32 $0x3600  }
0xa5: {  	[spmem:s2] =	stream.indirect.scatter.add.f32 [tilespmem:s13], [sflag:$0x2], $0x80, s12, s18, $0xb8;
	[tilespmem:$0x1FC00] =	vst v63  }
0xa6: {  	s12 =	simm.s32 $0x3680  }
0xa7: {  	[spmem:s2] =	stream.indirect.scatter.add.f32 [tilespmem:s13], [sflag:$0x2], $0x80, s12, s18, $0xb8;
	[tilespmem:$0x1FC00] =	vst v63  }
0xa8: {  	s12 =	simm.s32 $0x3700  }
0xa9: {  	[spmem:s2] =	stream.indirect.scatter.add.f32 [tilespmem:s13], [sflag:$0x2], $0x80, s12, s18, $0xb8;
	[tilespmem:$0x1FC00] =	vst v63  }
0xaa: {  	s12 =	simm.s32 $0x3780  }
0xab: {  	[spmem:s2] =	stream.indirect.scatter.add.f32 [tilespmem:s13], [sflag:$0x2], $0x80, s12, s18, $0xb8;
	[tilespmem:$0x1FC00] =	vst v63  }
0xac: {  	_ =	swait.ge [sflag:s26], $0x4000  }
0xad: {  	[sflag:s26] =	ssyncset.done $0x0  }
0xae: {  	[sflag:s26] =	ssyncadd.s32 $0xFFFFC000  }
0xaf: {  	_ =	swait.ge [sflag:s26], $0x4000  }
0xb0: {  	[sflag:s26] =	ssyncset.done $0x0  }
0xb1: {  	[sflag:s26] =	ssyncadd.s32 $0xFFFFC000  }
0xb2: {  	_ =	swait.ge [sflag:s26], $0x4000  }
0xb3: {  	[sflag:s26] =	ssyncset.done $0x0  }
0xb4: {  	[sflag:s26] =	ssyncadd.s32 $0xFFFFC000  }
0xb5: {  	_ =	swait.ge [sflag:s26], $0x4000  }
0xb6: {  	[sflag:s26] =	ssyncset.done $0x0  }
0xb7: {  	[sflag:s26] =	ssyncadd.s32 $0xFFFFC000  }
0xb8: {  	_ =	swait.ge [sflag:s26], $0x4000  }
0xb9: {  	[sflag:s26] =	ssyncset.done $0x0  }
0xba: {  	[sflag:s26] =	ssyncadd.s32 $0xFFFFC000  }
0xbb: {  	_ =	swait.ge [sflag:s26], $0x4000  }
0xbc: {  	[sflag:s26] =	ssyncset.done $0x0  }
0xbd: {  	[sflag:s26] =	ssyncadd.s32 $0xFFFFC000  }
0xbe: {  	_ =	swait.ge [sflag:s26], $0x4000  }
0xbf: {  	[sflag:s26] =	ssyncset.done $0x0  }
0xc0: {  	[sflag:s26] =	ssyncadd.s32 $0xFFFFC000  }
0xc1: {  	_ =	swait.ge [sflag:s26], $0x4000  }
0xc2: {  	[sflag:s26] =	ssyncset.done $0x0  }
0xc3: {  	s12 =	simm.s32 $0x3800;
	[sflag:s26] =	ssyncadd.s32 $0xFFFFC000  }
0xc4: {  	[spmem:s2] =	stream.indirect.scatter.add.f32 [tilespmem:s13], [sflag:$0x2], $0x80, s12, s18, $0xb8;
	[tilespmem:$0x1FC00] =	vst v63  }
0xc5: {  	s12 =	simm.s32 $0x3880  }
0xc6: {  	[spmem:s2] =	stream.indirect.scatter.add.f32 [tilespmem:s13], [sflag:$0x2], $0x80, s12, s18, $0xb8;
	[tilespmem:$0x1FC00] =	vst v63  }
0xc7: {  	s12 =	simm.s32 $0x3900  }
0xc8: {  	[spmem:s2] =	stream.indirect.scatter.add.f32 [tilespmem:s13], [sflag:$0x2], $0x80, s12, s18, $0xb8;
	[tilespmem:$0x1FC00] =	vst v63  }
0xc9: {  	s12 =	simm.s32 $0x3980  }
0xca: {  	[spmem:s2] =	stream.indirect.scatter.add.f32 [tilespmem:s13], [sflag:$0x2], $0x80, s12, s18, $0xb8;
	[tilespmem:$0x1FC00] =	vst v63  }
0xcb: {  	s12 =	simm.s32 $0x3A00  }
0xcc: {  	[spmem:s2] =	stream.indirect.scatter.add.f32 [tilespmem:s13], [sflag:$0x2], $0x80, s12, s18, $0xb8;
	[tilespmem:$0x1FC00] =	vst v63  }
0xcd: {  	s12 =	simm.s32 $0x3A80  }
0xce: {  	[spmem:s2] =	stream.indirect.scatter.add.f32 [tilespmem:s13], [sflag:$0x2], $0x80, s12, s18, $0xb8;
	[tilespmem:$0x1FC00] =	vst v63  }
0xcf: {  	_ = 	snop  }
0xd0: {  	[spmem:s2] =	stream.indirect.scatter.add.f32 [tilespmem:s13], [sflag:$0x2], $0x80, s19, s18, $0xb8;
	[tilespmem:$0x1FC00] =	vst v63  }
0xd1: {  	s19 =	simm.s32 $0x3B80  }
0xd2: {  	[spmem:s2] =	stream.indirect.scatter.add.f32 [tilespmem:s13], [sflag:$0x2], $0x80, s19, s18, $0xb8;
	[tilespmem:$0x1FC00] =	vst v63  }
0xd3: {  	_ =	swait.ge [sflag:s26], $0x4000  }
0xd4: {  	[sflag:s26] =	ssyncset.done $0x0  }
0xd5: {  	[sflag:s26] =	ssyncadd.s32 $0xFFFFC000  }
0xd6: {  	_ =	swait.ge [sflag:s26], $0x4000  }
0xd7: {  	[sflag:s26] =	ssyncset.done $0x0  }
0xd8: {  	[sflag:s26] =	ssyncadd.s32 $0xFFFFC000  }
0xd9: {  	_ =	swait.ge [sflag:s26], $0x4000  }
0xda: {  	[sflag:s26] =	ssyncset.done $0x0  }
0xdb: {  	[sflag:s26] =	ssyncadd.s32 $0xFFFFC000  }
0xdc: {  	_ =	swait.ge [sflag:s26], $0x4000  }
0xdd: {  	[sflag:s26] =	ssyncset.done $0x0  }
0xde: {  	[sflag:s26] =	ssyncadd.s32 $0xFFFFC000  }
0xdf: {  	_ =	swait.ge [sflag:s26], $0x4000  }
0xe0: {  	[sflag:s26] =	ssyncset.done $0x0  }
0xe1: {  	[sflag:s26] =	ssyncadd.s32 $0xFFFFC000  }
0xe2: {  	_ =	swait.ge [sflag:s26], $0x4000  }
0xe3: {  	[sflag:s26] =	ssyncset.done $0x0  }
0xe4: {  	[sflag:s26] =	ssyncadd.s32 $0xFFFFC000  }
0xe5: {  	_ =	swait.ge [sflag:s26], $0x4000  }
0xe6: {  	[sflag:s26] =	ssyncset.done $0x0  }
0xe7: {  	[sflag:s26] =	ssyncadd.s32 $0xFFFFC000  }
0xe8: {  	_ =	swait.ge [sflag:s26], $0x4000  }
0xe9: {  	s0 =	simm.s32 $0x2800;
	[sflag:s26] =	ssyncset.done $0x0  }
0xea: {  	s12 =	simm.s32 $0x0;
	s19 =	rddreg [dreg:$0xb];
	[sflag:s26] =	ssyncadd.s32 $0xFFFFC000  }
0xeb: {  	[tilespmem:s0], [sflag:$0x3] =	stream.linear.gather [hbm4b:s19+s12], $0x1400, $0x38;
	[tilespmem:$0x1FC00] =	vst v63  }
0xec: {  	_ =	swait.ge [sflag:s14], $0x1400  }
0xed: {  	[sflag:s14] =	ssyncset.done $0x0  }
0xee: {  	[sflag:s14] =	ssyncadd.s32 $0xFFFFEC00  }
0xef: {  	[spmem:s2] =	stream.indirect.scatter.add.f32 [tilespmem:s13], [sflag:$0x2], $0x80, s0, s18, $0xb8;
	[tilespmem:$0x1FC00] =	vst v63  }
0xf0: {  	s0 =	simm.s32 $0x2880  }
0xf1: {  	[spmem:s2] =	stream.indirect.scatter.add.f32 [tilespmem:s13], [sflag:$0x2], $0x80, s0, s18, $0xb8;
	[tilespmem:$0x1FC00] =	vst v63  }
0xf2: {  	_ = 	snop  }
0xf3: {  	[spmem:s2] =	stream.indirect.scatter.add.f32 [tilespmem:s13], [sflag:$0x2], $0x80, s29, s18, $0xb8;
	[tilespmem:$0x1FC00] =	vst v63  }
0xf4: {  	_ = 	snop  }
0xf5: {  	[spmem:s2] =	stream.indirect.scatter.add.f32 [tilespmem:s13], [sflag:$0x2], $0x80, s30, s18, $0xb8;
	[tilespmem:$0x1FC00] =	vst v63  }
0xf6: {  	_ = 	snop  }
0xf7: {  	[spmem:s2] =	stream.indirect.scatter.add.f32 [tilespmem:s13], [sflag:$0x2], $0x80, s31, s18, $0xb8;
	[tilespmem:$0x1FC00] =	vst v63  }
0xf8: {  	s31 =	simm.s32 $0x2A80  }
0xf9: {  	[spmem:s2] =	stream.indirect.scatter.add.f32 [tilespmem:s13], [sflag:$0x2], $0x80, s31, s18, $0xb8;
	[tilespmem:$0x1FC00] =	vst v63  }
0xfa: {  	_ = 	snop  }
0xfb: {  	[spmem:s2] =	stream.indirect.scatter.add.f32 [tilespmem:s13], [sflag:$0x2], $0x80, s1, s18, $0xb8;
	[tilespmem:$0x1FC00] =	vst v63  }
0xfc: {  	_ = 	snop  }
0xfd: {  	[spmem:s2] =	stream.indirect.scatter.add.f32 [tilespmem:s13], [sflag:$0x2], $0x80, s16, s18, $0xb8;
	[tilespmem:$0x1FC00] =	vst v63  }
0xfe: {  	_ =	swait.ge [sflag:s26], $0x4000  }
0xff: {  	[sflag:s26] =	ssyncset.done $0x0  }
0x100: {  	[sflag:s26] =	ssyncadd.s32 $0xFFFFC000  }
0x101: {  	_ =	swait.ge [sflag:s26], $0x4000  }
0x102: {  	[sflag:s26] =	ssyncset.done $0x0  }
0x103: {  	[sflag:s26] =	ssyncadd.s32 $0xFFFFC000  }
0x104: {  	_ =	swait.ge [sflag:s26], $0x4000  }
0x105: {  	[sflag:s26] =	ssyncset.done $0x0  }
0x106: {  	[sflag:s26] =	ssyncadd.s32 $0xFFFFC000  }
0x107: {  	_ =	swait.ge [sflag:s26], $0x4000  }
0x108: {  	[sflag:s26] =	ssyncset.done $0x0  }
0x109: {  	[sflag:s26] =	ssyncadd.s32 $0xFFFFC000  }
0x10a: {  	_ =	swait.ge [sflag:s26], $0x4000  }
0x10b: {  	[sflag:s26] =	ssyncset.done $0x0  }
0x10c: {  	[sflag:s26] =	ssyncadd.s32 $0xFFFFC000  }
0x10d: {  	_ =	swait.ge [sflag:s26], $0x4000  }
0x10e: {  	[sflag:s26] =	ssyncset.done $0x0  }
0x10f: {  	[sflag:s26] =	ssyncadd.s32 $0xFFFFC000  }
0x110: {  	_ =	swait.ge [sflag:s26], $0x4000  }
0x111: {  	[sflag:s26] =	ssyncset.done $0x0  }
0x112: {  	[sflag:s26] =	ssyncadd.s32 $0xFFFFC000  }
0x113: {  	_ =	swait.ge [sflag:s26], $0x4000  }
0x114: {  	[sflag:s26] =	ssyncset.done $0x0  }
0x115: {  	[sflag:s26] =	ssyncadd.s32 $0xFFFFC000  }
0x116: {  	[spmem:s2] =	stream.indirect.scatter.add.f32 [tilespmem:s13], [sflag:$0x2], $0x80, s3, s18, $0xb8;
	[tilespmem:$0x1FC00] =	vst v63  }
0x117: {  	_ = 	snop  }
0x118: {  	[spmem:s2] =	stream.indirect.scatter.add.f32 [tilespmem:s13], [sflag:$0x2], $0x80, s9, s18, $0xb8;
	[tilespmem:$0x1FC00] =	vst v63  }
0x119: {  	_ = 	snop  }
0x11a: {  	[spmem:s2] =	stream.indirect.scatter.add.f32 [tilespmem:s13], [sflag:$0x2], $0x80, s10, s18, $0xb8;
	[tilespmem:$0x1FC00] =	vst v63  }
0x11b: {  	_ = 	snop  }
0x11c: {  	[spmem:s2] =	stream.indirect.scatter.add.f32 [tilespmem:s13], [sflag:$0x2], $0x80, s11, s18, $0xb8;
	[tilespmem:$0x1FC00] =	vst v63  }
0x11d: {  	_ = 	snop  }
0x11e: {  	[spmem:s2] =	stream.indirect.scatter.add.f32 [tilespmem:s13], [sflag:$0x2], $0x80, s20, s18, $0xb8;
	[tilespmem:$0x1FC00] =	vst v63  }
0x11f: {  	_ = 	snop  }
0x120: {  	[spmem:s2] =	stream.indirect.scatter.add.f32 [tilespmem:s13], [sflag:$0x2], $0x80, s24, s18, $0xb8;
	[tilespmem:$0x1FC00] =	vst v63  }
0x121: {  	_ = 	snop  }
0x122: {  	[spmem:s2] =	stream.indirect.scatter.add.f32 [tilespmem:s13], [sflag:$0x2], $0x80, s25, s18, $0xb8;
	[tilespmem:$0x1FC00] =	vst v63  }
0x123: {  	_ = 	snop  }
0x124: {  	[spmem:s2] =	stream.indirect.scatter.add.f32 [tilespmem:s13], [sflag:$0x2], $0x80, s7, s18, $0xb8;
	[tilespmem:$0x1FC00] =	vst v63  }
0x125: {  	_ =	swait.ge [sflag:s26], $0x4000  }
0x126: {  	[sflag:s26] =	ssyncset.done $0x0  }
0x127: {  	[sflag:s26] =	ssyncadd.s32 $0xFFFFC000  }
0x128: {  	_ =	swait.ge [sflag:s26], $0x4000  }
0x129: {  	[sflag:s26] =	ssyncset.done $0x0  }
0x12a: {  	[sflag:s26] =	ssyncadd.s32 $0xFFFFC000  }
0x12b: {  	_ =	swait.ge [sflag:s26], $0x4000  }
0x12c: {  	[sflag:s26] =	ssyncset.done $0x0  }
0x12d: {  	[sflag:s26] =	ssyncadd.s32 $0xFFFFC000  }
0x12e: {  	_ =	swait.ge [sflag:s26], $0x4000  }
0x12f: {  	[sflag:s26] =	ssyncset.done $0x0  }
0x130: {  	[sflag:s26] =	ssyncadd.s32 $0xFFFFC000  }
0x131: {  	_ =	swait.ge [sflag:s26], $0x4000  }
0x132: {  	[sflag:s26] =	ssyncset.done $0x0  }
0x133: {  	[sflag:s26] =	ssyncadd.s32 $0xFFFFC000  }
0x134: {  	_ =	swait.ge [sflag:s26], $0x4000  }
0x135: {  	[sflag:s26] =	ssyncset.done $0x0  }
0x136: {  	[sflag:s26] =	ssyncadd.s32 $0xFFFFC000  }
0x137: {  	_ =	swait.ge [sflag:s26], $0x4000  }
0x138: {  	[sflag:s26] =	ssyncset.done $0x0  }
0x139: {  	[sflag:s26] =	ssyncadd.s32 $0xFFFFC000  }
0x13a: {  	_ =	swait.ge [sflag:s26], $0x4000  }
0x13b: {  	[sflag:s26] =	ssyncset.done $0x0  }
0x13c: {  	[sflag:s26] =	ssyncadd.s32 $0xFFFFC000  }
0x13d: {  	[spmem:s2] =	stream.indirect.scatter.add.f32 [tilespmem:s13], [sflag:$0x2], $0x80, s21, s18, $0xb8;
	[tilespmem:$0x1FC00] =	vst v63  }
0x13e: {  	_ = 	snop  }
0x13f: {  	[spmem:s2] =	stream.indirect.scatter.add.f32 [tilespmem:s13], [sflag:$0x2], $0x80, s15, s18, $0xb8;
	[tilespmem:$0x1FC00] =	vst v63  }
0x140: {  	_ = 	snop  }
0x141: {  	[spmem:s2] =	stream.indirect.scatter.add.f32 [tilespmem:s13], [sflag:$0x2], $0x80, s17, s18, $0xb8;
	[tilespmem:$0x1FC00] =	vst v63  }
0x142: {  	s12 =	simm.s32 $0x3180  }
0x143: {  	[spmem:s2] =	stream.indirect.scatter.add.f32 [tilespmem:s13], [sflag:$0x2], $0x80, s12, s18, $0xb8;
	[tilespmem:$0x1FC00] =	vst v63  }
0x144: {  	s31 =	simm.s32 $0x3200  }
0x145: {  	[spmem:s2] =	stream.indirect.scatter.add.f32 [tilespmem:s13], [sflag:$0x2], $0x80, s31, s18, $0xb8;
	[tilespmem:$0x1FC00] =	vst v63  }
0x146: {  	s12 =	simm.s32 $0x3280  }
0x147: {  	[spmem:s2] =	stream.indirect.scatter.add.f32 [tilespmem:s13], [sflag:$0x2], $0x80, s12, s18, $0xb8;
	[tilespmem:$0x1FC00] =	vst v63  }
0x148: {  	s31 =	simm.s32 $0x3300  }
0x149: {  	[spmem:s2] =	stream.indirect.scatter.add.f32 [tilespmem:s13], [sflag:$0x2], $0x80, s31, s18, $0xb8;
	[tilespmem:$0x1FC00] =	vst v63  }
0x14a: {  	s12 =	simm.s32 $0x3380  }
0x14b: {  	[spmem:s2] =	stream.indirect.scatter.add.f32 [tilespmem:s13], [sflag:$0x2], $0x80, s12, s18, $0xb8;
	[tilespmem:$0x1FC00] =	vst v63  }
0x14c: {  	_ =	swait.ge [sflag:s26], $0x4000  }
0x14d: {  	[sflag:s26] =	ssyncset.done $0x0  }
0x14e: {  	[sflag:s26] =	ssyncadd.s32 $0xFFFFC000  }
0x14f: {  	_ =	swait.ge [sflag:s26], $0x4000  }
0x150: {  	[sflag:s26] =	ssyncset.done $0x0  }
0x151: {  	[sflag:s26] =	ssyncadd.s32 $0xFFFFC000  }
0x152: {  	_ =	swait.ge [sflag:s26], $0x4000  }
0x153: {  	[sflag:s26] =	ssyncset.done $0x0  }
0x154: {  	[sflag:s26] =	ssyncadd.s32 $0xFFFFC000  }
0x155: {  	_ =	swait.ge [sflag:s26], $0x4000  }
0x156: {  	[sflag:s26] =	ssyncset.done $0x0  }
0x157: {  	[sflag:s26] =	ssyncadd.s32 $0xFFFFC000  }
0x158: {  	_ =	swait.ge [sflag:s26], $0x4000  }
0x159: {  	[sflag:s26] =	ssyncset.done $0x0  }
0x15a: {  	[sflag:s26] =	ssyncadd.s32 $0xFFFFC000  }
0x15b: {  	_ =	swait.ge [sflag:s26], $0x4000  }
0x15c: {  	[sflag:s26] =	ssyncset.done $0x0  }
0x15d: {  	[sflag:s26] =	ssyncadd.s32 $0xFFFFC000  }
0x15e: {  	_ =	swait.ge [sflag:s26], $0x4000  }
0x15f: {  	[sflag:s26] =	ssyncset.done $0x0  }
0x160: {  	[sflag:s26] =	ssyncadd.s32 $0xFFFFC000  }
0x161: {  	_ =	swait.ge [sflag:s26], $0x4000  }
0x162: {  	[sflag:s26] =	ssyncset.done $0x0  }
0x163: {  	s31 =	simm.s32 $0x3400;
	[sflag:s26] =	ssyncadd.s32 $0xFFFFC000  }
0x164: {  	[spmem:s2] =	stream.indirect.scatter.add.f32 [tilespmem:s13], [sflag:$0x2], $0x80, s31, s18, $0xb8;
	[tilespmem:$0x1FC00] =	vst v63  }
0x165: {  	s12 =	simm.s32 $0x3480  }
0x166: {  	[spmem:s2] =	stream.indirect.scatter.add.f32 [tilespmem:s13], [sflag:$0x2], $0x80, s12, s18, $0xb8;
	[tilespmem:$0x1FC00] =	vst v63  }
0x167: {  	s31 =	simm.s32 $0x3500  }
0x168: {  	[spmem:s2] =	stream.indirect.scatter.add.f32 [tilespmem:s13], [sflag:$0x2], $0x80, s31, s18, $0xb8;
	[tilespmem:$0x1FC00] =	vst v63  }
0x169: {  	s12 =	simm.s32 $0x3580  }
0x16a: {  	[spmem:s2] =	stream.indirect.scatter.add.f32 [tilespmem:s13], [sflag:$0x2], $0x80, s12, s18, $0xb8;
	[tilespmem:$0x1FC00] =	vst v63  }
0x16b: {  	s31 =	simm.s32 $0x3600  }
0x16c: {  	[spmem:s2] =	stream.indirect.scatter.add.f32 [tilespmem:s13], [sflag:$0x2], $0x80, s31, s18, $0xb8;
	[tilespmem:$0x1FC00] =	vst v63  }
0x16d: {  	s12 =	simm.s32 $0x3680  }
0x16e: {  	[spmem:s2] =	stream.indirect.scatter.add.f32 [tilespmem:s13], [sflag:$0x2], $0x80, s12, s18, $0xb8;
	[tilespmem:$0x1FC00] =	vst v63  }
0x16f: {  	s31 =	simm.s32 $0x3700  }
0x170: {  	[spmem:s2] =	stream.indirect.scatter.add.f32 [tilespmem:s13], [sflag:$0x2], $0x80, s31, s18, $0xb8;
	[tilespmem:$0x1FC00] =	vst v63  }
0x171: {  	s12 =	simm.s32 $0x3780  }
0x172: {  	[spmem:s2] =	stream.indirect.scatter.add.f32 [tilespmem:s13], [sflag:$0x2], $0x80, s12, s18, $0xb8;
	[tilespmem:$0x1FC00] =	vst v63  }
0x173: {  	_ =	swait.ge [sflag:s26], $0x4000  }
0x174: {  	[sflag:s26] =	ssyncset.done $0x0  }
0x175: {  	[sflag:s26] =	ssyncadd.s32 $0xFFFFC000  }
0x176: {  	_ =	swait.ge [sflag:s26], $0x4000  }
0x177: {  	[sflag:s26] =	ssyncset.done $0x0  }
0x178: {  	[sflag:s26] =	ssyncadd.s32 $0xFFFFC000  }
0x179: {  	_ =	swait.ge [sflag:s26], $0x4000  }
0x17a: {  	[sflag:s26] =	ssyncset.done $0x0  }
0x17b: {  	[sflag:s26] =	ssyncadd.s32 $0xFFFFC000  }
0x17c: {  	_ =	swait.ge [sflag:s26], $0x4000  }
0x17d: {  	[sflag:s26] =	ssyncset.done $0x0  }
0x17e: {  	[sflag:s26] =	ssyncadd.s32 $0xFFFFC000  }
0x17f: {  	_ =	swait.ge [sflag:s26], $0x4000  }
0x180: {  	[sflag:s26] =	ssyncset.done $0x0  }
0x181: {  	[sflag:s26] =	ssyncadd.s32 $0xFFFFC000  }
0x182: {  	_ =	swait.ge [sflag:s26], $0x4000  }
0x183: {  	[sflag:s26] =	ssyncset.done $0x0  }
0x184: {  	[sflag:s26] =	ssyncadd.s32 $0xFFFFC000  }
0x185: {  	_ =	swait.ge [sflag:s26], $0x4000  }
0x186: {  	[sflag:s26] =	ssyncset.done $0x0  }
0x187: {  	[sflag:s26] =	ssyncadd.s32 $0xFFFFC000  }
0x188: {  	_ =	swait.ge [sflag:s26], $0x4000  }
0x189: {  	[sflag:s26] =	ssyncset.done $0x0  }
0x18a: {  	s31 =	simm.s32 $0x3800;
	[sflag:s26] =	ssyncadd.s32 $0xFFFFC000  }
0x18b: {  	[spmem:s2] =	stream.indirect.scatter.add.f32 [tilespmem:s13], [sflag:$0x2], $0x80, s31, s18, $0xb8;
	[tilespmem:$0x1FC00] =	vst v63  }
0x18c: {  	s12 =	simm.s32 $0x3880  }
0x18d: {  	[spmem:s2] =	stream.indirect.scatter.add.f32 [tilespmem:s13], [sflag:$0x2], $0x80, s12, s18, $0xb8;
	[tilespmem:$0x1FC00] =	vst v63  }
0x18e: {  	s31 =	simm.s32 $0x3900  }
0x18f: {  	[spmem:s2] =	stream.indirect.scatter.add.f32 [tilespmem:s13], [sflag:$0x2], $0x80, s31, s18, $0xb8;
	[tilespmem:$0x1FC00] =	vst v63  }
0x190: {  	s12 =	simm.s32 $0x3980  }
0x191: {  	[spmem:s2] =	stream.indirect.scatter.add.f32 [tilespmem:s13], [sflag:$0x2], $0x80, s12, s18, $0xb8;
	[tilespmem:$0x1FC00] =	vst v63  }
0x192: {  	s31 =	simm.s32 $0x3A00  }
0x193: {  	[spmem:s2] =	stream.indirect.scatter.add.f32 [tilespmem:s13], [sflag:$0x2], $0x80, s31, s18, $0xb8;
	[tilespmem:$0x1FC00] =	vst v63  }
0x194: {  	s12 =	simm.s32 $0x3A80  }
0x195: {  	[spmem:s2] =	stream.indirect.scatter.add.f32 [tilespmem:s13], [sflag:$0x2], $0x80, s12, s18, $0xb8;
	[tilespmem:$0x1FC00] =	vst v63  }
0x196: {  	s19 =	simm.s32 $0x3B00  }
0x197: {  	[spmem:s2] =	stream.indirect.scatter.add.f32 [tilespmem:s13], [sflag:$0x2], $0x80, s19, s18, $0xb8;
	[tilespmem:$0x1FC00] =	vst v63  }
0x198: {  	s9 =	simm.s32 $0x3B80  }
0x199: {  	[spmem:s2] =	stream.indirect.scatter.add.f32 [tilespmem:s13], [sflag:$0x2], $0x80, s9, s18, $0xb8;
	[tilespmem:$0x1FC00] =	vst v63  }
0x19a: {  	_ =	swait.ge [sflag:s26], $0x4000  }
0x19b: {  	[sflag:s26] =	ssyncset.done $0x0  }
0x19c: {  	[sflag:s26] =	ssyncadd.s32 $0xFFFFC000  }
0x19d: {  	_ =	swait.ge [sflag:s26], $0x4000  }
0x19e: {  	[sflag:s26] =	ssyncset.done $0x0  }
0x19f: {  	[sflag:s26] =	ssyncadd.s32 $0xFFFFC000  }
0x1a0: {  	_ =	swait.ge [sflag:s26], $0x4000  }
0x1a1: {  	[sflag:s26] =	ssyncset.done $0x0  }
0x1a2: {  	[sflag:s26] =	ssyncadd.s32 $0xFFFFC000  }
0x1a3: {  	_ =	swait.ge [sflag:s26], $0x4000  }
0x1a4: {  	[sflag:s26] =	ssyncset.done $0x0  }
0x1a5: {  	[sflag:s26] =	ssyncadd.s32 $0xFFFFC000  }
0x1a6: {  	_ =	swait.ge [sflag:s26], $0x4000  }
0x1a7: {  	[sflag:s26] =	ssyncset.done $0x0  }
0x1a8: {  	[sflag:s26] =	ssyncadd.s32 $0xFFFFC000  }
0x1a9: {  	_ =	swait.ge [sflag:s26], $0x4000  }
0x1aa: {  	[sflag:s26] =	ssyncset.done $0x0  }
0x1ab: {  	[sflag:s26] =	ssyncadd.s32 $0xFFFFC000  }
0x1ac: {  	_ =	swait.ge [sflag:s26], $0x4000  }
0x1ad: {  	[sflag:s26] =	ssyncset.done $0x0  }
0x1ae: {  	[sflag:s26] =	ssyncadd.s32 $0xFFFFC000  }
0x1af: {  	_ =	swait.ge [sflag:s26], $0x4000  }
0x1b0: {  	[sflag:s26] =	ssyncset.done $0x0  }
0x1b1: {  	[sflag:s26] =	ssyncadd.s32 $0xFFFFC000  }
0x1b2: {  	[bflag:$0x0] =	sbarrier.arrive $0xFFFF  }
0x1b3: {  	s29 =	rddreg [dreg:$0x6]  }
0x1b4: {  	[hbm:s29], [sflag:s5] =	dma.local [spmem:s6], $0x2800  }
0x1b5: {  	_ =	swait.ge [sflag:s14], $0x2800  }
0x1b6: {  	[sflag:s14] =	ssyncset.done $0x0  }
0x1b7: {  	s3 =	simm.s32 $0x0;
	s29 =	rddreg [dreg:$0x7];
	[sflag:s14] =	ssyncadd.s32 $0xFFFFD800  }
0x1b8: {  	[tilespmem:s3], [sflag:$0x3] =	stream.linear.gather [hbm4b:s29+s3], $0x2800, $0x38;
	[tilespmem:$0x1FC00] =	vst v63  }
0x1b9: {  	_ =	swait.ge [sflag:s14], $0x2800  }
0x1ba: {  	[sflag:s14] =	ssyncset.done $0x0  }
0x1bb: {  	[sflag:s14] =	ssyncadd.s32 $0xFFFFD800  }
0x1bc: {  	s7 =	simm.s32 $0x2800;
	[bflag:$0x0] =	sbarrier.arrive $0xFFFF  }
0x1bd: {  	[tilespmem:s7], [sflag:$0x3] =	stream.linear.gather [hbm4b:s8+s3], $0x1400, $0x38;
	[tilespmem:$0x1FC00] =	vst v63  }
0x1be: {  	_ =	swait.ge [sflag:s14], $0x1400  }
0x1bf: {  	[sflag:s14] =	ssyncset.done $0x0  }
0x1c0: {  	[sflag:s14] =	ssyncadd.s32 $0xFFFFEC00  }
0x1c1: {  	[tilespmem:s13], [sflag:$0x1] =	stream.indirect.gather [hbm4b:s4+s18], $0x80, s3, s18, $0xb8;
	[tilespmem:$0x1FC00] =	vst v63  }
0x1c2: {  	_ =	swait.ge [sflag:s22], $0x4000  }
0x1c3: {  	[sflag:s22] =	ssyncset.done $0x0  }
0x1c4: {  	[sflag:s22] =	ssyncadd.s32 $0xFFFFC000  }
0x1c5: {  	[spmem:s2] =	stream.indirect.scatter.add.f32 [tilespmem:s13], [sflag:$0x2], $0x80, s7, s18, $0xb8;
	[tilespmem:$0x1FC00] =	vst v63  }
0x1c6: {  	_ = 	snop  }
0x1c7: {  	[tilespmem:s23], [sflag:$0x1] =	stream.indirect.gather [hbm4b:s4+s18], $0x80, s18, s18, $0xb8;
	[tilespmem:$0x1FC00] =	vst v63  }
0x1c8: {  	_ =	swait.ge [sflag:s22], $0x4000  }
0x1c9: {  	[sflag:s22] =	ssyncset.done $0x0  }
0x1ca: {  	s1 =	simm.s32 $0x2880;
	[sflag:s22] =	ssyncadd.s32 $0xFFFFC000  }
0x1cb: {  	[spmem:s2] =	stream.indirect.scatter.add.f32 [tilespmem:s23], [sflag:$0x2], $0x80, s1, s18, $0xb8;
	[tilespmem:$0x1FC00] =	vst v63  }
0x1cc: {  	_ =	swait.ge [sflag:s26], $0x4000  }
0x1cd: {  	[sflag:s26] =	ssyncset.done $0x0  }
0x1ce: {  	s31 =	simm.s32 $0x100;
	[sflag:s26] =	ssyncadd.s32 $0xFFFFC000  }
0x1cf: {  	[tilespmem:s13], [sflag:$0x1] =	stream.indirect.gather [hbm4b:s4+s18], $0x80, s31, s18, $0xb8;
	[tilespmem:$0x1FC00] =	vst v63  }
0x1d0: {  	_ =	swait.ge [sflag:s22], $0x4000  }
0x1d1: {  	[sflag:s22] =	ssyncset.done $0x0  }
0x1d2: {  	s29 =	simm.s32 $0x2900;
	[sflag:s22] =	ssyncadd.s32 $0xFFFFC000  }
0x1d3: {  	[spmem:s2] =	stream.indirect.scatter.add.f32 [tilespmem:s13], [sflag:$0x2], $0x80, s29, s18, $0xb8;
	[tilespmem:$0x1FC00] =	vst v63  }
0x1d4: {  	_ =	swait.ge [sflag:s26], $0x4000  }
0x1d5: {  	[sflag:s26] =	ssyncset.done $0x0  }
0x1d6: {  	s29 =	simm.s32 $0x180;
	[sflag:s26] =	ssyncadd.s32 $0xFFFFC000  }
0x1d7: {  	[tilespmem:s23], [sflag:$0x1] =	stream.indirect.gather [hbm4b:s4+s18], $0x80, s29, s18, $0xb8;
	[tilespmem:$0x1FC00] =	vst v63  }
0x1d8: {  	_ =	swait.ge [sflag:s22], $0x4000  }
0x1d9: {  	[sflag:s22] =	ssyncset.done $0x0  }
0x1da: {  	s29 =	simm.s32 $0x2980;
	[sflag:s22] =	ssyncadd.s32 $0xFFFFC000  }
0x1db: {  	[spmem:s2] =	stream.indirect.scatter.add.f32 [tilespmem:s23], [sflag:$0x2], $0x80, s29, s18, $0xb8;
	[tilespmem:$0x1FC00] =	vst v63  }
0x1dc: {  	_ =	swait.ge [sflag:s26], $0x4000  }
0x1dd: {  	[sflag:s26] =	ssyncset.done $0x0  }
0x1de: {  	s30 =	simm.s32 $0x200;
	s29 =	simm.s32 $0xFFFFBC00;
	[sflag:s26] =	ssyncadd.s32 $0xFFFFC000  }
.LBB2_2:
0x1df: {  	[tilespmem:s13], [sflag:$0x1] =	stream.indirect.gather [hbm4b:s4+s18], $0x80, s30, s18, $0xb8;
	[tilespmem:$0x1FC00] =	vst v63  }
0x1e0: {  	s30 =	smov.u32 s29  }
0x1e1: {  	p0 =	sne.s32 s29, $0xFFFFFC00;
	s29 =	sadd.s32 $0x400, s29;
	_ =	swait.ge [sflag:s22], $0x4000  }
0x1e2: {  	s30 =	sshra.s32 s30, $0x2;
	[sflag:s22] =	ssyncset.done $0x0  }
0x1e3: {  	s31 =	sadd.s32 $0x3B00, s30;
	[sflag:s22] =	ssyncadd.s32 $0xFFFFC000  }
0x1e4: {  	[spmem:s2] =	stream.indirect.scatter.add.f32 [tilespmem:s13], [sflag:$0x2], $0x80, s31, s18, $0xb8;
	[tilespmem:$0x1FC00] =	vst v63  }
0x1e5: {  	_ =	swait.ge [sflag:s26], $0x4000  }
0x1e6: {  	[sflag:s26] =	ssyncset.done $0x0  }
0x1e7: {  	s31 =	sadd.s32 $0x1380, s30;
	[sflag:s26] =	ssyncadd.s32 $0xFFFFC000  }
0x1e8: {  	[tilespmem:s23], [sflag:$0x1] =	stream.indirect.gather [hbm4b:s4+s18], $0x80, s31, s18, $0xb8;
	[tilespmem:$0x1FC00] =	vst v63  }
0x1e9: {  	_ =	swait.ge [sflag:s22], $0x4000  }
0x1ea: {  	[sflag:s22] =	ssyncset.done $0x0  }
.Ltmp0:
0x1eb: {  	s31 =	sadd.s32 $0x3B80, s30;
	[sflag:s22] =	ssyncadd.s32 $0xFFFFC000;
	(pc) =	sbr.rel @p0 .LBB2_2-.Ltmp0, $4  }
0x1ec: {  	[spmem:s2] =	stream.indirect.scatter.add.f32 [tilespmem:s23], [sflag:$0x2], $0x80, s31, s18, $0xb8;
	[tilespmem:$0x1FC00] =	vst v63  }
0x1ed: {  	_ =	swait.ge [sflag:s26], $0x4000  }
0x1ee: {  	[sflag:s26] =	ssyncset.done $0x0  }
0x1ef: {  	s30 =	sadd.s32 $0x1400, s30;
	[sflag:s26] =	ssyncadd.s32 $0xFFFFC000  }
0x1f0: {  	[tilespmem:s13], [sflag:$0x1] =	stream.indirect.gather [hbm4b:s4+s18], $0x80, s30, s18, $0xb8;
	[tilespmem:$0x1FC00] =	vst v63  }
0x1f1: {  	_ =	swait.ge [sflag:s22], $0x4000  }
0x1f2: {  	[sflag:s22] =	ssyncset.done $0x0  }
0x1f3: {  	[sflag:s22] =	ssyncadd.s32 $0xFFFFC000  }
0x1f4: {  	[spmem:s2] =	stream.indirect.scatter.add.f32 [tilespmem:s13], [sflag:$0x2], $0x80, s19, s18, $0xb8;
	[tilespmem:$0x1FC00] =	vst v63  }
0x1f5: {  	_ =	swait.ge [sflag:s26], $0x4000  }
0x1f6: {  	[sflag:s26] =	ssyncset.done $0x0  }
0x1f7: {  	s0 =	simm.s32 $0x1380;
	[sflag:s26] =	ssyncadd.s32 $0xFFFFC000  }
0x1f8: {  	[tilespmem:s23], [sflag:$0x1] =	stream.indirect.gather [hbm4b:s4+s18], $0x80, s0, s18, $0xb8;
	[tilespmem:$0x1FC00] =	vst v63  }
0x1f9: {  	_ =	swait.ge [sflag:s22], $0x4000  }
0x1fa: {  	[sflag:s22] =	ssyncset.done $0x0  }
0x1fb: {  	[sflag:s22] =	ssyncadd.s32 $0xFFFFC000  }
0x1fc: {  	[spmem:s2] =	stream.indirect.scatter.add.f32 [tilespmem:s23], [sflag:$0x2], $0x80, s9, s18, $0xb8;
	[tilespmem:$0x1FC00] =	vst v63  }
0x1fd: {  	_ =	swait.ge [sflag:s26], $0x4000  }
0x1fe: {  	[sflag:s26] =	ssyncset.done $0x0  }
0x1ff: {  	[sflag:s26] =	ssyncadd.s32 $0xFFFFC000  }
0x200: {  	[tilespmem:s13], [sflag:$0x1] =	stream.indirect.gather [hbm4b:s4+s18], $0x80, s0, s18, $0xb8;
	[tilespmem:$0x1FC00] =	vst v63  }
0x201: {  	_ =	swait.ge [sflag:s26], $0x4000  }
0x202: {  	[sflag:s26] =	ssyncset.done $0x0  }
0x203: {  	[sflag:s26] =	ssyncadd.s32 $0xFFFFC000  }
0x204: {  	_ =	swait.ge [sflag:s22], $0x4000  }
0x205: {  	[sflag:s22] =	ssyncset.done $0x0  }
0x206: {  	s31 =	rddreg [dreg:$0xb];
	[sflag:s22] =	ssyncadd.s32 $0xFFFFC000  }
0x207: {  	[tilespmem:s7], [sflag:$0x3] =	stream.linear.gather [hbm4b:s31+s3], $0x1400, $0x38;
	[tilespmem:$0x1FC00] =	vst v63  }
0x208: {  	_ =	swait.ge [sflag:s14], $0x1400  }
0x209: {  	[sflag:s14] =	ssyncset.done $0x0  }
0x20a: {  	s8 =	simm.s32 $0x1400;
	[sflag:s14] =	ssyncadd.s32 $0xFFFFEC00  }
0x20b: {  	[tilespmem:s13], [sflag:$0x1] =	stream.indirect.gather [hbm4b:s4+s18], $0x80, s8, s18, $0xb8;
	[tilespmem:$0x1FC00] =	vst v63  }
0x20c: {  	_ =	swait.ge [sflag:s22], $0x4000  }
0x20d: {  	[sflag:s22] =	ssyncset.done $0x0  }
0x20e: {  	[sflag:s22] =	ssyncadd.s32 $0xFFFFC000  }
0x20f: {  	[spmem:s2] =	stream.indirect.scatter.add.f32 [tilespmem:s13], [sflag:$0x2], $0x80, s7, s18, $0xb8;
	[tilespmem:$0x1FC00] =	vst v63  }
0x210: {  	s12 =	simm.s32 $0x1480  }
0x211: {  	[tilespmem:s23], [sflag:$0x1] =	stream.indirect.gather [hbm4b:s4+s18], $0x80, s12, s18, $0xb8;
	[tilespmem:$0x1FC00] =	vst v63  }
0x212: {  	_ =	swait.ge [sflag:s22], $0x4000  }
0x213: {  	[sflag:s22] =	ssyncset.done $0x0  }
0x214: {  	[sflag:s22] =	ssyncadd.s32 $0xFFFFC000  }
0x215: {  	[spmem:s2] =	stream.indirect.scatter.add.f32 [tilespmem:s23], [sflag:$0x2], $0x80, s1, s18, $0xb8;
	[tilespmem:$0x1FC00] =	vst v63  }
0x216: {  	_ =	swait.ge [sflag:s26], $0x4000  }
0x217: {  	[sflag:s26] =	ssyncset.done $0x0  }
0x218: {  	s31 =	simm.s32 $0x1500;
	[sflag:s26] =	ssyncadd.s32 $0xFFFFC000  }
0x219: {  	[tilespmem:s13], [sflag:$0x1] =	stream.indirect.gather [hbm4b:s4+s18], $0x80, s31, s18, $0xb8;
	[tilespmem:$0x1FC00] =	vst v63  }
0x21a: {  	_ =	swait.ge [sflag:s22], $0x4000  }
0x21b: {  	[sflag:s22] =	ssyncset.done $0x0  }
0x21c: {  	s29 =	simm.s32 $0x2900;
	[sflag:s22] =	ssyncadd.s32 $0xFFFFC000  }
0x21d: {  	[spmem:s2] =	stream.indirect.scatter.add.f32 [tilespmem:s13], [sflag:$0x2], $0x80, s29, s18, $0xb8;
	[tilespmem:$0x1FC00] =	vst v63  }
0x21e: {  	_ =	swait.ge [sflag:s26], $0x4000  }
0x21f: {  	[sflag:s26] =	ssyncset.done $0x0  }
0x220: {  	s29 =	simm.s32 $0x1580;
	[sflag:s26] =	ssyncadd.s32 $0xFFFFC000  }
0x221: {  	[tilespmem:s23], [sflag:$0x1] =	stream.indirect.gather [hbm4b:s4+s18], $0x80, s29, s18, $0xb8;
	[tilespmem:$0x1FC00] =	vst v63  }
0x222: {  	_ =	swait.ge [sflag:s22], $0x4000  }
0x223: {  	[sflag:s22] =	ssyncset.done $0x0  }
0x224: {  	s29 =	simm.s32 $0x2980;
	[sflag:s22] =	ssyncadd.s32 $0xFFFFC000  }
0x225: {  	[spmem:s2] =	stream.indirect.scatter.add.f32 [tilespmem:s23], [sflag:$0x2], $0x80, s29, s18, $0xb8;
	[tilespmem:$0x1FC00] =	vst v63  }
0x226: {  	_ =	swait.ge [sflag:s26], $0x4000  }
0x227: {  	[sflag:s26] =	ssyncset.done $0x0  }
0x228: {  	s30 =	simm.s32 $0x1600;
	s29 =	simm.s32 $0xFFFFBC00;
	[sflag:s26] =	ssyncadd.s32 $0xFFFFC000  }
.LBB2_4:
0x229: {  	[tilespmem:s13], [sflag:$0x1] =	stream.indirect.gather [hbm4b:s4+s18], $0x80, s30, s18, $0xb8;
	[tilespmem:$0x1FC00] =	vst v63  }
0x22a: {  	s30 =	smov.u32 s29  }
0x22b: {  	p0 =	sne.s32 s29, $0xFFFFFC00;
	s29 =	sadd.s32 $0x400, s29;
	_ =	swait.ge [sflag:s22], $0x4000  }
0x22c: {  	s30 =	sshra.s32 s30, $0x2;
	[sflag:s22] =	ssyncset.done $0x0  }
0x22d: {  	s31 =	sadd.s32 $0x3B00, s30;
	[sflag:s22] =	ssyncadd.s32 $0xFFFFC000  }
0x22e: {  	[spmem:s2] =	stream.indirect.scatter.add.f32 [tilespmem:s13], [sflag:$0x2], $0x80, s31, s18, $0xb8;
	[tilespmem:$0x1FC00] =	vst v63  }
0x22f: {  	_ =	swait.ge [sflag:s26], $0x4000  }
0x230: {  	[sflag:s26] =	ssyncset.done $0x0  }
0x231: {  	s31 =	sadd.s32 $0x2780, s30;
	[sflag:s26] =	ssyncadd.s32 $0xFFFFC000  }
0x232: {  	[tilespmem:s23], [sflag:$0x1] =	stream.indirect.gather [hbm4b:s4+s18], $0x80, s31, s18, $0xb8;
	[tilespmem:$0x1FC00] =	vst v63  }
0x233: {  	_ =	swait.ge [sflag:s22], $0x4000  }
0x234: {  	[sflag:s22] =	ssyncset.done $0x0  }
.Ltmp1:
0x235: {  	s31 =	sadd.s32 $0x3B80, s30;
	[sflag:s22] =	ssyncadd.s32 $0xFFFFC000;
	(pc) =	sbr.rel @p0 .LBB2_4-.Ltmp1, $4  }
0x236: {  	[spmem:s2] =	stream.indirect.scatter.add.f32 [tilespmem:s23], [sflag:$0x2], $0x80, s31, s18, $0xb8;
	[tilespmem:$0x1FC00] =	vst v63  }
0x237: {  	_ =	swait.ge [sflag:s26], $0x4000  }
0x238: {  	[sflag:s26] =	ssyncset.done $0x0  }
0x239: {  	s30 =	sadd.s32 $0x2800, s30;
	[sflag:s26] =	ssyncadd.s32 $0xFFFFC000  }
0x23a: {  	[tilespmem:s13], [sflag:$0x1] =	stream.indirect.gather [hbm4b:s4+s18], $0x80, s30, s18, $0xb8;
	[tilespmem:$0x1FC00] =	vst v63  }
0x23b: {  	_ =	swait.ge [sflag:s22], $0x4000  }
0x23c: {  	[sflag:s22] =	ssyncset.done $0x0  }
0x23d: {  	[sflag:s22] =	ssyncadd.s32 $0xFFFFC000  }
0x23e: {  	[spmem:s2] =	stream.indirect.scatter.add.f32 [tilespmem:s13], [sflag:$0x2], $0x80, s19, s18, $0xb8;
	[tilespmem:$0x1FC00] =	vst v63  }
0x23f: {  	_ =	swait.ge [sflag:s26], $0x4000  }
0x240: {  	[sflag:s26] =	ssyncset.done $0x0  }
0x241: {  	s0 =	simm.s32 $0x2780;
	[sflag:s26] =	ssyncadd.s32 $0xFFFFC000  }
0x242: {  	[tilespmem:s23], [sflag:$0x1] =	stream.indirect.gather [hbm4b:s4+s18], $0x80, s0, s18, $0xb8;
	[tilespmem:$0x1FC00] =	vst v63  }
0x243: {  	_ =	swait.ge [sflag:s22], $0x4000  }
0x244: {  	[sflag:s22] =	ssyncset.done $0x0  }
0x245: {  	[sflag:s22] =	ssyncadd.s32 $0xFFFFC000  }
0x246: {  	[spmem:s2] =	stream.indirect.scatter.add.f32 [tilespmem:s23], [sflag:$0x2], $0x80, s9, s18, $0xb8;
	[tilespmem:$0x1FC00] =	vst v63  }
0x247: {  	_ =	swait.ge [sflag:s26], $0x4000  }
0x248: {  	[sflag:s26] =	ssyncset.done $0x0  }
0x249: {  	[sflag:s26] =	ssyncadd.s32 $0xFFFFC000  }
0x24a: {  	[tilespmem:s13], [sflag:$0x1] =	stream.indirect.gather [hbm4b:s4+s18], $0x80, s0, s18, $0xb8;
	[tilespmem:$0x1FC00] =	vst v63  }
0x24b: {  	_ =	swait.ge [sflag:s26], $0x4000  }
0x24c: {  	[sflag:s26] =	ssyncset.done $0x0  }
0x24d: {  	[sflag:s26] =	ssyncadd.s32 $0xFFFFC000  }
0x24e: {  	_ =	swait.ge [sflag:s22], $0x4000  }
0x24f: {  	[sflag:s22] =	ssyncset.done $0x0  }
0x250: {  	[sflag:s22] =	ssyncadd.s32 $0xFFFFC000  }
0x251: {  	[bflag:$0x0] =	sbarrier.arrive $0xFFFF  }
0x252: {  	s29 =	rddreg [dreg:$0x8]  }
0x253: {  	[hbm:s29], [sflag:s5] =	dma.local [spmem:s6], $0x2800  }
0x254: {  	_ =	swait.ge [sflag:s14], $0x2800  }
0x255: {  	s28 =	sadd.s32 $0x1, s28;
	s31 =	rddreg [dreg:$0x9]  }
0x256: {  	p0 =	sne.s32 s28, s31  }
.Ltmp2:
0x257: {  	_ = 	snop;
	(pc) =	sbr.rel @p0 .LBB2_1-.Ltmp2, $3  }
0x258: {  	_ =	sdelay $0x1  }
0x259: {  	[sflag:s14] =	ssyncset.done $0x0  }
0x25a: {  	[sflag:s14] =	ssyncadd.s32 $0xFFFFD800  }
0x25b: {  	_ =	sfence.sel $0x180000  }
0x25c: {  	[bflag:$0x0] =	sbarrier.arrive $0xFFFF  }
0x25d: {  	_ =	strace $0x9000004A  }
0x25e: {  	s0 =	stileid.u32;
	[bflag:$0x2] =	sbarrier.arrive $0xFFFF  }
0x25f: {  	p0 =	sne.s32 s0, $0x0;
	s0 =	rddreg [dreg:$0x3]  }
0x260: {  	s0 =	sadd.s32 @!p0 $0x100000, s0  }
0x261: {  	[sflag:s0] =	ssyncadd.tile.s32 @!p0 $0x1;
	_ =	shalt  }
.Lfunc_end2:
_tile_overlayer_lowered:
.L_overlay_start_2:
0x262: {  	(tag) =	ssettag $0x2  }
0x263: {  	s0 =	rddreg [dreg:$0x0];
	s2 =	stileid.u32  }
0x264: {  	s1 =	rddreg [dreg:$0x1];
	p0 =	sne.s32 s2, $0x0  }
0x265: {  	s3 =	rddreg [dreg:$0x2];
	[bflag:$0x3] =	sbarrier.arrive $0xFFFF;
	s2 =	simm.s32 @!p0 $0x1C03  }
0x266: {  	[timem:s3], [sflag:s2] =	dma.local @!p0 [hbm:s0], s1  }
0x267: {  	s0 =	simm.s32 @!p0 $0x3  }
0x268: {  	_ =	swait.ge @!p0 [sflag:s0], s1  }
0x269: {  	s1 =	ssub.s32 @!p0 $0x0, s1;
	[sflag:s0] =	ssyncset.done @!p0 $0x0  }
0x26a: {  	[sflag:s0] =	ssyncadd.s32 @!p0 s1  }
0x26b: {  	[bflag:$0x3] =	sbarrier.arrive $0xFFFF  }
0x26c: {  	_ =	shalt  }

// kernel: kernel.7.cloned.1.call-start
scs
__scs_entry_jumppad:
0x0: {  	(pc) =	sbr.rel $0x88, $3  }
0x1: {  	(tag) =	ssettag $0x0;
	lr =	simm.s32 $0x1  }
0x2: {  	[smem:$0x3F91] =	sst lr;
	_ =	strace $0xD0000000  }
0x3: {  	_ = 	snop  }
0x4: {  	_ = 	snop  }
0x5: {  	_ = 	snop  }
0x6: {  	_ = 	snop  }
0x7: {  	_ = 	snop  }
__scs_overlays_trampoline_lowered:
0x8: {  	[smem:$0x3FA0] =	sst s0  }
0x9: {  	[smem:$0x3FA1] =	sst s1  }
0xa: {  	[smem:$0x3FA2] =	sst s2  }
0xb: {  	[smem:$0x3FA3] =	sst s3  }
0xc: {  	[smem:$0x3FA4] =	sst s4  }
0xd: {  	[smem:$0x3FA5] =	sst s5  }
0xe: {  	[smem:$0x3FA6] =	sst s6  }
0xf: {  	[smem:$0x3FA7] =	sst s7  }
0x10: {  	[smem:$0x3FA8] =	sst s8  }
0x11: {  	[smem:$0x3FA9] =	sst s9;
	s0 =	simm.s32 @!p0 $0x0  }
0x12: {  	s1 =	sld [smem:$0x3F8F];
	s0 =	simm.s32 @p0 $0x1  }
0x13: {  	[smem:$0x3FAA] =	sst s0;
	s0 =	simm.s32 @!p1 $0x0  }
0x14: {  	s2 =	sld [smem:$0x3F8E];
	s0 =	simm.s32 @p1 $0x1  }
0x15: {  	[smem:$0x3FAB] =	sst s0;
	s0 =	simm.s32 @!p2 $0x0  }
0x16: {  	s3 =	sld [smem:$0x3FDB];
	s0 =	simm.s32 @p2 $0x1  }
0x17: {  	s4 =	simm.s32 $0x1BF5;
	[smem:$0x3FAD] =	sst s0  }
0x18: {  	s0 =	sld [smem:$0x3F90];
	_ =	swait.ge [sflag:s4], $0x0  }
0x19: {  	s7 =	sld [smem:$0x3F91]  }
0x1a: {  	s8 =	sadd.s32 $0xFFFFE003, lr  }
0x1b: {  	s9 =	sadd.s32 $0xFFFFFEF7, lr;
	s5 =	simm.s32 $0xFFFFFFFF;
	p2 =	slt.u32 s8, $0xFFFFF086  }
0x1c: {  	p1 =	slt.u32 s9, $0xF7A;
	s5 =	simm.s32 @!p2 $0x0  }
0x1d: {  	s5 =	simm.s32 @p1 $0x1;
	p0 =	seq.s32 s7, s2  }
0x1e: {  	s7 =	smul.u32 @!p0 $0xF7A, s2;
	p2 =	seq.s32 @!p0 s5, $0x0  }
0x1f: {  	s9 =	smul.u32 $0xF7A, s1;
	s8 =	simm.s32 @!p0 $0x1BF5;
	p2 =	por !p2, p0  }
0x20: {  	[sflag:s8] =	ssyncset.s32 @!p0 $0xFFFFF086;
	s6 =	sadd.s32 @!p0 s3, s7;
	s7 =	simm.s32 @!p0 $0x108  }
0x21: {  	s3 =	sadd.s32 s3, s9;
	s6 =	sadd.s32 @!p0 $0x88, s6;
	s7 =	simm.s32 @p2 $0x1082  }
0x22: {  	[simem:s7], [sflag:s8] =	dma.local @!p0 [hbm:s6], $0xF7A  }
0x23: {  	s9 =	sor.u32 $0xD0000000, s2;
	s6 =	simm.s32 $0x108;
	_ =	swait.ge @!p0 [sflag:s8], $0x0  }
0x24: {  	s3 =	sadd.s32 $0x88, s3;
	s6 =	simm.s32 @!p1 $0x1082;
	[sflag:s4] =	ssyncset.s32 $0xFFFFF086  }
0x25: {  	[simem:s6], [sflag:s4] =	dma.local [hbm:s3], $0xF7A  }
0x26: {  	[smem:$0x3F91] =	sst s1;
	(tag) =	ssettag s2;
	_ =	strace s9  }
0x27: {  	s1 =	sld [smem:$0x3FA1]  }
0x28: {  	s2 =	sld [smem:$0x3FA2]  }
0x29: {  	s4 =	sld [smem:$0x3FA4]  }
0x2a: {  	p0 =	seq.s32 s5, $0x0;
	s5 =	sld [smem:$0x3FA5]  }
0x2b: {  	s6 =	sld [smem:$0x3FA6]  }
0x2c: {  	s7 =	sld [smem:$0x3FA7]  }
0x2d: {  	s3 =	simm.s32 $0x108;
	s8 =	sld [smem:$0x3FA8]  }
0x2e: {  	s3 =	simm.s32 @!p0 $0x1082;
	s9 =	sld [smem:$0x3FA9]  }
0x2f: {  	lr =	sadd.s32 s0, s3;
	s0 =	sld [smem:$0x3FA0]  }
0x30: {  	s3 =	sld [smem:$0x3FA3]  }
0x31: {  	[smem:$0x3FAC] =	sst s10  }
0x32: {  	s10 =	sld [smem:$0x3FAA];
	_ =	sdelay $0x3  }
0x33: {  	p0 =	seq.s32 s10, $0x1;
	s10 =	sld [smem:$0x3FAC];
	_ =	sdelay $0x3  }
0x34: {  	[smem:$0x3FAC] =	sst s10  }
0x35: {  	s10 =	sld [smem:$0x3FAB];
	_ =	sdelay $0x3  }
0x36: {  	p1 =	seq.s32 s10, $0x1;
	s10 =	sld [smem:$0x3FAC];
	_ =	sdelay $0x3  }
0x37: {  	[smem:$0x3FAC] =	sst s10  }
0x38: {  	s10 =	sld [smem:$0x3FAD]  }
0x39: {  	_ = 	snop;
	(pc) =	sbr.ind lr, $3  }
0x3a: {  	_ = 	snop  }
0x3b: {  	_ = 	snop  }
0x3c: {  	p2 =	seq.s32 s10, $0x1;
	s10 =	sld [smem:$0x3FAC]  }
0x3d: {  	_ =	shalt  }
0x3e: {  	_ =	shalt  }
0x3f: {  	_ =	shalt  }
0x40: {  	_ =	shalt  }
0x41: {  	_ =	shalt  }
0x42: {  	_ =	shalt  }
0x43: {  	_ =	shalt  }
0x44: {  	_ =	shalt  }
0x45: {  	_ =	shalt  }
0x46: {  	_ =	shalt  }
0x47: {  	_ =	shalt  }
0x48: {  	_ =	shalt  }
0x49: {  	_ =	shalt  }
0x4a: {  	_ =	shalt  }
0x4b: {  	_ =	shalt  }
0x4c: {  	_ =	shalt  }
0x4d: {  	_ =	shalt  }
0x4e: {  	_ =	shalt  }
0x4f: {  	_ =	shalt  }
0x50: {  	_ =	shalt  }
0x51: {  	_ =	shalt  }
0x52: {  	_ =	shalt  }
0x53: {  	_ =	shalt  }
0x54: {  	_ =	shalt  }
0x55: {  	_ =	shalt  }
0x56: {  	_ =	shalt  }
0x57: {  	_ =	shalt  }
0x58: {  	_ =	shalt  }
0x59: {  	_ =	shalt  }
0x5a: {  	_ =	shalt  }
0x5b: {  	_ =	shalt  }
0x5c: {  	_ =	shalt  }
0x5d: {  	_ =	shalt  }
0x5e: {  	_ =	shalt  }
0x5f: {  	_ =	shalt  }
0x60: {  	_ =	shalt  }
0x61: {  	_ =	shalt  }
0x62: {  	_ =	shalt  }
0x63: {  	_ =	shalt  }
0x64: {  	_ =	shalt  }
0x65: {  	_ =	shalt  }
0x66: {  	_ =	shalt  }
0x67: {  	_ =	shalt  }
0x68: {  	_ =	shalt  }
0x69: {  	_ =	shalt  }
0x6a: {  	_ =	shalt  }
0x6b: {  	_ =	shalt  }
0x6c: {  	_ =	shalt  }
0x6d: {  	_ =	shalt  }
0x6e: {  	_ =	shalt  }
0x6f: {  	_ =	shalt  }
0x70: {  	_ =	shalt  }
0x71: {  	_ =	shalt  }
0x72: {  	_ =	shalt  }
0x73: {  	_ =	shalt  }
0x74: {  	_ =	shalt  }
0x75: {  	_ =	shalt  }
0x76: {  	_ =	shalt  }
0x77: {  	_ =	shalt  }
0x78: {  	_ =	shalt  }
0x79: {  	_ =	shalt  }
0x7a: {  	_ =	shalt  }
0x7b: {  	_ =	shalt  }
0x7c: {  	_ =	shalt  }
0x7d: {  	_ =	shalt  }
0x7e: {  	_ =	shalt  }
0x7f: {  	_ =	shalt  }
0x80: {  	_ =	shalt  }
0x81: {  	_ =	shalt  }
0x82: {  	_ =	shalt  }
0x83: {  	_ =	shalt  }
0x84: {  	_ =	shalt  }
0x85: {  	_ =	shalt  }
0x86: {  	_ =	shalt  }
0x87: {  	_ =	shalt  }
.Lfunc_end0:
.L_simem_size_0:
called_computation_lowered:
.L_overlay_start_0:
0x88: {  	s2 =	sld [smem:$0x3FD9]  }
0x89: {  	s3 =	sld [smem:$0x3FFE];
	_ =	sdelay $0x1  }
0x8a: {  	s1 =	srdreg.scid  }
0x8b: {  	s0 =	sand.u32 $0x1, s1  }
0x8c: {  	s17 =	sshll.u32 s0, $0xA;
	s2 =	sadd.s32 s3, s2  }
0x8d: {  	s2 =	sadd.s32 s2, s17  }
0x8e: {  	[smem:$0x3FB8] =	sst s2  }
0x8f: {  	_ = 	snop  }
0x90: {  	s2 =	sld [smem:$0x3FD0];
	(tm) =	ssettm $0x1  }
0x91: {  	s18 =	sld [smem:$0x3FFB];
	_ =	sdelay $0x3  }
0x92: {  	_ =	strace s18  }
0x93: {  	s3 =	sld [smem:$0x3FFC];
	_ =	sdelay $0x3  }
0x94: {  	_ =	strace s3  }
0x95: {  	s3 =	sld [smem:$0x3FFD];
	_ =	sdelay $0x3  }
0x96: {  	_ =	strace s3  }
0x97: {  	_ =	strace $0x8FFFFFFF  }
0x98: {  	s19 =	sld [smem:$0x3FDB];
	_ =	sdelay $0x1  }
0x99: {  	s4 =	simm.s32 $_scs_section_size  }
0x9a: {  	s5 =	simm.s32 $_size__tile_overlayer_lowered;
	s6 =	simm.s32 $_tile_overlayer_lowered  }
0x9b: {  	s22 =	simm.s32 $0x1BFF;
	s21 =	sshll.u32 s6, $0x1;
	s3 =	sadd.s32 s4, s19  }
0x9c: {  	s7 =	simm.s32 $0x0;
	s20 =	sshll.u32 s5, $0x1;
	s5 =	sadd.s32 s21, s3  }
0x9d: {  	[timem:s7], [sflag:s22] =	dma.local [hbm:s5], s20  }
0x9e: {  	_ =	swait.ge [sflag:s22], s20  }
0x9f: {  	s4 =	ssub.s32 $0x0, s20;
	[sflag:s22] =	ssyncset.done $0x0  }
0xa0: {  	[sflag:s22] =	ssyncadd.s32 s4;
	_ =	sdelay $0x1  }
0xa1: {  	s23 =	simm.s32 $0x1B8B  }
0xa2: {  	_ =	swait.ge [sflag:s23], $0x1  }
0xa3: {  	[sflag:s23] =	ssyncset.done $0x0  }
0xa4: {  	s25 =	simm.s32 $0x1B8E;
	s24 =	sld [smem:$0x3FFE];
	[sflag:s23] =	ssyncadd.s32 $0xFFFFFFFF  }
0xa5: {  	s26 =	simm.s32 $execute0_lowered;
	[smem:$0x3FD2] =	sst s25  }
0xa6: {  	s5 =	sshll.u32 s26, $0x1;
	_ =	strace $0x80000046;
	[dreg:$0x1] =	wrdreg $0xFFFFFFFF  }
0xa7: {  	s28 =	simm.s32 $_size_execute0_lowered;
	s3 =	sadd.s32 s3, s5;
	[dreg:$0x0] =	wrdreg $0x0  }
0xa8: {  	s5 =	sshll.u32 s28, $0x1;
	[dreg:$0x2] =	wrdreg s3  }
0xa9: {  	[dreg:$0x3] =	wrdreg s5  }
0xaa: {  	[dreg:$0x4] =	wrdreg $0xC0  }
0xab: {  	_ =	task [dreg:s7], $0x5FFFF  }
0xac: {  	[dreg:$0x1] =	wrdreg $0xFFFFFFFF  }
0xad: {  	[dreg:$0x0] =	wrdreg $0x60  }
0xae: {  	[dreg:$0x2] =	wrdreg s24  }
0xaf: {  	[dreg:$0x3] =	wrdreg s2  }
0xb0: {  	[dreg:$0x4] =	wrdreg $0xBC000  }
0xb1: {  	[dreg:$0x5] =	wrdreg $0x9  }
0xb2: {  	_ =	task.clear_ibuf [dreg:s7], $0x6FFFF;
	_ =	strace $0x90000046  }
0xb3: {  	s29 =	simm.s32 $0x9;
	_ =	strace $0x80000048  }
0xb4: {  	_ =	swait.ge [sflag:s29], $0x1  }
0xb5: {  	[sflag:s29] =	ssyncadd.s32 $0xFFFFFFFF  }
0xb6: {  	_ =	strace $0x90000048  }
0xb7: {  	_ =	sfence  }
0xb8: {  	s30 =	sld [smem:$0x0];
	_ =	sdelay $0x2  }
0xb9: {  	s31 =	sshll.u32 s1, $0xD;
	s1 =	sshrl.u32 s1, $0x2  }
0xba: {  	s3 =	sand.u32 $0x4000, s31;
	s1 =	sadd.s32 s1, s30  }
0xbb: {  	s0 =	sor.u32 s3, s0;
	s1 =	sshll.u32 s1, $0x11  }
0xbc: {  	s0 =	sor.u32 s1, s0  }
0xbd: {  	s0 =	sadd.s32 $0x8F2B, s0  }
0xbe: {  	[sflag:s0] =	ssyncadd.remote.s32 $0x1  }
0xbf: {  	_ =	sfence.sel $0xFFFF  }
0xc0: {  	[dreg:$0x0] =	wrdreg $0xFFFFFFFF;
	(pc) =	sbr.abs _section_cstart, $3  }
0xc1: {  	[dreg:$0x1] =	wrdreg $0xFFFFFFFF  }
0xc2: {  	_ =	task.clear_ibuf [dreg:s7], $0x2FFFF;
	_ =	strace $0x9FFFFFFF  }
0xc3: {  	(tm) =	ssettm $0x7FFFFFFF  }
tec
execute0_lowered:
.L_overlay_start_1:
0x0: {  	(tag) =	ssettag $0x1  }
0x1: {  	s0 =	srdreg.scid;
	s1 =	rddreg [dreg:$0x0]  }
0x2: {  	s12 =	stileid.u32;
	s5 =	rddreg [dreg:$0x1];
	s3 =	simm.s32 $0x0  }
0x3: {  	s14 =	simm.s32 $0x3;
	s18 =	simm.s32 $0x80;
	s19 =	simm.s32 $0x3B00  }
0x4: {  	s22 =	simm.s32 $0x1;
	s28 =	simm.s32 $0x0;
	s16 =	simm.s32 $0x2B80  }
0x5: {  	s20 =	simm.s32 $0x2E00;
	s21 =	simm.s32 $0x3000;
	s15 =	simm.s32 $0x3080  }
0x6: {  	s17 =	simm.s32 $0x3100;
	s0 =	sand.u32 $0x1, s0;
	s8 =	smul.u32 $0x280, s12  }
0x7: {  	s2 =	sshll.u32 s12, $0x1;
	[smem:$0x7FF] =	sst s3;
	s10 =	smul.u32 $0x2800, s12  }
0x8: {  	s4 =	sadd.s32 $0xD000, s1;
	s23 =	smul.u32 $0x50000, s12;
	s13 =	sadd.s32 $0x5D000, s1  }
0x9: {  	s31 =	sshll.u32 s12, $0x6;
	s6 =	sor.u32 s0, s2;
	s2 =	rddreg [dreg:$0x2]  }
0xa: {  	s9 =	smul.u32 $0x2800, s0;
	_ =	strace $0x80000047;
	[dreg:$0x4] =	wrdreg s13  }
0xb: {  	s0 =	ssub.s32 $0x2, s0;
	s13 =	simm.s32 $0x3C00;
	s7 =	smul.u32 $0x500, s6  }
0xc: {  	s10 =	sadd.s32 s10, s1;
	s6 =	smul.u32 $0x2800, s6;
	s24 =	sshrl.u32 s0, $0x1  }
0xd: {  	s8 =	sadd.s32 s8, s9;
	s9 =	sshrl.u32 s23, $0x2;
	s0 =	ssub.s32 s0, s24  }
0xe: {  	s25 =	sadd.s32 $0x35000, s10;
	s23 =	simm.s32 $0x7C00;
	s10 =	simm.s32 $0x2D00  }
0xf: {  	s24 =	simm.s32 $0x2E80;
	s11 =	sadd.s32 s7, s1;
	s8 =	sshll.u32 s8, $0x4  }
0x10: {  	s6 =	sshrl.u32 s6, $0x3;
	s9 =	sadd.s32 s9, s2;
	[dreg:$0x5] =	wrdreg s25  }
0x11: {  	s0 =	smax.u32 s0, $0x1;
	s25 =	simm.s32 $0x2F00;
	s1 =	sadd.s32 s8, s1  }
0x12: {  	s6 =	sadd.s32 s5, s6;
	s5 =	sadd.s32 s5, s7;
	[dreg:$0x9] =	wrdreg s0  }
0x13: {  	s30 =	sadd.s32 $0x3000, s11;
	s7 =	simm.s32 $0x2800;
	[dreg:$0xa] =	wrdreg s5  }
0x14: {  	s11 =	simm.s32 $0x2D80;
	s26 =	sadd.s32 $0x280, s6;
	[dreg:$0x7] =	wrdreg s30  }
0x15: {  	s29 =	sadd.s32 $0xAD800, s1;
	s1 =	sadd.s32 $0x5D800, s1;
	[dreg:$0xb] =	wrdreg s26  }
0x16: {  	s5 =	sor.u32 $0x1C03, s31;
	s6 =	sshrl.u32 s9, $0x3;
	[dreg:$0x6] =	wrdreg s29  }
0x17: {  	[dreg:$0x8] =	wrdreg s1;
	s1 =	simm.s32 $0x2880;
	s26 =	simm.s32 $0x2  }
.LBB2_1:
0x18: {  	s29 =	rddreg [dreg:$0x4]  }
0x19: {  	[tilespmem:s13], [sflag:$0x3] =	stream.linear.gather [hbm4b:s29+s3], $0x4000, $0x38;
	[tilespmem:$0x1FC00] =	vst v63  }
0x1a: {  	_ =	swait.ge [sflag:s14], $0x4000  }
0x1b: {  	[sflag:s14] =	ssyncset.done $0x0  }
0x1c: {  	s29 =	rddreg [dreg:$0x5];
	[sflag:s14] =	ssyncadd.s32 $0xFFFFC000  }
0x1d: {  	[spmem:s6], [sflag:s5] =	dma.local [hbm:s29], $0x2800  }
0x1e: {  	_ =	swait.ge [sflag:s14], $0x2800  }
0x1f: {  	[sflag:s14] =	ssyncset.done $0x0  }
0x20: {  	[sflag:s14] =	ssyncadd.s32 $0xFFFFD800  }
0x21: {  	[bflag:$0x0] =	sbarrier.arrive $0xFFFF  }
0x22: {  	s8 =	rddreg [dreg:$0xa]  }
0x23: {  	[tilespmem:s7], [sflag:$0x3] =	stream.linear.gather [hbm4b:s8+s3], $0x1400, $0x38;
	[tilespmem:$0x1FC00] =	vst v63  }
0x24: {  	_ =	swait.ge [sflag:s14], $0x1400  }
0x25: {  	[sflag:s14] =	ssyncset.done $0x0  }
0x26: {  	[sflag:s14] =	ssyncadd.s32 $0xFFFFEC00  }
0x27: {  	[spmem:s2] =	stream.indirect.scatter.add.f32 [tilespmem:s13], [sflag:$0x2], $0x80, s7, s18, $0xb8;
	[tilespmem:$0x1FC00] =	vst v63  }
0x28: {  	_ = 	snop  }
0x29: {  	[spmem:s2] =	stream.indirect.scatter.add.f32 [tilespmem:s13], [sflag:$0x2], $0x80, s1, s18, $0xb8;
	[tilespmem:$0x1FC00] =	vst v63  }
0x2a: {  	s29 =	simm.s32 $0x2900  }
0x2b: {  	[spmem:s2] =	stream.indirect.scatter.add.f32 [tilespmem:s13], [sflag:$0x2], $0x80, s29, s18, $0xb8;
	[tilespmem:$0x1FC00] =	vst v63  }
0x2c: {  	s30 =	simm.s32 $0x2980  }
0x2d: {  	[spmem:s2] =	stream.indirect.scatter.add.f32 [tilespmem:s13], [sflag:$0x2], $0x80, s30, s18, $0xb8;
	[tilespmem:$0x1FC00] =	vst v63  }
0x2e: {  	s31 =	simm.s32 $0x2A00  }
0x2f: {  	[spmem:s2] =	stream.indirect.scatter.add.f32 [tilespmem:s13], [sflag:$0x2], $0x80, s31, s18, $0xb8;
	[tilespmem:$0x1FC00] =	vst v63  }
0x30: {  	s1 =	simm.s32 $0x2A80  }
0x31: {  	[spmem:s2] =	stream.indirect.scatter.add.f32 [tilespmem:s13], [sflag:$0x2], $0x80, s1, s18, $0xb8;
	[tilespmem:$0x1FC00] =	vst v63  }
0x32: {  	s0 =	simm.s32 $0x2B00  }
0x33: {  	[spmem:s2] =	stream.indirect.scatter.add.f32 [tilespmem:s13], [sflag:$0x2], $0x80, s0, s18, $0xb8;
	[tilespmem:$0x1FC00] =	vst v63  }
0x34: {  	_ = 	snop  }
0x35: {  	[spmem:s2] =	stream.indirect.scatter.add.f32 [tilespmem:s13], [sflag:$0x2], $0x80, s16, s18, $0xb8;
	[tilespmem:$0x1FC00] =	vst v63  }
0x36: {  	_ =	swait.ge [sflag:s26], $0x4000  }
0x37: {  	[sflag:s26] =	ssyncset.done $0x0  }
0x38: {  	[sflag:s26] =	ssyncadd.s32 $0xFFFFC000  }
0x39: {  	_ =	swait.ge [sflag:s26], $0x4000  }
0x3a: {  	[sflag:s26] =	ssyncset.done $0x0  }
0x3b: {  	[sflag:s26] =	ssyncadd.s32 $0xFFFFC000  }
0x3c: {  	_ =	swait.ge [sflag:s26], $0x4000  }
0x3d: {  	[sflag:s26] =	ssyncset.done $0x0  }
0x3e: {  	[sflag:s26] =	ssyncadd.s32 $0xFFFFC000  }
0x3f: {  	_ =	swait.ge [sflag:s26], $0x4000  }
0x40: {  	[sflag:s26] =	ssyncset.done $0x0  }
0x41: {  	[sflag:s26] =	ssyncadd.s32 $0xFFFFC000  }
0x42: {  	_ =	swait.ge [sflag:s26], $0x4000  }
0x43: {  	[sflag:s26] =	ssyncset.done $0x0  }
0x44: {  	[sflag:s26] =	ssyncadd.s32 $0xFFFFC000  }
0x45: {  	_ =	swait.ge [sflag:s26], $0x4000  }
0x46: {  	[sflag:s26] =	ssyncset.done $0x0  }
0x47: {  	[sflag:s26] =	ssyncadd.s32 $0xFFFFC000  }
0x48: {  	_ =	swait.ge [sflag:s26], $0x4000  }
0x49: {  	[sflag:s26] =	ssyncset.done $0x0  }
0x4a: {  	[sflag:s26] =	ssyncadd.s32 $0xFFFFC000  }
0x4b: {  	_ =	swait.ge [sflag:s26], $0x4000  }
0x4c: {  	[sflag:s26] =	ssyncset.done $0x0  }
0x4d: {  	s3 =	simm.s32 $0x2C00;
	[sflag:s26] =	ssyncadd.s32 $0xFFFFC000  }
0x4e: {  	[spmem:s2] =	stream.indirect.scatter.add.f32 [tilespmem:s13], [sflag:$0x2], $0x80, s3, s18, $0xb8;
	[tilespmem:$0x1FC00] =	vst v63  }
0x4f: {  	s9 =	simm.s32 $0x2C80  }
0x50: {  	[spmem:s2] =	stream.indirect.scatter.add.f32 [tilespmem:s13], [sflag:$0x2], $0x80, s9, s18, $0xb8;
	[tilespmem:$0x1FC00] =	vst v63  }
0x51: {  	_ = 	snop  }
0x52: {  	[spmem:s2] =	stream.indirect.scatter.add.f32 [tilespmem:s13], [sflag:$0x2], $0x80, s10, s18, $0xb8;
	[tilespmem:$0x1FC00] =	vst v63  }
0x53: {  	_ = 	snop  }
0x54: {  	[spmem:s2] =	stream.indirect.scatter.add.f32 [tilespmem:s13], [sflag:$0x2], $0x80, s11, s18, $0xb8;
	[tilespmem:$0x1FC00] =	vst v63  }
0x55: {  	_ = 	snop  }
0x56: {  	[spmem:s2] =	stream.indirect.scatter.add.f32 [tilespmem:s13], [sflag:$0x2], $0x80, s20, s18, $0xb8;
	[tilespmem:$0x1FC00] =	vst v63  }
0x57: {  	_ = 	snop  }
0x58: {  	[spmem:s2] =	stream.indirect.scatter.add.f32 [tilespmem:s13], [sflag:$0x2], $0x80, s24, s18, $0xb8;
	[tilespmem:$0x1FC00] =	vst v63  }
0x59: {  	_ = 	snop  }
0x5a: {  	[spmem:s2] =	stream.indirect.scatter.add.f32 [tilespmem:s13], [sflag:$0x2], $0x80, s25, s18, $0xb8;
	[tilespmem:$0x1FC00] =	vst v63  }
0x5b: {  	s7 =	simm.s32 $0x2F80  }
0x5c: {  	[spmem:s2] =	stream.indirect.scatter.add.f32 [tilespmem:s13], [sflag:$0x2], $0x80, s7, s18, $0xb8;
	[tilespmem:$0x1FC00] =	vst v63  }
0x5d: {  	_ =	swait.ge [sflag:s26], $0x4000  }
0x5e: {  	[sflag:s26] =	ssyncset.done $0x0  }
0x5f: {  	[sflag:s26] =	ssyncadd.s32 $0xFFFFC000  }
0x60: {  	_ =	swait.ge [sflag:s26], $0x4000  }
0x61: {  	[sflag:s26] =	ssyncset.done $0x0  }
0x62: {  	[sflag:s26] =	ssyncadd.s32 $0xFFFFC000  }
0x63: {  	_ =	swait.ge [sflag:s26], $0x4000  }
0x64: {  	[sflag:s26] =	ssyncset.done $0x0  }
0x65: {  	[sflag:s26] =	ssyncadd.s32 $0xFFFFC000  }
0x66: {  	_ =	swait.ge [sflag:s26], $0x4000  }
0x67: {  	[sflag:s26] =	ssyncset.done $0x0  }
0x68: {  	[sflag:s26] =	ssyncadd.s32 $0xFFFFC000  }
0x69: {  	_ =	swait.ge [sflag:s26], $0x4000  }
0x6a: {  	[sflag:s26] =	ssyncset.done $0x0  }
0x6b: {  	[sflag:s26] =	ssyncadd.s32 $0xFFFFC000  }
0x6c: {  	_ =	swait.ge [sflag:s26], $0x4000  }
0x6d: {  	[sflag:s26] =	ssyncset.done $0x0  }
0x6e: {  	[sflag:s26] =	ssyncadd.s32 $0xFFFFC000  }
0x6f: {  	_ =	swait.ge [sflag:s26], $0x4000  }
0x70: {  	[sflag:s26] =	ssyncset.done $0x0  }
0x71: {  	[sflag:s26] =	ssyncadd.s32 $0xFFFFC000  }
0x72: {  	_ =	swait.ge [sflag:s26], $0x4000  }
0x73: {  	[sflag:s26] =	ssyncset.done $0x0  }
0x74: {  	[sflag:s26] =	ssyncadd.s32 $0xFFFFC000  }
0x75: {  	[spmem:s2] =	stream.indirect.scatter.add.f32 [tilespmem:s13], [sflag:$0x2], $0x80, s21, s18, $0xb8;
	[tilespmem:$0x1FC00] =	vst v63  }
0x76: {  	_ = 	snop  }
0x77: {  	[spmem:s2] =	stream.indirect.scatter.add.f32 [tilespmem:s13], [sflag:$0x2], $0x80, s15, s18, $0xb8;
	[tilespmem:$0x1FC00] =	vst v63  }
0x78: {  	_ = 	snop  }
0x79: {  	[spmem:s2] =	stream.indirect.scatter.add.f32 [tilespmem:s13], [sflag:$0x2], $0x80, s17, s18, $0xb8;
	[tilespmem:$0x1FC00] =	vst v63  }
0x7a: {  	s12 =	simm.s32 $0x3180  }
0x7b: {  	[spmem:s2] =	stream.indirect.scatter.add.f32 [tilespmem:s13], [sflag:$0x2], $0x80, s12, s18, $0xb8;
	[tilespmem:$0x1FC00] =	vst v63  }
0x7c: {  	s12 =	simm.s32 $0x3200  }
0x7d: {  	[spmem:s2] =	stream.indirect.scatter.add.f32 [tilespmem:s13], [sflag:$0x2], $0x80, s12, s18, $0xb8;
	[tilespmem:$0x1FC00] =	vst v63  }
0x7e: {  	s12 =	simm.s32 $0x3280  }
0x7f: {  	[spmem:s2] =	stream.indirect.scatter.add.f32 [tilespmem:s13], [sflag:$0x2], $0x80, s12, s18, $0xb8;
	[tilespmem:$0x1FC00] =	vst v63  }
0x80: {  	s12 =	simm.s32 $0x3300  }
0x81: {  	[spmem:s2] =	stream.indirect.scatter.add.f32 [tilespmem:s13], [sflag:$0x2], $0x80, s12, s18, $0xb8;
	[tilespmem:$0x1FC00] =	vst v63  }
0x82: {  	s12 =	simm.s32 $0x3380  }
0x83: {  	[spmem:s2] =	stream.indirect.scatter.add.f32 [tilespmem:s13], [sflag:$0x2], $0x80, s12, s18, $0xb8;
	[tilespmem:$0x1FC00] =	vst v63  }
0x84: {  	_ =	swait.ge [sflag:s26], $0x4000  }
0x85: {  	[sflag:s26] =	ssyncset.done $0x0  }
0x86: {  	[sflag:s26] =	ssyncadd.s32 $0xFFFFC000  }
0x87: {  	_ =	swait.ge [sflag:s26], $0x4000  }
0x88: {  	[sflag:s26] =	ssyncset.done $0x0  }
0x89: {  	[sflag:s26] =	ssyncadd.s32 $0xFFFFC000  }
0x8a: {  	_ =	swait.ge [sflag:s26], $0x4000  }
0x8b: {  	[sflag:s26] =	ssyncset.done $0x0  }
0x8c: {  	[sflag:s26] =	ssyncadd.s32 $0xFFFFC000  }
0x8d: {  	_ =	swait.ge [sflag:s26], $0x4000  }
0x8e: {  	[sflag:s26] =	ssyncset.done $0x0  }
0x8f: {  	[sflag:s26] =	ssyncadd.s32 $0xFFFFC000  }
0x90: {  	_ =	swait.ge [sflag:s26], $0x4000  }
0x91: {  	[sflag:s26] =	ssyncset.done $0x0  }
0x92: {  	[sflag:s26] =	ssyncadd.s32 $0xFFFFC000  }
0x93: {  	_ =	swait.ge [sflag:s26], $0x4000  }
0x94: {  	[sflag:s26] =	ssyncset.done $0x0  }
0x95: {  	[sflag:s26] =	ssyncadd.s32 $0xFFFFC000  }
0x96: {  	_ =	swait.ge [sflag:s26], $0x4000  }
0x97: {  	[sflag:s26] =	ssyncset.done $0x0  }
0x98: {  	[sflag:s26] =	ssyncadd.s32 $0xFFFFC000  }
0x99: {  	_ =	swait.ge [sflag:s26], $0x4000  }
0x9a: {  	[sflag:s26] =	ssyncset.done $0x0  }
0x9b: {  	s12 =	simm.s32 $0x3400;
	[sflag:s26] =	ssyncadd.s32 $0xFFFFC000  }
0x9c: {  	[spmem:s2] =	stream.indirect.scatter.add.f32 [tilespmem:s13], [sflag:$0x2], $0x80, s12, s18, $0xb8;
	[tilespmem:$0x1FC00] =	vst v63  }
0x9d: {  	s12 =	simm.s32 $0x3480  }
0x9e: {  	[spmem:s2] =	stream.indirect.scatter.add.f32 [tilespmem:s13], [sflag:$0x2], $0x80, s12, s18, $0xb8;
	[tilespmem:$0x1FC00] =	vst v63  }
0x9f: {  	s12 =	simm.s32 $0x3500  }
0xa0: {  	[spmem:s2] =	stream.indirect.scatter.add.f32 [tilespmem:s13], [sflag:$0x2], $0x80, s12, s18, $0xb8;
	[tilespmem:$0x1FC00] =	vst v63  }
0xa1: {  	s12 =	simm.s32 $0x3580  }
0xa2: {  	[spmem:s2] =	stream.indirect.scatter.add.f32 [tilespmem:s13], [sflag:$0x2], $0x80, s12, s18, $0xb8;
	[tilespmem:$0x1FC00] =	vst v63  }
0xa3: {  	s12 =	simm.s32 $0x3600  }
0xa4: {  	[spmem:s2] =	stream.indirect.scatter.add.f32 [tilespmem:s13], [sflag:$0x2], $0x80, s12, s18, $0xb8;
	[tilespmem:$0x1FC00] =	vst v63  }
0xa5: {  	s12 =	simm.s32 $0x3680  }
0xa6: {  	[spmem:s2] =	stream.indirect.scatter.add.f32 [tilespmem:s13], [sflag:$0x2], $0x80, s12, s18, $0xb8;
	[tilespmem:$0x1FC00] =	vst v63  }
0xa7: {  	s12 =	simm.s32 $0x3700  }
0xa8: {  	[spmem:s2] =	stream.indirect.scatter.add.f32 [tilespmem:s13], [sflag:$0x2], $0x80, s12, s18, $0xb8;
	[tilespmem:$0x1FC00] =	vst v63  }
0xa9: {  	s12 =	simm.s32 $0x3780  }
0xaa: {  	[spmem:s2] =	stream.indirect.scatter.add.f32 [tilespmem:s13], [sflag:$0x2], $0x80, s12, s18, $0xb8;
	[tilespmem:$0x1FC00] =	vst v63  }
0xab: {  	_ =	swait.ge [sflag:s26], $0x4000  }
0xac: {  	[sflag:s26] =	ssyncset.done $0x0  }
0xad: {  	[sflag:s26] =	ssyncadd.s32 $0xFFFFC000  }
0xae: {  	_ =	swait.ge [sflag:s26], $0x4000  }
0xaf: {  	[sflag:s26] =	ssyncset.done $0x0  }
0xb0: {  	[sflag:s26] =	ssyncadd.s32 $0xFFFFC000  }
0xb1: {  	_ =	swait.ge [sflag:s26], $0x4000  }
0xb2: {  	[sflag:s26] =	ssyncset.done $0x0  }
0xb3: {  	[sflag:s26] =	ssyncadd.s32 $0xFFFFC000  }
0xb4: {  	_ =	swait.ge [sflag:s26], $0x4000  }
0xb5: {  	[sflag:s26] =	ssyncset.done $0x0  }
0xb6: {  	[sflag:s26] =	ssyncadd.s32 $0xFFFFC000  }
0xb7: {  	_ =	swait.ge [sflag:s26], $0x4000  }
0xb8: {  	[sflag:s26] =	ssyncset.done $0x0  }
0xb9: {  	[sflag:s26] =	ssyncadd.s32 $0xFFFFC000  }
0xba: {  	_ =	swait.ge [sflag:s26], $0x4000  }
0xbb: {  	[sflag:s26] =	ssyncset.done $0x0  }
0xbc: {  	[sflag:s26] =	ssyncadd.s32 $0xFFFFC000  }
0xbd: {  	_ =	swait.ge [sflag:s26], $0x4000  }
0xbe: {  	[sflag:s26] =	ssyncset.done $0x0  }
0xbf: {  	[sflag:s26] =	ssyncadd.s32 $0xFFFFC000  }
0xc0: {  	_ =	swait.ge [sflag:s26], $0x4000  }
0xc1: {  	[sflag:s26] =	ssyncset.done $0x0  }
0xc2: {  	s12 =	simm.s32 $0x3800;
	[sflag:s26] =	ssyncadd.s32 $0xFFFFC000  }
0xc3: {  	[spmem:s2] =	stream.indirect.scatter.add.f32 [tilespmem:s13], [sflag:$0x2], $0x80, s12, s18, $0xb8;
	[tilespmem:$0x1FC00] =	vst v63  }
0xc4: {  	s12 =	simm.s32 $0x3880  }
0xc5: {  	[spmem:s2] =	stream.indirect.scatter.add.f32 [tilespmem:s13], [sflag:$0x2], $0x80, s12, s18, $0xb8;
	[tilespmem:$0x1FC00] =	vst v63  }
0xc6: {  	s12 =	simm.s32 $0x3900  }
0xc7: {  	[spmem:s2] =	stream.indirect.scatter.add.f32 [tilespmem:s13], [sflag:$0x2], $0x80, s12, s18, $0xb8;
	[tilespmem:$0x1FC00] =	vst v63  }
0xc8: {  	s12 =	simm.s32 $0x3980  }
0xc9: {  	[spmem:s2] =	stream.indirect.scatter.add.f32 [tilespmem:s13], [sflag:$0x2], $0x80, s12, s18, $0xb8;
	[tilespmem:$0x1FC00] =	vst v63  }
0xca: {  	s12 =	simm.s32 $0x3A00  }
0xcb: {  	[spmem:s2] =	stream.indirect.scatter.add.f32 [tilespmem:s13], [sflag:$0x2], $0x80, s12, s18, $0xb8;
	[tilespmem:$0x1FC00] =	vst v63  }
0xcc: {  	s12 =	simm.s32 $0x3A80  }
0xcd: {  	[spmem:s2] =	stream.indirect.scatter.add.f32 [tilespmem:s13], [sflag:$0x2], $0x80, s12, s18, $0xb8;
	[tilespmem:$0x1FC00] =	vst v63  }
0xce: {  	_ = 	snop  }
0xcf: {  	[spmem:s2] =	stream.indirect.scatter.add.f32 [tilespmem:s13], [sflag:$0x2], $0x80, s19, s18, $0xb8;
	[tilespmem:$0x1FC00] =	vst v63  }
0xd0: {  	s19 =	simm.s32 $0x3B80  }
0xd1: {  	[spmem:s2] =	stream.indirect.scatter.add.f32 [tilespmem:s13], [sflag:$0x2], $0x80, s19, s18, $0xb8;
	[tilespmem:$0x1FC00] =	vst v63  }
0xd2: {  	_ =	swait.ge [sflag:s26], $0x4000  }
0xd3: {  	[sflag:s26] =	ssyncset.done $0x0  }
0xd4: {  	[sflag:s26] =	ssyncadd.s32 $0xFFFFC000  }
0xd5: {  	_ =	swait.ge [sflag:s26], $0x4000  }
0xd6: {  	[sflag:s26] =	ssyncset.done $0x0  }
0xd7: {  	[sflag:s26] =	ssyncadd.s32 $0xFFFFC000  }
0xd8: {  	_ =	swait.ge [sflag:s26], $0x4000  }
0xd9: {  	[sflag:s26] =	ssyncset.done $0x0  }
0xda: {  	[sflag:s26] =	ssyncadd.s32 $0xFFFFC000  }
0xdb: {  	_ =	swait.ge [sflag:s26], $0x4000  }
0xdc: {  	[sflag:s26] =	ssyncset.done $0x0  }
0xdd: {  	[sflag:s26] =	ssyncadd.s32 $0xFFFFC000  }
0xde: {  	_ =	swait.ge [sflag:s26], $0x4000  }
0xdf: {  	[sflag:s26] =	ssyncset.done $0x0  }
0xe0: {  	[sflag:s26] =	ssyncadd.s32 $0xFFFFC000  }
0xe1: {  	_ =	swait.ge [sflag:s26], $0x4000  }
0xe2: {  	[sflag:s26] =	ssyncset.done $0x0  }
0xe3: {  	[sflag:s26] =	ssyncadd.s32 $0xFFFFC000  }
0xe4: {  	_ =	swait.ge [sflag:s26], $0x4000  }
0xe5: {  	[sflag:s26] =	ssyncset.done $0x0  }
0xe6: {  	[sflag:s26] =	ssyncadd.s32 $0xFFFFC000  }
0xe7: {  	_ =	swait.ge [sflag:s26], $0x4000  }
0xe8: {  	s0 =	simm.s32 $0x2800;
	[sflag:s26] =	ssyncset.done $0x0  }
0xe9: {  	s12 =	simm.s32 $0x0;
	s19 =	rddreg [dreg:$0xb];
	[sflag:s26] =	ssyncadd.s32 $0xFFFFC000  }
0xea: {  	[tilespmem:s0], [sflag:$0x3] =	stream.linear.gather [hbm4b:s19+s12], $0x1400, $0x38;
	[tilespmem:$0x1FC00] =	vst v63  }
0xeb: {  	_ =	swait.ge [sflag:s14], $0x1400  }
0xec: {  	[sflag:s14] =	ssyncset.done $0x0  }
0xed: {  	[sflag:s14] =	ssyncadd.s32 $0xFFFFEC00  }
0xee: {  	[spmem:s2] =	stream.indirect.scatter.add.f32 [tilespmem:s13], [sflag:$0x2], $0x80, s0, s18, $0xb8;
	[tilespmem:$0x1FC00] =	vst v63  }
0xef: {  	s0 =	simm.s32 $0x2880  }
0xf0: {  	[spmem:s2] =	stream.indirect.scatter.add.f32 [tilespmem:s13], [sflag:$0x2], $0x80, s0, s18, $0xb8;
	[tilespmem:$0x1FC00] =	vst v63  }
0xf1: {  	_ = 	snop  }
0xf2: {  	[spmem:s2] =	stream.indirect.scatter.add.f32 [tilespmem:s13], [sflag:$0x2], $0x80, s29, s18, $0xb8;
	[tilespmem:$0x1FC00] =	vst v63  }
0xf3: {  	_ = 	snop  }
0xf4: {  	[spmem:s2] =	stream.indirect.scatter.add.f32 [tilespmem:s13], [sflag:$0x2], $0x80, s30, s18, $0xb8;
	[tilespmem:$0x1FC00] =	vst v63  }
0xf5: {  	_ = 	snop  }
0xf6: {  	[spmem:s2] =	stream.indirect.scatter.add.f32 [tilespmem:s13], [sflag:$0x2], $0x80, s31, s18, $0xb8;
	[tilespmem:$0x1FC00] =	vst v63  }
0xf7: {  	_ = 	snop  }
0xf8: {  	[spmem:s2] =	stream.indirect.scatter.add.f32 [tilespmem:s13], [sflag:$0x2], $0x80, s1, s18, $0xb8;
	[tilespmem:$0x1FC00] =	vst v63  }
0xf9: {  	s31 =	simm.s32 $0x2B00  }
0xfa: {  	[spmem:s2] =	stream.indirect.scatter.add.f32 [tilespmem:s13], [sflag:$0x2], $0x80, s31, s18, $0xb8;
	[tilespmem:$0x1FC00] =	vst v63  }
0xfb: {  	_ = 	snop  }
0xfc: {  	[spmem:s2] =	stream.indirect.scatter.add.f32 [tilespmem:s13], [sflag:$0x2], $0x80, s16, s18, $0xb8;
	[tilespmem:$0x1FC00] =	vst v63  }
0xfd: {  	_ =	swait.ge [sflag:s26], $0x4000  }
0xfe: {  	[sflag:s26] =	ssyncset.done $0x0  }
0xff: {  	[sflag:s26] =	ssyncadd.s32 $0xFFFFC000  }
0x100: {  	_ =	swait.ge [sflag:s26], $0x4000  }
0x101: {  	[sflag:s26] =	ssyncset.done $0x0  }
0x102: {  	[sflag:s26] =	ssyncadd.s32 $0xFFFFC000  }
0x103: {  	_ =	swait.ge [sflag:s26], $0x4000  }
0x104: {  	[sflag:s26] =	ssyncset.done $0x0  }
0x105: {  	[sflag:s26] =	ssyncadd.s32 $0xFFFFC000  }
0x106: {  	_ =	swait.ge [sflag:s26], $0x4000  }
0x107: {  	[sflag:s26] =	ssyncset.done $0x0  }
0x108: {  	[sflag:s26] =	ssyncadd.s32 $0xFFFFC000  }
0x109: {  	_ =	swait.ge [sflag:s26], $0x4000  }
0x10a: {  	[sflag:s26] =	ssyncset.done $0x0  }
0x10b: {  	[sflag:s26] =	ssyncadd.s32 $0xFFFFC000  }
0x10c: {  	_ =	swait.ge [sflag:s26], $0x4000  }
0x10d: {  	[sflag:s26] =	ssyncset.done $0x0  }
0x10e: {  	[sflag:s26] =	ssyncadd.s32 $0xFFFFC000  }
0x10f: {  	_ =	swait.ge [sflag:s26], $0x4000  }
0x110: {  	[sflag:s26] =	ssyncset.done $0x0  }
0x111: {  	[sflag:s26] =	ssyncadd.s32 $0xFFFFC000  }
0x112: {  	_ =	swait.ge [sflag:s26], $0x4000  }
0x113: {  	[sflag:s26] =	ssyncset.done $0x0  }
0x114: {  	[sflag:s26] =	ssyncadd.s32 $0xFFFFC000  }
0x115: {  	[spmem:s2] =	stream.indirect.scatter.add.f32 [tilespmem:s13], [sflag:$0x2], $0x80, s3, s18, $0xb8;
	[tilespmem:$0x1FC00] =	vst v63  }
0x116: {  	_ = 	snop  }
0x117: {  	[spmem:s2] =	stream.indirect.scatter.add.f32 [tilespmem:s13], [sflag:$0x2], $0x80, s9, s18, $0xb8;
	[tilespmem:$0x1FC00] =	vst v63  }
0x118: {  	_ = 	snop  }
0x119: {  	[spmem:s2] =	stream.indirect.scatter.add.f32 [tilespmem:s13], [sflag:$0x2], $0x80, s10, s18, $0xb8;
	[tilespmem:$0x1FC00] =	vst v63  }
0x11a: {  	_ = 	snop  }
0x11b: {  	[spmem:s2] =	stream.indirect.scatter.add.f32 [tilespmem:s13], [sflag:$0x2], $0x80, s11, s18, $0xb8;
	[tilespmem:$0x1FC00] =	vst v63  }
0x11c: {  	_ = 	snop  }
0x11d: {  	[spmem:s2] =	stream.indirect.scatter.add.f32 [tilespmem:s13], [sflag:$0x2], $0x80, s20, s18, $0xb8;
	[tilespmem:$0x1FC00] =	vst v63  }
0x11e: {  	_ = 	snop  }
0x11f: {  	[spmem:s2] =	stream.indirect.scatter.add.f32 [tilespmem:s13], [sflag:$0x2], $0x80, s24, s18, $0xb8;
	[tilespmem:$0x1FC00] =	vst v63  }
0x120: {  	_ = 	snop  }
0x121: {  	[spmem:s2] =	stream.indirect.scatter.add.f32 [tilespmem:s13], [sflag:$0x2], $0x80, s25, s18, $0xb8;
	[tilespmem:$0x1FC00] =	vst v63  }
0x122: {  	_ = 	snop  }
0x123: {  	[spmem:s2] =	stream.indirect.scatter.add.f32 [tilespmem:s13], [sflag:$0x2], $0x80, s7, s18, $0xb8;
	[tilespmem:$0x1FC00] =	vst v63  }
0x124: {  	_ =	swait.ge [sflag:s26], $0x4000  }
0x125: {  	[sflag:s26] =	ssyncset.done $0x0  }
0x126: {  	[sflag:s26] =	ssyncadd.s32 $0xFFFFC000  }
0x127: {  	_ =	swait.ge [sflag:s26], $0x4000  }
0x128: {  	[sflag:s26] =	ssyncset.done $0x0  }
0x129: {  	[sflag:s26] =	ssyncadd.s32 $0xFFFFC000  }
0x12a: {  	_ =	swait.ge [sflag:s26], $0x4000  }
0x12b: {  	[sflag:s26] =	ssyncset.done $0x0  }
0x12c: {  	[sflag:s26] =	ssyncadd.s32 $0xFFFFC000  }
0x12d: {  	_ =	swait.ge [sflag:s26], $0x4000  }
0x12e: {  	[sflag:s26] =	ssyncset.done $0x0  }
0x12f: {  	[sflag:s26] =	ssyncadd.s32 $0xFFFFC000  }
0x130: {  	_ =	swait.ge [sflag:s26], $0x4000  }
0x131: {  	[sflag:s26] =	ssyncset.done $0x0  }
0x132: {  	[sflag:s26] =	ssyncadd.s32 $0xFFFFC000  }
0x133: {  	_ =	swait.ge [sflag:s26], $0x4000  }
0x134: {  	[sflag:s26] =	ssyncset.done $0x0  }
0x135: {  	[sflag:s26] =	ssyncadd.s32 $0xFFFFC000  }
0x136: {  	_ =	swait.ge [sflag:s26], $0x4000  }
0x137: {  	[sflag:s26] =	ssyncset.done $0x0  }
0x138: {  	[sflag:s26] =	ssyncadd.s32 $0xFFFFC000  }
0x139: {  	_ =	swait.ge [sflag:s26], $0x4000  }
0x13a: {  	[sflag:s26] =	ssyncset.done $0x0  }
0x13b: {  	[sflag:s26] =	ssyncadd.s32 $0xFFFFC000  }
0x13c: {  	[spmem:s2] =	stream.indirect.scatter.add.f32 [tilespmem:s13], [sflag:$0x2], $0x80, s21, s18, $0xb8;
	[tilespmem:$0x1FC00] =	vst v63  }
0x13d: {  	_ = 	snop  }
0x13e: {  	[spmem:s2] =	stream.indirect.scatter.add.f32 [tilespmem:s13], [sflag:$0x2], $0x80, s15, s18, $0xb8;
	[tilespmem:$0x1FC00] =	vst v63  }
0x13f: {  	_ = 	snop  }
0x140: {  	[spmem:s2] =	stream.indirect.scatter.add.f32 [tilespmem:s13], [sflag:$0x2], $0x80, s17, s18, $0xb8;
	[tilespmem:$0x1FC00] =	vst v63  }
0x141: {  	s12 =	simm.s32 $0x3180  }
0x142: {  	[spmem:s2] =	stream.indirect.scatter.add.f32 [tilespmem:s13], [sflag:$0x2], $0x80, s12, s18, $0xb8;
	[tilespmem:$0x1FC00] =	vst v63  }
0x143: {  	s31 =	simm.s32 $0x3200  }
0x144: {  	[spmem:s2] =	stream.indirect.scatter.add.f32 [tilespmem:s13], [sflag:$0x2], $0x80, s31, s18, $0xb8;
	[tilespmem:$0x1FC00] =	vst v63  }
0x145: {  	s12 =	simm.s32 $0x3280  }
0x146: {  	[spmem:s2] =	stream.indirect.scatter.add.f32 [tilespmem:s13], [sflag:$0x2], $0x80, s12, s18, $0xb8;
	[tilespmem:$0x1FC00] =	vst v63  }
0x147: {  	s31 =	simm.s32 $0x3300  }
0x148: {  	[spmem:s2] =	stream.indirect.scatter.add.f32 [tilespmem:s13], [sflag:$0x2], $0x80, s31, s18, $0xb8;
	[tilespmem:$0x1FC00] =	vst v63  }
0x149: {  	s12 =	simm.s32 $0x3380  }
0x14a: {  	[spmem:s2] =	stream.indirect.scatter.add.f32 [tilespmem:s13], [sflag:$0x2], $0x80, s12, s18, $0xb8;
	[tilespmem:$0x1FC00] =	vst v63  }
0x14b: {  	_ =	swait.ge [sflag:s26], $0x4000  }
0x14c: {  	[sflag:s26] =	ssyncset.done $0x0  }
0x14d: {  	[sflag:s26] =	ssyncadd.s32 $0xFFFFC000  }
0x14e: {  	_ =	swait.ge [sflag:s26], $0x4000  }
0x14f: {  	[sflag:s26] =	ssyncset.done $0x0  }
0x150: {  	[sflag:s26] =	ssyncadd.s32 $0xFFFFC000  }
0x151: {  	_ =	swait.ge [sflag:s26], $0x4000  }
0x152: {  	[sflag:s26] =	ssyncset.done $0x0  }
0x153: {  	[sflag:s26] =	ssyncadd.s32 $0xFFFFC000  }
0x154: {  	_ =	swait.ge [sflag:s26], $0x4000  }
0x155: {  	[sflag:s26] =	ssyncset.done $0x0  }
0x156: {  	[sflag:s26] =	ssyncadd.s32 $0xFFFFC000  }
0x157: {  	_ =	swait.ge [sflag:s26], $0x4000  }
0x158: {  	[sflag:s26] =	ssyncset.done $0x0  }
0x159: {  	[sflag:s26] =	ssyncadd.s32 $0xFFFFC000  }
0x15a: {  	_ =	swait.ge [sflag:s26], $0x4000  }
0x15b: {  	[sflag:s26] =	ssyncset.done $0x0  }
0x15c: {  	[sflag:s26] =	ssyncadd.s32 $0xFFFFC000  }
0x15d: {  	_ =	swait.ge [sflag:s26], $0x4000  }
0x15e: {  	[sflag:s26] =	ssyncset.done $0x0  }
0x15f: {  	[sflag:s26] =	ssyncadd.s32 $0xFFFFC000  }
0x160: {  	_ =	swait.ge [sflag:s26], $0x4000  }
0x161: {  	[sflag:s26] =	ssyncset.done $0x0  }
0x162: {  	s31 =	simm.s32 $0x3400;
	[sflag:s26] =	ssyncadd.s32 $0xFFFFC000  }
0x163: {  	[spmem:s2] =	stream.indirect.scatter.add.f32 [tilespmem:s13], [sflag:$0x2], $0x80, s31, s18, $0xb8;
	[tilespmem:$0x1FC00] =	vst v63  }
0x164: {  	s12 =	simm.s32 $0x3480  }
0x165: {  	[spmem:s2] =	stream.indirect.scatter.add.f32 [tilespmem:s13], [sflag:$0x2], $0x80, s12, s18, $0xb8;
	[tilespmem:$0x1FC00] =	vst v63  }
0x166: {  	s31 =	simm.s32 $0x3500  }
0x167: {  	[spmem:s2] =	stream.indirect.scatter.add.f32 [tilespmem:s13], [sflag:$0x2], $0x80, s31, s18, $0xb8;
	[tilespmem:$0x1FC00] =	vst v63  }
0x168: {  	s12 =	simm.s32 $0x3580  }
0x169: {  	[spmem:s2] =	stream.indirect.scatter.add.f32 [tilespmem:s13], [sflag:$0x2], $0x80, s12, s18, $0xb8;
	[tilespmem:$0x1FC00] =	vst v63  }
0x16a: {  	s31 =	simm.s32 $0x3600  }
0x16b: {  	[spmem:s2] =	stream.indirect.scatter.add.f32 [tilespmem:s13], [sflag:$0x2], $0x80, s31, s18, $0xb8;
	[tilespmem:$0x1FC00] =	vst v63  }
0x16c: {  	s12 =	simm.s32 $0x3680  }
0x16d: {  	[spmem:s2] =	stream.indirect.scatter.add.f32 [tilespmem:s13], [sflag:$0x2], $0x80, s12, s18, $0xb8;
	[tilespmem:$0x1FC00] =	vst v63  }
0x16e: {  	s31 =	simm.s32 $0x3700  }
0x16f: {  	[spmem:s2] =	stream.indirect.scatter.add.f32 [tilespmem:s13], [sflag:$0x2], $0x80, s31, s18, $0xb8;
	[tilespmem:$0x1FC00] =	vst v63  }
0x170: {  	s12 =	simm.s32 $0x3780  }
0x171: {  	[spmem:s2] =	stream.indirect.scatter.add.f32 [tilespmem:s13], [sflag:$0x2], $0x80, s12, s18, $0xb8;
	[tilespmem:$0x1FC00] =	vst v63  }
0x172: {  	_ =	swait.ge [sflag:s26], $0x4000  }
0x173: {  	[sflag:s26] =	ssyncset.done $0x0  }
0x174: {  	[sflag:s26] =	ssyncadd.s32 $0xFFFFC000  }
0x175: {  	_ =	swait.ge [sflag:s26], $0x4000  }
0x176: {  	[sflag:s26] =	ssyncset.done $0x0  }
0x177: {  	[sflag:s26] =	ssyncadd.s32 $0xFFFFC000  }
0x178: {  	_ =	swait.ge [sflag:s26], $0x4000  }
0x179: {  	[sflag:s26] =	ssyncset.done $0x0  }
0x17a: {  	[sflag:s26] =	ssyncadd.s32 $0xFFFFC000  }
0x17b: {  	_ =	swait.ge [sflag:s26], $0x4000  }
0x17c: {  	[sflag:s26] =	ssyncset.done $0x0  }
0x17d: {  	[sflag:s26] =	ssyncadd.s32 $0xFFFFC000  }
0x17e: {  	_ =	swait.ge [sflag:s26], $0x4000  }
0x17f: {  	[sflag:s26] =	ssyncset.done $0x0  }
0x180: {  	[sflag:s26] =	ssyncadd.s32 $0xFFFFC000  }
0x181: {  	_ =	swait.ge [sflag:s26], $0x4000  }
0x182: {  	[sflag:s26] =	ssyncset.done $0x0  }
0x183: {  	[sflag:s26] =	ssyncadd.s32 $0xFFFFC000  }
0x184: {  	_ =	swait.ge [sflag:s26], $0x4000  }
0x185: {  	[sflag:s26] =	ssyncset.done $0x0  }
0x186: {  	[sflag:s26] =	ssyncadd.s32 $0xFFFFC000  }
0x187: {  	_ =	swait.ge [sflag:s26], $0x4000  }
0x188: {  	[sflag:s26] =	ssyncset.done $0x0  }
0x189: {  	s31 =	simm.s32 $0x3800;
	[sflag:s26] =	ssyncadd.s32 $0xFFFFC000  }
0x18a: {  	[spmem:s2] =	stream.indirect.scatter.add.f32 [tilespmem:s13], [sflag:$0x2], $0x80, s31, s18, $0xb8;
	[tilespmem:$0x1FC00] =	vst v63  }
0x18b: {  	s12 =	simm.s32 $0x3880  }
0x18c: {  	[spmem:s2] =	stream.indirect.scatter.add.f32 [tilespmem:s13], [sflag:$0x2], $0x80, s12, s18, $0xb8;
	[tilespmem:$0x1FC00] =	vst v63  }
0x18d: {  	s31 =	simm.s32 $0x3900  }
0x18e: {  	[spmem:s2] =	stream.indirect.scatter.add.f32 [tilespmem:s13], [sflag:$0x2], $0x80, s31, s18, $0xb8;
	[tilespmem:$0x1FC00] =	vst v63  }
0x18f: {  	s12 =	simm.s32 $0x3980  }
0x190: {  	[spmem:s2] =	stream.indirect.scatter.add.f32 [tilespmem:s13], [sflag:$0x2], $0x80, s12, s18, $0xb8;
	[tilespmem:$0x1FC00] =	vst v63  }
0x191: {  	s31 =	simm.s32 $0x3A00  }
0x192: {  	[spmem:s2] =	stream.indirect.scatter.add.f32 [tilespmem:s13], [sflag:$0x2], $0x80, s31, s18, $0xb8;
	[tilespmem:$0x1FC00] =	vst v63  }
0x193: {  	s12 =	simm.s32 $0x3A80  }
0x194: {  	[spmem:s2] =	stream.indirect.scatter.add.f32 [tilespmem:s13], [sflag:$0x2], $0x80, s12, s18, $0xb8;
	[tilespmem:$0x1FC00] =	vst v63  }
0x195: {  	s19 =	simm.s32 $0x3B00  }
0x196: {  	[spmem:s2] =	stream.indirect.scatter.add.f32 [tilespmem:s13], [sflag:$0x2], $0x80, s19, s18, $0xb8;
	[tilespmem:$0x1FC00] =	vst v63  }
0x197: {  	s9 =	simm.s32 $0x3B80  }
0x198: {  	[spmem:s2] =	stream.indirect.scatter.add.f32 [tilespmem:s13], [sflag:$0x2], $0x80, s9, s18, $0xb8;
	[tilespmem:$0x1FC00] =	vst v63  }
0x199: {  	_ =	swait.ge [sflag:s26], $0x4000  }
0x19a: {  	[sflag:s26] =	ssyncset.done $0x0  }
0x19b: {  	[sflag:s26] =	ssyncadd.s32 $0xFFFFC000  }
0x19c: {  	_ =	swait.ge [sflag:s26], $0x4000  }
0x19d: {  	[sflag:s26] =	ssyncset.done $0x0  }
0x19e: {  	[sflag:s26] =	ssyncadd.s32 $0xFFFFC000  }
0x19f: {  	_ =	swait.ge [sflag:s26], $0x4000  }
0x1a0: {  	[sflag:s26] =	ssyncset.done $0x0  }
0x1a1: {  	[sflag:s26] =	ssyncadd.s32 $0xFFFFC000  }
0x1a2: {  	_ =	swait.ge [sflag:s26], $0x4000  }
0x1a3: {  	[sflag:s26] =	ssyncset.done $0x0  }
0x1a4: {  	[sflag:s26] =	ssyncadd.s32 $0xFFFFC000  }
0x1a5: {  	_ =	swait.ge [sflag:s26], $0x4000  }
0x1a6: {  	[sflag:s26] =	ssyncset.done $0x0  }
0x1a7: {  	[sflag:s26] =	ssyncadd.s32 $0xFFFFC000  }
0x1a8: {  	_ =	swait.ge [sflag:s26], $0x4000  }
0x1a9: {  	[sflag:s26] =	ssyncset.done $0x0  }
0x1aa: {  	[sflag:s26] =	ssyncadd.s32 $0xFFFFC000  }
0x1ab: {  	_ =	swait.ge [sflag:s26], $0x4000  }
0x1ac: {  	[sflag:s26] =	ssyncset.done $0x0  }
0x1ad: {  	[sflag:s26] =	ssyncadd.s32 $0xFFFFC000  }
0x1ae: {  	_ =	swait.ge [sflag:s26], $0x4000  }
0x1af: {  	[sflag:s26] =	ssyncset.done $0x0  }
0x1b0: {  	[sflag:s26] =	ssyncadd.s32 $0xFFFFC000  }
0x1b1: {  	[bflag:$0x0] =	sbarrier.arrive $0xFFFF  }
0x1b2: {  	s29 =	rddreg [dreg:$0x6]  }
0x1b3: {  	[hbm:s29], [sflag:s5] =	dma.local [spmem:s6], $0x2800  }
0x1b4: {  	_ =	swait.ge [sflag:s14], $0x2800  }
0x1b5: {  	[sflag:s14] =	ssyncset.done $0x0  }
0x1b6: {  	s3 =	simm.s32 $0x0;
	s29 =	rddreg [dreg:$0x7];
	[sflag:s14] =	ssyncadd.s32 $0xFFFFD800  }
0x1b7: {  	[tilespmem:s3], [sflag:$0x3] =	stream.linear.gather [hbm4b:s29+s3], $0x2800, $0x38;
	[tilespmem:$0x1FC00] =	vst v63  }
0x1b8: {  	_ =	swait.ge [sflag:s14], $0x2800  }
0x1b9: {  	[sflag:s14] =	ssyncset.done $0x0  }
0x1ba: {  	[sflag:s14] =	ssyncadd.s32 $0xFFFFD800  }
0x1bb: {  	s7 =	simm.s32 $0x2800;
	[bflag:$0x0] =	sbarrier.arrive $0xFFFF  }
0x1bc: {  	[tilespmem:s7], [sflag:$0x3] =	stream.linear.gather [hbm4b:s8+s3], $0x1400, $0x38;
	[tilespmem:$0x1FC00] =	vst v63  }
0x1bd: {  	_ =	swait.ge [sflag:s14], $0x1400  }
0x1be: {  	[sflag:s14] =	ssyncset.done $0x0  }
0x1bf: {  	[sflag:s14] =	ssyncadd.s32 $0xFFFFEC00  }
0x1c0: {  	[tilespmem:s13], [sflag:$0x1] =	stream.indirect.gather [hbm4b:s4+s18], $0x80, s3, s18, $0xb8;
	[tilespmem:$0x1FC00] =	vst v63  }
0x1c1: {  	_ =	swait.ge [sflag:s22], $0x4000  }
0x1c2: {  	[sflag:s22] =	ssyncset.done $0x0  }
0x1c3: {  	[sflag:s22] =	ssyncadd.s32 $0xFFFFC000  }
0x1c4: {  	[spmem:s2] =	stream.indirect.scatter.add.f32 [tilespmem:s13], [sflag:$0x2], $0x80, s7, s18, $0xb8;
	[tilespmem:$0x1FC00] =	vst v63  }
0x1c5: {  	_ = 	snop  }
0x1c6: {  	[tilespmem:s23], [sflag:$0x1] =	stream.indirect.gather [hbm4b:s4+s18], $0x80, s18, s18, $0xb8;
	[tilespmem:$0x1FC00] =	vst v63  }
0x1c7: {  	_ =	swait.ge [sflag:s22], $0x4000  }
0x1c8: {  	[sflag:s22] =	ssyncset.done $0x0  }
0x1c9: {  	s1 =	simm.s32 $0x2880;
	[sflag:s22] =	ssyncadd.s32 $0xFFFFC000  }
0x1ca: {  	[spmem:s2] =	stream.indirect.scatter.add.f32 [tilespmem:s23], [sflag:$0x2], $0x80, s1, s18, $0xb8;
	[tilespmem:$0x1FC00] =	vst v63  }
0x1cb: {  	_ =	swait.ge [sflag:s26], $0x4000  }
0x1cc: {  	[sflag:s26] =	ssyncset.done $0x0  }
0x1cd: {  	s31 =	simm.s32 $0x100;
	[sflag:s26] =	ssyncadd.s32 $0xFFFFC000  }
0x1ce: {  	[tilespmem:s13], [sflag:$0x1] =	stream.indirect.gather [hbm4b:s4+s18], $0x80, s31, s18, $0xb8;
	[tilespmem:$0x1FC00] =	vst v63  }
0x1cf: {  	_ =	swait.ge [sflag:s22], $0x4000  }
0x1d0: {  	[sflag:s22] =	ssyncset.done $0x0  }
0x1d1: {  	s29 =	simm.s32 $0x2900;
	[sflag:s22] =	ssyncadd.s32 $0xFFFFC000  }
0x1d2: {  	[spmem:s2] =	stream.indirect.scatter.add.f32 [tilespmem:s13], [sflag:$0x2], $0x80, s29, s18, $0xb8;
	[tilespmem:$0x1FC00] =	vst v63  }
0x1d3: {  	_ =	swait.ge [sflag:s26], $0x4000  }
0x1d4: {  	[sflag:s26] =	ssyncset.done $0x0  }
0x1d5: {  	s29 =	simm.s32 $0x180;
	[sflag:s26] =	ssyncadd.s32 $0xFFFFC000  }
0x1d6: {  	[tilespmem:s23], [sflag:$0x1] =	stream.indirect.gather [hbm4b:s4+s18], $0x80, s29, s18, $0xb8;
	[tilespmem:$0x1FC00] =	vst v63  }
0x1d7: {  	_ =	swait.ge [sflag:s22], $0x4000  }
0x1d8: {  	[sflag:s22] =	ssyncset.done $0x0  }
0x1d9: {  	s29 =	simm.s32 $0x2980;
	[sflag:s22] =	ssyncadd.s32 $0xFFFFC000  }
0x1da: {  	[spmem:s2] =	stream.indirect.scatter.add.f32 [tilespmem:s23], [sflag:$0x2], $0x80, s29, s18, $0xb8;
	[tilespmem:$0x1FC00] =	vst v63  }
0x1db: {  	_ =	swait.ge [sflag:s26], $0x4000  }
0x1dc: {  	[sflag:s26] =	ssyncset.done $0x0  }
0x1dd: {  	s30 =	simm.s32 $0x200;
	s29 =	simm.s32 $0xFFFFBC00;
	[sflag:s26] =	ssyncadd.s32 $0xFFFFC000  }
.LBB2_2:
0x1de: {  	[tilespmem:s13], [sflag:$0x1] =	stream.indirect.gather [hbm4b:s4+s18], $0x80, s30, s18, $0xb8;
	[tilespmem:$0x1FC00] =	vst v63  }
0x1df: {  	s30 =	smov.u32 s29  }
0x1e0: {  	p0 =	sne.s32 s29, $0xFFFFFC00;
	s29 =	sadd.s32 $0x400, s29;
	_ =	swait.ge [sflag:s22], $0x4000  }
0x1e1: {  	s30 =	sshra.s32 s30, $0x2;
	[sflag:s22] =	ssyncset.done $0x0  }
0x1e2: {  	s31 =	sadd.s32 $0x3B00, s30;
	[sflag:s22] =	ssyncadd.s32 $0xFFFFC000  }
0x1e3: {  	[spmem:s2] =	stream.indirect.scatter.add.f32 [tilespmem:s13], [sflag:$0x2], $0x80, s31, s18, $0xb8;
	[tilespmem:$0x1FC00] =	vst v63  }
0x1e4: {  	_ =	swait.ge [sflag:s26], $0x4000  }
0x1e5: {  	[sflag:s26] =	ssyncset.done $0x0  }
0x1e6: {  	s31 =	sadd.s32 $0x1380, s30;
	[sflag:s26] =	ssyncadd.s32 $0xFFFFC000  }
0x1e7: {  	[tilespmem:s23], [sflag:$0x1] =	stream.indirect.gather [hbm4b:s4+s18], $0x80, s31, s18, $0xb8;
	[tilespmem:$0x1FC00] =	vst v63  }
0x1e8: {  	_ =	swait.ge [sflag:s22], $0x4000  }
0x1e9: {  	[sflag:s22] =	ssyncset.done $0x0  }
.Ltmp0:
0x1ea: {  	s31 =	sadd.s32 $0x3B80, s30;
	[sflag:s22] =	ssyncadd.s32 $0xFFFFC000;
	(pc) =	sbr.rel @p0 .LBB2_2-.Ltmp0, $4  }
0x1eb: {  	[spmem:s2] =	stream.indirect.scatter.add.f32 [tilespmem:s23], [sflag:$0x2], $0x80, s31, s18, $0xb8;
	[tilespmem:$0x1FC00] =	vst v63  }
0x1ec: {  	_ =	swait.ge [sflag:s26], $0x4000  }
0x1ed: {  	[sflag:s26] =	ssyncset.done $0x0  }
0x1ee: {  	s30 =	sadd.s32 $0x1400, s30;
	[sflag:s26] =	ssyncadd.s32 $0xFFFFC000  }
0x1ef: {  	[tilespmem:s13], [sflag:$0x1] =	stream.indirect.gather [hbm4b:s4+s18], $0x80, s30, s18, $0xb8;
	[tilespmem:$0x1FC00] =	vst v63  }
0x1f0: {  	_ =	swait.ge [sflag:s22], $0x4000  }
0x1f1: {  	[sflag:s22] =	ssyncset.done $0x0  }
0x1f2: {  	[sflag:s22] =	ssyncadd.s32 $0xFFFFC000  }
0x1f3: {  	[spmem:s2] =	stream.indirect.scatter.add.f32 [tilespmem:s13], [sflag:$0x2], $0x80, s19, s18, $0xb8;
	[tilespmem:$0x1FC00] =	vst v63  }
0x1f4: {  	_ =	swait.ge [sflag:s26], $0x4000  }
0x1f5: {  	[sflag:s26] =	ssyncset.done $0x0  }
0x1f6: {  	s0 =	simm.s32 $0x1380;
	[sflag:s26] =	ssyncadd.s32 $0xFFFFC000  }
0x1f7: {  	[tilespmem:s23], [sflag:$0x1] =	stream.indirect.gather [hbm4b:s4+s18], $0x80, s0, s18, $0xb8;
	[tilespmem:$0x1FC00] =	vst v63  }
0x1f8: {  	_ =	swait.ge [sflag:s22], $0x4000  }
0x1f9: {  	[sflag:s22] =	ssyncset.done $0x0  }
0x1fa: {  	[sflag:s22] =	ssyncadd.s32 $0xFFFFC000  }
0x1fb: {  	[spmem:s2] =	stream.indirect.scatter.add.f32 [tilespmem:s23], [sflag:$0x2], $0x80, s9, s18, $0xb8;
	[tilespmem:$0x1FC00] =	vst v63  }
0x1fc: {  	_ =	swait.ge [sflag:s26], $0x4000  }
0x1fd: {  	[sflag:s26] =	ssyncset.done $0x0  }
0x1fe: {  	[sflag:s26] =	ssyncadd.s32 $0xFFFFC000  }
0x1ff: {  	[tilespmem:s13], [sflag:$0x1] =	stream.indirect.gather [hbm4b:s4+s18], $0x80, s0, s18, $0xb8;
	[tilespmem:$0x1FC00] =	vst v63  }
0x200: {  	_ =	swait.ge [sflag:s26], $0x4000  }
0x201: {  	[sflag:s26] =	ssyncset.done $0x0  }
0x202: {  	[sflag:s26] =	ssyncadd.s32 $0xFFFFC000  }
0x203: {  	_ =	swait.ge [sflag:s22], $0x4000  }
0x204: {  	[sflag:s22] =	ssyncset.done $0x0  }
0x205: {  	s31 =	rddreg [dreg:$0xb];
	[sflag:s22] =	ssyncadd.s32 $0xFFFFC000  }
0x206: {  	[tilespmem:s7], [sflag:$0x3] =	stream.linear.gather [hbm4b:s31+s3], $0x1400, $0x38;
	[tilespmem:$0x1FC00] =	vst v63  }
0x207: {  	_ =	swait.ge [sflag:s14], $0x1400  }
0x208: {  	[sflag:s14] =	ssyncset.done $0x0  }
0x209: {  	s8 =	simm.s32 $0x1400;
	[sflag:s14] =	ssyncadd.s32 $0xFFFFEC00  }
0x20a: {  	[tilespmem:s13], [sflag:$0x1] =	stream.indirect.gather [hbm4b:s4+s18], $0x80, s8, s18, $0xb8;
	[tilespmem:$0x1FC00] =	vst v63  }
0x20b: {  	_ =	swait.ge [sflag:s22], $0x4000  }
0x20c: {  	[sflag:s22] =	ssyncset.done $0x0  }
0x20d: {  	[sflag:s22] =	ssyncadd.s32 $0xFFFFC000  }
0x20e: {  	[spmem:s2] =	stream.indirect.scatter.add.f32 [tilespmem:s13], [sflag:$0x2], $0x80, s7, s18, $0xb8;
	[tilespmem:$0x1FC00] =	vst v63  }
0x20f: {  	s12 =	simm.s32 $0x1480  }
0x210: {  	[tilespmem:s23], [sflag:$0x1] =	stream.indirect.gather [hbm4b:s4+s18], $0x80, s12, s18, $0xb8;
	[tilespmem:$0x1FC00] =	vst v63  }
0x211: {  	_ =	swait.ge [sflag:s22], $0x4000  }
0x212: {  	[sflag:s22] =	ssyncset.done $0x0  }
0x213: {  	[sflag:s22] =	ssyncadd.s32 $0xFFFFC000  }
0x214: {  	[spmem:s2] =	stream.indirect.scatter.add.f32 [tilespmem:s23], [sflag:$0x2], $0x80, s1, s18, $0xb8;
	[tilespmem:$0x1FC00] =	vst v63  }
0x215: {  	_ =	swait.ge [sflag:s26], $0x4000  }
0x216: {  	[sflag:s26] =	ssyncset.done $0x0  }
0x217: {  	s31 =	simm.s32 $0x1500;
	[sflag:s26] =	ssyncadd.s32 $0xFFFFC000  }
0x218: {  	[tilespmem:s13], [sflag:$0x1] =	stream.indirect.gather [hbm4b:s4+s18], $0x80, s31, s18, $0xb8;
	[tilespmem:$0x1FC00] =	vst v63  }
0x219: {  	_ =	swait.ge [sflag:s22], $0x4000  }
0x21a: {  	[sflag:s22] =	ssyncset.done $0x0  }
0x21b: {  	s29 =	simm.s32 $0x2900;
	[sflag:s22] =	ssyncadd.s32 $0xFFFFC000  }
0x21c: {  	[spmem:s2] =	stream.indirect.scatter.add.f32 [tilespmem:s13], [sflag:$0x2], $0x80, s29, s18, $0xb8;
	[tilespmem:$0x1FC00] =	vst v63  }
0x21d: {  	_ =	swait.ge [sflag:s26], $0x4000  }
0x21e: {  	[sflag:s26] =	ssyncset.done $0x0  }
0x21f: {  	s29 =	simm.s32 $0x1580;
	[sflag:s26] =	ssyncadd.s32 $0xFFFFC000  }
0x220: {  	[tilespmem:s23], [sflag:$0x1] =	stream.indirect.gather [hbm4b:s4+s18], $0x80, s29, s18, $0xb8;
	[tilespmem:$0x1FC00] =	vst v63  }
0x221: {  	_ =	swait.ge [sflag:s22], $0x4000  }
0x222: {  	[sflag:s22] =	ssyncset.done $0x0  }
0x223: {  	s29 =	simm.s32 $0x2980;
	[sflag:s22] =	ssyncadd.s32 $0xFFFFC000  }
0x224: {  	[spmem:s2] =	stream.indirect.scatter.add.f32 [tilespmem:s23], [sflag:$0x2], $0x80, s29, s18, $0xb8;
	[tilespmem:$0x1FC00] =	vst v63  }
0x225: {  	_ =	swait.ge [sflag:s26], $0x4000  }
0x226: {  	[sflag:s26] =	ssyncset.done $0x0  }
0x227: {  	s30 =	simm.s32 $0x1600;
	s29 =	simm.s32 $0xFFFFBC00;
	[sflag:s26] =	ssyncadd.s32 $0xFFFFC000  }
.LBB2_4:
0x228: {  	[tilespmem:s13], [sflag:$0x1] =	stream.indirect.gather [hbm4b:s4+s18], $0x80, s30, s18, $0xb8;
	[tilespmem:$0x1FC00] =	vst v63  }
0x229: {  	s30 =	smov.u32 s29  }
0x22a: {  	p0 =	sne.s32 s29, $0xFFFFFC00;
	s29 =	sadd.s32 $0x400, s29;
	_ =	swait.ge [sflag:s22], $0x4000  }
0x22b: {  	s30 =	sshra.s32 s30, $0x2;
	[sflag:s22] =	ssyncset.done $0x0  }
0x22c: {  	s31 =	sadd.s32 $0x3B00, s30;
	[sflag:s22] =	ssyncadd.s32 $0xFFFFC000  }
0x22d: {  	[spmem:s2] =	stream.indirect.scatter.add.f32 [tilespmem:s13], [sflag:$0x2], $0x80, s31, s18, $0xb8;
	[tilespmem:$0x1FC00] =	vst v63  }
0x22e: {  	_ =	swait.ge [sflag:s26], $0x4000  }
0x22f: {  	[sflag:s26] =	ssyncset.done $0x0  }
0x230: {  	s31 =	sadd.s32 $0x2780, s30;
	[sflag:s26] =	ssyncadd.s32 $0xFFFFC000  }
0x231: {  	[tilespmem:s23], [sflag:$0x1] =	stream.indirect.gather [hbm4b:s4+s18], $0x80, s31, s18, $0xb8;
	[tilespmem:$0x1FC00] =	vst v63  }
0x232: {  	_ =	swait.ge [sflag:s22], $0x4000  }
0x233: {  	[sflag:s22] =	ssyncset.done $0x0  }
.Ltmp1:
0x234: {  	s31 =	sadd.s32 $0x3B80, s30;
	[sflag:s22] =	ssyncadd.s32 $0xFFFFC000;
	(pc) =	sbr.rel @p0 .LBB2_4-.Ltmp1, $4  }
0x235: {  	[spmem:s2] =	stream.indirect.scatter.add.f32 [tilespmem:s23], [sflag:$0x2], $0x80, s31, s18, $0xb8;
	[tilespmem:$0x1FC00] =	vst v63  }
0x236: {  	_ =	swait.ge [sflag:s26], $0x4000  }
0x237: {  	[sflag:s26] =	ssyncset.done $0x0  }
0x238: {  	s30 =	sadd.s32 $0x2800, s30;
	[sflag:s26] =	ssyncadd.s32 $0xFFFFC000  }
0x239: {  	[tilespmem:s13], [sflag:$0x1] =	stream.indirect.gather [hbm4b:s4+s18], $0x80, s30, s18, $0xb8;
	[tilespmem:$0x1FC00] =	vst v63  }
0x23a: {  	_ =	swait.ge [sflag:s22], $0x4000  }
0x23b: {  	[sflag:s22] =	ssyncset.done $0x0  }
0x23c: {  	[sflag:s22] =	ssyncadd.s32 $0xFFFFC000  }
0x23d: {  	[spmem:s2] =	stream.indirect.scatter.add.f32 [tilespmem:s13], [sflag:$0x2], $0x80, s19, s18, $0xb8;
	[tilespmem:$0x1FC00] =	vst v63  }
0x23e: {  	_ =	swait.ge [sflag:s26], $0x4000  }
0x23f: {  	[sflag:s26] =	ssyncset.done $0x0  }
0x240: {  	s0 =	simm.s32 $0x2780;
	[sflag:s26] =	ssyncadd.s32 $0xFFFFC000  }
0x241: {  	[tilespmem:s23], [sflag:$0x1] =	stream.indirect.gather [hbm4b:s4+s18], $0x80, s0, s18, $0xb8;
	[tilespmem:$0x1FC00] =	vst v63  }
0x242: {  	_ =	swait.ge [sflag:s22], $0x4000  }
0x243: {  	[sflag:s22] =	ssyncset.done $0x0  }
0x244: {  	[sflag:s22] =	ssyncadd.s32 $0xFFFFC000  }
0x245: {  	[spmem:s2] =	stream.indirect.scatter.add.f32 [tilespmem:s23], [sflag:$0x2], $0x80, s9, s18, $0xb8;
	[tilespmem:$0x1FC00] =	vst v63  }
0x246: {  	_ =	swait.ge [sflag:s26], $0x4000  }
0x247: {  	[sflag:s26] =	ssyncset.done $0x0  }
0x248: {  	[sflag:s26] =	ssyncadd.s32 $0xFFFFC000  }
0x249: {  	[tilespmem:s13], [sflag:$0x1] =	stream.indirect.gather [hbm4b:s4+s18], $0x80, s0, s18, $0xb8;
	[tilespmem:$0x1FC00] =	vst v63  }
0x24a: {  	_ =	swait.ge [sflag:s26], $0x4000  }
0x24b: {  	[sflag:s26] =	ssyncset.done $0x0  }
0x24c: {  	[sflag:s26] =	ssyncadd.s32 $0xFFFFC000  }
0x24d: {  	_ =	swait.ge [sflag:s22], $0x4000  }
0x24e: {  	[sflag:s22] =	ssyncset.done $0x0  }
0x24f: {  	[sflag:s22] =	ssyncadd.s32 $0xFFFFC000  }
0x250: {  	[bflag:$0x0] =	sbarrier.arrive $0xFFFF  }
0x251: {  	s29 =	rddreg [dreg:$0x8]  }
0x252: {  	[hbm:s29], [sflag:s5] =	dma.local [spmem:s6], $0x2800  }
0x253: {  	_ =	swait.ge [sflag:s14], $0x2800  }
0x254: {  	s28 =	sadd.s32 $0x1, s28;
	s31 =	rddreg [dreg:$0x9]  }
0x255: {  	p0 =	sne.s32 s28, s31  }
.Ltmp2:
0x256: {  	_ = 	snop;
	(pc) =	sbr.rel @p0 .LBB2_1-.Ltmp2, $3  }
0x257: {  	_ =	sdelay $0x1  }
0x258: {  	[sflag:s14] =	ssyncset.done $0x0  }
0x259: {  	[sflag:s14] =	ssyncadd.s32 $0xFFFFD800  }
0x25a: {  	_ =	sfence.sel $0x180000  }
0x25b: {  	[bflag:$0x0] =	sbarrier.arrive $0xFFFF  }
0x25c: {  	_ =	strace $0x90000047  }
0x25d: {  	s0 =	stileid.u32;
	[bflag:$0x2] =	sbarrier.arrive $0xFFFF  }
0x25e: {  	p0 =	sne.s32 s0, $0x0;
	s0 =	rddreg [dreg:$0x3]  }
0x25f: {  	s0 =	sadd.s32 @!p0 $0x100000, s0  }
0x260: {  	[sflag:s0] =	ssyncadd.tile.s32 @!p0 $0x1;
	_ =	shalt  }
.Lfunc_end2:
_tile_overlayer_lowered:
.L_overlay_start_2:
0x261: {  	(tag) =	ssettag $0x2  }
0x262: {  	s0 =	rddreg [dreg:$0x0];
	s2 =	stileid.u32  }
0x263: {  	s1 =	rddreg [dreg:$0x1];
	p0 =	sne.s32 s2, $0x0  }
0x264: {  	s3 =	rddreg [dreg:$0x2];
	[bflag:$0x3] =	sbarrier.arrive $0xFFFF;
	s2 =	simm.s32 @!p0 $0x1C03  }
0x265: {  	[timem:s3], [sflag:s2] =	dma.local @!p0 [hbm:s0], s1  }
0x266: {  	s0 =	simm.s32 @!p0 $0x3  }
0x267: {  	_ =	swait.ge @!p0 [sflag:s0], s1  }
0x268: {  	s1 =	ssub.s32 @!p0 $0x0, s1;
	[sflag:s0] =	ssyncset.done @!p0 $0x0  }
0x269: {  	[sflag:s0] =	ssyncadd.s32 @!p0 s1  }
0x26a: {  	[bflag:$0x3] =	sbarrier.arrive $0xFFFF  }
0x26b: {  	_ =	shalt  }

</sc_bundles>
